<compile_context>
chip_gen: v7x
topology: tpu7x:2x2x1
jax: 0.10.2.dev20260603
libtpu: 0.0.44.dev20260713+nightly
codegen_flags: <defaults>
</compile_context>

<pallas_src>
import functools

import jax
import jax.numpy as jnp
from jax import lax
from jax.experimental import pallas as pl
from jax.experimental.pallas import tpu as pltpu
from jax.experimental.pallas import tpu_sc as plsc

N_NODES = 10000
ROWS_PER_TILE = N_NODES // 16
E = 320000
NW = 32
CH = 128
NB = 4
NCH = E // CH
CW = NCH // NW
XTRA = NCH - NW * CW



def _seg_body(F, y_hbm, e_hbm, out_hbm,
              src_v, dst_v, src_x, dst_x, rows, acc, gsems):
    src_hbm = e_hbm.at[0]
    dst_hbm = e_hbm.at[1]
    cid = lax.axis_index("c")
    sid = lax.axis_index("s")
    w = sid * 2 + cid

    def zrow(i, carry):
        for j in range(F // 16):
            rows[0, i, pl.ds(j * 16, 16)] = jnp.zeros((16,), jnp.float32)
        return carry
    lax.fori_loop(0, CH, zrow, 0)
    base = sid * ROWS_PER_TILE
    full, rem = divmod(ROWS_PER_TILE, CH)
    for r in range(full):
        pltpu.sync_copy(rows.at[0], acc.at[pl.ds(base + r * CH, CH)])
    if rem:
        pltpu.sync_copy(rows.at[0, pl.ds(0, rem)],
                        acc.at[pl.ds(base + full * CH, rem)])

    pltpu.sync_copy(src_hbm.at[pl.ds(w * CW, CW)], src_v)
    pltpu.sync_copy(dst_hbm.at[pl.ds(w * CW, CW)], dst_v)

    @pl.when(w < XTRA)
    def _stage_extra():
        pltpu.sync_copy(src_hbm.at[pl.ds(NW * CW + w, 1)], src_x)
        pltpu.sync_copy(dst_hbm.at[pl.ds(NW * CW + w, 1)], dst_x)

    plsc.subcore_barrier()

    def wait_gather(b):
        pltpu.make_async_copy(y_hbm.at[src_v.at[0]], rows.at[b],
                              gsems.at[b]).wait()

    def issue_gather(j, b):
        pltpu.async_copy(y_hbm.at[src_v.at[j]], rows.at[b], gsems.at[b])

    for j in range(NB):
        issue_gather(j, j)

    main_groups = CW // NB - 1
    def outer(g, carry):
        for b in range(NB):
            j = g * NB + b
            wait_gather(b)
            pltpu.sync_copy(rows.at[b], acc.at[dst_v.at[j]], add=True)
            issue_gather(j + NB, b)
        return carry
    lax.fori_loop(0, main_groups, outer, 0)
    for j in range(main_groups * NB, CW):
        b = j % NB
        wait_gather(b)
        pltpu.sync_copy(rows.at[b], acc.at[dst_v.at[j]], add=True)
        if j + NB < CW:
            issue_gather(j + NB, b)

    @pl.when(w < XTRA)
    def _extra_chunk():
        pltpu.async_copy(y_hbm.at[src_x.at[0]], rows.at[0],
                         gsems.at[0]).wait()
        pltpu.sync_copy(rows.at[0], acc.at[dst_x.at[0]], add=True)

    plsc.subcore_barrier()
    pltpu.sync_copy(acc.at[pl.ds(base, ROWS_PER_TILE)],
                    out_hbm.at[cid, pl.ds(base, ROWS_PER_TILE), pl.ds(0, F)])


@functools.lru_cache(maxsize=None)
def _make_segsum(F):
    mesh = plsc.VectorSubcoreMesh(core_axis_name="c", subcore_axis_name="s")
    return pl.kernel(
        functools.partial(_seg_body, F),
        out_type=jax.ShapeDtypeStruct((2, N_NODES, 128), jnp.float32),
        mesh=mesh,
        scratch_types=[
            pltpu.VMEM((CW, CH), jnp.int32),
            pltpu.VMEM((CW, CH), jnp.int32),
            pltpu.VMEM((1, CH), jnp.int32),
            pltpu.VMEM((1, CH), jnp.int32),
            pltpu.VMEM((NB, CH, F), jnp.float32),
            pltpu.VMEM_SHARED((N_NODES, F), jnp.float32),
            pltpu.SemaphoreType.DMA((NB,)),
        ],
        compiler_params=pltpu.CompilerParams(use_tc_tiling_on_sc=False),
        name=f"segsum_f{F}",
    )



def _tc1_body(x_ref, wl_ref, wr_ref, b_ref, y_ref, z_ref):
    x = x_ref[...]
    y_ref[:, :64] = jnp.dot(x, wl_ref[...], preferred_element_type=jnp.float32)
    y_ref[:, 64:] = jnp.ones((N_NODES, 16), jnp.float32)
    z_ref[...] = jnp.dot(x, wr_ref[...], preferred_element_type=jnp.float32) + b_ref[...]


def _tc2_body(p_ref, z_ref, wl_ref, wr_ref, b_ref, inv_ref, y_ref, z2_ref):
    p = p_ref[0] + p_ref[1]
    inv = 1.0 / jnp.maximum(p[:, 64:65], 1.0)
    h = jnp.maximum(p[:, :64] * inv + z_ref[...], 0.0)
    inv_ref[...] = inv
    y_ref[...] = jnp.dot(h, wl_ref[...], preferred_element_type=jnp.float32)
    z2_ref[...] = jnp.dot(h, wr_ref[...], preferred_element_type=jnp.float32) + b_ref[...]


def _tc3_body(p_ref, z_ref, inv_ref, wl_ref, wr_ref, b_ref, y_ref, z3_ref):
    p = p_ref[0, :, :64] + p_ref[1, :, :64]
    h = jnp.maximum(p * inv_ref[...] + z_ref[...], 0.0)
    y_ref[...] = jnp.dot(h, wl_ref[...], preferred_element_type=jnp.float32)
    z3_ref[...] = jnp.dot(h, wr_ref[...], preferred_element_type=jnp.float32) + b_ref[...]


def _tc4_body(p_ref, z_ref, inv_ref, wc_ref, bc_ref, out_ref):
    p = p_ref[0, :, :32] + p_ref[1, :, :32]
    h = jnp.maximum(p * inv_ref[...] + z_ref[...], 0.0)
    out_ref[...] = jnp.dot(h, wc_ref[...], preferred_element_type=jnp.float32) + bc_ref[...]


_f32 = jnp.float32

_tc1 = pl.pallas_call(
    _tc1_body,
    out_shape=[jax.ShapeDtypeStruct((N_NODES, 80), _f32),
               jax.ShapeDtypeStruct((N_NODES, 64), _f32)])
_tc2 = pl.pallas_call(
    _tc2_body,
    out_shape=[jax.ShapeDtypeStruct((N_NODES, 1), _f32),
               jax.ShapeDtypeStruct((N_NODES, 64), _f32),
               jax.ShapeDtypeStruct((N_NODES, 64), _f32)])
_tc3 = pl.pallas_call(
    _tc3_body,
    out_shape=[jax.ShapeDtypeStruct((N_NODES, 32), _f32),
               jax.ShapeDtypeStruct((N_NODES, 32), _f32)])
_tc4 = pl.pallas_call(
    _tc4_body,
    out_shape=jax.ShapeDtypeStruct((N_NODES, 2), _f32))



def kernel(x, edge_index, Wl1, Wr1, b1, Wl2, Wr2, b2, Wl3, Wr3, b3, Wc, bc):
    e3 = edge_index.astype(jnp.int32).reshape(2, NCH, CH)

    y1, z1 = _tc1(x, Wl1, Wr1, b1.reshape(1, -1))
    p1 = _make_segsum(80)(y1, e3)
    inv, y2, z2 = _tc2(p1, z1, Wl2, Wr2, b2.reshape(1, -1))
    p2 = _make_segsum(64)(y2, e3)
    y3, z3 = _tc3(p2, z2, inv, Wl3, Wr3, b3.reshape(1, -1))
    p3 = _make_segsum(32)(y3, e3)
    return _tc4(p3, z3, inv, Wc, bc.reshape(1, -1))

# --- scband reference (transcript-rebuilt; emitter-appended) ---
"""Pipeline reference for scband-fraud-graph-sage-15118284882426 (READ-ONLY COPY).

The authoritative reference and input builder live on the scoring server;
editing this copy changes nothing except your own understanding.
"""

import jax, jax.numpy as jnp
import numpy as np

N_NODES = 10000
N_EDGES = 320000


def setup_inputs(seed: int = 0) -> dict:
    key = jax.random.key(seed)
    ks = jax.random.split(key, 12)
    x = jax.random.normal(ks[0], (N_NODES, 128), dtype=jnp.float32)
    edge_index = jax.random.randint(ks[1], (2, N_EDGES), 0, N_NODES, dtype=jnp.int64)
    def glorot(k, shape):
        fan_in, fan_out = shape
        lim = jnp.sqrt(6.0 / (fan_in + fan_out))
        return jax.random.uniform(k, shape, dtype=jnp.float32, minval=-lim, maxval=lim)
    params = {
        "Wl1": glorot(ks[2], (128, 64)), "Wr1": glorot(ks[3], (128, 64)), "b1": jnp.zeros((64,), jnp.float32),
        "Wl2": glorot(ks[4], (64, 64)), "Wr2": glorot(ks[5], (64, 64)), "b2": jnp.zeros((64,), jnp.float32),
        "Wl3": glorot(ks[6], (64, 32)), "Wr3": glorot(ks[7], (64, 32)), "b3": jnp.zeros((32,), jnp.float32),
        "Wc": glorot(ks[8], (32, 2)), "bc": jnp.zeros((2,), jnp.float32),
    }
    return {"x": x, "edge_index": edge_index, **params}


def _sage_conv(x, edge_index, Wl, Wr, b):
    # PyG-style SAGEConv with mean aggregation:
    # out = lin_l(mean_{j in N(i)} x_j) + lin_r(x_i)
    src = edge_index[0]
    dst = edge_index[1]
    msgs = jnp.take(x, src, axis=0)
    agg = jax.ops.segment_sum(msgs, dst, num_segments=N_NODES)
    deg = jax.ops.segment_sum(jnp.ones((msgs.shape[0],), jnp.float32), dst, num_segments=N_NODES)
    mean = agg / jnp.clip(deg, 1.0)[:, None]
    return mean @ Wl + b + x @ Wr


def reference(x, edge_index, Wl1, Wr1, b1, Wl2, Wr2, b2, Wl3, Wr3, b3, Wc, bc):
    # dropout is identity in eval mode
    h = _sage_conv(x, edge_index, Wl1, Wr1, b1)
    h = jax.nn.relu(h)
    h = _sage_conv(h, edge_index, Wl2, Wr2, b2)
    h = jax.nn.relu(h)
    h = _sage_conv(h, edge_index, Wl3, Wr3, b3)
    h = jax.nn.relu(h)
    return h @ Wc + bc

if __name__ == "__main__":
    import jax
    _d = setup_inputs()
    print(jax.jit(kernel)(*tuple(_d.values())))

</pallas_src>

<mosaic_0001>
#map = affine_map<(d0, d1) -> (0, 0)>
#map1 = affine_map<(d0, d1) -> (0, 0, 0)>
module attributes {stable_mosaic.version = 14 : i64} {
  func.func @segsum_f64(%arg0: i32, %arg1: i32, %arg2: memref<10000x64xf32, #tpu.memory_space<hbm>>, %arg3: memref<2x2500x128xi32, #tpu.memory_space<hbm>>, %arg4: memref<2x10000x128xf32, #tpu.memory_space<hbm>>, %arg5: memref<78x128xi32, #tpu.memory_space<vmem>>, %arg6: memref<78x128xi32, #tpu.memory_space<vmem>>, %arg7: memref<1x128xi32, #tpu.memory_space<vmem>>, %arg8: memref<1x128xi32, #tpu.memory_space<vmem>>, %arg9: memref<4x128x64xf32, #tpu.memory_space<vmem>>, %arg10: memref<10000x64xf32, #tpu.memory_space<vmem_shared>>, %arg11: memref<4x!tpu.dma_semaphore, #tpu.memory_space<semaphore_mem>>) attributes {dimension_semantics = [#tpu.dimension_semantics<core_parallel>, #tpu.dimension_semantics<subcore_parallel>], iteration_bounds = array<i64: 2, 16>, scalar_prefetch = 0 : i64, scratch_operands = 7 : i64, tpu.core_type = #tpu.core_type<sc_vector_subcore>, window_params = [{transform_indices = #map}, {transform_indices = #map1}, {transform_indices = #map1}]} {
    %mul3A = arith.constant 2 : i32
    %mul3A_0 = arith.muli %arg1, %mul3A : i32
    %add3A = arith.addi %mul3A_0, %arg0 : i32
    %scan3A = arith.constant 0 : i32
    %scan3A_1 = arith.constant 0 : i32
    %scan3A_2 = arith.constant 128 : i32
    %scan3A_3 = arith.addi %scan3A_1, %scan3A_2 : i32
    %scan3A_4 = arith.constant 1 : i32
    scf.for %scan3A_234 = %scan3A_1 to %scan3A_3 step %scan3A_4  : i32 {
      %broadcast_in_dim3A = arith.constant 0.000000e+00 : f32
      %broadcast_in_dim3A_235 = vector.broadcast %broadcast_in_dim3A : f32 to vector<16xf32>
      %swap3A = arith.constant 0 : i32
      %swap3A_236 = arith.index_cast %swap3A : i32 to index
      %swap3A_237 = arith.index_cast %scan3A_234 : i32 to index
      %swap3A_238 = arith.constant 0 : index
      %swap3A_239 = tpu.vector_load %arg9[%swap3A_236, %swap3A_237, %swap3A_238] {strides = array<i32>} : memref<4x128x64xf32, #tpu.memory_space<vmem>>, vector<1x1x16xf32>,
      %swap3A_240 = vector.shape_cast %swap3A_239 : vector<1x1x16xf32> to vector<16xf32>
      %swap3A_241 = vector.shape_cast %broadcast_in_dim3A_235 : vector<16xf32> to vector<1x1x16xf32>
      tpu.vector_store %arg9[%swap3A_236, %swap3A_237, %swap3A_238], %swap3A_241 {strides = array<i32>} : memref<4x128x64xf32, #tpu.memory_space<vmem>>, vector<1x1x16xf32>,
      %broadcast_in_dim3A_242 = arith.constant 0.000000e+00 : f32
      %broadcast_in_dim3A_243 = vector.broadcast %broadcast_in_dim3A_242 : f32 to vector<16xf32>
      %swap3A_244 = arith.constant 0 : i32
      %swap3A_245 = arith.index_cast %swap3A_244 : i32 to index
      %swap3A_246 = arith.index_cast %scan3A_234 : i32 to index
      %swap3A_247 = arith.constant 16 : index
      %swap3A_248 = tpu.vector_load %arg9[%swap3A_245, %swap3A_246, %swap3A_247] {strides = array<i32>} : memref<4x128x64xf32, #tpu.memory_space<vmem>>, vector<1x1x16xf32>,
      %swap3A_249 = vector.shape_cast %swap3A_248 : vector<1x1x16xf32> to vector<16xf32>
      %swap3A_250 = vector.shape_cast %broadcast_in_dim3A_243 : vector<16xf32> to vector<1x1x16xf32>
      tpu.vector_store %arg9[%swap3A_245, %swap3A_246, %swap3A_247], %swap3A_250 {strides = array<i32>} : memref<4x128x64xf32, #tpu.memory_space<vmem>>, vector<1x1x16xf32>,
      %broadcast_in_dim3A_251 = arith.constant 0.000000e+00 : f32
      %broadcast_in_dim3A_252 = vector.broadcast %broadcast_in_dim3A_251 : f32 to vector<16xf32>
      %swap3A_253 = arith.constant 0 : i32
      %swap3A_254 = arith.index_cast %swap3A_253 : i32 to index
      %swap3A_255 = arith.index_cast %scan3A_234 : i32 to index
      %swap3A_256 = arith.constant 32 : index
      %swap3A_257 = tpu.vector_load %arg9[%swap3A_254, %swap3A_255, %swap3A_256] {strides = array<i32>} : memref<4x128x64xf32, #tpu.memory_space<vmem>>, vector<1x1x16xf32>,
      %swap3A_258 = vector.shape_cast %swap3A_257 : vector<1x1x16xf32> to vector<16xf32>
      %swap3A_259 = vector.shape_cast %broadcast_in_dim3A_252 : vector<16xf32> to vector<1x1x16xf32>
      tpu.vector_store %arg9[%swap3A_254, %swap3A_255, %swap3A_256], %swap3A_259 {strides = array<i32>} : memref<4x128x64xf32, #tpu.memory_space<vmem>>, vector<1x1x16xf32>,
      %broadcast_in_dim3A_260 = arith.constant 0.000000e+00 : f32
      %broadcast_in_dim3A_261 = vector.broadcast %broadcast_in_dim3A_260 : f32 to vector<16xf32>
      %swap3A_262 = arith.constant 0 : i32
      %swap3A_263 = arith.index_cast %swap3A_262 : i32 to index
      %swap3A_264 = arith.index_cast %scan3A_234 : i32 to index
      %swap3A_265 = arith.constant 48 : index
      %swap3A_266 = tpu.vector_load %arg9[%swap3A_263, %swap3A_264, %swap3A_265] {strides = array<i32>} : memref<4x128x64xf32, #tpu.memory_space<vmem>>, vector<1x1x16xf32>,
      %swap3A_267 = vector.shape_cast %swap3A_266 : vector<1x1x16xf32> to vector<16xf32>
      %swap3A_268 = vector.shape_cast %broadcast_in_dim3A_261 : vector<16xf32> to vector<1x1x16xf32>
      tpu.vector_store %arg9[%swap3A_263, %swap3A_264, %swap3A_265], %swap3A_268 {strides = array<i32>} : memref<4x128x64xf32, #tpu.memory_space<vmem>>, vector<1x1x16xf32>,
    }
    %scan3A_5 = arith.constant 128 : i32
    %mul3A_6 = arith.constant 625 : i32
    %mul3A_7 = arith.muli %arg1, %mul3A_6 : i32
    %add3A_8 = arith.constant 0 : i32
    %add3A_9 = arith.addi %mul3A_7, %add3A_8 : i32
    %run_scoped3A = arith.constant 0 : i32
    "tpu.region"() ({
      %run_scoped3A_234 = tpu.sem_alloc : memref<!tpu.dma_semaphore, #tpu.memory_space<semaphore_mem>>
      %dma_start3A_235 = arith.constant 0 : i32
      %dma_start3A_236 = arith.constant 0 : i32
      %dma_start3A_237 = tpu.memref_slice %arg9[%run_scoped3A, %dma_start3A_235, %dma_start3A_236] : memref<4x128x64xf32, #tpu.memory_space<vmem>> -> memref<1x128x64xf32, #tpu.memory_space<vmem>>
      %dma_start3A_238 = tpu.memref_squeeze %dma_start3A_237 : memref<1x128x64xf32, #tpu.memory_space<vmem>> -> memref<128x64xf32, #tpu.memory_space<vmem>>
      %dma_start3A_239 = arith.constant 0 : i32
      %dma_start3A_240 = tpu.memref_slice %arg10[%add3A_9, %dma_start3A_239] : memref<10000x64xf32, #tpu.memory_space<vmem_shared>> -> memref<128x64xf32, #tpu.memory_space<vmem_shared>>
      %dma_start3A_241 = arith.constant 0 : i32
      %dma_start3A_242 = tpu.memref_slice %arg10[%add3A_9, %dma_start3A_241] : memref<10000x64xf32, #tpu.memory_space<vmem_shared>> -> memref<128x64xf32, #tpu.memory_space<vmem_shared>>
      %dma_start3A_243 = arith.constant 0 : i32
      %dma_start3A_244 = arith.constant 0 : i32
      %dma_start3A_245 = tpu.memref_slice %arg9[%run_scoped3A, %dma_start3A_243, %dma_start3A_244] : memref<4x128x64xf32, #tpu.memory_space<vmem>> -> memref<1x128x64xf32, #tpu.memory_space<vmem>>
      %dma_start3A_246 = tpu.memref_squeeze %dma_start3A_245 : memref<1x128x64xf32, #tpu.memory_space<vmem>> -> memref<128x64xf32, #tpu.memory_space<vmem>>
      tpu.enqueue_dma source(%dma_start3A_246 : memref<128x64xf32, #tpu.memory_space<vmem>>) target(%dma_start3A_242 : memref<128x64xf32, #tpu.memory_space<vmem_shared>>) target_semaphore(%run_scoped3A_234 : memref<!tpu.dma_semaphore, #tpu.memory_space<semaphore_mem>>)
      %dma_wait3A_247 = arith.constant 0 : i32
      %dma_wait3A_248 = arith.constant 0 : i32
      %dma_wait3A_249 = tpu.memref_slice %arg9[%run_scoped3A, %dma_wait3A_247, %dma_wait3A_248] : memref<4x128x64xf32, #tpu.memory_space<vmem>> -> memref<1x128x64xf32, #tpu.memory_space<vmem>>
      %dma_wait3A_250 = tpu.memref_squeeze %dma_wait3A_249 : memref<1x128x64xf32, #tpu.memory_space<vmem>> -> memref<128x64xf32, #tpu.memory_space<vmem>>
      %dma_wait3A_251 = arith.constant 0 : i32
      %dma_wait3A_252 = tpu.memref_slice %arg10[%add3A_9, %dma_wait3A_251] : memref<10000x64xf32, #tpu.memory_space<vmem_shared>> -> memref<128x64xf32, #tpu.memory_space<vmem_shared>>
      %dma_wait3A_253 = arith.constant 0 : i32
      %dma_wait3A_254 = tpu.memref_slice %arg10[%add3A_9, %dma_wait3A_253] : memref<10000x64xf32, #tpu.memory_space<vmem_shared>> -> memref<128x64xf32, #tpu.memory_space<vmem_shared>>
      %dma_wait3A_255 = arith.constant 0 : i32
      %dma_wait3A_256 = arith.constant 0 : i32
      %dma_wait3A_257 = tpu.memref_slice %arg9[%run_scoped3A, %dma_wait3A_255, %dma_wait3A_256] : memref<4x128x64xf32, #tpu.memory_space<vmem>> -> memref<1x128x64xf32, #tpu.memory_space<vmem>>
      %dma_wait3A_258 = tpu.memref_squeeze %dma_wait3A_257 : memref<1x128x64xf32, #tpu.memory_space<vmem>> -> memref<128x64xf32, #tpu.memory_space<vmem>>
      tpu.wait_dma2 semaphore(%run_scoped3A_234 : memref<!tpu.dma_semaphore, #tpu.memory_space<semaphore_mem>>) src(%dma_wait3A_258 : memref<128x64xf32, #tpu.memory_space<vmem>>) dst(%dma_wait3A_254 : memref<128x64xf32, #tpu.memory_space<vmem_shared>>)
      tpu.yield
    }) : () -> ()
    %add3A_10 = arith.constant 128 : i32
    %add3A_11 = arith.addi %mul3A_7, %add3A_10 : i32
    %run_scoped3A_12 = arith.constant 0 : i32
    "tpu.region"() ({
      %run_scoped3A_234 = tpu.sem_alloc : memref<!tpu.dma_semaphore, #tpu.memory_space<semaphore_mem>>
      %dma_start3A_235 = arith.constant 0 : i32
      %dma_start3A_236 = arith.constant 0 : i32
      %dma_start3A_237 = tpu.memref_slice %arg9[%run_scoped3A_12, %dma_start3A_235, %dma_start3A_236] : memref<4x128x64xf32, #tpu.memory_space<vmem>> -> memref<1x128x64xf32, #tpu.memory_space<vmem>>
      %dma_start3A_238 = tpu.memref_squeeze %dma_start3A_237 : memref<1x128x64xf32, #tpu.memory_space<vmem>> -> memref<128x64xf32, #tpu.memory_space<vmem>>
      %dma_start3A_239 = arith.constant 0 : i32
      %dma_start3A_240 = tpu.memref_slice %arg10[%add3A_11, %dma_start3A_239] : memref<10000x64xf32, #tpu.memory_space<vmem_shared>> -> memref<128x64xf32, #tpu.memory_space<vmem_shared>>
      %dma_start3A_241 = arith.constant 0 : i32
      %dma_start3A_242 = tpu.memref_slice %arg10[%add3A_11, %dma_start3A_241] : memref<10000x64xf32, #tpu.memory_space<vmem_shared>> -> memref<128x64xf32, #tpu.memory_space<vmem_shared>>
      %dma_start3A_243 = arith.constant 0 : i32
      %dma_start3A_244 = arith.constant 0 : i32
      %dma_start3A_245 = tpu.memref_slice %arg9[%run_scoped3A_12, %dma_start3A_243, %dma_start3A_244] : memref<4x128x64xf32, #tpu.memory_space<vmem>> -> memref<1x128x64xf32, #tpu.memory_space<vmem>>
      %dma_start3A_246 = tpu.memref_squeeze %dma_start3A_245 : memref<1x128x64xf32, #tpu.memory_space<vmem>> -> memref<128x64xf32, #tpu.memory_space<vmem>>
      tpu.enqueue_dma source(%dma_start3A_246 : memref<128x64xf32, #tpu.memory_space<vmem>>) target(%dma_start3A_242 : memref<128x64xf32, #tpu.memory_space<vmem_shared>>) target_semaphore(%run_scoped3A_234 : memref<!tpu.dma_semaphore, #tpu.memory_space<semaphore_mem>>)
      %dma_wait3A_247 = arith.constant 0 : i32
      %dma_wait3A_248 = arith.constant 0 : i32
      %dma_wait3A_249 = tpu.memref_slice %arg9[%run_scoped3A_12, %dma_wait3A_247, %dma_wait3A_248] : memref<4x128x64xf32, #tpu.memory_space<vmem>> -> memref<1x128x64xf32, #tpu.memory_space<vmem>>
      %dma_wait3A_250 = tpu.memref_squeeze %dma_wait3A_249 : memref<1x128x64xf32, #tpu.memory_space<vmem>> -> memref<128x64xf32, #tpu.memory_space<vmem>>
      %dma_wait3A_251 = arith.constant 0 : i32
      %dma_wait3A_252 = tpu.memref_slice %arg10[%add3A_11, %dma_wait3A_251] : memref<10000x64xf32, #tpu.memory_space<vmem_shared>> -> memref<128x64xf32, #tpu.memory_space<vmem_shared>>
      %dma_wait3A_253 = arith.constant 0 : i32
      %dma_wait3A_254 = tpu.memref_slice %arg10[%add3A_11, %dma_wait3A_253] : memref<10000x64xf32, #tpu.memory_space<vmem_shared>> -> memref<128x64xf32, #tpu.memory_space<vmem_shared>>
      %dma_wait3A_255 = arith.constant 0 : i32
      %dma_wait3A_256 = arith.constant 0 : i32
      %dma_wait3A_257 = tpu.memref_slice %arg9[%run_scoped3A_12, %dma_wait3A_255, %dma_wait3A_256] : memref<4x128x64xf32, #tpu.memory_space<vmem>> -> memref<1x128x64xf32, #tpu.memory_space<vmem>>
      %dma_wait3A_258 = tpu.memref_squeeze %dma_wait3A_257 : memref<1x128x64xf32, #tpu.memory_space<vmem>> -> memref<128x64xf32, #tpu.memory_space<vmem>>
      tpu.wait_dma2 semaphore(%run_scoped3A_234 : memref<!tpu.dma_semaphore, #tpu.memory_space<semaphore_mem>>) src(%dma_wait3A_258 : memref<128x64xf32, #tpu.memory_space<vmem>>) dst(%dma_wait3A_254 : memref<128x64xf32, #tpu.memory_space<vmem_shared>>)
      tpu.yield
    }) : () -> ()
    %add3A_13 = arith.constant 256 : i32
    %add3A_14 = arith.addi %mul3A_7, %add3A_13 : i32
    %run_scoped3A_15 = arith.constant 0 : i32
    "tpu.region"() ({
      %run_scoped3A_234 = tpu.sem_alloc : memref<!tpu.dma_semaphore, #tpu.memory_space<semaphore_mem>>
      %dma_start3A_235 = arith.constant 0 : i32
      %dma_start3A_236 = arith.constant 0 : i32
      %dma_start3A_237 = tpu.memref_slice %arg9[%run_scoped3A_15, %dma_start3A_235, %dma_start3A_236] : memref<4x128x64xf32, #tpu.memory_space<vmem>> -> memref<1x128x64xf32, #tpu.memory_space<vmem>>
      %dma_start3A_238 = tpu.memref_squeeze %dma_start3A_237 : memref<1x128x64xf32, #tpu.memory_space<vmem>> -> memref<128x64xf32, #tpu.memory_space<vmem>>
      %dma_start3A_239 = arith.constant 0 : i32
      %dma_start3A_240 = tpu.memref_slice %arg10[%add3A_14, %dma_start3A_239] : memref<10000x64xf32, #tpu.memory_space<vmem_shared>> -> memref<128x64xf32, #tpu.memory_space<vmem_shared>>
      %dma_start3A_241 = arith.constant 0 : i32
      %dma_start3A_242 = tpu.memref_slice %arg10[%add3A_14, %dma_start3A_241] : memref<10000x64xf32, #tpu.memory_space<vmem_shared>> -> memref<128x64xf32, #tpu.memory_space<vmem_shared>>
      %dma_start3A_243 = arith.constant 0 : i32
      %dma_start3A_244 = arith.constant 0 : i32
      %dma_start3A_245 = tpu.memref_slice %arg9[%run_scoped3A_15, %dma_start3A_243, %dma_start3A_244] : memref<4x128x64xf32, #tpu.memory_space<vmem>> -> memref<1x128x64xf32, #tpu.memory_space<vmem>>
      %dma_start3A_246 = tpu.memref_squeeze %dma_start3A_245 : memref<1x128x64xf32, #tpu.memory_space<vmem>> -> memref<128x64xf32, #tpu.memory_space<vmem>>
      tpu.enqueue_dma source(%dma_start3A_246 : memref<128x64xf32, #tpu.memory_space<vmem>>) target(%dma_start3A_242 : memref<128x64xf32, #tpu.memory_space<vmem_shared>>) target_semaphore(%run_scoped3A_234 : memref<!tpu.dma_semaphore, #tpu.memory_space<semaphore_mem>>)
      %dma_wait3A_247 = arith.constant 0 : i32
      %dma_wait3A_248 = arith.constant 0 : i32
      %dma_wait3A_249 = tpu.memref_slice %arg9[%run_scoped3A_15, %dma_wait3A_247, %dma_wait3A_248] : memref<4x128x64xf32, #tpu.memory_space<vmem>> -> memref<1x128x64xf32, #tpu.memory_space<vmem>>
      %dma_wait3A_250 = tpu.memref_squeeze %dma_wait3A_249 : memref<1x128x64xf32, #tpu.memory_space<vmem>> -> memref<128x64xf32, #tpu.memory_space<vmem>>
      %dma_wait3A_251 = arith.constant 0 : i32
      %dma_wait3A_252 = tpu.memref_slice %arg10[%add3A_14, %dma_wait3A_251] : memref<10000x64xf32, #tpu.memory_space<vmem_shared>> -> memref<128x64xf32, #tpu.memory_space<vmem_shared>>
      %dma_wait3A_253 = arith.constant 0 : i32
      %dma_wait3A_254 = tpu.memref_slice %arg10[%add3A_14, %dma_wait3A_253] : memref<10000x64xf32, #tpu.memory_space<vmem_shared>> -> memref<128x64xf32, #tpu.memory_space<vmem_shared>>
      %dma_wait3A_255 = arith.constant 0 : i32
      %dma_wait3A_256 = arith.constant 0 : i32
      %dma_wait3A_257 = tpu.memref_slice %arg9[%run_scoped3A_15, %dma_wait3A_255, %dma_wait3A_256] : memref<4x128x64xf32, #tpu.memory_space<vmem>> -> memref<1x128x64xf32, #tpu.memory_space<vmem>>
      %dma_wait3A_258 = tpu.memref_squeeze %dma_wait3A_257 : memref<1x128x64xf32, #tpu.memory_space<vmem>> -> memref<128x64xf32, #tpu.memory_space<vmem>>
      tpu.wait_dma2 semaphore(%run_scoped3A_234 : memref<!tpu.dma_semaphore, #tpu.memory_space<semaphore_mem>>) src(%dma_wait3A_258 : memref<128x64xf32, #tpu.memory_space<vmem>>) dst(%dma_wait3A_254 : memref<128x64xf32, #tpu.memory_space<vmem_shared>>)
      tpu.yield
    }) : () -> ()
    %add3A_16 = arith.constant 384 : i32
    %add3A_17 = arith.addi %mul3A_7, %add3A_16 : i32
    %run_scoped3A_18 = arith.constant 0 : i32
    "tpu.region"() ({
      %run_scoped3A_234 = tpu.sem_alloc : memref<!tpu.dma_semaphore, #tpu.memory_space<semaphore_mem>>
      %dma_start3A_235 = arith.constant 0 : i32
      %dma_start3A_236 = arith.constant 0 : i32
      %dma_start3A_237 = tpu.memref_slice %arg9[%run_scoped3A_18, %dma_start3A_235, %dma_start3A_236] : memref<4x128x64xf32, #tpu.memory_space<vmem>> -> memref<1x128x64xf32, #tpu.memory_space<vmem>>
      %dma_start3A_238 = tpu.memref_squeeze %dma_start3A_237 : memref<1x128x64xf32, #tpu.memory_space<vmem>> -> memref<128x64xf32, #tpu.memory_space<vmem>>
      %dma_start3A_239 = arith.constant 0 : i32
      %dma_start3A_240 = tpu.memref_slice %arg10[%add3A_17, %dma_start3A_239] : memref<10000x64xf32, #tpu.memory_space<vmem_shared>> -> memref<128x64xf32, #tpu.memory_space<vmem_shared>>
      %dma_start3A_241 = arith.constant 0 : i32
      %dma_start3A_242 = tpu.memref_slice %arg10[%add3A_17, %dma_start3A_241] : memref<10000x64xf32, #tpu.memory_space<vmem_shared>> -> memref<128x64xf32, #tpu.memory_space<vmem_shared>>
      %dma_start3A_243 = arith.constant 0 : i32
      %dma_start3A_244 = arith.constant 0 : i32
      %dma_start3A_245 = tpu.memref_slice %arg9[%run_scoped3A_18, %dma_start3A_243, %dma_start3A_244] : memref<4x128x64xf32, #tpu.memory_space<vmem>> -> memref<1x128x64xf32, #tpu.memory_space<vmem>>
      %dma_start3A_246 = tpu.memref_squeeze %dma_start3A_245 : memref<1x128x64xf32, #tpu.memory_space<vmem>> -> memref<128x64xf32, #tpu.memory_space<vmem>>
      tpu.enqueue_dma source(%dma_start3A_246 : memref<128x64xf32, #tpu.memory_space<vmem>>) target(%dma_start3A_242 : memref<128x64xf32, #tpu.memory_space<vmem_shared>>) target_semaphore(%run_scoped3A_234 : memref<!tpu.dma_semaphore, #tpu.memory_space<semaphore_mem>>)
      %dma_wait3A_247 = arith.constant 0 : i32
      %dma_wait3A_248 = arith.constant 0 : i32
      %dma_wait3A_249 = tpu.memref_slice %arg9[%run_scoped3A_18, %dma_wait3A_247, %dma_wait3A_248] : memref<4x128x64xf32, #tpu.memory_space<vmem>> -> memref<1x128x64xf32, #tpu.memory_space<vmem>>
      %dma_wait3A_250 = tpu.memref_squeeze %dma_wait3A_249 : memref<1x128x64xf32, #tpu.memory_space<vmem>> -> memref<128x64xf32, #tpu.memory_space<vmem>>
      %dma_wait3A_251 = arith.constant 0 : i32
      %dma_wait3A_252 = tpu.memref_slice %arg10[%add3A_17, %dma_wait3A_251] : memref<10000x64xf32, #tpu.memory_space<vmem_shared>> -> memref<128x64xf32, #tpu.memory_space<vmem_shared>>
      %dma_wait3A_253 = arith.constant 0 : i32
      %dma_wait3A_254 = tpu.memref_slice %arg10[%add3A_17, %dma_wait3A_253] : memref<10000x64xf32, #tpu.memory_space<vmem_shared>> -> memref<128x64xf32, #tpu.memory_space<vmem_shared>>
      %dma_wait3A_255 = arith.constant 0 : i32
      %dma_wait3A_256 = arith.constant 0 : i32
      %dma_wait3A_257 = tpu.memref_slice %arg9[%run_scoped3A_18, %dma_wait3A_255, %dma_wait3A_256] : memref<4x128x64xf32, #tpu.memory_space<vmem>> -> memref<1x128x64xf32, #tpu.memory_space<vmem>>
      %dma_wait3A_258 = tpu.memref_squeeze %dma_wait3A_257 : memref<1x128x64xf32, #tpu.memory_space<vmem>> -> memref<128x64xf32, #tpu.memory_space<vmem>>
      tpu.wait_dma2 semaphore(%run_scoped3A_234 : memref<!tpu.dma_semaphore, #tpu.memory_space<semaphore_mem>>) src(%dma_wait3A_258 : memref<128x64xf32, #tpu.memory_space<vmem>>) dst(%dma_wait3A_254 : memref<128x64xf32, #tpu.memory_space<vmem_shared>>)
      tpu.yield
    }) : () -> ()
    %add3A_19 = arith.constant 512 : i32
    %add3A_20 = arith.addi %mul3A_7, %add3A_19 : i32
    %run_scoped3A_21 = arith.constant 0 : i32
    "tpu.region"() ({
      %run_scoped3A_234 = tpu.sem_alloc : memref<!tpu.dma_semaphore, #tpu.memory_space<semaphore_mem>>
      %dma_start3A_235 = arith.constant 0 : i32
      %dma_start3A_236 = arith.constant 0 : i32
      %dma_start3A_237 = tpu.memref_slice %arg9[%run_scoped3A_21, %dma_start3A_235, %dma_start3A_236] : memref<4x128x64xf32, #tpu.memory_space<vmem>> -> memref<1x113x64xf32, #tpu.memory_space<vmem>>
      %dma_start3A_238 = tpu.memref_squeeze %dma_start3A_237 : memref<1x113x64xf32, #tpu.memory_space<vmem>> -> memref<113x64xf32, #tpu.memory_space<vmem>>
      %dma_start3A_239 = arith.constant 0 : i32
      %dma_start3A_240 = tpu.memref_slice %arg10[%add3A_20, %dma_start3A_239] : memref<10000x64xf32, #tpu.memory_space<vmem_shared>> -> memref<113x64xf32, #tpu.memory_space<vmem_shared>>
      %dma_start3A_241 = arith.constant 0 : i32
      %dma_start3A_242 = tpu.memref_slice %arg10[%add3A_20, %dma_start3A_241] : memref<10000x64xf32, #tpu.memory_space<vmem_shared>> -> memref<113x64xf32, #tpu.memory_space<vmem_shared>>
      %dma_start3A_243 = arith.constant 0 : i32
      %dma_start3A_244 = arith.constant 0 : i32
      %dma_start3A_245 = tpu.memref_slice %arg9[%run_scoped3A_21, %dma_start3A_243, %dma_start3A_244] : memref<4x128x64xf32, #tpu.memory_space<vmem>> -> memref<1x113x64xf32, #tpu.memory_space<vmem>>
      %dma_start3A_246 = tpu.memref_squeeze %dma_start3A_245 : memref<1x113x64xf32, #tpu.memory_space<vmem>> -> memref<113x64xf32, #tpu.memory_space<vmem>>
      tpu.enqueue_dma source(%dma_start3A_246 : memref<113x64xf32, #tpu.memory_space<vmem>>) target(%dma_start3A_242 : memref<113x64xf32, #tpu.memory_space<vmem_shared>>) target_semaphore(%run_scoped3A_234 : memref<!tpu.dma_semaphore, #tpu.memory_space<semaphore_mem>>)
      %dma_wait3A_247 = arith.constant 0 : i32
      %dma_wait3A_248 = arith.constant 0 : i32
      %dma_wait3A_249 = tpu.memref_slice %arg9[%run_scoped3A_21, %dma_wait3A_247, %dma_wait3A_248] : memref<4x128x64xf32, #tpu.memory_space<vmem>> -> memref<1x113x64xf32, #tpu.memory_space<vmem>>
      %dma_wait3A_250 = tpu.memref_squeeze %dma_wait3A_249 : memref<1x113x64xf32, #tpu.memory_space<vmem>> -> memref<113x64xf32, #tpu.memory_space<vmem>>
      %dma_wait3A_251 = arith.constant 0 : i32
      %dma_wait3A_252 = tpu.memref_slice %arg10[%add3A_20, %dma_wait3A_251] : memref<10000x64xf32, #tpu.memory_space<vmem_shared>> -> memref<113x64xf32, #tpu.memory_space<vmem_shared>>
      %dma_wait3A_253 = arith.constant 0 : i32
      %dma_wait3A_254 = tpu.memref_slice %arg10[%add3A_20, %dma_wait3A_253] : memref<10000x64xf32, #tpu.memory_space<vmem_shared>> -> memref<113x64xf32, #tpu.memory_space<vmem_shared>>
      %dma_wait3A_255 = arith.constant 0 : i32
      %dma_wait3A_256 = arith.constant 0 : i32
      %dma_wait3A_257 = tpu.memref_slice %arg9[%run_scoped3A_21, %dma_wait3A_255, %dma_wait3A_256] : memref<4x128x64xf32, #tpu.memory_space<vmem>> -> memref<1x113x64xf32, #tpu.memory_space<vmem>>
      %dma_wait3A_258 = tpu.memref_squeeze %dma_wait3A_257 : memref<1x113x64xf32, #tpu.memory_space<vmem>> -> memref<113x64xf32, #tpu.memory_space<vmem>>
      tpu.wait_dma2 semaphore(%run_scoped3A_234 : memref<!tpu.dma_semaphore, #tpu.memory_space<semaphore_mem>>) src(%dma_wait3A_258 : memref<113x64xf32, #tpu.memory_space<vmem>>) dst(%dma_wait3A_254 : memref<113x64xf32, #tpu.memory_space<vmem_shared>>)
      tpu.yield
    }) : () -> ()
    %mul3A_22 = arith.constant 78 : i32
    %mul3A_23 = arith.muli %add3A, %mul3A_22 : i32
    %run_scoped3A_24 = arith.constant 0 : i32
    "tpu.region"() ({
      %run_scoped3A_234 = tpu.sem_alloc : memref<!tpu.dma_semaphore, #tpu.memory_space<semaphore_mem>>
      %dma_start3A_235 = arith.constant 0 : i32
      %dma_start3A_236 = arith.constant 0 : i32
      %dma_start3A_237 = tpu.memref_slice %arg3[%run_scoped3A_24, %dma_start3A_235, %dma_start3A_236] : memref<2x2500x128xi32, #tpu.memory_space<hbm>> -> memref<1x2500x128xi32, #tpu.memory_space<hbm>>
      %dma_start3A_238 = tpu.memref_squeeze %dma_start3A_237 : memref<1x2500x128xi32, #tpu.memory_space<hbm>> -> memref<2500x128xi32, #tpu.memory_space<hbm>>
      %dma_start3A_239 = arith.constant 0 : i32
      %dma_start3A_240 = tpu.memref_slice %dma_start3A_238[%mul3A_23, %dma_start3A_239] : memref<2500x128xi32, #tpu.memory_space<hbm>> -> memref<78x128xi32, #tpu.memory_space<hbm>>
      %dma_start3A_241 = arith.constant 0 : i32
      %dma_start3A_242 = arith.constant 0 : i32
      %dma_start3A_243 = tpu.memref_slice %arg3[%run_scoped3A_24, %dma_start3A_241, %dma_start3A_242] : memref<2x2500x128xi32, #tpu.memory_space<hbm>> -> memref<1x2500x128xi32, #tpu.memory_space<hbm>>
      %dma_start3A_244 = tpu.memref_squeeze %dma_start3A_243 : memref<1x2500x128xi32, #tpu.memory_space<hbm>> -> memref<2500x128xi32, #tpu.memory_space<hbm>>
      %dma_start3A_245 = arith.constant 0 : i32
      %dma_start3A_246 = tpu.memref_slice %dma_start3A_244[%mul3A_23, %dma_start3A_245] : memref<2500x128xi32, #tpu.memory_space<hbm>> -> memref<78x128xi32, #tpu.memory_space<hbm>>
      tpu.enqueue_dma source(%dma_start3A_246 : memref<78x128xi32, #tpu.memory_space<hbm>>) target(%arg5 : memref<78x128xi32, #tpu.memory_space<vmem>>) target_semaphore(%run_scoped3A_234 : memref<!tpu.dma_semaphore, #tpu.memory_space<semaphore_mem>>)
      %dma_wait3A_247 = arith.constant 0 : i32
      %dma_wait3A_248 = arith.constant 0 : i32
      %dma_wait3A_249 = tpu.memref_slice %arg3[%run_scoped3A_24, %dma_wait3A_247, %dma_wait3A_248] : memref<2x2500x128xi32, #tpu.memory_space<hbm>> -> memref<1x2500x128xi32, #tpu.memory_space<hbm>>
      %dma_wait3A_250 = tpu.memref_squeeze %dma_wait3A_249 : memref<1x2500x128xi32, #tpu.memory_space<hbm>> -> memref<2500x128xi32, #tpu.memory_space<hbm>>
      %dma_wait3A_251 = arith.constant 0 : i32
      %dma_wait3A_252 = tpu.memref_slice %dma_wait3A_250[%mul3A_23, %dma_wait3A_251] : memref<2500x128xi32, #tpu.memory_space<hbm>> -> memref<78x128xi32, #tpu.memory_space<hbm>>
      %dma_wait3A_253 = arith.constant 0 : i32
      %dma_wait3A_254 = arith.constant 0 : i32
      %dma_wait3A_255 = tpu.memref_slice %arg3[%run_scoped3A_24, %dma_wait3A_253, %dma_wait3A_254] : memref<2x2500x128xi32, #tpu.memory_space<hbm>> -> memref<1x2500x128xi32, #tpu.memory_space<hbm>>
      %dma_wait3A_256 = tpu.memref_squeeze %dma_wait3A_255 : memref<1x2500x128xi32, #tpu.memory_space<hbm>> -> memref<2500x128xi32, #tpu.memory_space<hbm>>
      %dma_wait3A_257 = arith.constant 0 : i32
      %dma_wait3A_258 = tpu.memref_slice %dma_wait3A_256[%mul3A_23, %dma_wait3A_257] : memref<2500x128xi32, #tpu.memory_space<hbm>> -> memref<78x128xi32, #tpu.memory_space<hbm>>
      tpu.wait_dma2 semaphore(%run_scoped3A_234 : memref<!tpu.dma_semaphore, #tpu.memory_space<semaphore_mem>>) src(%dma_wait3A_258 : memref<78x128xi32, #tpu.memory_space<hbm>>) dst(%arg5 : memref<78x128xi32, #tpu.memory_space<vmem>>)
      tpu.yield
    }) : () -> ()
    %mul3A_25 = arith.constant 78 : i32
    %mul3A_26 = arith.muli %add3A, %mul3A_25 : i32
    %run_scoped3A_27 = arith.constant 1 : i32
    "tpu.region"() ({
      %run_scoped3A_234 = tpu.sem_alloc : memref<!tpu.dma_semaphore, #tpu.memory_space<semaphore_mem>>
      %dma_start3A_235 = arith.constant 0 : i32
      %dma_start3A_236 = arith.constant 0 : i32
      %dma_start3A_237 = tpu.memref_slice %arg3[%run_scoped3A_27, %dma_start3A_235, %dma_start3A_236] : memref<2x2500x128xi32, #tpu.memory_space<hbm>> -> memref<1x2500x128xi32, #tpu.memory_space<hbm>>
      %dma_start3A_238 = tpu.memref_squeeze %dma_start3A_237 : memref<1x2500x128xi32, #tpu.memory_space<hbm>> -> memref<2500x128xi32, #tpu.memory_space<hbm>>
      %dma_start3A_239 = arith.constant 0 : i32
      %dma_start3A_240 = tpu.memref_slice %dma_start3A_238[%mul3A_26, %dma_start3A_239] : memref<2500x128xi32, #tpu.memory_space<hbm>> -> memref<78x128xi32, #tpu.memory_space<hbm>>
      %dma_start3A_241 = arith.constant 0 : i32
      %dma_start3A_242 = arith.constant 0 : i32
      %dma_start3A_243 = tpu.memref_slice %arg3[%run_scoped3A_27, %dma_start3A_241, %dma_start3A_242] : memref<2x2500x128xi32, #tpu.memory_space<hbm>> -> memref<1x2500x128xi32, #tpu.memory_space<hbm>>
      %dma_start3A_244 = tpu.memref_squeeze %dma_start3A_243 : memref<1x2500x128xi32, #tpu.memory_space<hbm>> -> memref<2500x128xi32, #tpu.memory_space<hbm>>
      %dma_start3A_245 = arith.constant 0 : i32
      %dma_start3A_246 = tpu.memref_slice %dma_start3A_244[%mul3A_26, %dma_start3A_245] : memref<2500x128xi32, #tpu.memory_space<hbm>> -> memref<78x128xi32, #tpu.memory_space<hbm>>
      tpu.enqueue_dma source(%dma_start3A_246 : memref<78x128xi32, #tpu.memory_space<hbm>>) target(%arg6 : memref<78x128xi32, #tpu.memory_space<vmem>>) target_semaphore(%run_scoped3A_234 : memref<!tpu.dma_semaphore, #tpu.memory_space<semaphore_mem>>)
      %dma_wait3A_247 = arith.constant 0 : i32
      %dma_wait3A_248 = arith.constant 0 : i32
      %dma_wait3A_249 = tpu.memref_slice %arg3[%run_scoped3A_27, %dma_wait3A_247, %dma_wait3A_248] : memref<2x2500x128xi32, #tpu.memory_space<hbm>> -> memref<1x2500x128xi32, #tpu.memory_space<hbm>>
      %dma_wait3A_250 = tpu.memref_squeeze %dma_wait3A_249 : memref<1x2500x128xi32, #tpu.memory_space<hbm>> -> memref<2500x128xi32, #tpu.memory_space<hbm>>
      %dma_wait3A_251 = arith.constant 0 : i32
      %dma_wait3A_252 = tpu.memref_slice %dma_wait3A_250[%mul3A_26, %dma_wait3A_251] : memref<2500x128xi32, #tpu.memory_space<hbm>> -> memref<78x128xi32, #tpu.memory_space<hbm>>
      %dma_wait3A_253 = arith.constant 0 : i32
      %dma_wait3A_254 = arith.constant 0 : i32
      %dma_wait3A_255 = tpu.memref_slice %arg3[%run_scoped3A_27, %dma_wait3A_253, %dma_wait3A_254] : memref<2x2500x128xi32, #tpu.memory_space<hbm>> -> memref<1x2500x128xi32, #tpu.memory_space<hbm>>
      %dma_wait3A_256 = tpu.memref_squeeze %dma_wait3A_255 : memref<1x2500x128xi32, #tpu.memory_space<hbm>> -> memref<2500x128xi32, #tpu.memory_space<hbm>>
      %dma_wait3A_257 = arith.constant 0 : i32
      %dma_wait3A_258 = tpu.memref_slice %dma_wait3A_256[%mul3A_26, %dma_wait3A_257] : memref<2500x128xi32, #tpu.memory_space<hbm>> -> memref<78x128xi32, #tpu.memory_space<hbm>>
      tpu.wait_dma2 semaphore(%run_scoped3A_234 : memref<!tpu.dma_semaphore, #tpu.memory_space<semaphore_mem>>) src(%dma_wait3A_258 : memref<78x128xi32, #tpu.memory_space<hbm>>) dst(%arg6 : memref<78x128xi32, #tpu.memory_space<vmem>>)
      tpu.yield
    }) : () -> ()
    %lt3A = arith.constant 4 : i32
    %lt3A_28 = arith.cmpi slt, %add3A, %lt3A : i32
    %convert_element_type3A = arith.extui %lt3A_28 : i1 to i32
    %cond3A = arith.constant 0 : i32
    %cond3A_29 = arith.constant 1 : i32
    %cond3A_30 = arith.constant 0 : i32
    %cond3A_31 = arith.cmpi ne, %convert_element_type3A, %cond3A_30 : i32
    scf.if %cond3A_31 {
      %add3A_234 = arith.constant 2496 : i32
      %add3A_235 = arith.addi %add3A_234, %add3A : i32
      "tpu.region"() ({
        %run_scoped3A_238 = tpu.sem_alloc : memref<!tpu.dma_semaphore, #tpu.memory_space<semaphore_mem>>
        %dma_start3A_239 = arith.constant 0 : i32
        %dma_start3A_240 = arith.constant 0 : i32
        %dma_start3A_241 = tpu.memref_slice %arg3[%cond3A, %dma_start3A_239, %dma_start3A_240] : memref<2x2500x128xi32, #tpu.memory_space<hbm>> -> memref<1x2500x128xi32, #tpu.memory_space<hbm>>
        %dma_start3A_242 = tpu.memref_squeeze %dma_start3A_241 : memref<1x2500x128xi32, #tpu.memory_space<hbm>> -> memref<2500x128xi32, #tpu.memory_space<hbm>>
        %dma_start3A_243 = arith.constant 0 : i32
        %dma_start3A_244 = tpu.memref_slice %dma_start3A_242[%add3A_235, %dma_start3A_243] : memref<2500x128xi32, #tpu.memory_space<hbm>> -> memref<1x128xi32, #tpu.memory_space<hbm>>
        %dma_start3A_245 = arith.constant 0 : i32
        %dma_start3A_246 = arith.constant 0 : i32
        %dma_start3A_247 = tpu.memref_slice %arg3[%cond3A, %dma_start3A_245, %dma_start3A_246] : memref<2x2500x128xi32, #tpu.memory_space<hbm>> -> memref<1x2500x128xi32, #tpu.memory_space<hbm>>
        %dma_start3A_248 = tpu.memref_squeeze %dma_start3A_247 : memref<1x2500x128xi32, #tpu.memory_space<hbm>> -> memref<2500x128xi32, #tpu.memory_space<hbm>>
        %dma_start3A_249 = arith.constant 0 : i32
        %dma_start3A_250 = tpu.memref_slice %dma_start3A_248[%add3A_235, %dma_start3A_249] : memref<2500x128xi32, #tpu.memory_space<hbm>> -> memref<1x128xi32, #tpu.memory_space<hbm>>
        tpu.enqueue_dma source(%dma_start3A_250 : memref<1x128xi32, #tpu.memory_space<hbm>>) target(%arg7 : memref<1x128xi32, #tpu.memory_space<vmem>>) target_semaphore(%run_scoped3A_238 : memref<!tpu.dma_semaphore, #tpu.memory_space<semaphore_mem>>)
        %dma_wait3A_251 = arith.constant 0 : i32
        %dma_wait3A_252 = arith.constant 0 : i32
        %dma_wait3A_253 = tpu.memref_slice %arg3[%cond3A, %dma_wait3A_251, %dma_wait3A_252] : memref<2x2500x128xi32, #tpu.memory_space<hbm>> -> memref<1x2500x128xi32, #tpu.memory_space<hbm>>
        %dma_wait3A_254 = tpu.memref_squeeze %dma_wait3A_253 : memref<1x2500x128xi32, #tpu.memory_space<hbm>> -> memref<2500x128xi32, #tpu.memory_space<hbm>>
        %dma_wait3A_255 = arith.constant 0 : i32
        %dma_wait3A_256 = tpu.memref_slice %dma_wait3A_254[%add3A_235, %dma_wait3A_255] : memref<2500x128xi32, #tpu.memory_space<hbm>> -> memref<1x128xi32, #tpu.memory_space<hbm>>
        %dma_wait3A_257 = arith.constant 0 : i32
        %dma_wait3A_258 = arith.constant 0 : i32
        %dma_wait3A_259 = tpu.memref_slice %arg3[%cond3A, %dma_wait3A_257, %dma_wait3A_258] : memref<2x2500x128xi32, #tpu.memory_space<hbm>> -> memref<1x2500x128xi32, #tpu.memory_space<hbm>>
        %dma_wait3A_260 = tpu.memref_squeeze %dma_wait3A_259 : memref<1x2500x128xi32, #tpu.memory_space<hbm>> -> memref<2500x128xi32, #tpu.memory_space<hbm>>
        %dma_wait3A_261 = arith.constant 0 : i32
        %dma_wait3A_262 = tpu.memref_slice %dma_wait3A_260[%add3A_235, %dma_wait3A_261] : memref<2500x128xi32, #tpu.memory_space<hbm>> -> memref<1x128xi32, #tpu.memory_space<hbm>>
        tpu.wait_dma2 semaphore(%run_scoped3A_238 : memref<!tpu.dma_semaphore, #tpu.memory_space<semaphore_mem>>) src(%dma_wait3A_262 : memref<1x128xi32, #tpu.memory_space<hbm>>) dst(%arg7 : memref<1x128xi32, #tpu.memory_space<vmem>>)
        tpu.yield
      }) : () -> ()
      %add3A_236 = arith.constant 2496 : i32
      %add3A_237 = arith.addi %add3A_236, %add3A : i32
      "tpu.region"() ({
        %run_scoped3A_238 = tpu.sem_alloc : memref<!tpu.dma_semaphore, #tpu.memory_space<semaphore_mem>>
        %dma_start3A_239 = arith.constant 0 : i32
        %dma_start3A_240 = arith.constant 0 : i32
        %dma_start3A_241 = tpu.memref_slice %arg3[%cond3A_29, %dma_start3A_239, %dma_start3A_240] : memref<2x2500x128xi32, #tpu.memory_space<hbm>> -> memref<1x2500x128xi32, #tpu.memory_space<hbm>>
        %dma_start3A_242 = tpu.memref_squeeze %dma_start3A_241 : memref<1x2500x128xi32, #tpu.memory_space<hbm>> -> memref<2500x128xi32, #tpu.memory_space<hbm>>
        %dma_start3A_243 = arith.constant 0 : i32
        %dma_start3A_244 = tpu.memref_slice %dma_start3A_242[%add3A_237, %dma_start3A_243] : memref<2500x128xi32, #tpu.memory_space<hbm>> -> memref<1x128xi32, #tpu.memory_space<hbm>>
        %dma_start3A_245 = arith.constant 0 : i32
        %dma_start3A_246 = arith.constant 0 : i32
        %dma_start3A_247 = tpu.memref_slice %arg3[%cond3A_29, %dma_start3A_245, %dma_start3A_246] : memref<2x2500x128xi32, #tpu.memory_space<hbm>> -> memref<1x2500x128xi32, #tpu.memory_space<hbm>>
        %dma_start3A_248 = tpu.memref_squeeze %dma_start3A_247 : memref<1x2500x128xi32, #tpu.memory_space<hbm>> -> memref<2500x128xi32, #tpu.memory_space<hbm>>
        %dma_start3A_249 = arith.constant 0 : i32
        %dma_start3A_250 = tpu.memref_slice %dma_start3A_248[%add3A_237, %dma_start3A_249] : memref<2500x128xi32, #tpu.memory_space<hbm>> -> memref<1x128xi32, #tpu.memory_space<hbm>>
        tpu.enqueue_dma source(%dma_start3A_250 : memref<1x128xi32, #tpu.memory_space<hbm>>) target(%arg8 : memref<1x128xi32, #tpu.memory_space<vmem>>) target_semaphore(%run_scoped3A_238 : memref<!tpu.dma_semaphore, #tpu.memory_space<semaphore_mem>>)
        %dma_wait3A_251 = arith.constant 0 : i32
        %dma_wait3A_252 = arith.constant 0 : i32
        %dma_wait3A_253 = tpu.memref_slice %arg3[%cond3A_29, %dma_wait3A_251, %dma_wait3A_252] : memref<2x2500x128xi32, #tpu.memory_space<hbm>> -> memref<1x2500x128xi32, #tpu.memory_space<hbm>>
        %dma_wait3A_254 = tpu.memref_squeeze %dma_wait3A_253 : memref<1x2500x128xi32, #tpu.memory_space<hbm>> -> memref<2500x128xi32, #tpu.memory_space<hbm>>
        %dma_wait3A_255 = arith.constant 0 : i32
        %dma_wait3A_256 = tpu.memref_slice %dma_wait3A_254[%add3A_237, %dma_wait3A_255] : memref<2500x128xi32, #tpu.memory_space<hbm>> -> memref<1x128xi32, #tpu.memory_space<hbm>>
        %dma_wait3A_257 = arith.constant 0 : i32
        %dma_wait3A_258 = arith.constant 0 : i32
        %dma_wait3A_259 = tpu.memref_slice %arg3[%cond3A_29, %dma_wait3A_257, %dma_wait3A_258] : memref<2x2500x128xi32, #tpu.memory_space<hbm>> -> memref<1x2500x128xi32, #tpu.memory_space<hbm>>
        %dma_wait3A_260 = tpu.memref_squeeze %dma_wait3A_259 : memref<1x2500x128xi32, #tpu.memory_space<hbm>> -> memref<2500x128xi32, #tpu.memory_space<hbm>>
        %dma_wait3A_261 = arith.constant 0 : i32
        %dma_wait3A_262 = tpu.memref_slice %dma_wait3A_260[%add3A_237, %dma_wait3A_261] : memref<2500x128xi32, #tpu.memory_space<hbm>> -> memref<1x128xi32, #tpu.memory_space<hbm>>
        tpu.wait_dma2 semaphore(%run_scoped3A_238 : memref<!tpu.dma_semaphore, #tpu.memory_space<semaphore_mem>>) src(%dma_wait3A_262 : memref<1x128xi32, #tpu.memory_space<hbm>>) dst(%arg8 : memref<1x128xi32, #tpu.memory_space<vmem>>)
        tpu.yield
      }) : () -> ()
    } else {
    }
    %barrier3A = arith.constant 0 : index
    tpu.barrier barrier_id(%barrier3A)
    %dma_start3A = arith.constant 0 : i32
    %dma_start3A_32 = arith.constant 0 : i32
    %dma_start3A_33 = arith.constant 0 : i32
    %dma_start3A_34 = arith.constant 0 : i32
    %dma_start3A_35 = arith.constant 0 : i32
    %dma_start3A_36 = tpu.memref_slice %arg9[%dma_start3A_32, %dma_start3A_34, %dma_start3A_35] : memref<4x128x64xf32, #tpu.memory_space<vmem>> -> memref<1x128x64xf32, #tpu.memory_space<vmem>>
    %dma_start3A_37 = tpu.memref_squeeze %dma_start3A_36 : memref<1x128x64xf32, #tpu.memory_space<vmem>> -> memref<128x64xf32, #tpu.memory_space<vmem>>
    %dma_start3A_38 = arith.constant 0 : i32
    %dma_start3A_39 = tpu.memref_slice %arg5[%dma_start3A, %dma_start3A_38] : memref<78x128xi32, #tpu.memory_space<vmem>> -> memref<1x128xi32, #tpu.memory_space<vmem>>
    %dma_start3A_40 = tpu.memref_squeeze %dma_start3A_39 : memref<1x128xi32, #tpu.memory_space<vmem>> -> memref<128xi32, #tpu.memory_space<vmem>>
    %dma_start3A_41 = arith.constant 0 : i32
    %dma_start3A_42 = arith.constant 0 : i32
    %dma_start3A_43 = tpu.memref_slice %arg2[%dma_start3A_41, %dma_start3A_42] : memref<10000x64xf32, #tpu.memory_space<hbm>> -> memref<10000x64xf32, #tpu.memory_space<hbm>>
    %dma_start3A_44 = tpu.memref_slice %arg11[%dma_start3A_33] : memref<4x!tpu.dma_semaphore, #tpu.memory_space<semaphore_mem>> -> memref<1x!tpu.dma_semaphore, #tpu.memory_space<semaphore_mem>>
    %dma_start3A_45 = tpu.memref_squeeze %dma_start3A_44 : memref<1x!tpu.dma_semaphore, #tpu.memory_space<semaphore_mem>> -> memref<!tpu.dma_semaphore, #tpu.memory_space<semaphore_mem>>
    tpu.enqueue_indirect_dma source(%dma_start3A_43 : memref<10000x64xf32, #tpu.memory_space<hbm>>) target(%dma_start3A_37 : memref<128x64xf32, #tpu.memory_space<vmem>>) offsets(%dma_start3A_40 : memref<128xi32, #tpu.memory_space<vmem>>) semaphore(%dma_start3A_45 : memref<!tpu.dma_semaphore, #tpu.memory_space<semaphore_mem>>)
    %dma_start3A_46 = arith.constant 1 : i32
    %dma_start3A_47 = arith.constant 1 : i32
    %dma_start3A_48 = arith.constant 1 : i32
    %dma_start3A_49 = arith.constant 0 : i32
    %dma_start3A_50 = arith.constant 0 : i32
    %dma_start3A_51 = tpu.memref_slice %arg9[%dma_start3A_47, %dma_start3A_49, %dma_start3A_50] : memref<4x128x64xf32, #tpu.memory_space<vmem>> -> memref<1x128x64xf32, #tpu.memory_space<vmem>>
    %dma_start3A_52 = tpu.memref_squeeze %dma_start3A_51 : memref<1x128x64xf32, #tpu.memory_space<vmem>> -> memref<128x64xf32, #tpu.memory_space<vmem>>
    %dma_start3A_53 = arith.constant 0 : i32
    %dma_start3A_54 = tpu.memref_slice %arg5[%dma_start3A_46, %dma_start3A_53] : memref<78x128xi32, #tpu.memory_space<vmem>> -> memref<1x128xi32, #tpu.memory_space<vmem>>
    %dma_start3A_55 = tpu.memref_squeeze %dma_start3A_54 : memref<1x128xi32, #tpu.memory_space<vmem>> -> memref<128xi32, #tpu.memory_space<vmem>>
    %dma_start3A_56 = arith.constant 0 : i32
    %dma_start3A_57 = arith.constant 0 : i32
    %dma_start3A_58 = tpu.memref_slice %arg2[%dma_start3A_56, %dma_start3A_57] : memref<10000x64xf32, #tpu.memory_space<hbm>> -> memref<10000x64xf32, #tpu.memory_space<hbm>>
    %dma_start3A_59 = tpu.memref_slice %arg11[%dma_start3A_48] : memref<4x!tpu.dma_semaphore, #tpu.memory_space<semaphore_mem>> -> memref<1x!tpu.dma_semaphore, #tpu.memory_space<semaphore_mem>>
    %dma_start3A_60 = tpu.memref_squeeze %dma_start3A_59 : memref<1x!tpu.dma_semaphore, #tpu.memory_space<semaphore_mem>> -> memref<!tpu.dma_semaphore, #tpu.memory_space<semaphore_mem>>
    tpu.enqueue_indirect_dma source(%dma_start3A_58 : memref<10000x64xf32, #tpu.memory_space<hbm>>) target(%dma_start3A_52 : memref<128x64xf32, #tpu.memory_space<vmem>>) offsets(%dma_start3A_55 : memref<128xi32, #tpu.memory_space<vmem>>) semaphore(%dma_start3A_60 : memref<!tpu.dma_semaphore, #tpu.memory_space<semaphore_mem>>)
    %dma_start3A_61 = arith.constant 2 : i32
    %dma_start3A_62 = arith.constant 2 : i32
    %dma_start3A_63 = arith.constant 2 : i32
    %dma_start3A_64 = arith.constant 0 : i32
    %dma_start3A_65 = arith.constant 0 : i32
    %dma_start3A_66 = tpu.memref_slice %arg9[%dma_start3A_62, %dma_start3A_64, %dma_start3A_65] : memref<4x128x64xf32, #tpu.memory_space<vmem>> -> memref<1x128x64xf32, #tpu.memory_space<vmem>>
    %dma_start3A_67 = tpu.memref_squeeze %dma_start3A_66 : memref<1x128x64xf32, #tpu.memory_space<vmem>> -> memref<128x64xf32, #tpu.memory_space<vmem>>
    %dma_start3A_68 = arith.constant 0 : i32
    %dma_start3A_69 = tpu.memref_slice %arg5[%dma_start3A_61, %dma_start3A_68] : memref<78x128xi32, #tpu.memory_space<vmem>> -> memref<1x128xi32, #tpu.memory_space<vmem>>
    %dma_start3A_70 = tpu.memref_squeeze %dma_start3A_69 : memref<1x128xi32, #tpu.memory_space<vmem>> -> memref<128xi32, #tpu.memory_space<vmem>>
    %dma_start3A_71 = arith.constant 0 : i32
    %dma_start3A_72 = arith.constant 0 : i32
    %dma_start3A_73 = tpu.memref_slice %arg2[%dma_start3A_71, %dma_start3A_72] : memref<10000x64xf32, #tpu.memory_space<hbm>> -> memref<10000x64xf32, #tpu.memory_space<hbm>>
    %dma_start3A_74 = tpu.memref_slice %arg11[%dma_start3A_63] : memref<4x!tpu.dma_semaphore, #tpu.memory_space<semaphore_mem>> -> memref<1x!tpu.dma_semaphore, #tpu.memory_space<semaphore_mem>>
    %dma_start3A_75 = tpu.memref_squeeze %dma_start3A_74 : memref<1x!tpu.dma_semaphore, #tpu.memory_space<semaphore_mem>> -> memref<!tpu.dma_semaphore, #tpu.memory_space<semaphore_mem>>
    tpu.enqueue_indirect_dma source(%dma_start3A_73 : memref<10000x64xf32, #tpu.memory_space<hbm>>) target(%dma_start3A_67 : memref<128x64xf32, #tpu.memory_space<vmem>>) offsets(%dma_start3A_70 : memref<128xi32, #tpu.memory_space<vmem>>) semaphore(%dma_start3A_75 : memref<!tpu.dma_semaphore, #tpu.memory_space<semaphore_mem>>)
    %dma_start3A_76 = arith.constant 3 : i32
    %dma_start3A_77 = arith.constant 3 : i32
    %dma_start3A_78 = arith.constant 3 : i32
    %dma_start3A_79 = arith.constant 0 : i32
    %dma_start3A_80 = arith.constant 0 : i32
    %dma_start3A_81 = tpu.memref_slice %arg9[%dma_start3A_77, %dma_start3A_79, %dma_start3A_80] : memref<4x128x64xf32, #tpu.memory_space<vmem>> -> memref<1x128x64xf32, #tpu.memory_space<vmem>>
    %dma_start3A_82 = tpu.memref_squeeze %dma_start3A_81 : memref<1x128x64xf32, #tpu.memory_space<vmem>> -> memref<128x64xf32, #tpu.memory_space<vmem>>
    %dma_start3A_83 = arith.constant 0 : i32
    %dma_start3A_84 = tpu.memref_slice %arg5[%dma_start3A_76, %dma_start3A_83] : memref<78x128xi32, #tpu.memory_space<vmem>> -> memref<1x128xi32, #tpu.memory_space<vmem>>
    %dma_start3A_85 = tpu.memref_squeeze %dma_start3A_84 : memref<1x128xi32, #tpu.memory_space<vmem>> -> memref<128xi32, #tpu.memory_space<vmem>>
    %dma_start3A_86 = arith.constant 0 : i32
    %dma_start3A_87 = arith.constant 0 : i32
    %dma_start3A_88 = tpu.memref_slice %arg2[%dma_start3A_86, %dma_start3A_87] : memref<10000x64xf32, #tpu.memory_space<hbm>> -> memref<10000x64xf32, #tpu.memory_space<hbm>>
    %dma_start3A_89 = tpu.memref_slice %arg11[%dma_start3A_78] : memref<4x!tpu.dma_semaphore, #tpu.memory_space<semaphore_mem>> -> memref<1x!tpu.dma_semaphore, #tpu.memory_space<semaphore_mem>>
    %dma_start3A_90 = tpu.memref_squeeze %dma_start3A_89 : memref<1x!tpu.dma_semaphore, #tpu.memory_space<semaphore_mem>> -> memref<!tpu.dma_semaphore, #tpu.memory_space<semaphore_mem>>
    tpu.enqueue_indirect_dma source(%dma_start3A_88 : memref<10000x64xf32, #tpu.memory_space<hbm>>) target(%dma_start3A_82 : memref<128x64xf32, #tpu.memory_space<vmem>>) offsets(%dma_start3A_85 : memref<128xi32, #tpu.memory_space<vmem>>) semaphore(%dma_start3A_90 : memref<!tpu.dma_semaphore, #tpu.memory_space<semaphore_mem>>)
    %scan3A_91 = arith.constant 0 : i32
    %scan3A_92 = arith.constant 0 : i32
    %scan3A_93 = arith.constant 18 : i32
    %scan3A_94 = arith.addi %scan3A_92, %scan3A_93 : i32
    %scan3A_95 = arith.constant 1 : i32
    scf.for %scan3A_234 = %scan3A_92 to %scan3A_94 step %scan3A_95  : i32 {
      %mul3A_235 = arith.constant 4 : i32
      %mul3A_236 = arith.muli %scan3A_234, %mul3A_235 : i32
      %add3A_237 = arith.constant 0 : i32
      %add3A_238 = arith.addi %mul3A_236, %add3A_237 : i32
      %dma_wait3A_239 = arith.constant 0 : i32
      %dma_wait3A_240 = arith.constant 0 : i32
      %dma_wait3A_241 = arith.constant 0 : i32
      %dma_wait3A_242 = arith.constant 0 : i32
      %dma_wait3A_243 = arith.constant 0 : i32
      %dma_wait3A_244 = tpu.memref_slice %arg9[%dma_wait3A_240, %dma_wait3A_242, %dma_wait3A_243] : memref<4x128x64xf32, #tpu.memory_space<vmem>> -> memref<1x128x64xf32, #tpu.memory_space<vmem>>
      %dma_wait3A_245 = tpu.memref_squeeze %dma_wait3A_244 : memref<1x128x64xf32, #tpu.memory_space<vmem>> -> memref<128x64xf32, #tpu.memory_space<vmem>>
      %dma_wait3A_246 = arith.constant 0 : i32
      %dma_wait3A_247 = tpu.memref_slice %arg5[%dma_wait3A_239, %dma_wait3A_246] : memref<78x128xi32, #tpu.memory_space<vmem>> -> memref<1x128xi32, #tpu.memory_space<vmem>>
      %dma_wait3A_248 = tpu.memref_squeeze %dma_wait3A_247 : memref<1x128xi32, #tpu.memory_space<vmem>> -> memref<128xi32, #tpu.memory_space<vmem>>
      %dma_wait3A_249 = arith.constant 0 : i32
      %dma_wait3A_250 = arith.constant 0 : i32
      %dma_wait3A_251 = tpu.memref_slice %arg2[%dma_wait3A_249, %dma_wait3A_250] : memref<10000x64xf32, #tpu.memory_space<hbm>> -> memref<10000x64xf32, #tpu.memory_space<hbm>>
      %dma_wait3A_252 = tpu.memref_slice %arg11[%dma_wait3A_241] : memref<4x!tpu.dma_semaphore, #tpu.memory_space<semaphore_mem>> -> memref<1x!tpu.dma_semaphore, #tpu.memory_space<semaphore_mem>>
      %dma_wait3A_253 = tpu.memref_squeeze %dma_wait3A_252 : memref<1x!tpu.dma_semaphore, #tpu.memory_space<semaphore_mem>> -> memref<!tpu.dma_semaphore, #tpu.memory_space<semaphore_mem>>
      tpu.wait_indirect_dma semaphore(%dma_wait3A_253 : memref<!tpu.dma_semaphore, #tpu.memory_space<semaphore_mem>>) src(%dma_wait3A_251 : memref<10000x64xf32, #tpu.memory_space<hbm>>) dst(%dma_wait3A_245 : memref<128x64xf32, #tpu.memory_space<vmem>>)
      %run_scoped3A_254 = arith.constant 0 : i32
      "tpu.region"() ({
        %run_scoped3A_379 = tpu.sem_alloc : memref<!tpu.dma_semaphore, #tpu.memory_space<semaphore_mem>>
        %dma_start3A_380 = arith.constant 0 : i32
        %dma_start3A_381 = arith.constant 0 : i32
        %dma_start3A_382 = tpu.memref_slice %arg9[%run_scoped3A_254, %dma_start3A_380, %dma_start3A_381] : memref<4x128x64xf32, #tpu.memory_space<vmem>> -> memref<1x128x64xf32, #tpu.memory_space<vmem>>
        %dma_start3A_383 = tpu.memref_squeeze %dma_start3A_382 : memref<1x128x64xf32, #tpu.memory_space<vmem>> -> memref<128x64xf32, #tpu.memory_space<vmem>>
        %dma_start3A_384 = arith.constant 0 : i32
        %dma_start3A_385 = tpu.memref_slice %arg6[%add3A_238, %dma_start3A_384] : memref<78x128xi32, #tpu.memory_space<vmem>> -> memref<1x128xi32, #tpu.memory_space<vmem>>
        %dma_start3A_386 = tpu.memref_squeeze %dma_start3A_385 : memref<1x128xi32, #tpu.memory_space<vmem>> -> memref<128xi32, #tpu.memory_space<vmem>>
        %dma_start3A_387 = arith.constant 0 : i32
        %dma_start3A_388 = arith.constant 0 : i32
        %dma_start3A_389 = tpu.memref_slice %arg10[%dma_start3A_387, %dma_start3A_388] : memref<10000x64xf32, #tpu.memory_space<vmem_shared>> -> memref<10000x64xf32, #tpu.memory_space<vmem_shared>>
        tpu.enqueue_indirect_dma source(%dma_start3A_383 : memref<128x64xf32, #tpu.memory_space<vmem>>) target(%dma_start3A_389 : memref<10000x64xf32, #tpu.memory_space<vmem_shared>>) offsets(%dma_start3A_386 : memref<128xi32, #tpu.memory_space<vmem>>) semaphore(%run_scoped3A_379 : memref<!tpu.dma_semaphore, #tpu.memory_space<semaphore_mem>>) {add = true}
        %dma_wait3A_390 = arith.constant 0 : i32
        %dma_wait3A_391 = arith.constant 0 : i32
        %dma_wait3A_392 = tpu.memref_slice %arg9[%run_scoped3A_254, %dma_wait3A_390, %dma_wait3A_391] : memref<4x128x64xf32, #tpu.memory_space<vmem>> -> memref<1x128x64xf32, #tpu.memory_space<vmem>>
        %dma_wait3A_393 = tpu.memref_squeeze %dma_wait3A_392 : memref<1x128x64xf32, #tpu.memory_space<vmem>> -> memref<128x64xf32, #tpu.memory_space<vmem>>
        %dma_wait3A_394 = arith.constant 0 : i32
        %dma_wait3A_395 = tpu.memref_slice %arg6[%add3A_238, %dma_wait3A_394] : memref<78x128xi32, #tpu.memory_space<vmem>> -> memref<1x128xi32, #tpu.memory_space<vmem>>
        %dma_wait3A_396 = tpu.memref_squeeze %dma_wait3A_395 : memref<1x128xi32, #tpu.memory_space<vmem>> -> memref<128xi32, #tpu.memory_space<vmem>>
        %dma_wait3A_397 = arith.constant 0 : i32
        %dma_wait3A_398 = arith.constant 0 : i32
        %dma_wait3A_399 = tpu.memref_slice %arg10[%dma_wait3A_397, %dma_wait3A_398] : memref<10000x64xf32, #tpu.memory_space<vmem_shared>> -> memref<10000x64xf32, #tpu.memory_space<vmem_shared>>
        tpu.wait_indirect_dma semaphore(%run_scoped3A_379 : memref<!tpu.dma_semaphore, #tpu.memory_space<semaphore_mem>>) src(%dma_wait3A_393 : memref<128x64xf32, #tpu.memory_space<vmem>>) dst(%dma_wait3A_399 : memref<10000x64xf32, #tpu.memory_space<vmem_shared>>)
        tpu.yield
      }) : () -> ()
      %add3A_255 = arith.constant 4 : i32
      %add3A_256 = arith.addi %add3A_238, %add3A_255 : i32
      %dma_start3A_257 = arith.constant 0 : i32
      %dma_start3A_258 = arith.constant 0 : i32
      %dma_start3A_259 = arith.constant 0 : i32
      %dma_start3A_260 = arith.constant 0 : i32
      %dma_start3A_261 = tpu.memref_slice %arg9[%dma_start3A_257, %dma_start3A_259, %dma_start3A_260] : memref<4x128x64xf32, #tpu.memory_space<vmem>> -> memref<1x128x64xf32, #tpu.memory_space<vmem>>
      %dma_start3A_262 = tpu.memref_squeeze %dma_start3A_261 : memref<1x128x64xf32, #tpu.memory_space<vmem>> -> memref<128x64xf32, #tpu.memory_space<vmem>>
      %dma_start3A_263 = arith.constant 0 : i32
      %dma_start3A_264 = tpu.memref_slice %arg5[%add3A_256, %dma_start3A_263] : memref<78x128xi32, #tpu.memory_space<vmem>> -> memref<1x128xi32, #tpu.memory_space<vmem>>
      %dma_start3A_265 = tpu.memref_squeeze %dma_start3A_264 : memref<1x128xi32, #tpu.memory_space<vmem>> -> memref<128xi32, #tpu.memory_space<vmem>>
      %dma_start3A_266 = arith.constant 0 : i32
      %dma_start3A_267 = arith.constant 0 : i32
      %dma_start3A_268 = tpu.memref_slice %arg2[%dma_start3A_266, %dma_start3A_267] : memref<10000x64xf32, #tpu.memory_space<hbm>> -> memref<10000x64xf32, #tpu.memory_space<hbm>>
      %dma_start3A_269 = tpu.memref_slice %arg11[%dma_start3A_258] : memref<4x!tpu.dma_semaphore, #tpu.memory_space<semaphore_mem>> -> memref<1x!tpu.dma_semaphore, #tpu.memory_space<semaphore_mem>>
      %dma_start3A_270 = tpu.memref_squeeze %dma_start3A_269 : memref<1x!tpu.dma_semaphore, #tpu.memory_space<semaphore_mem>> -> memref<!tpu.dma_semaphore, #tpu.memory_space<semaphore_mem>>
      tpu.enqueue_indirect_dma source(%dma_start3A_268 : memref<10000x64xf32, #tpu.memory_space<hbm>>) target(%dma_start3A_262 : memref<128x64xf32, #tpu.memory_space<vmem>>) offsets(%dma_start3A_265 : memref<128xi32, #tpu.memory_space<vmem>>) semaphore(%dma_start3A_270 : memref<!tpu.dma_semaphore, #tpu.memory_space<semaphore_mem>>)
      %mul3A_271 = arith.constant 4 : i32
      %mul3A_272 = arith.muli %scan3A_234, %mul3A_271 : i32
      %add3A_273 = arith.constant 1 : i32
      %add3A_274 = arith.addi %mul3A_272, %add3A_273 : i32
      %dma_wait3A_275 = arith.constant 0 : i32
      %dma_wait3A_276 = arith.constant 1 : i32
      %dma_wait3A_277 = arith.constant 1 : i32
      %dma_wait3A_278 = arith.constant 0 : i32
      %dma_wait3A_279 = arith.constant 0 : i32
      %dma_wait3A_280 = tpu.memref_slice %arg9[%dma_wait3A_276, %dma_wait3A_278, %dma_wait3A_279] : memref<4x128x64xf32, #tpu.memory_space<vmem>> -> memref<1x128x64xf32, #tpu.memory_space<vmem>>
      %dma_wait3A_281 = tpu.memref_squeeze %dma_wait3A_280 : memref<1x128x64xf32, #tpu.memory_space<vmem>> -> memref<128x64xf32, #tpu.memory_space<vmem>>
      %dma_wait3A_282 = arith.constant 0 : i32
      %dma_wait3A_283 = tpu.memref_slice %arg5[%dma_wait3A_275, %dma_wait3A_282] : memref<78x128xi32, #tpu.memory_space<vmem>> -> memref<1x128xi32, #tpu.memory_space<vmem>>
      %dma_wait3A_284 = tpu.memref_squeeze %dma_wait3A_283 : memref<1x128xi32, #tpu.memory_space<vmem>> -> memref<128xi32, #tpu.memory_space<vmem>>
      %dma_wait3A_285 = arith.constant 0 : i32
      %dma_wait3A_286 = arith.constant 0 : i32
      %dma_wait3A_287 = tpu.memref_slice %arg2[%dma_wait3A_285, %dma_wait3A_286] : memref<10000x64xf32, #tpu.memory_space<hbm>> -> memref<10000x64xf32, #tpu.memory_space<hbm>>
      %dma_wait3A_288 = tpu.memref_slice %arg11[%dma_wait3A_277] : memref<4x!tpu.dma_semaphore, #tpu.memory_space<semaphore_mem>> -> memref<1x!tpu.dma_semaphore, #tpu.memory_space<semaphore_mem>>
      %dma_wait3A_289 = tpu.memref_squeeze %dma_wait3A_288 : memref<1x!tpu.dma_semaphore, #tpu.memory_space<semaphore_mem>> -> memref<!tpu.dma_semaphore, #tpu.memory_space<semaphore_mem>>
      tpu.wait_indirect_dma semaphore(%dma_wait3A_289 : memref<!tpu.dma_semaphore, #tpu.memory_space<semaphore_mem>>) src(%dma_wait3A_287 : memref<10000x64xf32, #tpu.memory_space<hbm>>) dst(%dma_wait3A_281 : memref<128x64xf32, #tpu.memory_space<vmem>>)
      %run_scoped3A_290 = arith.constant 1 : i32
      "tpu.region"() ({
        %run_scoped3A_379 = tpu.sem_alloc : memref<!tpu.dma_semaphore, #tpu.memory_space<semaphore_mem>>
        %dma_start3A_380 = arith.constant 0 : i32
        %dma_start3A_381 = arith.constant 0 : i32
        %dma_start3A_382 = tpu.memref_slice %arg9[%run_scoped3A_290, %dma_start3A_380, %dma_start3A_381] : memref<4x128x64xf32, #tpu.memory_space<vmem>> -> memref<1x128x64xf32, #tpu.memory_space<vmem>>
        %dma_start3A_383 = tpu.memref_squeeze %dma_start3A_382 : memref<1x128x64xf32, #tpu.memory_space<vmem>> -> memref<128x64xf32, #tpu.memory_space<vmem>>
        %dma_start3A_384 = arith.constant 0 : i32
        %dma_start3A_385 = tpu.memref_slice %arg6[%add3A_274, %dma_start3A_384] : memref<78x128xi32, #tpu.memory_space<vmem>> -> memref<1x128xi32, #tpu.memory_space<vmem>>
        %dma_start3A_386 = tpu.memref_squeeze %dma_start3A_385 : memref<1x128xi32, #tpu.memory_space<vmem>> -> memref<128xi32, #tpu.memory_space<vmem>>
        %dma_start3A_387 = arith.constant 0 : i32
        %dma_start3A_388 = arith.constant 0 : i32
        %dma_start3A_389 = tpu.memref_slice %arg10[%dma_start3A_387, %dma_start3A_388] : memref<10000x64xf32, #tpu.memory_space<vmem_shared>> -> memref<10000x64xf32, #tpu.memory_space<vmem_shared>>
        tpu.enqueue_indirect_dma source(%dma_start3A_383 : memref<128x64xf32, #tpu.memory_space<vmem>>) target(%dma_start3A_389 : memref<10000x64xf32, #tpu.memory_space<vmem_shared>>) offsets(%dma_start3A_386 : memref<128xi32, #tpu.memory_space<vmem>>) semaphore(%run_scoped3A_379 : memref<!tpu.dma_semaphore, #tpu.memory_space<semaphore_mem>>) {add = true}
        %dma_wait3A_390 = arith.constant 0 : i32
        %dma_wait3A_391 = arith.constant 0 : i32
        %dma_wait3A_392 = tpu.memref_slice %arg9[%run_scoped3A_290, %dma_wait3A_390, %dma_wait3A_391] : memref<4x128x64xf32, #tpu.memory_space<vmem>> -> memref<1x128x64xf32, #tpu.memory_space<vmem>>
        %dma_wait3A_393 = tpu.memref_squeeze %dma_wait3A_392 : memref<1x128x64xf32, #tpu.memory_space<vmem>> -> memref<128x64xf32, #tpu.memory_space<vmem>>
        %dma_wait3A_394 = arith.constant 0 : i32
        %dma_wait3A_395 = tpu.memref_slice %arg6[%add3A_274, %dma_wait3A_394] : memref<78x128xi32, #tpu.memory_space<vmem>> -> memref<1x128xi32, #tpu.memory_space<vmem>>
        %dma_wait3A_396 = tpu.memref_squeeze %dma_wait3A_395 : memref<1x128xi32, #tpu.memory_space<vmem>> -> memref<128xi32, #tpu.memory_space<vmem>>
        %dma_wait3A_397 = arith.constant 0 : i32
        %dma_wait3A_398 = arith.constant 0 : i32
        %dma_wait3A_399 = tpu.memref_slice %arg10[%dma_wait3A_397, %dma_wait3A_398] : memref<10000x64xf32, #tpu.memory_space<vmem_shared>> -> memref<10000x64xf32, #tpu.memory_space<vmem_shared>>
        tpu.wait_indirect_dma semaphore(%run_scoped3A_379 : memref<!tpu.dma_semaphore, #tpu.memory_space<semaphore_mem>>) src(%dma_wait3A_393 : memref<128x64xf32, #tpu.memory_space<vmem>>) dst(%dma_wait3A_399 : memref<10000x64xf32, #tpu.memory_space<vmem_shared>>)
        tpu.yield
      }) : () -> ()
      %add3A_291 = arith.constant 4 : i32
      %add3A_292 = arith.addi %add3A_274, %add3A_291 : i32
      %dma_start3A_293 = arith.constant 1 : i32
      %dma_start3A_294 = arith.constant 1 : i32
      %dma_start3A_295 = arith.constant 0 : i32
      %dma_start3A_296 = arith.constant 0 : i32
      %dma_start3A_297 = tpu.memref_slice %arg9[%dma_start3A_293, %dma_start3A_295, %dma_start3A_296] : memref<4x128x64xf32, #tpu.memory_space<vmem>> -> memref<1x128x64xf32, #tpu.memory_space<vmem>>
      %dma_start3A_298 = tpu.memref_squeeze %dma_start3A_297 : memref<1x128x64xf32, #tpu.memory_space<vmem>> -> memref<128x64xf32, #tpu.memory_space<vmem>>
      %dma_start3A_299 = arith.constant 0 : i32
      %dma_start3A_300 = tpu.memref_slice %arg5[%add3A_292, %dma_start3A_299] : memref<78x128xi32, #tpu.memory_space<vmem>> -> memref<1x128xi32, #tpu.memory_space<vmem>>
      %dma_start3A_301 = tpu.memref_squeeze %dma_start3A_300 : memref<1x128xi32, #tpu.memory_space<vmem>> -> memref<128xi32, #tpu.memory_space<vmem>>
      %dma_start3A_302 = arith.constant 0 : i32
      %dma_start3A_303 = arith.constant 0 : i32
      %dma_start3A_304 = tpu.memref_slice %arg2[%dma_start3A_302, %dma_start3A_303] : memref<10000x64xf32, #tpu.memory_space<hbm>> -> memref<10000x64xf32, #tpu.memory_space<hbm>>
      %dma_start3A_305 = tpu.memref_slice %arg11[%dma_start3A_294] : memref<4x!tpu.dma_semaphore, #tpu.memory_space<semaphore_mem>> -> memref<1x!tpu.dma_semaphore, #tpu.memory_space<semaphore_mem>>
      %dma_start3A_306 = tpu.memref_squeeze %dma_start3A_305 : memref<1x!tpu.dma_semaphore, #tpu.memory_space<semaphore_mem>> -> memref<!tpu.dma_semaphore, #tpu.memory_space<semaphore_mem>>
      tpu.enqueue_indirect_dma source(%dma_start3A_304 : memref<10000x64xf32, #tpu.memory_space<hbm>>) target(%dma_start3A_298 : memref<128x64xf32, #tpu.memory_space<vmem>>) offsets(%dma_start3A_301 : memref<128xi32, #tpu.memory_space<vmem>>) semaphore(%dma_start3A_306 : memref<!tpu.dma_semaphore, #tpu.memory_space<semaphore_mem>>)
      %mul3A_307 = arith.constant 4 : i32
      %mul3A_308 = arith.muli %scan3A_234, %mul3A_307 : i32
      %add3A_309 = arith.constant 2 : i32
      %add3A_310 = arith.addi %mul3A_308, %add3A_309 : i32
      %dma_wait3A_311 = arith.constant 0 : i32
      %dma_wait3A_312 = arith.constant 2 : i32
      %dma_wait3A_313 = arith.constant 2 : i32
      %dma_wait3A_314 = arith.constant 0 : i32
      %dma_wait3A_315 = arith.constant 0 : i32
      %dma_wait3A_316 = tpu.memref_slice %arg9[%dma_wait3A_312, %dma_wait3A_314, %dma_wait3A_315] : memref<4x128x64xf32, #tpu.memory_space<vmem>> -> memref<1x128x64xf32, #tpu.memory_space<vmem>>
      %dma_wait3A_317 = tpu.memref_squeeze %dma_wait3A_316 : memref<1x128x64xf32, #tpu.memory_space<vmem>> -> memref<128x64xf32, #tpu.memory_space<vmem>>
      %dma_wait3A_318 = arith.constant 0 : i32
      %dma_wait3A_319 = tpu.memref_slice %arg5[%dma_wait3A_311, %dma_wait3A_318] : memref<78x128xi32, #tpu.memory_space<vmem>> -> memref<1x128xi32, #tpu.memory_space<vmem>>
      %dma_wait3A_320 = tpu.memref_squeeze %dma_wait3A_319 : memref<1x128xi32, #tpu.memory_space<vmem>> -> memref<128xi32, #tpu.memory_space<vmem>>
      %dma_wait3A_321 = arith.constant 0 : i32
      %dma_wait3A_322 = arith.constant 0 : i32
      %dma_wait3A_323 = tpu.memref_slice %arg2[%dma_wait3A_321, %dma_wait3A_322] : memref<10000x64xf32, #tpu.memory_space<hbm>> -> memref<10000x64xf32, #tpu.memory_space<hbm>>
      %dma_wait3A_324 = tpu.memref_slice %arg11[%dma_wait3A_313] : memref<4x!tpu.dma_semaphore, #tpu.memory_space<semaphore_mem>> -> memref<1x!tpu.dma_semaphore, #tpu.memory_space<semaphore_mem>>
      %dma_wait3A_325 = tpu.memref_squeeze %dma_wait3A_324 : memref<1x!tpu.dma_semaphore, #tpu.memory_space<semaphore_mem>> -> memref<!tpu.dma_semaphore, #tpu.memory_space<semaphore_mem>>
      tpu.wait_indirect_dma semaphore(%dma_wait3A_325 : memref<!tpu.dma_semaphore, #tpu.memory_space<semaphore_mem>>) src(%dma_wait3A_323 : memref<10000x64xf32, #tpu.memory_space<hbm>>) dst(%dma_wait3A_317 : memref<128x64xf32, #tpu.memory_space<vmem>>)
      %run_scoped3A_326 = arith.constant 2 : i32
      "tpu.region"() ({
        %run_scoped3A_379 = tpu.sem_alloc : memref<!tpu.dma_semaphore, #tpu.memory_space<semaphore_mem>>
        %dma_start3A_380 = arith.constant 0 : i32
        %dma_start3A_381 = arith.constant 0 : i32
        %dma_start3A_382 = tpu.memref_slice %arg9[%run_scoped3A_326, %dma_start3A_380, %dma_start3A_381] : memref<4x128x64xf32, #tpu.memory_space<vmem>> -> memref<1x128x64xf32, #tpu.memory_space<vmem>>
        %dma_start3A_383 = tpu.memref_squeeze %dma_start3A_382 : memref<1x128x64xf32, #tpu.memory_space<vmem>> -> memref<128x64xf32, #tpu.memory_space<vmem>>
        %dma_start3A_384 = arith.constant 0 : i32
        %dma_start3A_385 = tpu.memref_slice %arg6[%add3A_310, %dma_start3A_384] : memref<78x128xi32, #tpu.memory_space<vmem>> -> memref<1x128xi32, #tpu.memory_space<vmem>>
        %dma_start3A_386 = tpu.memref_squeeze %dma_start3A_385 : memref<1x128xi32, #tpu.memory_space<vmem>> -> memref<128xi32, #tpu.memory_space<vmem>>
        %dma_start3A_387 = arith.constant 0 : i32
        %dma_start3A_388 = arith.constant 0 : i32
        %dma_start3A_389 = tpu.memref_slice %arg10[%dma_start3A_387, %dma_start3A_388] : memref<10000x64xf32, #tpu.memory_space<vmem_shared>> -> memref<10000x64xf32, #tpu.memory_space<vmem_shared>>
        tpu.enqueue_indirect_dma source(%dma_start3A_383 : memref<128x64xf32, #tpu.memory_space<vmem>>) target(%dma_start3A_389 : memref<10000x64xf32, #tpu.memory_space<vmem_shared>>) offsets(%dma_start3A_386 : memref<128xi32, #tpu.memory_space<vmem>>) semaphore(%run_scoped3A_379 : memref<!tpu.dma_semaphore, #tpu.memory_space<semaphore_mem>>) {add = true}
        %dma_wait3A_390 = arith.constant 0 : i32
        %dma_wait3A_391 = arith.constant 0 : i32
        %dma_wait3A_392 = tpu.memref_slice %arg9[%run_scoped3A_326, %dma_wait3A_390, %dma_wait3A_391] : memref<4x128x64xf32, #tpu.memory_space<vmem>> -> memref<1x128x64xf32, #tpu.memory_space<vmem>>
        %dma_wait3A_393 = tpu.memref_squeeze %dma_wait3A_392 : memref<1x128x64xf32, #tpu.memory_space<vmem>> -> memref<128x64xf32, #tpu.memory_space<vmem>>
        %dma_wait3A_394 = arith.constant 0 : i32
        %dma_wait3A_395 = tpu.memref_slice %arg6[%add3A_310, %dma_wait3A_394] : memref<78x128xi32, #tpu.memory_space<vmem>> -> memref<1x128xi32, #tpu.memory_space<vmem>>
        %dma_wait3A_396 = tpu.memref_squeeze %dma_wait3A_395 : memref<1x128xi32, #tpu.memory_space<vmem>> -> memref<128xi32, #tpu.memory_space<vmem>>
        %dma_wait3A_397 = arith.constant 0 : i32
        %dma_wait3A_398 = arith.constant 0 : i32
        %dma_wait3A_399 = tpu.memref_slice %arg10[%dma_wait3A_397, %dma_wait3A_398] : memref<10000x64xf32, #tpu.memory_space<vmem_shared>> -> memref<10000x64xf32, #tpu.memory_space<vmem_shared>>
        tpu.wait_indirect_dma semaphore(%run_scoped3A_379 : memref<!tpu.dma_semaphore, #tpu.memory_space<semaphore_mem>>) src(%dma_wait3A_393 : memref<128x64xf32, #tpu.memory_space<vmem>>) dst(%dma_wait3A_399 : memref<10000x64xf32, #tpu.memory_space<vmem_shared>>)
        tpu.yield
      }) : () -> ()
      %add3A_327 = arith.constant 4 : i32
      %add3A_328 = arith.addi %add3A_310, %add3A_327 : i32
      %dma_start3A_329 = arith.constant 2 : i32
      %dma_start3A_330 = arith.constant 2 : i32
      %dma_start3A_331 = arith.constant 0 : i32
      %dma_start3A_332 = arith.constant 0 : i32
      %dma_start3A_333 = tpu.memref_slice %arg9[%dma_start3A_329, %dma_start3A_331, %dma_start3A_332] : memref<4x128x64xf32, #tpu.memory_space<vmem>> -> memref<1x128x64xf32, #tpu.memory_space<vmem>>
      %dma_start3A_334 = tpu.memref_squeeze %dma_start3A_333 : memref<1x128x64xf32, #tpu.memory_space<vmem>> -> memref<128x64xf32, #tpu.memory_space<vmem>>
      %dma_start3A_335 = arith.constant 0 : i32
      %dma_start3A_336 = tpu.memref_slice %arg5[%add3A_328, %dma_start3A_335] : memref<78x128xi32, #tpu.memory_space<vmem>> -> memref<1x128xi32, #tpu.memory_space<vmem>>
      %dma_start3A_337 = tpu.memref_squeeze %dma_start3A_336 : memref<1x128xi32, #tpu.memory_space<vmem>> -> memref<128xi32, #tpu.memory_space<vmem>>
      %dma_start3A_338 = arith.constant 0 : i32
      %dma_start3A_339 = arith.constant 0 : i32
      %dma_start3A_340 = tpu.memref_slice %arg2[%dma_start3A_338, %dma_start3A_339] : memref<10000x64xf32, #tpu.memory_space<hbm>> -> memref<10000x64xf32, #tpu.memory_space<hbm>>
      %dma_start3A_341 = tpu.memref_slice %arg11[%dma_start3A_330] : memref<4x!tpu.dma_semaphore, #tpu.memory_space<semaphore_mem>> -> memref<1x!tpu.dma_semaphore, #tpu.memory_space<semaphore_mem>>
      %dma_start3A_342 = tpu.memref_squeeze %dma_start3A_341 : memref<1x!tpu.dma_semaphore, #tpu.memory_space<semaphore_mem>> -> memref<!tpu.dma_semaphore, #tpu.memory_space<semaphore_mem>>
      tpu.enqueue_indirect_dma source(%dma_start3A_340 : memref<10000x64xf32, #tpu.memory_space<hbm>>) target(%dma_start3A_334 : memref<128x64xf32, #tpu.memory_space<vmem>>) offsets(%dma_start3A_337 : memref<128xi32, #tpu.memory_space<vmem>>) semaphore(%dma_start3A_342 : memref<!tpu.dma_semaphore, #tpu.memory_space<semaphore_mem>>)
      %mul3A_343 = arith.constant 4 : i32
      %mul3A_344 = arith.muli %scan3A_234, %mul3A_343 : i32
      %add3A_345 = arith.constant 3 : i32
      %add3A_346 = arith.addi %mul3A_344, %add3A_345 : i32
      %dma_wait3A_347 = arith.constant 0 : i32
      %dma_wait3A_348 = arith.constant 3 : i32
      %dma_wait3A_349 = arith.constant 3 : i32
      %dma_wait3A_350 = arith.constant 0 : i32
      %dma_wait3A_351 = arith.constant 0 : i32
      %dma_wait3A_352 = tpu.memref_slice %arg9[%dma_wait3A_348, %dma_wait3A_350, %dma_wait3A_351] : memref<4x128x64xf32, #tpu.memory_space<vmem>> -> memref<1x128x64xf32, #tpu.memory_space<vmem>>
      %dma_wait3A_353 = tpu.memref_squeeze %dma_wait3A_352 : memref<1x128x64xf32, #tpu.memory_space<vmem>> -> memref<128x64xf32, #tpu.memory_space<vmem>>
      %dma_wait3A_354 = arith.constant 0 : i32
      %dma_wait3A_355 = tpu.memref_slice %arg5[%dma_wait3A_347, %dma_wait3A_354] : memref<78x128xi32, #tpu.memory_space<vmem>> -> memref<1x128xi32, #tpu.memory_space<vmem>>
      %dma_wait3A_356 = tpu.memref_squeeze %dma_wait3A_355 : memref<1x128xi32, #tpu.memory_space<vmem>> -> memref<128xi32, #tpu.memory_space<vmem>>
      %dma_wait3A_357 = arith.constant 0 : i32
      %dma_wait3A_358 = arith.constant 0 : i32
      %dma_wait3A_359 = tpu.memref_slice %arg2[%dma_wait3A_357, %dma_wait3A_358] : memref<10000x64xf32, #tpu.memory_space<hbm>> -> memref<10000x64xf32, #tpu.memory_space<hbm>>
      %dma_wait3A_360 = tpu.memref_slice %arg11[%dma_wait3A_349] : memref<4x!tpu.dma_semaphore, #tpu.memory_space<semaphore_mem>> -> memref<1x!tpu.dma_semaphore, #tpu.memory_space<semaphore_mem>>
      %dma_wait3A_361 = tpu.memref_squeeze %dma_wait3A_360 : memref<1x!tpu.dma_semaphore, #tpu.memory_space<semaphore_mem>> -> memref<!tpu.dma_semaphore, #tpu.memory_space<semaphore_mem>>
      tpu.wait_indirect_dma semaphore(%dma_wait3A_361 : memref<!tpu.dma_semaphore, #tpu.memory_space<semaphore_mem>>) src(%dma_wait3A_359 : memref<10000x64xf32, #tpu.memory_space<hbm>>) dst(%dma_wait3A_353 : memref<128x64xf32, #tpu.memory_space<vmem>>)
      %run_scoped3A_362 = arith.constant 3 : i32
      "tpu.region"() ({
        %run_scoped3A_379 = tpu.sem_alloc : memref<!tpu.dma_semaphore, #tpu.memory_space<semaphore_mem>>
        %dma_start3A_380 = arith.constant 0 : i32
        %dma_start3A_381 = arith.constant 0 : i32
        %dma_start3A_382 = tpu.memref_slice %arg9[%run_scoped3A_362, %dma_start3A_380, %dma_start3A_381] : memref<4x128x64xf32, #tpu.memory_space<vmem>> -> memref<1x128x64xf32, #tpu.memory_space<vmem>>
        %dma_start3A_383 = tpu.memref_squeeze %dma_start3A_382 : memref<1x128x64xf32, #tpu.memory_space<vmem>> -> memref<128x64xf32, #tpu.memory_space<vmem>>
        %dma_start3A_384 = arith.constant 0 : i32
        %dma_start3A_385 = tpu.memref_slice %arg6[%add3A_346, %dma_start3A_384] : memref<78x128xi32, #tpu.memory_space<vmem>> -> memref<1x128xi32, #tpu.memory_space<vmem>>
        %dma_start3A_386 = tpu.memref_squeeze %dma_start3A_385 : memref<1x128xi32, #tpu.memory_space<vmem>> -> memref<128xi32, #tpu.memory_space<vmem>>
        %dma_start3A_387 = arith.constant 0 : i32
        %dma_start3A_388 = arith.constant 0 : i32
        %dma_start3A_389 = tpu.memref_slice %arg10[%dma_start3A_387, %dma_start3A_388] : memref<10000x64xf32, #tpu.memory_space<vmem_shared>> -> memref<10000x64xf32, #tpu.memory_space<vmem_shared>>
        tpu.enqueue_indirect_dma source(%dma_start3A_383 : memref<128x64xf32, #tpu.memory_space<vmem>>) target(%dma_start3A_389 : memref<10000x64xf32, #tpu.memory_space<vmem_shared>>) offsets(%dma_start3A_386 : memref<128xi32, #tpu.memory_space<vmem>>) semaphore(%run_scoped3A_379 : memref<!tpu.dma_semaphore, #tpu.memory_space<semaphore_mem>>) {add = true}
        %dma_wait3A_390 = arith.constant 0 : i32
        %dma_wait3A_391 = arith.constant 0 : i32
        %dma_wait3A_392 = tpu.memref_slice %arg9[%run_scoped3A_362, %dma_wait3A_390, %dma_wait3A_391] : memref<4x128x64xf32, #tpu.memory_space<vmem>> -> memref<1x128x64xf32, #tpu.memory_space<vmem>>
        %dma_wait3A_393 = tpu.memref_squeeze %dma_wait3A_392 : memref<1x128x64xf32, #tpu.memory_space<vmem>> -> memref<128x64xf32, #tpu.memory_space<vmem>>
        %dma_wait3A_394 = arith.constant 0 : i32
        %dma_wait3A_395 = tpu.memref_slice %arg6[%add3A_346, %dma_wait3A_394] : memref<78x128xi32, #tpu.memory_space<vmem>> -> memref<1x128xi32, #tpu.memory_space<vmem>>
        %dma_wait3A_396 = tpu.memref_squeeze %dma_wait3A_395 : memref<1x128xi32, #tpu.memory_space<vmem>> -> memref<128xi32, #tpu.memory_space<vmem>>
        %dma_wait3A_397 = arith.constant 0 : i32
        %dma_wait3A_398 = arith.constant 0 : i32
        %dma_wait3A_399 = tpu.memref_slice %arg10[%dma_wait3A_397, %dma_wait3A_398] : memref<10000x64xf32, #tpu.memory_space<vmem_shared>> -> memref<10000x64xf32, #tpu.memory_space<vmem_shared>>
        tpu.wait_indirect_dma semaphore(%run_scoped3A_379 : memref<!tpu.dma_semaphore, #tpu.memory_space<semaphore_mem>>) src(%dma_wait3A_393 : memref<128x64xf32, #tpu.memory_space<vmem>>) dst(%dma_wait3A_399 : memref<10000x64xf32, #tpu.memory_space<vmem_shared>>)
        tpu.yield
      }) : () -> ()
      %add3A_363 = arith.constant 4 : i32
      %add3A_364 = arith.addi %add3A_346, %add3A_363 : i32
      %dma_start3A_365 = arith.constant 3 : i32
      %dma_start3A_366 = arith.constant 3 : i32
      %dma_start3A_367 = arith.constant 0 : i32
      %dma_start3A_368 = arith.constant 0 : i32
      %dma_start3A_369 = tpu.memref_slice %arg9[%dma_start3A_365, %dma_start3A_367, %dma_start3A_368] : memref<4x128x64xf32, #tpu.memory_space<vmem>> -> memref<1x128x64xf32, #tpu.memory_space<vmem>>
      %dma_start3A_370 = tpu.memref_squeeze %dma_start3A_369 : memref<1x128x64xf32, #tpu.memory_space<vmem>> -> memref<128x64xf32, #tpu.memory_space<vmem>>
      %dma_start3A_371 = arith.constant 0 : i32
      %dma_start3A_372 = tpu.memref_slice %arg5[%add3A_364, %dma_start3A_371] : memref<78x128xi32, #tpu.memory_space<vmem>> -> memref<1x128xi32, #tpu.memory_space<vmem>>
      %dma_start3A_373 = tpu.memref_squeeze %dma_start3A_372 : memref<1x128xi32, #tpu.memory_space<vmem>> -> memref<128xi32, #tpu.memory_space<vmem>>
      %dma_start3A_374 = arith.constant 0 : i32
      %dma_start3A_375 = arith.constant 0 : i32
      %dma_start3A_376 = tpu.memref_slice %arg2[%dma_start3A_374, %dma_start3A_375] : memref<10000x64xf32, #tpu.memory_space<hbm>> -> memref<10000x64xf32, #tpu.memory_space<hbm>>
      %dma_start3A_377 = tpu.memref_slice %arg11[%dma_start3A_366] : memref<4x!tpu.dma_semaphore, #tpu.memory_space<semaphore_mem>> -> memref<1x!tpu.dma_semaphore, #tpu.memory_space<semaphore_mem>>
      %dma_start3A_378 = tpu.memref_squeeze %dma_start3A_377 : memref<1x!tpu.dma_semaphore, #tpu.memory_space<semaphore_mem>> -> memref<!tpu.dma_semaphore, #tpu.memory_space<semaphore_mem>>
      tpu.enqueue_indirect_dma source(%dma_start3A_376 : memref<10000x64xf32, #tpu.memory_space<hbm>>) target(%dma_start3A_370 : memref<128x64xf32, #tpu.memory_space<vmem>>) offsets(%dma_start3A_373 : memref<128xi32, #tpu.memory_space<vmem>>) semaphore(%dma_start3A_378 : memref<!tpu.dma_semaphore, #tpu.memory_space<semaphore_mem>>)
    }
    %scan3A_96 = arith.constant 18 : i32
    %dma_wait3A = arith.constant 0 : i32
    %dma_wait3A_97 = arith.constant 0 : i32
    %dma_wait3A_98 = arith.constant 0 : i32
    %dma_wait3A_99 = arith.constant 0 : i32
    %dma_wait3A_100 = arith.constant 0 : i32
    %dma_wait3A_101 = tpu.memref_slice %arg9[%dma_wait3A_97, %dma_wait3A_99, %dma_wait3A_100] : memref<4x128x64xf32, #tpu.memory_space<vmem>> -> memref<1x128x64xf32, #tpu.memory_space<vmem>>
    %dma_wait3A_102 = tpu.memref_squeeze %dma_wait3A_101 : memref<1x128x64xf32, #tpu.memory_space<vmem>> -> memref<128x64xf32, #tpu.memory_space<vmem>>
    %dma_wait3A_103 = arith.constant 0 : i32
    %dma_wait3A_104 = tpu.memref_slice %arg5[%dma_wait3A, %dma_wait3A_103] : memref<78x128xi32, #tpu.memory_space<vmem>> -> memref<1x128xi32, #tpu.memory_space<vmem>>
    %dma_wait3A_105 = tpu.memref_squeeze %dma_wait3A_104 : memref<1x128xi32, #tpu.memory_space<vmem>> -> memref<128xi32, #tpu.memory_space<vmem>>
    %dma_wait3A_106 = arith.constant 0 : i32
    %dma_wait3A_107 = arith.constant 0 : i32
    %dma_wait3A_108 = tpu.memref_slice %arg2[%dma_wait3A_106, %dma_wait3A_107] : memref<10000x64xf32, #tpu.memory_space<hbm>> -> memref<10000x64xf32, #tpu.memory_space<hbm>>
    %dma_wait3A_109 = tpu.memref_slice %arg11[%dma_wait3A_98] : memref<4x!tpu.dma_semaphore, #tpu.memory_space<semaphore_mem>> -> memref<1x!tpu.dma_semaphore, #tpu.memory_space<semaphore_mem>>
    %dma_wait3A_110 = tpu.memref_squeeze %dma_wait3A_109 : memref<1x!tpu.dma_semaphore, #tpu.memory_space<semaphore_mem>> -> memref<!tpu.dma_semaphore, #tpu.memory_space<semaphore_mem>>
    tpu.wait_indirect_dma semaphore(%dma_wait3A_110 : memref<!tpu.dma_semaphore, #tpu.memory_space<semaphore_mem>>) src(%dma_wait3A_108 : memref<10000x64xf32, #tpu.memory_space<hbm>>) dst(%dma_wait3A_102 : memref<128x64xf32, #tpu.memory_space<vmem>>)
    %run_scoped3A_111 = arith.constant 0 : i32
    %run_scoped3A_112 = arith.constant 72 : i32
    "tpu.region"() ({
      %run_scoped3A_234 = tpu.sem_alloc : memref<!tpu.dma_semaphore, #tpu.memory_space<semaphore_mem>>
      %dma_start3A_235 = arith.constant 0 : i32
      %dma_start3A_236 = arith.constant 0 : i32
      %dma_start3A_237 = tpu.memref_slice %arg9[%run_scoped3A_111, %dma_start3A_235, %dma_start3A_236] : memref<4x128x64xf32, #tpu.memory_space<vmem>> -> memref<1x128x64xf32, #tpu.memory_space<vmem>>
      %dma_start3A_238 = tpu.memref_squeeze %dma_start3A_237 : memref<1x128x64xf32, #tpu.memory_space<vmem>> -> memref<128x64xf32, #tpu.memory_space<vmem>>
      %dma_start3A_239 = arith.constant 0 : i32
      %dma_start3A_240 = tpu.memref_slice %arg6[%run_scoped3A_112, %dma_start3A_239] : memref<78x128xi32, #tpu.memory_space<vmem>> -> memref<1x128xi32, #tpu.memory_space<vmem>>
      %dma_start3A_241 = tpu.memref_squeeze %dma_start3A_240 : memref<1x128xi32, #tpu.memory_space<vmem>> -> memref<128xi32, #tpu.memory_space<vmem>>
      %dma_start3A_242 = arith.constant 0 : i32
      %dma_start3A_243 = arith.constant 0 : i32
      %dma_start3A_244 = tpu.memref_slice %arg10[%dma_start3A_242, %dma_start3A_243] : memref<10000x64xf32, #tpu.memory_space<vmem_shared>> -> memref<10000x64xf32, #tpu.memory_space<vmem_shared>>
      tpu.enqueue_indirect_dma source(%dma_start3A_238 : memref<128x64xf32, #tpu.memory_space<vmem>>) target(%dma_start3A_244 : memref<10000x64xf32, #tpu.memory_space<vmem_shared>>) offsets(%dma_start3A_241 : memref<128xi32, #tpu.memory_space<vmem>>) semaphore(%run_scoped3A_234 : memref<!tpu.dma_semaphore, #tpu.memory_space<semaphore_mem>>) {add = true}
      %dma_wait3A_245 = arith.constant 0 : i32
      %dma_wait3A_246 = arith.constant 0 : i32
      %dma_wait3A_247 = tpu.memref_slice %arg9[%run_scoped3A_111, %dma_wait3A_245, %dma_wait3A_246] : memref<4x128x64xf32, #tpu.memory_space<vmem>> -> memref<1x128x64xf32, #tpu.memory_space<vmem>>
      %dma_wait3A_248 = tpu.memref_squeeze %dma_wait3A_247 : memref<1x128x64xf32, #tpu.memory_space<vmem>> -> memref<128x64xf32, #tpu.memory_space<vmem>>
      %dma_wait3A_249 = arith.constant 0 : i32
      %dma_wait3A_250 = tpu.memref_slice %arg6[%run_scoped3A_112, %dma_wait3A_249] : memref<78x128xi32, #tpu.memory_space<vmem>> -> memref<1x128xi32, #tpu.memory_space<vmem>>
      %dma_wait3A_251 = tpu.memref_squeeze %dma_wait3A_250 : memref<1x128xi32, #tpu.memory_space<vmem>> -> memref<128xi32, #tpu.memory_space<vmem>>
      %dma_wait3A_252 = arith.constant 0 : i32
      %dma_wait3A_253 = arith.constant 0 : i32
      %dma_wait3A_254 = tpu.memref_slice %arg10[%dma_wait3A_252, %dma_wait3A_253] : memref<10000x64xf32, #tpu.memory_space<vmem_shared>> -> memref<10000x64xf32, #tpu.memory_space<vmem_shared>>
      tpu.wait_indirect_dma semaphore(%run_scoped3A_234 : memref<!tpu.dma_semaphore, #tpu.memory_space<semaphore_mem>>) src(%dma_wait3A_248 : memref<128x64xf32, #tpu.memory_space<vmem>>) dst(%dma_wait3A_254 : memref<10000x64xf32, #tpu.memory_space<vmem_shared>>)
      tpu.yield
    }) : () -> ()
    %dma_start3A_113 = arith.constant 76 : i32
    %dma_start3A_114 = arith.constant 0 : i32
    %dma_start3A_115 = arith.constant 0 : i32
    %dma_start3A_116 = arith.constant 0 : i32
    %dma_start3A_117 = arith.constant 0 : i32
    %dma_start3A_118 = tpu.memref_slice %arg9[%dma_start3A_114, %dma_start3A_116, %dma_start3A_117] : memref<4x128x64xf32, #tpu.memory_space<vmem>> -> memref<1x128x64xf32, #tpu.memory_space<vmem>>
    %dma_start3A_119 = tpu.memref_squeeze %dma_start3A_118 : memref<1x128x64xf32, #tpu.memory_space<vmem>> -> memref<128x64xf32, #tpu.memory_space<vmem>>
    %dma_start3A_120 = arith.constant 0 : i32
    %dma_start3A_121 = tpu.memref_slice %arg5[%dma_start3A_113, %dma_start3A_120] : memref<78x128xi32, #tpu.memory_space<vmem>> -> memref<1x128xi32, #tpu.memory_space<vmem>>
    %dma_start3A_122 = tpu.memref_squeeze %dma_start3A_121 : memref<1x128xi32, #tpu.memory_space<vmem>> -> memref<128xi32, #tpu.memory_space<vmem>>
    %dma_start3A_123 = arith.constant 0 : i32
    %dma_start3A_124 = arith.constant 0 : i32
    %dma_start3A_125 = tpu.memref_slice %arg2[%dma_start3A_123, %dma_start3A_124] : memref<10000x64xf32, #tpu.memory_space<hbm>> -> memref<10000x64xf32, #tpu.memory_space<hbm>>
    %dma_start3A_126 = tpu.memref_slice %arg11[%dma_start3A_115] : memref<4x!tpu.dma_semaphore, #tpu.memory_space<semaphore_mem>> -> memref<1x!tpu.dma_semaphore, #tpu.memory_space<semaphore_mem>>
    %dma_start3A_127 = tpu.memref_squeeze %dma_start3A_126 : memref<1x!tpu.dma_semaphore, #tpu.memory_space<semaphore_mem>> -> memref<!tpu.dma_semaphore, #tpu.memory_space<semaphore_mem>>
    tpu.enqueue_indirect_dma source(%dma_start3A_125 : memref<10000x64xf32, #tpu.memory_space<hbm>>) target(%dma_start3A_119 : memref<128x64xf32, #tpu.memory_space<vmem>>) offsets(%dma_start3A_122 : memref<128xi32, #tpu.memory_space<vmem>>) semaphore(%dma_start3A_127 : memref<!tpu.dma_semaphore, #tpu.memory_space<semaphore_mem>>)
    %dma_wait3A_128 = arith.constant 0 : i32
    %dma_wait3A_129 = arith.constant 1 : i32
    %dma_wait3A_130 = arith.constant 1 : i32
    %dma_wait3A_131 = arith.constant 0 : i32
    %dma_wait3A_132 = arith.constant 0 : i32
    %dma_wait3A_133 = tpu.memref_slice %arg9[%dma_wait3A_129, %dma_wait3A_131, %dma_wait3A_132] : memref<4x128x64xf32, #tpu.memory_space<vmem>> -> memref<1x128x64xf32, #tpu.memory_space<vmem>>
    %dma_wait3A_134 = tpu.memref_squeeze %dma_wait3A_133 : memref<1x128x64xf32, #tpu.memory_space<vmem>> -> memref<128x64xf32, #tpu.memory_space<vmem>>
    %dma_wait3A_135 = arith.constant 0 : i32
    %dma_wait3A_136 = tpu.memref_slice %arg5[%dma_wait3A_128, %dma_wait3A_135] : memref<78x128xi32, #tpu.memory_space<vmem>> -> memref<1x128xi32, #tpu.memory_space<vmem>>
    %dma_wait3A_137 = tpu.memref_squeeze %dma_wait3A_136 : memref<1x128xi32, #tpu.memory_space<vmem>> -> memref<128xi32, #tpu.memory_space<vmem>>
    %dma_wait3A_138 = arith.constant 0 : i32
    %dma_wait3A_139 = arith.constant 0 : i32
    %dma_wait3A_140 = tpu.memref_slice %arg2[%dma_wait3A_138, %dma_wait3A_139] : memref<10000x64xf32, #tpu.memory_space<hbm>> -> memref<10000x64xf32, #tpu.memory_space<hbm>>
    %dma_wait3A_141 = tpu.memref_slice %arg11[%dma_wait3A_130] : memref<4x!tpu.dma_semaphore, #tpu.memory_space<semaphore_mem>> -> memref<1x!tpu.dma_semaphore, #tpu.memory_space<semaphore_mem>>
    %dma_wait3A_142 = tpu.memref_squeeze %dma_wait3A_141 : memref<1x!tpu.dma_semaphore, #tpu.memory_space<semaphore_mem>> -> memref<!tpu.dma_semaphore, #tpu.memory_space<semaphore_mem>>
    tpu.wait_indirect_dma semaphore(%dma_wait3A_142 : memref<!tpu.dma_semaphore, #tpu.memory_space<semaphore_mem>>) src(%dma_wait3A_140 : memref<10000x64xf32, #tpu.memory_space<hbm>>) dst(%dma_wait3A_134 : memref<128x64xf32, #tpu.memory_space<vmem>>)
    %run_scoped3A_143 = arith.constant 1 : i32
    %run_scoped3A_144 = arith.constant 73 : i32
    "tpu.region"() ({
      %run_scoped3A_234 = tpu.sem_alloc : memref<!tpu.dma_semaphore, #tpu.memory_space<semaphore_mem>>
      %dma_start3A_235 = arith.constant 0 : i32
      %dma_start3A_236 = arith.constant 0 : i32
      %dma_start3A_237 = tpu.memref_slice %arg9[%run_scoped3A_143, %dma_start3A_235, %dma_start3A_236] : memref<4x128x64xf32, #tpu.memory_space<vmem>> -> memref<1x128x64xf32, #tpu.memory_space<vmem>>
      %dma_start3A_238 = tpu.memref_squeeze %dma_start3A_237 : memref<1x128x64xf32, #tpu.memory_space<vmem>> -> memref<128x64xf32, #tpu.memory_space<vmem>>
      %dma_start3A_239 = arith.constant 0 : i32
      %dma_start3A_240 = tpu.memref_slice %arg6[%run_scoped3A_144, %dma_start3A_239] : memref<78x128xi32, #tpu.memory_space<vmem>> -> memref<1x128xi32, #tpu.memory_space<vmem>>
      %dma_start3A_241 = tpu.memref_squeeze %dma_start3A_240 : memref<1x128xi32, #tpu.memory_space<vmem>> -> memref<128xi32, #tpu.memory_space<vmem>>
      %dma_start3A_242 = arith.constant 0 : i32
      %dma_start3A_243 = arith.constant 0 : i32
      %dma_start3A_244 = tpu.memref_slice %arg10[%dma_start3A_242, %dma_start3A_243] : memref<10000x64xf32, #tpu.memory_space<vmem_shared>> -> memref<10000x64xf32, #tpu.memory_space<vmem_shared>>
      tpu.enqueue_indirect_dma source(%dma_start3A_238 : memref<128x64xf32, #tpu.memory_space<vmem>>) target(%dma_start3A_244 : memref<10000x64xf32, #tpu.memory_space<vmem_shared>>) offsets(%dma_start3A_241 : memref<128xi32, #tpu.memory_space<vmem>>) semaphore(%run_scoped3A_234 : memref<!tpu.dma_semaphore, #tpu.memory_space<semaphore_mem>>) {add = true}
      %dma_wait3A_245 = arith.constant 0 : i32
      %dma_wait3A_246 = arith.constant 0 : i32
      %dma_wait3A_247 = tpu.memref_slice %arg9[%run_scoped3A_143, %dma_wait3A_245, %dma_wait3A_246] : memref<4x128x64xf32, #tpu.memory_space<vmem>> -> memref<1x128x64xf32, #tpu.memory_space<vmem>>
      %dma_wait3A_248 = tpu.memref_squeeze %dma_wait3A_247 : memref<1x128x64xf32, #tpu.memory_space<vmem>> -> memref<128x64xf32, #tpu.memory_space<vmem>>
      %dma_wait3A_249 = arith.constant 0 : i32
      %dma_wait3A_250 = tpu.memref_slice %arg6[%run_scoped3A_144, %dma_wait3A_249] : memref<78x128xi32, #tpu.memory_space<vmem>> -> memref<1x128xi32, #tpu.memory_space<vmem>>
      %dma_wait3A_251 = tpu.memref_squeeze %dma_wait3A_250 : memref<1x128xi32, #tpu.memory_space<vmem>> -> memref<128xi32, #tpu.memory_space<vmem>>
      %dma_wait3A_252 = arith.constant 0 : i32
      %dma_wait3A_253 = arith.constant 0 : i32
      %dma_wait3A_254 = tpu.memref_slice %arg10[%dma_wait3A_252, %dma_wait3A_253] : memref<10000x64xf32, #tpu.memory_space<vmem_shared>> -> memref<10000x64xf32, #tpu.memory_space<vmem_shared>>
      tpu.wait_indirect_dma semaphore(%run_scoped3A_234 : memref<!tpu.dma_semaphore, #tpu.memory_space<semaphore_mem>>) src(%dma_wait3A_248 : memref<128x64xf32, #tpu.memory_space<vmem>>) dst(%dma_wait3A_254 : memref<10000x64xf32, #tpu.memory_space<vmem_shared>>)
      tpu.yield
    }) : () -> ()
    %dma_start3A_145 = arith.constant 77 : i32
    %dma_start3A_146 = arith.constant 1 : i32
    %dma_start3A_147 = arith.constant 1 : i32
    %dma_start3A_148 = arith.constant 0 : i32
    %dma_start3A_149 = arith.constant 0 : i32
    %dma_start3A_150 = tpu.memref_slice %arg9[%dma_start3A_146, %dma_start3A_148, %dma_start3A_149] : memref<4x128x64xf32, #tpu.memory_space<vmem>> -> memref<1x128x64xf32, #tpu.memory_space<vmem>>
    %dma_start3A_151 = tpu.memref_squeeze %dma_start3A_150 : memref<1x128x64xf32, #tpu.memory_space<vmem>> -> memref<128x64xf32, #tpu.memory_space<vmem>>
    %dma_start3A_152 = arith.constant 0 : i32
    %dma_start3A_153 = tpu.memref_slice %arg5[%dma_start3A_145, %dma_start3A_152] : memref<78x128xi32, #tpu.memory_space<vmem>> -> memref<1x128xi32, #tpu.memory_space<vmem>>
    %dma_start3A_154 = tpu.memref_squeeze %dma_start3A_153 : memref<1x128xi32, #tpu.memory_space<vmem>> -> memref<128xi32, #tpu.memory_space<vmem>>
    %dma_start3A_155 = arith.constant 0 : i32
    %dma_start3A_156 = arith.constant 0 : i32
    %dma_start3A_157 = tpu.memref_slice %arg2[%dma_start3A_155, %dma_start3A_156] : memref<10000x64xf32, #tpu.memory_space<hbm>> -> memref<10000x64xf32, #tpu.memory_space<hbm>>
    %dma_start3A_158 = tpu.memref_slice %arg11[%dma_start3A_147] : memref<4x!tpu.dma_semaphore, #tpu.memory_space<semaphore_mem>> -> memref<1x!tpu.dma_semaphore, #tpu.memory_space<semaphore_mem>>
    %dma_start3A_159 = tpu.memref_squeeze %dma_start3A_158 : memref<1x!tpu.dma_semaphore, #tpu.memory_space<semaphore_mem>> -> memref<!tpu.dma_semaphore, #tpu.memory_space<semaphore_mem>>
    tpu.enqueue_indirect_dma source(%dma_start3A_157 : memref<10000x64xf32, #tpu.memory_space<hbm>>) target(%dma_start3A_151 : memref<128x64xf32, #tpu.memory_space<vmem>>) offsets(%dma_start3A_154 : memref<128xi32, #tpu.memory_space<vmem>>) semaphore(%dma_start3A_159 : memref<!tpu.dma_semaphore, #tpu.memory_space<semaphore_mem>>)
    %dma_wait3A_160 = arith.constant 0 : i32
    %dma_wait3A_161 = arith.constant 2 : i32
    %dma_wait3A_162 = arith.constant 2 : i32
    %dma_wait3A_163 = arith.constant 0 : i32
    %dma_wait3A_164 = arith.constant 0 : i32
    %dma_wait3A_165 = tpu.memref_slice %arg9[%dma_wait3A_161, %dma_wait3A_163, %dma_wait3A_164] : memref<4x128x64xf32, #tpu.memory_space<vmem>> -> memref<1x128x64xf32, #tpu.memory_space<vmem>>
    %dma_wait3A_166 = tpu.memref_squeeze %dma_wait3A_165 : memref<1x128x64xf32, #tpu.memory_space<vmem>> -> memref<128x64xf32, #tpu.memory_space<vmem>>
    %dma_wait3A_167 = arith.constant 0 : i32
    %dma_wait3A_168 = tpu.memref_slice %arg5[%dma_wait3A_160, %dma_wait3A_167] : memref<78x128xi32, #tpu.memory_space<vmem>> -> memref<1x128xi32, #tpu.memory_space<vmem>>
    %dma_wait3A_169 = tpu.memref_squeeze %dma_wait3A_168 : memref<1x128xi32, #tpu.memory_space<vmem>> -> memref<128xi32, #tpu.memory_space<vmem>>
    %dma_wait3A_170 = arith.constant 0 : i32
    %dma_wait3A_171 = arith.constant 0 : i32
    %dma_wait3A_172 = tpu.memref_slice %arg2[%dma_wait3A_170, %dma_wait3A_171] : memref<10000x64xf32, #tpu.memory_space<hbm>> -> memref<10000x64xf32, #tpu.memory_space<hbm>>
    %dma_wait3A_173 = tpu.memref_slice %arg11[%dma_wait3A_162] : memref<4x!tpu.dma_semaphore, #tpu.memory_space<semaphore_mem>> -> memref<1x!tpu.dma_semaphore, #tpu.memory_space<semaphore_mem>>
    %dma_wait3A_174 = tpu.memref_squeeze %dma_wait3A_173 : memref<1x!tpu.dma_semaphore, #tpu.memory_space<semaphore_mem>> -> memref<!tpu.dma_semaphore, #tpu.memory_space<semaphore_mem>>
    tpu.wait_indirect_dma semaphore(%dma_wait3A_174 : memref<!tpu.dma_semaphore, #tpu.memory_space<semaphore_mem>>) src(%dma_wait3A_172 : memref<10000x64xf32, #tpu.memory_space<hbm>>) dst(%dma_wait3A_166 : memref<128x64xf32, #tpu.memory_space<vmem>>)
    %run_scoped3A_175 = arith.constant 2 : i32
    %run_scoped3A_176 = arith.constant 74 : i32
    "tpu.region"() ({
      %run_scoped3A_234 = tpu.sem_alloc : memref<!tpu.dma_semaphore, #tpu.memory_space<semaphore_mem>>
      %dma_start3A_235 = arith.constant 0 : i32
      %dma_start3A_236 = arith.constant 0 : i32
      %dma_start3A_237 = tpu.memref_slice %arg9[%run_scoped3A_175, %dma_start3A_235, %dma_start3A_236] : memref<4x128x64xf32, #tpu.memory_space<vmem>> -> memref<1x128x64xf32, #tpu.memory_space<vmem>>
      %dma_start3A_238 = tpu.memref_squeeze %dma_start3A_237 : memref<1x128x64xf32, #tpu.memory_space<vmem>> -> memref<128x64xf32, #tpu.memory_space<vmem>>
      %dma_start3A_239 = arith.constant 0 : i32
      %dma_start3A_240 = tpu.memref_slice %arg6[%run_scoped3A_176, %dma_start3A_239] : memref<78x128xi32, #tpu.memory_space<vmem>> -> memref<1x128xi32, #tpu.memory_space<vmem>>
      %dma_start3A_241 = tpu.memref_squeeze %dma_start3A_240 : memref<1x128xi32, #tpu.memory_space<vmem>> -> memref<128xi32, #tpu.memory_space<vmem>>
      %dma_start3A_242 = arith.constant 0 : i32
      %dma_start3A_243 = arith.constant 0 : i32
      %dma_start3A_244 = tpu.memref_slice %arg10[%dma_start3A_242, %dma_start3A_243] : memref<10000x64xf32, #tpu.memory_space<vmem_shared>> -> memref<10000x64xf32, #tpu.memory_space<vmem_shared>>
      tpu.enqueue_indirect_dma source(%dma_start3A_238 : memref<128x64xf32, #tpu.memory_space<vmem>>) target(%dma_start3A_244 : memref<10000x64xf32, #tpu.memory_space<vmem_shared>>) offsets(%dma_start3A_241 : memref<128xi32, #tpu.memory_space<vmem>>) semaphore(%run_scoped3A_234 : memref<!tpu.dma_semaphore, #tpu.memory_space<semaphore_mem>>) {add = true}
      %dma_wait3A_245 = arith.constant 0 : i32
      %dma_wait3A_246 = arith.constant 0 : i32
      %dma_wait3A_247 = tpu.memref_slice %arg9[%run_scoped3A_175, %dma_wait3A_245, %dma_wait3A_246] : memref<4x128x64xf32, #tpu.memory_space<vmem>> -> memref<1x128x64xf32, #tpu.memory_space<vmem>>
      %dma_wait3A_248 = tpu.memref_squeeze %dma_wait3A_247 : memref<1x128x64xf32, #tpu.memory_space<vmem>> -> memref<128x64xf32, #tpu.memory_space<vmem>>
      %dma_wait3A_249 = arith.constant 0 : i32
      %dma_wait3A_250 = tpu.memref_slice %arg6[%run_scoped3A_176, %dma_wait3A_249] : memref<78x128xi32, #tpu.memory_space<vmem>> -> memref<1x128xi32, #tpu.memory_space<vmem>>
      %dma_wait3A_251 = tpu.memref_squeeze %dma_wait3A_250 : memref<1x128xi32, #tpu.memory_space<vmem>> -> memref<128xi32, #tpu.memory_space<vmem>>
      %dma_wait3A_252 = arith.constant 0 : i32
      %dma_wait3A_253 = arith.constant 0 : i32
      %dma_wait3A_254 = tpu.memref_slice %arg10[%dma_wait3A_252, %dma_wait3A_253] : memref<10000x64xf32, #tpu.memory_space<vmem_shared>> -> memref<10000x64xf32, #tpu.memory_space<vmem_shared>>
      tpu.wait_indirect_dma semaphore(%run_scoped3A_234 : memref<!tpu.dma_semaphore, #tpu.memory_space<semaphore_mem>>) src(%dma_wait3A_248 : memref<128x64xf32, #tpu.memory_space<vmem>>) dst(%dma_wait3A_254 : memref<10000x64xf32, #tpu.memory_space<vmem_shared>>)
      tpu.yield
    }) : () -> ()
    %dma_wait3A_177 = arith.constant 0 : i32
    %dma_wait3A_178 = arith.constant 3 : i32
    %dma_wait3A_179 = arith.constant 3 : i32
    %dma_wait3A_180 = arith.constant 0 : i32
    %dma_wait3A_181 = arith.constant 0 : i32
    %dma_wait3A_182 = tpu.memref_slice %arg9[%dma_wait3A_178, %dma_wait3A_180, %dma_wait3A_181] : memref<4x128x64xf32, #tpu.memory_space<vmem>> -> memref<1x128x64xf32, #tpu.memory_space<vmem>>
    %dma_wait3A_183 = tpu.memref_squeeze %dma_wait3A_182 : memref<1x128x64xf32, #tpu.memory_space<vmem>> -> memref<128x64xf32, #tpu.memory_space<vmem>>
    %dma_wait3A_184 = arith.constant 0 : i32
    %dma_wait3A_185 = tpu.memref_slice %arg5[%dma_wait3A_177, %dma_wait3A_184] : memref<78x128xi32, #tpu.memory_space<vmem>> -> memref<1x128xi32, #tpu.memory_space<vmem>>
    %dma_wait3A_186 = tpu.memref_squeeze %dma_wait3A_185 : memref<1x128xi32, #tpu.memory_space<vmem>> -> memref<128xi32, #tpu.memory_space<vmem>>
    %dma_wait3A_187 = arith.constant 0 : i32
    %dma_wait3A_188 = arith.constant 0 : i32
    %dma_wait3A_189 = tpu.memref_slice %arg2[%dma_wait3A_187, %dma_wait3A_188] : memref<10000x64xf32, #tpu.memory_space<hbm>> -> memref<10000x64xf32, #tpu.memory_space<hbm>>
    %dma_wait3A_190 = tpu.memref_slice %arg11[%dma_wait3A_179] : memref<4x!tpu.dma_semaphore, #tpu.memory_space<semaphore_mem>> -> memref<1x!tpu.dma_semaphore, #tpu.memory_space<semaphore_mem>>
    %dma_wait3A_191 = tpu.memref_squeeze %dma_wait3A_190 : memref<1x!tpu.dma_semaphore, #tpu.memory_space<semaphore_mem>> -> memref<!tpu.dma_semaphore, #tpu.memory_space<semaphore_mem>>
    tpu.wait_indirect_dma semaphore(%dma_wait3A_191 : memref<!tpu.dma_semaphore, #tpu.memory_space<semaphore_mem>>) src(%dma_wait3A_189 : memref<10000x64xf32, #tpu.memory_space<hbm>>) dst(%dma_wait3A_183 : memref<128x64xf32, #tpu.memory_space<vmem>>)
    %run_scoped3A_192 = arith.constant 3 : i32
    %run_scoped3A_193 = arith.constant 75 : i32
    "tpu.region"() ({
      %run_scoped3A_234 = tpu.sem_alloc : memref<!tpu.dma_semaphore, #tpu.memory_space<semaphore_mem>>
      %dma_start3A_235 = arith.constant 0 : i32
      %dma_start3A_236 = arith.constant 0 : i32
      %dma_start3A_237 = tpu.memref_slice %arg9[%run_scoped3A_192, %dma_start3A_235, %dma_start3A_236] : memref<4x128x64xf32, #tpu.memory_space<vmem>> -> memref<1x128x64xf32, #tpu.memory_space<vmem>>
      %dma_start3A_238 = tpu.memref_squeeze %dma_start3A_237 : memref<1x128x64xf32, #tpu.memory_space<vmem>> -> memref<128x64xf32, #tpu.memory_space<vmem>>
      %dma_start3A_239 = arith.constant 0 : i32
      %dma_start3A_240 = tpu.memref_slice %arg6[%run_scoped3A_193, %dma_start3A_239] : memref<78x128xi32, #tpu.memory_space<vmem>> -> memref<1x128xi32, #tpu.memory_space<vmem>>
      %dma_start3A_241 = tpu.memref_squeeze %dma_start3A_240 : memref<1x128xi32, #tpu.memory_space<vmem>> -> memref<128xi32, #tpu.memory_space<vmem>>
      %dma_start3A_242 = arith.constant 0 : i32
      %dma_start3A_243 = arith.constant 0 : i32
      %dma_start3A_244 = tpu.memref_slice %arg10[%dma_start3A_242, %dma_start3A_243] : memref<10000x64xf32, #tpu.memory_space<vmem_shared>> -> memref<10000x64xf32, #tpu.memory_space<vmem_shared>>
      tpu.enqueue_indirect_dma source(%dma_start3A_238 : memref<128x64xf32, #tpu.memory_space<vmem>>) target(%dma_start3A_244 : memref<10000x64xf32, #tpu.memory_space<vmem_shared>>) offsets(%dma_start3A_241 : memref<128xi32, #tpu.memory_space<vmem>>) semaphore(%run_scoped3A_234 : memref<!tpu.dma_semaphore, #tpu.memory_space<semaphore_mem>>) {add = true}
      %dma_wait3A_245 = arith.constant 0 : i32
      %dma_wait3A_246 = arith.constant 0 : i32
      %dma_wait3A_247 = tpu.memref_slice %arg9[%run_scoped3A_192, %dma_wait3A_245, %dma_wait3A_246] : memref<4x128x64xf32, #tpu.memory_space<vmem>> -> memref<1x128x64xf32, #tpu.memory_space<vmem>>
      %dma_wait3A_248 = tpu.memref_squeeze %dma_wait3A_247 : memref<1x128x64xf32, #tpu.memory_space<vmem>> -> memref<128x64xf32, #tpu.memory_space<vmem>>
      %dma_wait3A_249 = arith.constant 0 : i32
      %dma_wait3A_250 = tpu.memref_slice %arg6[%run_scoped3A_193, %dma_wait3A_249] : memref<78x128xi32, #tpu.memory_space<vmem>> -> memref<1x128xi32, #tpu.memory_space<vmem>>
      %dma_wait3A_251 = tpu.memref_squeeze %dma_wait3A_250 : memref<1x128xi32, #tpu.memory_space<vmem>> -> memref<128xi32, #tpu.memory_space<vmem>>
      %dma_wait3A_252 = arith.constant 0 : i32
      %dma_wait3A_253 = arith.constant 0 : i32
      %dma_wait3A_254 = tpu.memref_slice %arg10[%dma_wait3A_252, %dma_wait3A_253] : memref<10000x64xf32, #tpu.memory_space<vmem_shared>> -> memref<10000x64xf32, #tpu.memory_space<vmem_shared>>
      tpu.wait_indirect_dma semaphore(%run_scoped3A_234 : memref<!tpu.dma_semaphore, #tpu.memory_space<semaphore_mem>>) src(%dma_wait3A_248 : memref<128x64xf32, #tpu.memory_space<vmem>>) dst(%dma_wait3A_254 : memref<10000x64xf32, #tpu.memory_space<vmem_shared>>)
      tpu.yield
    }) : () -> ()
    %dma_wait3A_194 = arith.constant 0 : i32
    %dma_wait3A_195 = arith.constant 0 : i32
    %dma_wait3A_196 = arith.constant 0 : i32
    %dma_wait3A_197 = arith.constant 0 : i32
    %dma_wait3A_198 = arith.constant 0 : i32
    %dma_wait3A_199 = tpu.memref_slice %arg9[%dma_wait3A_195, %dma_wait3A_197, %dma_wait3A_198] : memref<4x128x64xf32, #tpu.memory_space<vmem>> -> memref<1x128x64xf32, #tpu.memory_space<vmem>>
    %dma_wait3A_200 = tpu.memref_squeeze %dma_wait3A_199 : memref<1x128x64xf32, #tpu.memory_space<vmem>> -> memref<128x64xf32, #tpu.memory_space<vmem>>
    %dma_wait3A_201 = arith.constant 0 : i32
    %dma_wait3A_202 = tpu.memref_slice %arg5[%dma_wait3A_194, %dma_wait3A_201] : memref<78x128xi32, #tpu.memory_space<vmem>> -> memref<1x128xi32, #tpu.memory_space<vmem>>
    %dma_wait3A_203 = tpu.memref_squeeze %dma_wait3A_202 : memref<1x128xi32, #tpu.memory_space<vmem>> -> memref<128xi32, #tpu.memory_space<vmem>>
    %dma_wait3A_204 = arith.constant 0 : i32
    %dma_wait3A_205 = arith.constant 0 : i32
    %dma_wait3A_206 = tpu.memref_slice %arg2[%dma_wait3A_204, %dma_wait3A_205] : memref<10000x64xf32, #tpu.memory_space<hbm>> -> memref<10000x64xf32, #tpu.memory_space<hbm>>
    %dma_wait3A_207 = tpu.memref_slice %arg11[%dma_wait3A_196] : memref<4x!tpu.dma_semaphore, #tpu.memory_space<semaphore_mem>> -> memref<1x!tpu.dma_semaphore, #tpu.memory_space<semaphore_mem>>
    %dma_wait3A_208 = tpu.memref_squeeze %dma_wait3A_207 : memref<1x!tpu.dma_semaphore, #tpu.memory_space<semaphore_mem>> -> memref<!tpu.dma_semaphore, #tpu.memory_space<semaphore_mem>>
    tpu.wait_indirect_dma semaphore(%dma_wait3A_208 : memref<!tpu.dma_semaphore, #tpu.memory_space<semaphore_mem>>) src(%dma_wait3A_206 : memref<10000x64xf32, #tpu.memory_space<hbm>>) dst(%dma_wait3A_200 : memref<128x64xf32, #tpu.memory_space<vmem>>)
    %run_scoped3A_209 = arith.constant 0 : i32
    %run_scoped3A_210 = arith.constant 76 : i32
    "tpu.region"() ({
      %run_scoped3A_234 = tpu.sem_alloc : memref<!tpu.dma_semaphore, #tpu.memory_space<semaphore_mem>>
      %dma_start3A_235 = arith.constant 0 : i32
      %dma_start3A_236 = arith.constant 0 : i32
      %dma_start3A_237 = tpu.memref_slice %arg9[%run_scoped3A_209, %dma_start3A_235, %dma_start3A_236] : memref<4x128x64xf32, #tpu.memory_space<vmem>> -> memref<1x128x64xf32, #tpu.memory_space<vmem>>
      %dma_start3A_238 = tpu.memref_squeeze %dma_start3A_237 : memref<1x128x64xf32, #tpu.memory_space<vmem>> -> memref<128x64xf32, #tpu.memory_space<vmem>>
      %dma_start3A_239 = arith.constant 0 : i32
      %dma_start3A_240 = tpu.memref_slice %arg6[%run_scoped3A_210, %dma_start3A_239] : memref<78x128xi32, #tpu.memory_space<vmem>> -> memref<1x128xi32, #tpu.memory_space<vmem>>
      %dma_start3A_241 = tpu.memref_squeeze %dma_start3A_240 : memref<1x128xi32, #tpu.memory_space<vmem>> -> memref<128xi32, #tpu.memory_space<vmem>>
      %dma_start3A_242 = arith.constant 0 : i32
      %dma_start3A_243 = arith.constant 0 : i32
      %dma_start3A_244 = tpu.memref_slice %arg10[%dma_start3A_242, %dma_start3A_243] : memref<10000x64xf32, #tpu.memory_space<vmem_shared>> -> memref<10000x64xf32, #tpu.memory_space<vmem_shared>>
      tpu.enqueue_indirect_dma source(%dma_start3A_238 : memref<128x64xf32, #tpu.memory_space<vmem>>) target(%dma_start3A_244 : memref<10000x64xf32, #tpu.memory_space<vmem_shared>>) offsets(%dma_start3A_241 : memref<128xi32, #tpu.memory_space<vmem>>) semaphore(%run_scoped3A_234 : memref<!tpu.dma_semaphore, #tpu.memory_space<semaphore_mem>>) {add = true}
      %dma_wait3A_245 = arith.constant 0 : i32
      %dma_wait3A_246 = arith.constant 0 : i32
      %dma_wait3A_247 = tpu.memref_slice %arg9[%run_scoped3A_209, %dma_wait3A_245, %dma_wait3A_246] : memref<4x128x64xf32, #tpu.memory_space<vmem>> -> memref<1x128x64xf32, #tpu.memory_space<vmem>>
      %dma_wait3A_248 = tpu.memref_squeeze %dma_wait3A_247 : memref<1x128x64xf32, #tpu.memory_space<vmem>> -> memref<128x64xf32, #tpu.memory_space<vmem>>
      %dma_wait3A_249 = arith.constant 0 : i32
      %dma_wait3A_250 = tpu.memref_slice %arg6[%run_scoped3A_210, %dma_wait3A_249] : memref<78x128xi32, #tpu.memory_space<vmem>> -> memref<1x128xi32, #tpu.memory_space<vmem>>
      %dma_wait3A_251 = tpu.memref_squeeze %dma_wait3A_250 : memref<1x128xi32, #tpu.memory_space<vmem>> -> memref<128xi32, #tpu.memory_space<vmem>>
      %dma_wait3A_252 = arith.constant 0 : i32
      %dma_wait3A_253 = arith.constant 0 : i32
      %dma_wait3A_254 = tpu.memref_slice %arg10[%dma_wait3A_252, %dma_wait3A_253] : memref<10000x64xf32, #tpu.memory_space<vmem_shared>> -> memref<10000x64xf32, #tpu.memory_space<vmem_shared>>
      tpu.wait_indirect_dma semaphore(%run_scoped3A_234 : memref<!tpu.dma_semaphore, #tpu.memory_space<semaphore_mem>>) src(%dma_wait3A_248 : memref<128x64xf32, #tpu.memory_space<vmem>>) dst(%dma_wait3A_254 : memref<10000x64xf32, #tpu.memory_space<vmem_shared>>)
      tpu.yield
    }) : () -> ()
    %dma_wait3A_211 = arith.constant 0 : i32
    %dma_wait3A_212 = arith.constant 1 : i32
    %dma_wait3A_213 = arith.constant 1 : i32
    %dma_wait3A_214 = arith.constant 0 : i32
    %dma_wait3A_215 = arith.constant 0 : i32
    %dma_wait3A_216 = tpu.memref_slice %arg9[%dma_wait3A_212, %dma_wait3A_214, %dma_wait3A_215] : memref<4x128x64xf32, #tpu.memory_space<vmem>> -> memref<1x128x64xf32, #tpu.memory_space<vmem>>
    %dma_wait3A_217 = tpu.memref_squeeze %dma_wait3A_216 : memref<1x128x64xf32, #tpu.memory_space<vmem>> -> memref<128x64xf32, #tpu.memory_space<vmem>>
    %dma_wait3A_218 = arith.constant 0 : i32
    %dma_wait3A_219 = tpu.memref_slice %arg5[%dma_wait3A_211, %dma_wait3A_218] : memref<78x128xi32, #tpu.memory_space<vmem>> -> memref<1x128xi32, #tpu.memory_space<vmem>>
    %dma_wait3A_220 = tpu.memref_squeeze %dma_wait3A_219 : memref<1x128xi32, #tpu.memory_space<vmem>> -> memref<128xi32, #tpu.memory_space<vmem>>
    %dma_wait3A_221 = arith.constant 0 : i32
    %dma_wait3A_222 = arith.constant 0 : i32
    %dma_wait3A_223 = tpu.memref_slice %arg2[%dma_wait3A_221, %dma_wait3A_222] : memref<10000x64xf32, #tpu.memory_space<hbm>> -> memref<10000x64xf32, #tpu.memory_space<hbm>>
    %dma_wait3A_224 = tpu.memref_slice %arg11[%dma_wait3A_213] : memref<4x!tpu.dma_semaphore, #tpu.memory_space<semaphore_mem>> -> memref<1x!tpu.dma_semaphore, #tpu.memory_space<semaphore_mem>>
    %dma_wait3A_225 = tpu.memref_squeeze %dma_wait3A_224 : memref<1x!tpu.dma_semaphore, #tpu.memory_space<semaphore_mem>> -> memref<!tpu.dma_semaphore, #tpu.memory_space<semaphore_mem>>
    tpu.wait_indirect_dma semaphore(%dma_wait3A_225 : memref<!tpu.dma_semaphore, #tpu.memory_space<semaphore_mem>>) src(%dma_wait3A_223 : memref<10000x64xf32, #tpu.memory_space<hbm>>) dst(%dma_wait3A_217 : memref<128x64xf32, #tpu.memory_space<vmem>>)
    %run_scoped3A_226 = arith.constant 1 : i32
    %run_scoped3A_227 = arith.constant 77 : i32
    "tpu.region"() ({
      %run_scoped3A_234 = tpu.sem_alloc : memref<!tpu.dma_semaphore, #tpu.memory_space<semaphore_mem>>
      %dma_start3A_235 = arith.constant 0 : i32
      %dma_start3A_236 = arith.constant 0 : i32
      %dma_start3A_237 = tpu.memref_slice %arg9[%run_scoped3A_226, %dma_start3A_235, %dma_start3A_236] : memref<4x128x64xf32, #tpu.memory_space<vmem>> -> memref<1x128x64xf32, #tpu.memory_space<vmem>>
      %dma_start3A_238 = tpu.memref_squeeze %dma_start3A_237 : memref<1x128x64xf32, #tpu.memory_space<vmem>> -> memref<128x64xf32, #tpu.memory_space<vmem>>
      %dma_start3A_239 = arith.constant 0 : i32
      %dma_start3A_240 = tpu.memref_slice %arg6[%run_scoped3A_227, %dma_start3A_239] : memref<78x128xi32, #tpu.memory_space<vmem>> -> memref<1x128xi32, #tpu.memory_space<vmem>>
      %dma_start3A_241 = tpu.memref_squeeze %dma_start3A_240 : memref<1x128xi32, #tpu.memory_space<vmem>> -> memref<128xi32, #tpu.memory_space<vmem>>
      %dma_start3A_242 = arith.constant 0 : i32
      %dma_start3A_243 = arith.constant 0 : i32
      %dma_start3A_244 = tpu.memref_slice %arg10[%dma_start3A_242, %dma_start3A_243] : memref<10000x64xf32, #tpu.memory_space<vmem_shared>> -> memref<10000x64xf32, #tpu.memory_space<vmem_shared>>
      tpu.enqueue_indirect_dma source(%dma_start3A_238 : memref<128x64xf32, #tpu.memory_space<vmem>>) target(%dma_start3A_244 : memref<10000x64xf32, #tpu.memory_space<vmem_shared>>) offsets(%dma_start3A_241 : memref<128xi32, #tpu.memory_space<vmem>>) semaphore(%run_scoped3A_234 : memref<!tpu.dma_semaphore, #tpu.memory_space<semaphore_mem>>) {add = true}
      %dma_wait3A_245 = arith.constant 0 : i32
      %dma_wait3A_246 = arith.constant 0 : i32
      %dma_wait3A_247 = tpu.memref_slice %arg9[%run_scoped3A_226, %dma_wait3A_245, %dma_wait3A_246] : memref<4x128x64xf32, #tpu.memory_space<vmem>> -> memref<1x128x64xf32, #tpu.memory_space<vmem>>
      %dma_wait3A_248 = tpu.memref_squeeze %dma_wait3A_247 : memref<1x128x64xf32, #tpu.memory_space<vmem>> -> memref<128x64xf32, #tpu.memory_space<vmem>>
      %dma_wait3A_249 = arith.constant 0 : i32
      %dma_wait3A_250 = tpu.memref_slice %arg6[%run_scoped3A_227, %dma_wait3A_249] : memref<78x128xi32, #tpu.memory_space<vmem>> -> memref<1x128xi32, #tpu.memory_space<vmem>>
      %dma_wait3A_251 = tpu.memref_squeeze %dma_wait3A_250 : memref<1x128xi32, #tpu.memory_space<vmem>> -> memref<128xi32, #tpu.memory_space<vmem>>
      %dma_wait3A_252 = arith.constant 0 : i32
      %dma_wait3A_253 = arith.constant 0 : i32
      %dma_wait3A_254 = tpu.memref_slice %arg10[%dma_wait3A_252, %dma_wait3A_253] : memref<10000x64xf32, #tpu.memory_space<vmem_shared>> -> memref<10000x64xf32, #tpu.memory_space<vmem_shared>>
      tpu.wait_indirect_dma semaphore(%run_scoped3A_234 : memref<!tpu.dma_semaphore, #tpu.memory_space<semaphore_mem>>) src(%dma_wait3A_248 : memref<128x64xf32, #tpu.memory_space<vmem>>) dst(%dma_wait3A_254 : memref<10000x64xf32, #tpu.memory_space<vmem_shared>>)
      tpu.yield
    }) : () -> ()
    %lt3A_228 = arith.constant 4 : i32
    %lt3A_229 = arith.cmpi slt, %add3A, %lt3A_228 : i32
    %convert_element_type3A_230 = arith.extui %lt3A_229 : i1 to i32
    %cond3A_231 = arith.constant 0 : i32
    %cond3A_232 = arith.cmpi ne, %convert_element_type3A_230, %cond3A_231 : i32
    scf.if %cond3A_232 {
      %dma_start3A_234 = arith.constant 0 : i32
      %dma_start3A_235 = arith.constant 0 : i32
      %dma_start3A_236 = arith.constant 0 : i32
      %dma_start3A_237 = arith.constant 0 : i32
      %dma_start3A_238 = arith.constant 0 : i32
      %dma_start3A_239 = tpu.memref_slice %arg9[%dma_start3A_235, %dma_start3A_237, %dma_start3A_238] : memref<4x128x64xf32, #tpu.memory_space<vmem>> -> memref<1x128x64xf32, #tpu.memory_space<vmem>>
      %dma_start3A_240 = tpu.memref_squeeze %dma_start3A_239 : memref<1x128x64xf32, #tpu.memory_space<vmem>> -> memref<128x64xf32, #tpu.memory_space<vmem>>
      %dma_start3A_241 = arith.constant 0 : i32
      %dma_start3A_242 = tpu.memref_slice %arg7[%dma_start3A_234, %dma_start3A_241] : memref<1x128xi32, #tpu.memory_space<vmem>> -> memref<1x128xi32, #tpu.memory_space<vmem>>
      %dma_start3A_243 = tpu.memref_squeeze %dma_start3A_242 : memref<1x128xi32, #tpu.memory_space<vmem>> -> memref<128xi32, #tpu.memory_space<vmem>>
      %dma_start3A_244 = arith.constant 0 : i32
      %dma_start3A_245 = arith.constant 0 : i32
      %dma_start3A_246 = tpu.memref_slice %arg2[%dma_start3A_244, %dma_start3A_245] : memref<10000x64xf32, #tpu.memory_space<hbm>> -> memref<10000x64xf32, #tpu.memory_space<hbm>>
      %dma_start3A_247 = tpu.memref_slice %arg11[%dma_start3A_236] : memref<4x!tpu.dma_semaphore, #tpu.memory_space<semaphore_mem>> -> memref<1x!tpu.dma_semaphore, #tpu.memory_space<semaphore_mem>>
      %dma_start3A_248 = tpu.memref_squeeze %dma_start3A_247 : memref<1x!tpu.dma_semaphore, #tpu.memory_space<semaphore_mem>> -> memref<!tpu.dma_semaphore, #tpu.memory_space<semaphore_mem>>
      tpu.enqueue_indirect_dma source(%dma_start3A_246 : memref<10000x64xf32, #tpu.memory_space<hbm>>) target(%dma_start3A_240 : memref<128x64xf32, #tpu.memory_space<vmem>>) offsets(%dma_start3A_243 : memref<128xi32, #tpu.memory_space<vmem>>) semaphore(%dma_start3A_248 : memref<!tpu.dma_semaphore, #tpu.memory_space<semaphore_mem>>)
      %dma_wait3A_249 = arith.constant 0 : i32
      %dma_wait3A_250 = arith.constant 0 : i32
      %dma_wait3A_251 = arith.constant 0 : i32
      %dma_wait3A_252 = arith.constant 0 : i32
      %dma_wait3A_253 = arith.constant 0 : i32
      %dma_wait3A_254 = tpu.memref_slice %arg9[%dma_wait3A_250, %dma_wait3A_252, %dma_wait3A_253] : memref<4x128x64xf32, #tpu.memory_space<vmem>> -> memref<1x128x64xf32, #tpu.memory_space<vmem>>
      %dma_wait3A_255 = tpu.memref_squeeze %dma_wait3A_254 : memref<1x128x64xf32, #tpu.memory_space<vmem>> -> memref<128x64xf32, #tpu.memory_space<vmem>>
      %dma_wait3A_256 = arith.constant 0 : i32
      %dma_wait3A_257 = tpu.memref_slice %arg7[%dma_wait3A_249, %dma_wait3A_256] : memref<1x128xi32, #tpu.memory_space<vmem>> -> memref<1x128xi32, #tpu.memory_space<vmem>>
      %dma_wait3A_258 = tpu.memref_squeeze %dma_wait3A_257 : memref<1x128xi32, #tpu.memory_space<vmem>> -> memref<128xi32, #tpu.memory_space<vmem>>
      %dma_wait3A_259 = arith.constant 0 : i32
      %dma_wait3A_260 = arith.constant 0 : i32
      %dma_wait3A_261 = tpu.memref_slice %arg2[%dma_wait3A_259, %dma_wait3A_260] : memref<10000x64xf32, #tpu.memory_space<hbm>> -> memref<10000x64xf32, #tpu.memory_space<hbm>>
      %dma_wait3A_262 = tpu.memref_slice %arg11[%dma_wait3A_251] : memref<4x!tpu.dma_semaphore, #tpu.memory_space<semaphore_mem>> -> memref<1x!tpu.dma_semaphore, #tpu.memory_space<semaphore_mem>>
      %dma_wait3A_263 = tpu.memref_squeeze %dma_wait3A_262 : memref<1x!tpu.dma_semaphore, #tpu.memory_space<semaphore_mem>> -> memref<!tpu.dma_semaphore, #tpu.memory_space<semaphore_mem>>
      tpu.wait_indirect_dma semaphore(%dma_wait3A_263 : memref<!tpu.dma_semaphore, #tpu.memory_space<semaphore_mem>>) src(%dma_wait3A_261 : memref<10000x64xf32, #tpu.memory_space<hbm>>) dst(%dma_wait3A_255 : memref<128x64xf32, #tpu.memory_space<vmem>>)
      %run_scoped3A_264 = arith.constant 0 : i32
      %run_scoped3A_265 = arith.constant 0 : i32
      "tpu.region"() ({
        %run_scoped3A_266 = tpu.sem_alloc : memref<!tpu.dma_semaphore, #tpu.memory_space<semaphore_mem>>
        %dma_start3A_267 = arith.constant 0 : i32
        %dma_start3A_268 = arith.constant 0 : i32
        %dma_start3A_269 = tpu.memref_slice %arg9[%run_scoped3A_264, %dma_start3A_267, %dma_start3A_268] : memref<4x128x64xf32, #tpu.memory_space<vmem>> -> memref<1x128x64xf32, #tpu.memory_space<vmem>>
        %dma_start3A_270 = tpu.memref_squeeze %dma_start3A_269 : memref<1x128x64xf32, #tpu.memory_space<vmem>> -> memref<128x64xf32, #tpu.memory_space<vmem>>
        %dma_start3A_271 = arith.constant 0 : i32
        %dma_start3A_272 = tpu.memref_slice %arg8[%run_scoped3A_265, %dma_start3A_271] : memref<1x128xi32, #tpu.memory_space<vmem>> -> memref<1x128xi32, #tpu.memory_space<vmem>>
        %dma_start3A_273 = tpu.memref_squeeze %dma_start3A_272 : memref<1x128xi32, #tpu.memory_space<vmem>> -> memref<128xi32, #tpu.memory_space<vmem>>
        %dma_start3A_274 = arith.constant 0 : i32
        %dma_start3A_275 = arith.constant 0 : i32
        %dma_start3A_276 = tpu.memref_slice %arg10[%dma_start3A_274, %dma_start3A_275] : memref<10000x64xf32, #tpu.memory_space<vmem_shared>> -> memref<10000x64xf32, #tpu.memory_space<vmem_shared>>
        tpu.enqueue_indirect_dma source(%dma_start3A_270 : memref<128x64xf32, #tpu.memory_space<vmem>>) target(%dma_start3A_276 : memref<10000x64xf32, #tpu.memory_space<vmem_shared>>) offsets(%dma_start3A_273 : memref<128xi32, #tpu.memory_space<vmem>>) semaphore(%run_scoped3A_266 : memref<!tpu.dma_semaphore, #tpu.memory_space<semaphore_mem>>) {add = true}
        %dma_wait3A_277 = arith.constant 0 : i32
        %dma_wait3A_278 = arith.constant 0 : i32
        %dma_wait3A_279 = tpu.memref_slice %arg9[%run_scoped3A_264, %dma_wait3A_277, %dma_wait3A_278] : memref<4x128x64xf32, #tpu.memory_space<vmem>> -> memref<1x128x64xf32, #tpu.memory_space<vmem>>
        %dma_wait3A_280 = tpu.memref_squeeze %dma_wait3A_279 : memref<1x128x64xf32, #tpu.memory_space<vmem>> -> memref<128x64xf32, #tpu.memory_space<vmem>>
        %dma_wait3A_281 = arith.constant 0 : i32
        %dma_wait3A_282 = tpu.memref_slice %arg8[%run_scoped3A_265, %dma_wait3A_281] : memref<1x128xi32, #tpu.memory_space<vmem>> -> memref<1x128xi32, #tpu.memory_space<vmem>>
        %dma_wait3A_283 = tpu.memref_squeeze %dma_wait3A_282 : memref<1x128xi32, #tpu.memory_space<vmem>> -> memref<128xi32, #tpu.memory_space<vmem>>
        %dma_wait3A_284 = arith.constant 0 : i32
        %dma_wait3A_285 = arith.constant 0 : i32
        %dma_wait3A_286 = tpu.memref_slice %arg10[%dma_wait3A_284, %dma_wait3A_285] : memref<10000x64xf32, #tpu.memory_space<vmem_shared>> -> memref<10000x64xf32, #tpu.memory_space<vmem_shared>>
        tpu.wait_indirect_dma semaphore(%run_scoped3A_266 : memref<!tpu.dma_semaphore, #tpu.memory_space<semaphore_mem>>) src(%dma_wait3A_280 : memref<128x64xf32, #tpu.memory_space<vmem>>) dst(%dma_wait3A_286 : memref<10000x64xf32, #tpu.memory_space<vmem_shared>>)
        tpu.yield
      }) : () -> ()
    } else {
    }
    %barrier3A_233 = arith.constant 0 : index
    tpu.barrier barrier_id(%barrier3A_233)
    "tpu.region"() ({
      %run_scoped3A_234 = tpu.sem_alloc : memref<!tpu.dma_semaphore, #tpu.memory_space<semaphore_mem>>
      %dma_start3A_235 = arith.constant 0 : i32
      %dma_start3A_236 = tpu.memref_slice %arg4[%arg0, %mul3A_7, %dma_start3A_235] : memref<2x10000x128xf32, #tpu.memory_space<hbm>> -> memref<1x625x64xf32, #tpu.memory_space<hbm>>
      %dma_start3A_237 = tpu.memref_squeeze %dma_start3A_236 : memref<1x625x64xf32, #tpu.memory_space<hbm>> -> memref<625x64xf32, #tpu.memory_space<hbm>>
      %dma_start3A_238 = arith.constant 0 : i32
      %dma_start3A_239 = tpu.memref_slice %arg10[%mul3A_7, %dma_start3A_238] : memref<10000x64xf32, #tpu.memory_space<vmem_shared>> -> memref<625x64xf32, #tpu.memory_space<vmem_shared>>
      tpu.enqueue_dma source(%dma_start3A_239 : memref<625x64xf32, #tpu.memory_space<vmem_shared>>) target(%dma_start3A_237 : memref<625x64xf32, #tpu.memory_space<hbm>>) target_semaphore(%run_scoped3A_234 : memref<!tpu.dma_semaphore, #tpu.memory_space<semaphore_mem>>)
      %dma_wait3A_240 = arith.constant 0 : i32
      %dma_wait3A_241 = tpu.memref_slice %arg4[%arg0, %mul3A_7, %dma_wait3A_240] : memref<2x10000x128xf32, #tpu.memory_space<hbm>> -> memref<1x625x64xf32, #tpu.memory_space<hbm>>
      %dma_wait3A_242 = tpu.memref_squeeze %dma_wait3A_241 : memref<1x625x64xf32, #tpu.memory_space<hbm>> -> memref<625x64xf32, #tpu.memory_space<hbm>>
      %dma_wait3A_243 = arith.constant 0 : i32
      %dma_wait3A_244 = tpu.memref_slice %arg10[%mul3A_7, %dma_wait3A_243] : memref<10000x64xf32, #tpu.memory_space<vmem_shared>> -> memref<625x64xf32, #tpu.memory_space<vmem_shared>>
      tpu.wait_dma2 semaphore(%run_scoped3A_234 : memref<!tpu.dma_semaphore, #tpu.memory_space<semaphore_mem>>) src(%dma_wait3A_244 : memref<625x64xf32, #tpu.memory_space<vmem_shared>>) dst(%dma_wait3A_242 : memref<625x64xf32, #tpu.memory_space<hbm>>)
      tpu.yield
    }) : () -> ()
    return
  }
}

#map = affine_map<(d0, d1) -> (0, 0)>
#map1 = affine_map<(d0, d1) -> (0, 0, 0)>
module attributes {stable_mosaic.version = 14 : i64} {
  func.func @segsum_f80(%arg0: i32, %arg1: i32, %arg2: memref<10000x80xf32, #tpu.memory_space<hbm>>, %arg3: memref<2x2500x128xi32, #tpu.memory_space<hbm>>, %arg4: memref<2x10000x128xf32, #tpu.memory_space<hbm>>, %arg5: memref<78x128xi32, #tpu.memory_space<vmem>>, %arg6: memref<78x128xi32, #tpu.memory_space<vmem>>, %arg7: memref<1x128xi32, #tpu.memory_space<vmem>>, %arg8: memref<1x128xi32, #tpu.memory_space<vmem>>, %arg9: memref<4x128x80xf32, #tpu.memory_space<vmem>>, %arg10: memref<10000x80xf32, #tpu.memory_space<vmem_shared>>, %arg11: memref<4x!tpu.dma_semaphore, #tpu.memory_space<semaphore_mem>>) attributes {dimension_semantics = [#tpu.dimension_semantics<core_parallel>, #tpu.dimension_semantics<subcore_parallel>], iteration_bounds = array<i64: 2, 16>, scalar_prefetch = 0 : i64, scratch_operands = 7 : i64, tpu.core_type = #tpu.core_type<sc_vector_subcore>, window_params = [{transform_indices = #map}, {transform_indices = #map1}, {transform_indices = #map1}]} {
    %mul3A = arith.constant 2 : i32
    %mul3A_0 = arith.muli %arg1, %mul3A : i32
    %add3A = arith.addi %mul3A_0, %arg0 : i32
    %scan3A = arith.constant 0 : i32
    %scan3A_1 = arith.constant 0 : i32
    %scan3A_2 = arith.constant 128 : i32
    %scan3A_3 = arith.addi %scan3A_1, %scan3A_2 : i32
    %scan3A_4 = arith.constant 1 : i32
    scf.for %scan3A_234 = %scan3A_1 to %scan3A_3 step %scan3A_4  : i32 {
      %broadcast_in_dim3A = arith.constant 0.000000e+00 : f32
      %broadcast_in_dim3A_235 = vector.broadcast %broadcast_in_dim3A : f32 to vector<16xf32>
      %swap3A = arith.constant 0 : i32
      %swap3A_236 = arith.index_cast %swap3A : i32 to index
      %swap3A_237 = arith.index_cast %scan3A_234 : i32 to index
      %swap3A_238 = arith.constant 0 : index
      %swap3A_239 = tpu.vector_load %arg9[%swap3A_236, %swap3A_237, %swap3A_238] {strides = array<i32>} : memref<4x128x80xf32, #tpu.memory_space<vmem>>, vector<1x1x16xf32>,
      %swap3A_240 = vector.shape_cast %swap3A_239 : vector<1x1x16xf32> to vector<16xf32>
      %swap3A_241 = vector.shape_cast %broadcast_in_dim3A_235 : vector<16xf32> to vector<1x1x16xf32>
      tpu.vector_store %arg9[%swap3A_236, %swap3A_237, %swap3A_238], %swap3A_241 {strides = array<i32>} : memref<4x128x80xf32, #tpu.memory_space<vmem>>, vector<1x1x16xf32>,
      %broadcast_in_dim3A_242 = arith.constant 0.000000e+00 : f32
      %broadcast_in_dim3A_243 = vector.broadcast %broadcast_in_dim3A_242 : f32 to vector<16xf32>
      %swap3A_244 = arith.constant 0 : i32
      %swap3A_245 = arith.index_cast %swap3A_244 : i32 to index
      %swap3A_246 = arith.index_cast %scan3A_234 : i32 to index
      %swap3A_247 = arith.constant 16 : index
      %swap3A_248 = tpu.vector_load %arg9[%swap3A_245, %swap3A_246, %swap3A_247] {strides = array<i32>} : memref<4x128x80xf32, #tpu.memory_space<vmem>>, vector<1x1x16xf32>,
      %swap3A_249 = vector.shape_cast %swap3A_248 : vector<1x1x16xf32> to vector<16xf32>
      %swap3A_250 = vector.shape_cast %broadcast_in_dim3A_243 : vector<16xf32> to vector<1x1x16xf32>
      tpu.vector_store %arg9[%swap3A_245, %swap3A_246, %swap3A_247], %swap3A_250 {strides = array<i32>} : memref<4x128x80xf32, #tpu.memory_space<vmem>>, vector<1x1x16xf32>,
      %broadcast_in_dim3A_251 = arith.constant 0.000000e+00 : f32
      %broadcast_in_dim3A_252 = vector.broadcast %broadcast_in_dim3A_251 : f32 to vector<16xf32>
      %swap3A_253 = arith.constant 0 : i32
      %swap3A_254 = arith.index_cast %swap3A_253 : i32 to index
      %swap3A_255 = arith.index_cast %scan3A_234 : i32 to index
      %swap3A_256 = arith.constant 32 : index
      %swap3A_257 = tpu.vector_load %arg9[%swap3A_254, %swap3A_255, %swap3A_256] {strides = array<i32>} : memref<4x128x80xf32, #tpu.memory_space<vmem>>, vector<1x1x16xf32>,
      %swap3A_258 = vector.shape_cast %swap3A_257 : vector<1x1x16xf32> to vector<16xf32>
      %swap3A_259 = vector.shape_cast %broadcast_in_dim3A_252 : vector<16xf32> to vector<1x1x16xf32>
      tpu.vector_store %arg9[%swap3A_254, %swap3A_255, %swap3A_256], %swap3A_259 {strides = array<i32>} : memref<4x128x80xf32, #tpu.memory_space<vmem>>, vector<1x1x16xf32>,
      %broadcast_in_dim3A_260 = arith.constant 0.000000e+00 : f32
      %broadcast_in_dim3A_261 = vector.broadcast %broadcast_in_dim3A_260 : f32 to vector<16xf32>
      %swap3A_262 = arith.constant 0 : i32
      %swap3A_263 = arith.index_cast %swap3A_262 : i32 to index
      %swap3A_264 = arith.index_cast %scan3A_234 : i32 to index
      %swap3A_265 = arith.constant 48 : index
      %swap3A_266 = tpu.vector_load %arg9[%swap3A_263, %swap3A_264, %swap3A_265] {strides = array<i32>} : memref<4x128x80xf32, #tpu.memory_space<vmem>>, vector<1x1x16xf32>,
      %swap3A_267 = vector.shape_cast %swap3A_266 : vector<1x1x16xf32> to vector<16xf32>
      %swap3A_268 = vector.shape_cast %broadcast_in_dim3A_261 : vector<16xf32> to vector<1x1x16xf32>
      tpu.vector_store %arg9[%swap3A_263, %swap3A_264, %swap3A_265], %swap3A_268 {strides = array<i32>} : memref<4x128x80xf32, #tpu.memory_space<vmem>>, vector<1x1x16xf32>,
      %broadcast_in_dim3A_269 = arith.constant 0.000000e+00 : f32
      %broadcast_in_dim3A_270 = vector.broadcast %broadcast_in_dim3A_269 : f32 to vector<16xf32>
      %swap3A_271 = arith.constant 0 : i32
      %swap3A_272 = arith.index_cast %swap3A_271 : i32 to index
      %swap3A_273 = arith.index_cast %scan3A_234 : i32 to index
      %swap3A_274 = arith.constant 64 : index
      %swap3A_275 = tpu.vector_load %arg9[%swap3A_272, %swap3A_273, %swap3A_274] {strides = array<i32>} : memref<4x128x80xf32, #tpu.memory_space<vmem>>, vector<1x1x16xf32>,
      %swap3A_276 = vector.shape_cast %swap3A_275 : vector<1x1x16xf32> to vector<16xf32>
      %swap3A_277 = vector.shape_cast %broadcast_in_dim3A_270 : vector<16xf32> to vector<1x1x16xf32>
      tpu.vector_store %arg9[%swap3A_272, %swap3A_273, %swap3A_274], %swap3A_277 {strides = array<i32>} : memref<4x128x80xf32, #tpu.memory_space<vmem>>, vector<1x1x16xf32>,
    }
    %scan3A_5 = arith.constant 128 : i32
    %mul3A_6 = arith.constant 625 : i32
    %mul3A_7 = arith.muli %arg1, %mul3A_6 : i32
    %add3A_8 = arith.constant 0 : i32
    %add3A_9 = arith.addi %mul3A_7, %add3A_8 : i32
    %run_scoped3A = arith.constant 0 : i32
    "tpu.region"() ({
      %run_scoped3A_234 = tpu.sem_alloc : memref<!tpu.dma_semaphore, #tpu.memory_space<semaphore_mem>>
      %dma_start3A_235 = arith.constant 0 : i32
      %dma_start3A_236 = arith.constant 0 : i32
      %dma_start3A_237 = tpu.memref_slice %arg9[%run_scoped3A, %dma_start3A_235, %dma_start3A_236] : memref<4x128x80xf32, #tpu.memory_space<vmem>> -> memref<1x128x80xf32, #tpu.memory_space<vmem>>
      %dma_start3A_238 = tpu.memref_squeeze %dma_start3A_237 : memref<1x128x80xf32, #tpu.memory_space<vmem>> -> memref<128x80xf32, #tpu.memory_space<vmem>>
      %dma_start3A_239 = arith.constant 0 : i32
      %dma_start3A_240 = tpu.memref_slice %arg10[%add3A_9, %dma_start3A_239] : memref<10000x80xf32, #tpu.memory_space<vmem_shared>> -> memref<128x80xf32, #tpu.memory_space<vmem_shared>>
      %dma_start3A_241 = arith.constant 0 : i32
      %dma_start3A_242 = tpu.memref_slice %arg10[%add3A_9, %dma_start3A_241] : memref<10000x80xf32, #tpu.memory_space<vmem_shared>> -> memref<128x80xf32, #tpu.memory_space<vmem_shared>>
      %dma_start3A_243 = arith.constant 0 : i32
      %dma_start3A_244 = arith.constant 0 : i32
      %dma_start3A_245 = tpu.memref_slice %arg9[%run_scoped3A, %dma_start3A_243, %dma_start3A_244] : memref<4x128x80xf32, #tpu.memory_space<vmem>> -> memref<1x128x80xf32, #tpu.memory_space<vmem>>
      %dma_start3A_246 = tpu.memref_squeeze %dma_start3A_245 : memref<1x128x80xf32, #tpu.memory_space<vmem>> -> memref<128x80xf32, #tpu.memory_space<vmem>>
      tpu.enqueue_dma source(%dma_start3A_246 : memref<128x80xf32, #tpu.memory_space<vmem>>) target(%dma_start3A_242 : memref<128x80xf32, #tpu.memory_space<vmem_shared>>) target_semaphore(%run_scoped3A_234 : memref<!tpu.dma_semaphore, #tpu.memory_space<semaphore_mem>>)
      %dma_wait3A_247 = arith.constant 0 : i32
      %dma_wait3A_248 = arith.constant 0 : i32
      %dma_wait3A_249 = tpu.memref_slice %arg9[%run_scoped3A, %dma_wait3A_247, %dma_wait3A_248] : memref<4x128x80xf32, #tpu.memory_space<vmem>> -> memref<1x128x80xf32, #tpu.memory_space<vmem>>
      %dma_wait3A_250 = tpu.memref_squeeze %dma_wait3A_249 : memref<1x128x80xf32, #tpu.memory_space<vmem>> -> memref<128x80xf32, #tpu.memory_space<vmem>>
      %dma_wait3A_251 = arith.constant 0 : i32
      %dma_wait3A_252 = tpu.memref_slice %arg10[%add3A_9, %dma_wait3A_251] : memref<10000x80xf32, #tpu.memory_space<vmem_shared>> -> memref<128x80xf32, #tpu.memory_space<vmem_shared>>
      %dma_wait3A_253 = arith.constant 0 : i32
      %dma_wait3A_254 = tpu.memref_slice %arg10[%add3A_9, %dma_wait3A_253] : memref<10000x80xf32, #tpu.memory_space<vmem_shared>> -> memref<128x80xf32, #tpu.memory_space<vmem_shared>>
      %dma_wait3A_255 = arith.constant 0 : i32
      %dma_wait3A_256 = arith.constant 0 : i32
      %dma_wait3A_257 = tpu.memref_slice %arg9[%run_scoped3A, %dma_wait3A_255, %dma_wait3A_256] : memref<4x128x80xf32, #tpu.memory_space<vmem>> -> memref<1x128x80xf32, #tpu.memory_space<vmem>>
      %dma_wait3A_258 = tpu.memref_squeeze %dma_wait3A_257 : memref<1x128x80xf32, #tpu.memory_space<vmem>> -> memref<128x80xf32, #tpu.memory_space<vmem>>
      tpu.wait_dma2 semaphore(%run_scoped3A_234 : memref<!tpu.dma_semaphore, #tpu.memory_space<semaphore_mem>>) src(%dma_wait3A_258 : memref<128x80xf32, #tpu.memory_space<vmem>>) dst(%dma_wait3A_254 : memref<128x80xf32, #tpu.memory_space<vmem_shared>>)
      tpu.yield
    }) : () -> ()
    %add3A_10 = arith.constant 128 : i32
    %add3A_11 = arith.addi %mul3A_7, %add3A_10 : i32
    %run_scoped3A_12 = arith.constant 0 : i32
    "tpu.region"() ({
      %run_scoped3A_234 = tpu.sem_alloc : memref<!tpu.dma_semaphore, #tpu.memory_space<semaphore_mem>>
      %dma_start3A_235 = arith.constant 0 : i32
      %dma_start3A_236 = arith.constant 0 : i32
      %dma_start3A_237 = tpu.memref_slice %arg9[%run_scoped3A_12, %dma_start3A_235, %dma_start3A_236] : memref<4x128x80xf32, #tpu.memory_space<vmem>> -> memref<1x128x80xf32, #tpu.memory_space<vmem>>
      %dma_start3A_238 = tpu.memref_squeeze %dma_start3A_237 : memref<1x128x80xf32, #tpu.memory_space<vmem>> -> memref<128x80xf32, #tpu.memory_space<vmem>>
      %dma_start3A_239 = arith.constant 0 : i32
      %dma_start3A_240 = tpu.memref_slice %arg10[%add3A_11, %dma_start3A_239] : memref<10000x80xf32, #tpu.memory_space<vmem_shared>> -> memref<128x80xf32, #tpu.memory_space<vmem_shared>>
      %dma_start3A_241 = arith.constant 0 : i32
      %dma_start3A_242 = tpu.memref_slice %arg10[%add3A_11, %dma_start3A_241] : memref<10000x80xf32, #tpu.memory_space<vmem_shared>> -> memref<128x80xf32, #tpu.memory_space<vmem_shared>>
      %dma_start3A_243 = arith.constant 0 : i32
      %dma_start3A_244 = arith.constant 0 : i32
      %dma_start3A_245 = tpu.memref_slice %arg9[%run_scoped3A_12, %dma_start3A_243, %dma_start3A_244] : memref<4x128x80xf32, #tpu.memory_space<vmem>> -> memref<1x128x80xf32, #tpu.memory_space<vmem>>
      %dma_start3A_246 = tpu.memref_squeeze %dma_start3A_245 : memref<1x128x80xf32, #tpu.memory_space<vmem>> -> memref<128x80xf32, #tpu.memory_space<vmem>>
      tpu.enqueue_dma source(%dma_start3A_246 : memref<128x80xf32, #tpu.memory_space<vmem>>) target(%dma_start3A_242 : memref<128x80xf32, #tpu.memory_space<vmem_shared>>) target_semaphore(%run_scoped3A_234 : memref<!tpu.dma_semaphore, #tpu.memory_space<semaphore_mem>>)
      %dma_wait3A_247 = arith.constant 0 : i32
      %dma_wait3A_248 = arith.constant 0 : i32
      %dma_wait3A_249 = tpu.memref_slice %arg9[%run_scoped3A_12, %dma_wait3A_247, %dma_wait3A_248] : memref<4x128x80xf32, #tpu.memory_space<vmem>> -> memref<1x128x80xf32, #tpu.memory_space<vmem>>
      %dma_wait3A_250 = tpu.memref_squeeze %dma_wait3A_249 : memref<1x128x80xf32, #tpu.memory_space<vmem>> -> memref<128x80xf32, #tpu.memory_space<vmem>>
      %dma_wait3A_251 = arith.constant 0 : i32
      %dma_wait3A_252 = tpu.memref_slice %arg10[%add3A_11, %dma_wait3A_251] : memref<10000x80xf32, #tpu.memory_space<vmem_shared>> -> memref<128x80xf32, #tpu.memory_space<vmem_shared>>
      %dma_wait3A_253 = arith.constant 0 : i32
      %dma_wait3A_254 = tpu.memref_slice %arg10[%add3A_11, %dma_wait3A_253] : memref<10000x80xf32, #tpu.memory_space<vmem_shared>> -> memref<128x80xf32, #tpu.memory_space<vmem_shared>>
      %dma_wait3A_255 = arith.constant 0 : i32
      %dma_wait3A_256 = arith.constant 0 : i32
      %dma_wait3A_257 = tpu.memref_slice %arg9[%run_scoped3A_12, %dma_wait3A_255, %dma_wait3A_256] : memref<4x128x80xf32, #tpu.memory_space<vmem>> -> memref<1x128x80xf32, #tpu.memory_space<vmem>>
      %dma_wait3A_258 = tpu.memref_squeeze %dma_wait3A_257 : memref<1x128x80xf32, #tpu.memory_space<vmem>> -> memref<128x80xf32, #tpu.memory_space<vmem>>
      tpu.wait_dma2 semaphore(%run_scoped3A_234 : memref<!tpu.dma_semaphore, #tpu.memory_space<semaphore_mem>>) src(%dma_wait3A_258 : memref<128x80xf32, #tpu.memory_space<vmem>>) dst(%dma_wait3A_254 : memref<128x80xf32, #tpu.memory_space<vmem_shared>>)
      tpu.yield
    }) : () -> ()
    %add3A_13 = arith.constant 256 : i32
    %add3A_14 = arith.addi %mul3A_7, %add3A_13 : i32
    %run_scoped3A_15 = arith.constant 0 : i32
    "tpu.region"() ({
      %run_scoped3A_234 = tpu.sem_alloc : memref<!tpu.dma_semaphore, #tpu.memory_space<semaphore_mem>>
      %dma_start3A_235 = arith.constant 0 : i32
      %dma_start3A_236 = arith.constant 0 : i32
      %dma_start3A_237 = tpu.memref_slice %arg9[%run_scoped3A_15, %dma_start3A_235, %dma_start3A_236] : memref<4x128x80xf32, #tpu.memory_space<vmem>> -> memref<1x128x80xf32, #tpu.memory_space<vmem>>
      %dma_start3A_238 = tpu.memref_squeeze %dma_start3A_237 : memref<1x128x80xf32, #tpu.memory_space<vmem>> -> memref<128x80xf32, #tpu.memory_space<vmem>>
      %dma_start3A_239 = arith.constant 0 : i32
      %dma_start3A_240 = tpu.memref_slice %arg10[%add3A_14, %dma_start3A_239] : memref<10000x80xf32, #tpu.memory_space<vmem_shared>> -> memref<128x80xf32, #tpu.memory_space<vmem_shared>>
      %dma_start3A_241 = arith.constant 0 : i32
      %dma_start3A_242 = tpu.memref_slice %arg10[%add3A_14, %dma_start3A_241] : memref<10000x80xf32, #tpu.memory_space<vmem_shared>> -> memref<128x80xf32, #tpu.memory_space<vmem_shared>>
      %dma_start3A_243 = arith.constant 0 : i32
      %dma_start3A_244 = arith.constant 0 : i32
      %dma_start3A_245 = tpu.memref_slice %arg9[%run_scoped3A_15, %dma_start3A_243, %dma_start3A_244] : memref<4x128x80xf32, #tpu.memory_space<vmem>> -> memref<1x128x80xf32, #tpu.memory_space<vmem>>
      %dma_start3A_246 = tpu.memref_squeeze %dma_start3A_245 : memref<1x128x80xf32, #tpu.memory_space<vmem>> -> memref<128x80xf32, #tpu.memory_space<vmem>>
      tpu.enqueue_dma source(%dma_start3A_246 : memref<128x80xf32, #tpu.memory_space<vmem>>) target(%dma_start3A_242 : memref<128x80xf32, #tpu.memory_space<vmem_shared>>) target_semaphore(%run_scoped3A_234 : memref<!tpu.dma_semaphore, #tpu.memory_space<semaphore_mem>>)
      %dma_wait3A_247 = arith.constant 0 : i32
      %dma_wait3A_248 = arith.constant 0 : i32
      %dma_wait3A_249 = tpu.memref_slice %arg9[%run_scoped3A_15, %dma_wait3A_247, %dma_wait3A_248] : memref<4x128x80xf32, #tpu.memory_space<vmem>> -> memref<1x128x80xf32, #tpu.memory_space<vmem>>
      %dma_wait3A_250 = tpu.memref_squeeze %dma_wait3A_249 : memref<1x128x80xf32, #tpu.memory_space<vmem>> -> memref<128x80xf32, #tpu.memory_space<vmem>>
      %dma_wait3A_251 = arith.constant 0 : i32
      %dma_wait3A_252 = tpu.memref_slice %arg10[%add3A_14, %dma_wait3A_251] : memref<10000x80xf32, #tpu.memory_space<vmem_shared>> -> memref<128x80xf32, #tpu.memory_space<vmem_shared>>
      %dma_wait3A_253 = arith.constant 0 : i32
      %dma_wait3A_254 = tpu.memref_slice %arg10[%add3A_14, %dma_wait3A_253] : memref<10000x80xf32, #tpu.memory_space<vmem_shared>> -> memref<128x80xf32, #tpu.memory_space<vmem_shared>>
      %dma_wait3A_255 = arith.constant 0 : i32
      %dma_wait3A_256 = arith.constant 0 : i32
      %dma_wait3A_257 = tpu.memref_slice %arg9[%run_scoped3A_15, %dma_wait3A_255, %dma_wait3A_256] : memref<4x128x80xf32, #tpu.memory_space<vmem>> -> memref<1x128x80xf32, #tpu.memory_space<vmem>>
      %dma_wait3A_258 = tpu.memref_squeeze %dma_wait3A_257 : memref<1x128x80xf32, #tpu.memory_space<vmem>> -> memref<128x80xf32, #tpu.memory_space<vmem>>
      tpu.wait_dma2 semaphore(%run_scoped3A_234 : memref<!tpu.dma_semaphore, #tpu.memory_space<semaphore_mem>>) src(%dma_wait3A_258 : memref<128x80xf32, #tpu.memory_space<vmem>>) dst(%dma_wait3A_254 : memref<128x80xf32, #tpu.memory_space<vmem_shared>>)
      tpu.yield
    }) : () -> ()
    %add3A_16 = arith.constant 384 : i32
    %add3A_17 = arith.addi %mul3A_7, %add3A_16 : i32
    %run_scoped3A_18 = arith.constant 0 : i32
    "tpu.region"() ({
      %run_scoped3A_234 = tpu.sem_alloc : memref<!tpu.dma_semaphore, #tpu.memory_space<semaphore_mem>>
      %dma_start3A_235 = arith.constant 0 : i32
      %dma_start3A_236 = arith.constant 0 : i32
      %dma_start3A_237 = tpu.memref_slice %arg9[%run_scoped3A_18, %dma_start3A_235, %dma_start3A_236] : memref<4x128x80xf32, #tpu.memory_space<vmem>> -> memref<1x128x80xf32, #tpu.memory_space<vmem>>
      %dma_start3A_238 = tpu.memref_squeeze %dma_start3A_237 : memref<1x128x80xf32, #tpu.memory_space<vmem>> -> memref<128x80xf32, #tpu.memory_space<vmem>>
      %dma_start3A_239 = arith.constant 0 : i32
      %dma_start3A_240 = tpu.memref_slice %arg10[%add3A_17, %dma_start3A_239] : memref<10000x80xf32, #tpu.memory_space<vmem_shared>> -> memref<128x80xf32, #tpu.memory_space<vmem_shared>>
      %dma_start3A_241 = arith.constant 0 : i32
      %dma_start3A_242 = tpu.memref_slice %arg10[%add3A_17, %dma_start3A_241] : memref<10000x80xf32, #tpu.memory_space<vmem_shared>> -> memref<128x80xf32, #tpu.memory_space<vmem_shared>>
      %dma_start3A_243 = arith.constant 0 : i32
      %dma_start3A_244 = arith.constant 0 : i32
      %dma_start3A_245 = tpu.memref_slice %arg9[%run_scoped3A_18, %dma_start3A_243, %dma_start3A_244] : memref<4x128x80xf32, #tpu.memory_space<vmem>> -> memref<1x128x80xf32, #tpu.memory_space<vmem>>
      %dma_start3A_246 = tpu.memref_squeeze %dma_start3A_245 : memref<1x128x80xf32, #tpu.memory_space<vmem>> -> memref<128x80xf32, #tpu.memory_space<vmem>>
      tpu.enqueue_dma source(%dma_start3A_246 : memref<128x80xf32, #tpu.memory_space<vmem>>) target(%dma_start3A_242 : memref<128x80xf32, #tpu.memory_space<vmem_shared>>) target_semaphore(%run_scoped3A_234 : memref<!tpu.dma_semaphore, #tpu.memory_space<semaphore_mem>>)
      %dma_wait3A_247 = arith.constant 0 : i32
      %dma_wait3A_248 = arith.constant 0 : i32
      %dma_wait3A_249 = tpu.memref_slice %arg9[%run_scoped3A_18, %dma_wait3A_247, %dma_wait3A_248] : memref<4x128x80xf32, #tpu.memory_space<vmem>> -> memref<1x128x80xf32, #tpu.memory_space<vmem>>
      %dma_wait3A_250 = tpu.memref_squeeze %dma_wait3A_249 : memref<1x128x80xf32, #tpu.memory_space<vmem>> -> memref<128x80xf32, #tpu.memory_space<vmem>>
      %dma_wait3A_251 = arith.constant 0 : i32
      %dma_wait3A_252 = tpu.memref_slice %arg10[%add3A_17, %dma_wait3A_251] : memref<10000x80xf32, #tpu.memory_space<vmem_shared>> -> memref<128x80xf32, #tpu.memory_space<vmem_shared>>
      %dma_wait3A_253 = arith.constant 0 : i32
      %dma_wait3A_254 = tpu.memref_slice %arg10[%add3A_17, %dma_wait3A_253] : memref<10000x80xf32, #tpu.memory_space<vmem_shared>> -> memref<128x80xf32, #tpu.memory_space<vmem_shared>>
      %dma_wait3A_255 = arith.constant 0 : i32
      %dma_wait3A_256 = arith.constant 0 : i32
      %dma_wait3A_257 = tpu.memref_slice %arg9[%run_scoped3A_18, %dma_wait3A_255, %dma_wait3A_256] : memref<4x128x80xf32, #tpu.memory_space<vmem>> -> memref<1x128x80xf32, #tpu.memory_space<vmem>>
      %dma_wait3A_258 = tpu.memref_squeeze %dma_wait3A_257 : memref<1x128x80xf32, #tpu.memory_space<vmem>> -> memref<128x80xf32, #tpu.memory_space<vmem>>
      tpu.wait_dma2 semaphore(%run_scoped3A_234 : memref<!tpu.dma_semaphore, #tpu.memory_space<semaphore_mem>>) src(%dma_wait3A_258 : memref<128x80xf32, #tpu.memory_space<vmem>>) dst(%dma_wait3A_254 : memref<128x80xf32, #tpu.memory_space<vmem_shared>>)
      tpu.yield
    }) : () -> ()
    %add3A_19 = arith.constant 512 : i32
    %add3A_20 = arith.addi %mul3A_7, %add3A_19 : i32
    %run_scoped3A_21 = arith.constant 0 : i32
    "tpu.region"() ({
      %run_scoped3A_234 = tpu.sem_alloc : memref<!tpu.dma_semaphore, #tpu.memory_space<semaphore_mem>>
      %dma_start3A_235 = arith.constant 0 : i32
      %dma_start3A_236 = arith.constant 0 : i32
      %dma_start3A_237 = tpu.memref_slice %arg9[%run_scoped3A_21, %dma_start3A_235, %dma_start3A_236] : memref<4x128x80xf32, #tpu.memory_space<vmem>> -> memref<1x113x80xf32, #tpu.memory_space<vmem>>
      %dma_start3A_238 = tpu.memref_squeeze %dma_start3A_237 : memref<1x113x80xf32, #tpu.memory_space<vmem>> -> memref<113x80xf32, #tpu.memory_space<vmem>>
      %dma_start3A_239 = arith.constant 0 : i32
      %dma_start3A_240 = tpu.memref_slice %arg10[%add3A_20, %dma_start3A_239] : memref<10000x80xf32, #tpu.memory_space<vmem_shared>> -> memref<113x80xf32, #tpu.memory_space<vmem_shared>>
      %dma_start3A_241 = arith.constant 0 : i32
      %dma_start3A_242 = tpu.memref_slice %arg10[%add3A_20, %dma_start3A_241] : memref<10000x80xf32, #tpu.memory_space<vmem_shared>> -> memref<113x80xf32, #tpu.memory_space<vmem_shared>>
      %dma_start3A_243 = arith.constant 0 : i32
      %dma_start3A_244 = arith.constant 0 : i32
      %dma_start3A_245 = tpu.memref_slice %arg9[%run_scoped3A_21, %dma_start3A_243, %dma_start3A_244] : memref<4x128x80xf32, #tpu.memory_space<vmem>> -> memref<1x113x80xf32, #tpu.memory_space<vmem>>
      %dma_start3A_246 = tpu.memref_squeeze %dma_start3A_245 : memref<1x113x80xf32, #tpu.memory_space<vmem>> -> memref<113x80xf32, #tpu.memory_space<vmem>>
      tpu.enqueue_dma source(%dma_start3A_246 : memref<113x80xf32, #tpu.memory_space<vmem>>) target(%dma_start3A_242 : memref<113x80xf32, #tpu.memory_space<vmem_shared>>) target_semaphore(%run_scoped3A_234 : memref<!tpu.dma_semaphore, #tpu.memory_space<semaphore_mem>>)
      %dma_wait3A_247 = arith.constant 0 : i32
      %dma_wait3A_248 = arith.constant 0 : i32
      %dma_wait3A_249 = tpu.memref_slice %arg9[%run_scoped3A_21, %dma_wait3A_247, %dma_wait3A_248] : memref<4x128x80xf32, #tpu.memory_space<vmem>> -> memref<1x113x80xf32, #tpu.memory_space<vmem>>
      %dma_wait3A_250 = tpu.memref_squeeze %dma_wait3A_249 : memref<1x113x80xf32, #tpu.memory_space<vmem>> -> memref<113x80xf32, #tpu.memory_space<vmem>>
      %dma_wait3A_251 = arith.constant 0 : i32
      %dma_wait3A_252 = tpu.memref_slice %arg10[%add3A_20, %dma_wait3A_251] : memref<10000x80xf32, #tpu.memory_space<vmem_shared>> -> memref<113x80xf32, #tpu.memory_space<vmem_shared>>
      %dma_wait3A_253 = arith.constant 0 : i32
      %dma_wait3A_254 = tpu.memref_slice %arg10[%add3A_20, %dma_wait3A_253] : memref<10000x80xf32, #tpu.memory_space<vmem_shared>> -> memref<113x80xf32, #tpu.memory_space<vmem_shared>>
      %dma_wait3A_255 = arith.constant 0 : i32
      %dma_wait3A_256 = arith.constant 0 : i32
      %dma_wait3A_257 = tpu.memref_slice %arg9[%run_scoped3A_21, %dma_wait3A_255, %dma_wait3A_256] : memref<4x128x80xf32, #tpu.memory_space<vmem>> -> memref<1x113x80xf32, #tpu.memory_space<vmem>>
      %dma_wait3A_258 = tpu.memref_squeeze %dma_wait3A_257 : memref<1x113x80xf32, #tpu.memory_space<vmem>> -> memref<113x80xf32, #tpu.memory_space<vmem>>
      tpu.wait_dma2 semaphore(%run_scoped3A_234 : memref<!tpu.dma_semaphore, #tpu.memory_space<semaphore_mem>>) src(%dma_wait3A_258 : memref<113x80xf32, #tpu.memory_space<vmem>>) dst(%dma_wait3A_254 : memref<113x80xf32, #tpu.memory_space<vmem_shared>>)
      tpu.yield
    }) : () -> ()
    %mul3A_22 = arith.constant 78 : i32
    %mul3A_23 = arith.muli %add3A, %mul3A_22 : i32
    %run_scoped3A_24 = arith.constant 0 : i32
    "tpu.region"() ({
      %run_scoped3A_234 = tpu.sem_alloc : memref<!tpu.dma_semaphore, #tpu.memory_space<semaphore_mem>>
      %dma_start3A_235 = arith.constant 0 : i32
      %dma_start3A_236 = arith.constant 0 : i32
      %dma_start3A_237 = tpu.memref_slice %arg3[%run_scoped3A_24, %dma_start3A_235, %dma_start3A_236] : memref<2x2500x128xi32, #tpu.memory_space<hbm>> -> memref<1x2500x128xi32, #tpu.memory_space<hbm>>
      %dma_start3A_238 = tpu.memref_squeeze %dma_start3A_237 : memref<1x2500x128xi32, #tpu.memory_space<hbm>> -> memref<2500x128xi32, #tpu.memory_space<hbm>>
      %dma_start3A_239 = arith.constant 0 : i32
      %dma_start3A_240 = tpu.memref_slice %dma_start3A_238[%mul3A_23, %dma_start3A_239] : memref<2500x128xi32, #tpu.memory_space<hbm>> -> memref<78x128xi32, #tpu.memory_space<hbm>>
      %dma_start3A_241 = arith.constant 0 : i32
      %dma_start3A_242 = arith.constant 0 : i32
      %dma_start3A_243 = tpu.memref_slice %arg3[%run_scoped3A_24, %dma_start3A_241, %dma_start3A_242] : memref<2x2500x128xi32, #tpu.memory_space<hbm>> -> memref<1x2500x128xi32, #tpu.memory_space<hbm>>
      %dma_start3A_244 = tpu.memref_squeeze %dma_start3A_243 : memref<1x2500x128xi32, #tpu.memory_space<hbm>> -> memref<2500x128xi32, #tpu.memory_space<hbm>>
      %dma_start3A_245 = arith.constant 0 : i32
      %dma_start3A_246 = tpu.memref_slice %dma_start3A_244[%mul3A_23, %dma_start3A_245] : memref<2500x128xi32, #tpu.memory_space<hbm>> -> memref<78x128xi32, #tpu.memory_space<hbm>>
      tpu.enqueue_dma source(%dma_start3A_246 : memref<78x128xi32, #tpu.memory_space<hbm>>) target(%arg5 : memref<78x128xi32, #tpu.memory_space<vmem>>) target_semaphore(%run_scoped3A_234 : memref<!tpu.dma_semaphore, #tpu.memory_space<semaphore_mem>>)
      %dma_wait3A_247 = arith.constant 0 : i32
      %dma_wait3A_248 = arith.constant 0 : i32
      %dma_wait3A_249 = tpu.memref_slice %arg3[%run_scoped3A_24, %dma_wait3A_247, %dma_wait3A_248] : memref<2x2500x128xi32, #tpu.memory_space<hbm>> -> memref<1x2500x128xi32, #tpu.memory_space<hbm>>
      %dma_wait3A_250 = tpu.memref_squeeze %dma_wait3A_249 : memref<1x2500x128xi32, #tpu.memory_space<hbm>> -> memref<2500x128xi32, #tpu.memory_space<hbm>>
      %dma_wait3A_251 = arith.constant 0 : i32
      %dma_wait3A_252 = tpu.memref_slice %dma_wait3A_250[%mul3A_23, %dma_wait3A_251] : memref<2500x128xi32, #tpu.memory_space<hbm>> -> memref<78x128xi32, #tpu.memory_space<hbm>>
      %dma_wait3A_253 = arith.constant 0 : i32
      %dma_wait3A_254 = arith.constant 0 : i32
      %dma_wait3A_255 = tpu.memref_slice %arg3[%run_scoped3A_24, %dma_wait3A_253, %dma_wait3A_254] : memref<2x2500x128xi32, #tpu.memory_space<hbm>> -> memref<1x2500x128xi32, #tpu.memory_space<hbm>>
      %dma_wait3A_256 = tpu.memref_squeeze %dma_wait3A_255 : memref<1x2500x128xi32, #tpu.memory_space<hbm>> -> memref<2500x128xi32, #tpu.memory_space<hbm>>
      %dma_wait3A_257 = arith.constant 0 : i32
      %dma_wait3A_258 = tpu.memref_slice %dma_wait3A_256[%mul3A_23, %dma_wait3A_257] : memref<2500x128xi32, #tpu.memory_space<hbm>> -> memref<78x128xi32, #tpu.memory_space<hbm>>
      tpu.wait_dma2 semaphore(%run_scoped3A_234 : memref<!tpu.dma_semaphore, #tpu.memory_space<semaphore_mem>>) src(%dma_wait3A_258 : memref<78x128xi32, #tpu.memory_space<hbm>>) dst(%arg5 : memref<78x128xi32, #tpu.memory_space<vmem>>)
      tpu.yield
    }) : () -> ()
    %mul3A_25 = arith.constant 78 : i32
    %mul3A_26 = arith.muli %add3A, %mul3A_25 : i32
    %run_scoped3A_27 = arith.constant 1 : i32
    "tpu.region"() ({
      %run_scoped3A_234 = tpu.sem_alloc : memref<!tpu.dma_semaphore, #tpu.memory_space<semaphore_mem>>
      %dma_start3A_235 = arith.constant 0 : i32
      %dma_start3A_236 = arith.constant 0 : i32
      %dma_start3A_237 = tpu.memref_slice %arg3[%run_scoped3A_27, %dma_start3A_235, %dma_start3A_236] : memref<2x2500x128xi32, #tpu.memory_space<hbm>> -> memref<1x2500x128xi32, #tpu.memory_space<hbm>>
      %dma_start3A_238 = tpu.memref_squeeze %dma_start3A_237 : memref<1x2500x128xi32, #tpu.memory_space<hbm>> -> memref<2500x128xi32, #tpu.memory_space<hbm>>
      %dma_start3A_239 = arith.constant 0 : i32
      %dma_start3A_240 = tpu.memref_slice %dma_start3A_238[%mul3A_26, %dma_start3A_239] : memref<2500x128xi32, #tpu.memory_space<hbm>> -> memref<78x128xi32, #tpu.memory_space<hbm>>
      %dma_start3A_241 = arith.constant 0 : i32
      %dma_start3A_242 = arith.constant 0 : i32
      %dma_start3A_243 = tpu.memref_slice %arg3[%run_scoped3A_27, %dma_start3A_241, %dma_start3A_242] : memref<2x2500x128xi32, #tpu.memory_space<hbm>> -> memref<1x2500x128xi32, #tpu.memory_space<hbm>>
      %dma_start3A_244 = tpu.memref_squeeze %dma_start3A_243 : memref<1x2500x128xi32, #tpu.memory_space<hbm>> -> memref<2500x128xi32, #tpu.memory_space<hbm>>
      %dma_start3A_245 = arith.constant 0 : i32
      %dma_start3A_246 = tpu.memref_slice %dma_start3A_244[%mul3A_26, %dma_start3A_245] : memref<2500x128xi32, #tpu.memory_space<hbm>> -> memref<78x128xi32, #tpu.memory_space<hbm>>
      tpu.enqueue_dma source(%dma_start3A_246 : memref<78x128xi32, #tpu.memory_space<hbm>>) target(%arg6 : memref<78x128xi32, #tpu.memory_space<vmem>>) target_semaphore(%run_scoped3A_234 : memref<!tpu.dma_semaphore, #tpu.memory_space<semaphore_mem>>)
      %dma_wait3A_247 = arith.constant 0 : i32
      %dma_wait3A_248 = arith.constant 0 : i32
      %dma_wait3A_249 = tpu.memref_slice %arg3[%run_scoped3A_27, %dma_wait3A_247, %dma_wait3A_248] : memref<2x2500x128xi32, #tpu.memory_space<hbm>> -> memref<1x2500x128xi32, #tpu.memory_space<hbm>>
      %dma_wait3A_250 = tpu.memref_squeeze %dma_wait3A_249 : memref<1x2500x128xi32, #tpu.memory_space<hbm>> -> memref<2500x128xi32, #tpu.memory_space<hbm>>
      %dma_wait3A_251 = arith.constant 0 : i32
      %dma_wait3A_252 = tpu.memref_slice %dma_wait3A_250[%mul3A_26, %dma_wait3A_251] : memref<2500x128xi32, #tpu.memory_space<hbm>> -> memref<78x128xi32, #tpu.memory_space<hbm>>
      %dma_wait3A_253 = arith.constant 0 : i32
      %dma_wait3A_254 = arith.constant 0 : i32
      %dma_wait3A_255 = tpu.memref_slice %arg3[%run_scoped3A_27, %dma_wait3A_253, %dma_wait3A_254] : memref<2x2500x128xi32, #tpu.memory_space<hbm>> -> memref<1x2500x128xi32, #tpu.memory_space<hbm>>
      %dma_wait3A_256 = tpu.memref_squeeze %dma_wait3A_255 : memref<1x2500x128xi32, #tpu.memory_space<hbm>> -> memref<2500x128xi32, #tpu.memory_space<hbm>>
      %dma_wait3A_257 = arith.constant 0 : i32
      %dma_wait3A_258 = tpu.memref_slice %dma_wait3A_256[%mul3A_26, %dma_wait3A_257] : memref<2500x128xi32, #tpu.memory_space<hbm>> -> memref<78x128xi32, #tpu.memory_space<hbm>>
      tpu.wait_dma2 semaphore(%run_scoped3A_234 : memref<!tpu.dma_semaphore, #tpu.memory_space<semaphore_mem>>) src(%dma_wait3A_258 : memref<78x128xi32, #tpu.memory_space<hbm>>) dst(%arg6 : memref<78x128xi32, #tpu.memory_space<vmem>>)
      tpu.yield
    }) : () -> ()
    %lt3A = arith.constant 4 : i32
    %lt3A_28 = arith.cmpi slt, %add3A, %lt3A : i32
    %convert_element_type3A = arith.extui %lt3A_28 : i1 to i32
    %cond3A = arith.constant 0 : i32
    %cond3A_29 = arith.constant 1 : i32
    %cond3A_30 = arith.constant 0 : i32
    %cond3A_31 = arith.cmpi ne, %convert_element_type3A, %cond3A_30 : i32
    scf.if %cond3A_31 {
      %add3A_234 = arith.constant 2496 : i32
      %add3A_235 = arith.addi %add3A_234, %add3A : i32
      "tpu.region"() ({
        %run_scoped3A_238 = tpu.sem_alloc : memref<!tpu.dma_semaphore, #tpu.memory_space<semaphore_mem>>
        %dma_start3A_239 = arith.constant 0 : i32
        %dma_start3A_240 = arith.constant 0 : i32
        %dma_start3A_241 = tpu.memref_slice %arg3[%cond3A, %dma_start3A_239, %dma_start3A_240] : memref<2x2500x128xi32, #tpu.memory_space<hbm>> -> memref<1x2500x128xi32, #tpu.memory_space<hbm>>
        %dma_start3A_242 = tpu.memref_squeeze %dma_start3A_241 : memref<1x2500x128xi32, #tpu.memory_space<hbm>> -> memref<2500x128xi32, #tpu.memory_space<hbm>>
        %dma_start3A_243 = arith.constant 0 : i32
        %dma_start3A_244 = tpu.memref_slice %dma_start3A_242[%add3A_235, %dma_start3A_243] : memref<2500x128xi32, #tpu.memory_space<hbm>> -> memref<1x128xi32, #tpu.memory_space<hbm>>
        %dma_start3A_245 = arith.constant 0 : i32
        %dma_start3A_246 = arith.constant 0 : i32
        %dma_start3A_247 = tpu.memref_slice %arg3[%cond3A, %dma_start3A_245, %dma_start3A_246] : memref<2x2500x128xi32, #tpu.memory_space<hbm>> -> memref<1x2500x128xi32, #tpu.memory_space<hbm>>
        %dma_start3A_248 = tpu.memref_squeeze %dma_start3A_247 : memref<1x2500x128xi32, #tpu.memory_space<hbm>> -> memref<2500x128xi32, #tpu.memory_space<hbm>>
        %dma_start3A_249 = arith.constant 0 : i32
        %dma_start3A_250 = tpu.memref_slice %dma_start3A_248[%add3A_235, %dma_start3A_249] : memref<2500x128xi32, #tpu.memory_space<hbm>> -> memref<1x128xi32, #tpu.memory_space<hbm>>
        tpu.enqueue_dma source(%dma_start3A_250 : memref<1x128xi32, #tpu.memory_space<hbm>>) target(%arg7 : memref<1x128xi32, #tpu.memory_space<vmem>>) target_semaphore(%run_scoped3A_238 : memref<!tpu.dma_semaphore, #tpu.memory_space<semaphore_mem>>)
        %dma_wait3A_251 = arith.constant 0 : i32
        %dma_wait3A_252 = arith.constant 0 : i32
        %dma_wait3A_253 = tpu.memref_slice %arg3[%cond3A, %dma_wait3A_251, %dma_wait3A_252] : memref<2x2500x128xi32, #tpu.memory_space<hbm>> -> memref<1x2500x128xi32, #tpu.memory_space<hbm>>
        %dma_wait3A_254 = tpu.memref_squeeze %dma_wait3A_253 : memref<1x2500x128xi32, #tpu.memory_space<hbm>> -> memref<2500x128xi32, #tpu.memory_space<hbm>>
        %dma_wait3A_255 = arith.constant 0 : i32
        %dma_wait3A_256 = tpu.memref_slice %dma_wait3A_254[%add3A_235, %dma_wait3A_255] : memref<2500x128xi32, #tpu.memory_space<hbm>> -> memref<1x128xi32, #tpu.memory_space<hbm>>
        %dma_wait3A_257 = arith.constant 0 : i32
        %dma_wait3A_258 = arith.constant 0 : i32
        %dma_wait3A_259 = tpu.memref_slice %arg3[%cond3A, %dma_wait3A_257, %dma_wait3A_258] : memref<2x2500x128xi32, #tpu.memory_space<hbm>> -> memref<1x2500x128xi32, #tpu.memory_space<hbm>>
        %dma_wait3A_260 = tpu.memref_squeeze %dma_wait3A_259 : memref<1x2500x128xi32, #tpu.memory_space<hbm>> -> memref<2500x128xi32, #tpu.memory_space<hbm>>
        %dma_wait3A_261 = arith.constant 0 : i32
        %dma_wait3A_262 = tpu.memref_slice %dma_wait3A_260[%add3A_235, %dma_wait3A_261] : memref<2500x128xi32, #tpu.memory_space<hbm>> -> memref<1x128xi32, #tpu.memory_space<hbm>>
        tpu.wait_dma2 semaphore(%run_scoped3A_238 : memref<!tpu.dma_semaphore, #tpu.memory_space<semaphore_mem>>) src(%dma_wait3A_262 : memref<1x128xi32, #tpu.memory_space<hbm>>) dst(%arg7 : memref<1x128xi32, #tpu.memory_space<vmem>>)
        tpu.yield
      }) : () -> ()
      %add3A_236 = arith.constant 2496 : i32
      %add3A_237 = arith.addi %add3A_236, %add3A : i32
      "tpu.region"() ({
        %run_scoped3A_238 = tpu.sem_alloc : memref<!tpu.dma_semaphore, #tpu.memory_space<semaphore_mem>>
        %dma_start3A_239 = arith.constant 0 : i32
        %dma_start3A_240 = arith.constant 0 : i32
        %dma_start3A_241 = tpu.memref_slice %arg3[%cond3A_29, %dma_start3A_239, %dma_start3A_240] : memref<2x2500x128xi32, #tpu.memory_space<hbm>> -> memref<1x2500x128xi32, #tpu.memory_space<hbm>>
        %dma_start3A_242 = tpu.memref_squeeze %dma_start3A_241 : memref<1x2500x128xi32, #tpu.memory_space<hbm>> -> memref<2500x128xi32, #tpu.memory_space<hbm>>
        %dma_start3A_243 = arith.constant 0 : i32
        %dma_start3A_244 = tpu.memref_slice %dma_start3A_242[%add3A_237, %dma_start3A_243] : memref<2500x128xi32, #tpu.memory_space<hbm>> -> memref<1x128xi32, #tpu.memory_space<hbm>>
        %dma_start3A_245 = arith.constant 0 : i32
        %dma_start3A_246 = arith.constant 0 : i32
        %dma_start3A_247 = tpu.memref_slice %arg3[%cond3A_29, %dma_start3A_245, %dma_start3A_246] : memref<2x2500x128xi32, #tpu.memory_space<hbm>> -> memref<1x2500x128xi32, #tpu.memory_space<hbm>>
        %dma_start3A_248 = tpu.memref_squeeze %dma_start3A_247 : memref<1x2500x128xi32, #tpu.memory_space<hbm>> -> memref<2500x128xi32, #tpu.memory_space<hbm>>
        %dma_start3A_249 = arith.constant 0 : i32
        %dma_start3A_250 = tpu.memref_slice %dma_start3A_248[%add3A_237, %dma_start3A_249] : memref<2500x128xi32, #tpu.memory_space<hbm>> -> memref<1x128xi32, #tpu.memory_space<hbm>>
        tpu.enqueue_dma source(%dma_start3A_250 : memref<1x128xi32, #tpu.memory_space<hbm>>) target(%arg8 : memref<1x128xi32, #tpu.memory_space<vmem>>) target_semaphore(%run_scoped3A_238 : memref<!tpu.dma_semaphore, #tpu.memory_space<semaphore_mem>>)
        %dma_wait3A_251 = arith.constant 0 : i32
        %dma_wait3A_252 = arith.constant 0 : i32
        %dma_wait3A_253 = tpu.memref_slice %arg3[%cond3A_29, %dma_wait3A_251, %dma_wait3A_252] : memref<2x2500x128xi32, #tpu.memory_space<hbm>> -> memref<1x2500x128xi32, #tpu.memory_space<hbm>>
        %dma_wait3A_254 = tpu.memref_squeeze %dma_wait3A_253 : memref<1x2500x128xi32, #tpu.memory_space<hbm>> -> memref<2500x128xi32, #tpu.memory_space<hbm>>
        %dma_wait3A_255 = arith.constant 0 : i32
        %dma_wait3A_256 = tpu.memref_slice %dma_wait3A_254[%add3A_237, %dma_wait3A_255] : memref<2500x128xi32, #tpu.memory_space<hbm>> -> memref<1x128xi32, #tpu.memory_space<hbm>>
        %dma_wait3A_257 = arith.constant 0 : i32
        %dma_wait3A_258 = arith.constant 0 : i32
        %dma_wait3A_259 = tpu.memref_slice %arg3[%cond3A_29, %dma_wait3A_257, %dma_wait3A_258] : memref<2x2500x128xi32, #tpu.memory_space<hbm>> -> memref<1x2500x128xi32, #tpu.memory_space<hbm>>
        %dma_wait3A_260 = tpu.memref_squeeze %dma_wait3A_259 : memref<1x2500x128xi32, #tpu.memory_space<hbm>> -> memref<2500x128xi32, #tpu.memory_space<hbm>>
        %dma_wait3A_261 = arith.constant 0 : i32
        %dma_wait3A_262 = tpu.memref_slice %dma_wait3A_260[%add3A_237, %dma_wait3A_261] : memref<2500x128xi32, #tpu.memory_space<hbm>> -> memref<1x128xi32, #tpu.memory_space<hbm>>
        tpu.wait_dma2 semaphore(%run_scoped3A_238 : memref<!tpu.dma_semaphore, #tpu.memory_space<semaphore_mem>>) src(%dma_wait3A_262 : memref<1x128xi32, #tpu.memory_space<hbm>>) dst(%arg8 : memref<1x128xi32, #tpu.memory_space<vmem>>)
        tpu.yield
      }) : () -> ()
    } else {
    }
    %barrier3A = arith.constant 0 : index
    tpu.barrier barrier_id(%barrier3A)
    %dma_start3A = arith.constant 0 : i32
    %dma_start3A_32 = arith.constant 0 : i32
    %dma_start3A_33 = arith.constant 0 : i32
    %dma_start3A_34 = arith.constant 0 : i32
    %dma_start3A_35 = arith.constant 0 : i32
    %dma_start3A_36 = tpu.memref_slice %arg9[%dma_start3A_32, %dma_start3A_34, %dma_start3A_35] : memref<4x128x80xf32, #tpu.memory_space<vmem>> -> memref<1x128x80xf32, #tpu.memory_space<vmem>>
    %dma_start3A_37 = tpu.memref_squeeze %dma_start3A_36 : memref<1x128x80xf32, #tpu.memory_space<vmem>> -> memref<128x80xf32, #tpu.memory_space<vmem>>
    %dma_start3A_38 = arith.constant 0 : i32
    %dma_start3A_39 = tpu.memref_slice %arg5[%dma_start3A, %dma_start3A_38] : memref<78x128xi32, #tpu.memory_space<vmem>> -> memref<1x128xi32, #tpu.memory_space<vmem>>
    %dma_start3A_40 = tpu.memref_squeeze %dma_start3A_39 : memref<1x128xi32, #tpu.memory_space<vmem>> -> memref<128xi32, #tpu.memory_space<vmem>>
    %dma_start3A_41 = arith.constant 0 : i32
    %dma_start3A_42 = arith.constant 0 : i32
    %dma_start3A_43 = tpu.memref_slice %arg2[%dma_start3A_41, %dma_start3A_42] : memref<10000x80xf32, #tpu.memory_space<hbm>> -> memref<10000x80xf32, #tpu.memory_space<hbm>>
    %dma_start3A_44 = tpu.memref_slice %arg11[%dma_start3A_33] : memref<4x!tpu.dma_semaphore, #tpu.memory_space<semaphore_mem>> -> memref<1x!tpu.dma_semaphore, #tpu.memory_space<semaphore_mem>>
    %dma_start3A_45 = tpu.memref_squeeze %dma_start3A_44 : memref<1x!tpu.dma_semaphore, #tpu.memory_space<semaphore_mem>> -> memref<!tpu.dma_semaphore, #tpu.memory_space<semaphore_mem>>
    tpu.enqueue_indirect_dma source(%dma_start3A_43 : memref<10000x80xf32, #tpu.memory_space<hbm>>) target(%dma_start3A_37 : memref<128x80xf32, #tpu.memory_space<vmem>>) offsets(%dma_start3A_40 : memref<128xi32, #tpu.memory_space<vmem>>) semaphore(%dma_start3A_45 : memref<!tpu.dma_semaphore, #tpu.memory_space<semaphore_mem>>)
    %dma_start3A_46 = arith.constant 1 : i32
    %dma_start3A_47 = arith.constant 1 : i32
    %dma_start3A_48 = arith.constant 1 : i32
    %dma_start3A_49 = arith.constant 0 : i32
    %dma_start3A_50 = arith.constant 0 : i32
    %dma_start3A_51 = tpu.memref_slice %arg9[%dma_start3A_47, %dma_start3A_49, %dma_start3A_50] : memref<4x128x80xf32, #tpu.memory_space<vmem>> -> memref<1x128x80xf32, #tpu.memory_space<vmem>>
    %dma_start3A_52 = tpu.memref_squeeze %dma_start3A_51 : memref<1x128x80xf32, #tpu.memory_space<vmem>> -> memref<128x80xf32, #tpu.memory_space<vmem>>
    %dma_start3A_53 = arith.constant 0 : i32
    %dma_start3A_54 = tpu.memref_slice %arg5[%dma_start3A_46, %dma_start3A_53] : memref<78x128xi32, #tpu.memory_space<vmem>> -> memref<1x128xi32, #tpu.memory_space<vmem>>
    %dma_start3A_55 = tpu.memref_squeeze %dma_start3A_54 : memref<1x128xi32, #tpu.memory_space<vmem>> -> memref<128xi32, #tpu.memory_space<vmem>>
    %dma_start3A_56 = arith.constant 0 : i32
    %dma_start3A_57 = arith.constant 0 : i32
    %dma_start3A_58 = tpu.memref_slice %arg2[%dma_start3A_56, %dma_start3A_57] : memref<10000x80xf32, #tpu.memory_space<hbm>> -> memref<10000x80xf32, #tpu.memory_space<hbm>>
    %dma_start3A_59 = tpu.memref_slice %arg11[%dma_start3A_48] : memref<4x!tpu.dma_semaphore, #tpu.memory_space<semaphore_mem>> -> memref<1x!tpu.dma_semaphore, #tpu.memory_space<semaphore_mem>>
    %dma_start3A_60 = tpu.memref_squeeze %dma_start3A_59 : memref<1x!tpu.dma_semaphore, #tpu.memory_space<semaphore_mem>> -> memref<!tpu.dma_semaphore, #tpu.memory_space<semaphore_mem>>
    tpu.enqueue_indirect_dma source(%dma_start3A_58 : memref<10000x80xf32, #tpu.memory_space<hbm>>) target(%dma_start3A_52 : memref<128x80xf32, #tpu.memory_space<vmem>>) offsets(%dma_start3A_55 : memref<128xi32, #tpu.memory_space<vmem>>) semaphore(%dma_start3A_60 : memref<!tpu.dma_semaphore, #tpu.memory_space<semaphore_mem>>)
    %dma_start3A_61 = arith.constant 2 : i32
    %dma_start3A_62 = arith.constant 2 : i32
    %dma_start3A_63 = arith.constant 2 : i32
    %dma_start3A_64 = arith.constant 0 : i32
    %dma_start3A_65 = arith.constant 0 : i32
    %dma_start3A_66 = tpu.memref_slice %arg9[%dma_start3A_62, %dma_start3A_64, %dma_start3A_65] : memref<4x128x80xf32, #tpu.memory_space<vmem>> -> memref<1x128x80xf32, #tpu.memory_space<vmem>>
    %dma_start3A_67 = tpu.memref_squeeze %dma_start3A_66 : memref<1x128x80xf32, #tpu.memory_space<vmem>> -> memref<128x80xf32, #tpu.memory_space<vmem>>
    %dma_start3A_68 = arith.constant 0 : i32
    %dma_start3A_69 = tpu.memref_slice %arg5[%dma_start3A_61, %dma_start3A_68] : memref<78x128xi32, #tpu.memory_space<vmem>> -> memref<1x128xi32, #tpu.memory_space<vmem>>
    %dma_start3A_70 = tpu.memref_squeeze %dma_start3A_69 : memref<1x128xi32, #tpu.memory_space<vmem>> -> memref<128xi32, #tpu.memory_space<vmem>>
    %dma_start3A_71 = arith.constant 0 : i32
    %dma_start3A_72 = arith.constant 0 : i32
    %dma_start3A_73 = tpu.memref_slice %arg2[%dma_start3A_71, %dma_start3A_72] : memref<10000x80xf32, #tpu.memory_space<hbm>> -> memref<10000x80xf32, #tpu.memory_space<hbm>>
    %dma_start3A_74 = tpu.memref_slice %arg11[%dma_start3A_63] : memref<4x!tpu.dma_semaphore, #tpu.memory_space<semaphore_mem>> -> memref<1x!tpu.dma_semaphore, #tpu.memory_space<semaphore_mem>>
    %dma_start3A_75 = tpu.memref_squeeze %dma_start3A_74 : memref<1x!tpu.dma_semaphore, #tpu.memory_space<semaphore_mem>> -> memref<!tpu.dma_semaphore, #tpu.memory_space<semaphore_mem>>
    tpu.enqueue_indirect_dma source(%dma_start3A_73 : memref<10000x80xf32, #tpu.memory_space<hbm>>) target(%dma_start3A_67 : memref<128x80xf32, #tpu.memory_space<vmem>>) offsets(%dma_start3A_70 : memref<128xi32, #tpu.memory_space<vmem>>) semaphore(%dma_start3A_75 : memref<!tpu.dma_semaphore, #tpu.memory_space<semaphore_mem>>)
    %dma_start3A_76 = arith.constant 3 : i32
    %dma_start3A_77 = arith.constant 3 : i32
    %dma_start3A_78 = arith.constant 3 : i32
    %dma_start3A_79 = arith.constant 0 : i32
    %dma_start3A_80 = arith.constant 0 : i32
    %dma_start3A_81 = tpu.memref_slice %arg9[%dma_start3A_77, %dma_start3A_79, %dma_start3A_80] : memref<4x128x80xf32, #tpu.memory_space<vmem>> -> memref<1x128x80xf32, #tpu.memory_space<vmem>>
    %dma_start3A_82 = tpu.memref_squeeze %dma_start3A_81 : memref<1x128x80xf32, #tpu.memory_space<vmem>> -> memref<128x80xf32, #tpu.memory_space<vmem>>
    %dma_start3A_83 = arith.constant 0 : i32
    %dma_start3A_84 = tpu.memref_slice %arg5[%dma_start3A_76, %dma_start3A_83] : memref<78x128xi32, #tpu.memory_space<vmem>> -> memref<1x128xi32, #tpu.memory_space<vmem>>
    %dma_start3A_85 = tpu.memref_squeeze %dma_start3A_84 : memref<1x128xi32, #tpu.memory_space<vmem>> -> memref<128xi32, #tpu.memory_space<vmem>>
    %dma_start3A_86 = arith.constant 0 : i32
    %dma_start3A_87 = arith.constant 0 : i32
    %dma_start3A_88 = tpu.memref_slice %arg2[%dma_start3A_86, %dma_start3A_87] : memref<10000x80xf32, #tpu.memory_space<hbm>> -> memref<10000x80xf32, #tpu.memory_space<hbm>>
    %dma_start3A_89 = tpu.memref_slice %arg11[%dma_start3A_78] : memref<4x!tpu.dma_semaphore, #tpu.memory_space<semaphore_mem>> -> memref<1x!tpu.dma_semaphore, #tpu.memory_space<semaphore_mem>>
    %dma_start3A_90 = tpu.memref_squeeze %dma_start3A_89 : memref<1x!tpu.dma_semaphore, #tpu.memory_space<semaphore_mem>> -> memref<!tpu.dma_semaphore, #tpu.memory_space<semaphore_mem>>
    tpu.enqueue_indirect_dma source(%dma_start3A_88 : memref<10000x80xf32, #tpu.memory_space<hbm>>) target(%dma_start3A_82 : memref<128x80xf32, #tpu.memory_space<vmem>>) offsets(%dma_start3A_85 : memref<128xi32, #tpu.memory_space<vmem>>) semaphore(%dma_start3A_90 : memref<!tpu.dma_semaphore, #tpu.memory_space<semaphore_mem>>)
    %scan3A_91 = arith.constant 0 : i32
    %scan3A_92 = arith.constant 0 : i32
    %scan3A_93 = arith.constant 18 : i32
    %scan3A_94 = arith.addi %scan3A_92, %scan3A_93 : i32
    %scan3A_95 = arith.constant 1 : i32
    scf.for %scan3A_234 = %scan3A_92 to %scan3A_94 step %scan3A_95  : i32 {
      %mul3A_235 = arith.constant 4 : i32
      %mul3A_236 = arith.muli %scan3A_234, %mul3A_235 : i32
      %add3A_237 = arith.constant 0 : i32
      %add3A_238 = arith.addi %mul3A_236, %add3A_237 : i32
      %dma_wait3A_239 = arith.constant 0 : i32
      %dma_wait3A_240 = arith.constant 0 : i32
      %dma_wait3A_241 = arith.constant 0 : i32
      %dma_wait3A_242 = arith.constant 0 : i32
      %dma_wait3A_243 = arith.constant 0 : i32
      %dma_wait3A_244 = tpu.memref_slice %arg9[%dma_wait3A_240, %dma_wait3A_242, %dma_wait3A_243] : memref<4x128x80xf32, #tpu.memory_space<vmem>> -> memref<1x128x80xf32, #tpu.memory_space<vmem>>
      %dma_wait3A_245 = tpu.memref_squeeze %dma_wait3A_244 : memref<1x128x80xf32, #tpu.memory_space<vmem>> -> memref<128x80xf32, #tpu.memory_space<vmem>>
      %dma_wait3A_246 = arith.constant 0 : i32
      %dma_wait3A_247 = tpu.memref_slice %arg5[%dma_wait3A_239, %dma_wait3A_246] : memref<78x128xi32, #tpu.memory_space<vmem>> -> memref<1x128xi32, #tpu.memory_space<vmem>>
      %dma_wait3A_248 = tpu.memref_squeeze %dma_wait3A_247 : memref<1x128xi32, #tpu.memory_space<vmem>> -> memref<128xi32, #tpu.memory_space<vmem>>
      %dma_wait3A_249 = arith.constant 0 : i32
      %dma_wait3A_250 = arith.constant 0 : i32
      %dma_wait3A_251 = tpu.memref_slice %arg2[%dma_wait3A_249, %dma_wait3A_250] : memref<10000x80xf32, #tpu.memory_space<hbm>> -> memref<10000x80xf32, #tpu.memory_space<hbm>>
      %dma_wait3A_252 = tpu.memref_slice %arg11[%dma_wait3A_241] : memref<4x!tpu.dma_semaphore, #tpu.memory_space<semaphore_mem>> -> memref<1x!tpu.dma_semaphore, #tpu.memory_space<semaphore_mem>>
      %dma_wait3A_253 = tpu.memref_squeeze %dma_wait3A_252 : memref<1x!tpu.dma_semaphore, #tpu.memory_space<semaphore_mem>> -> memref<!tpu.dma_semaphore, #tpu.memory_space<semaphore_mem>>
      tpu.wait_indirect_dma semaphore(%dma_wait3A_253 : memref<!tpu.dma_semaphore, #tpu.memory_space<semaphore_mem>>) src(%dma_wait3A_251 : memref<10000x80xf32, #tpu.memory_space<hbm>>) dst(%dma_wait3A_245 : memref<128x80xf32, #tpu.memory_space<vmem>>)
      %run_scoped3A_254 = arith.constant 0 : i32
      "tpu.region"() ({
        %run_scoped3A_379 = tpu.sem_alloc : memref<!tpu.dma_semaphore, #tpu.memory_space<semaphore_mem>>
        %dma_start3A_380 = arith.constant 0 : i32
        %dma_start3A_381 = arith.constant 0 : i32
        %dma_start3A_382 = tpu.memref_slice %arg9[%run_scoped3A_254, %dma_start3A_380, %dma_start3A_381] : memref<4x128x80xf32, #tpu.memory_space<vmem>> -> memref<1x128x80xf32, #tpu.memory_space<vmem>>
        %dma_start3A_383 = tpu.memref_squeeze %dma_start3A_382 : memref<1x128x80xf32, #tpu.memory_space<vmem>> -> memref<128x80xf32, #tpu.memory_space<vmem>>
        %dma_start3A_384 = arith.constant 0 : i32
        %dma_start3A_385 = tpu.memref_slice %arg6[%add3A_238, %dma_start3A_384] : memref<78x128xi32, #tpu.memory_space<vmem>> -> memref<1x128xi32, #tpu.memory_space<vmem>>
        %dma_start3A_386 = tpu.memref_squeeze %dma_start3A_385 : memref<1x128xi32, #tpu.memory_space<vmem>> -> memref<128xi32, #tpu.memory_space<vmem>>
        %dma_start3A_387 = arith.constant 0 : i32
        %dma_start3A_388 = arith.constant 0 : i32
        %dma_start3A_389 = tpu.memref_slice %arg10[%dma_start3A_387, %dma_start3A_388] : memref<10000x80xf32, #tpu.memory_space<vmem_shared>> -> memref<10000x80xf32, #tpu.memory_space<vmem_shared>>
        tpu.enqueue_indirect_dma source(%dma_start3A_383 : memref<128x80xf32, #tpu.memory_space<vmem>>) target(%dma_start3A_389 : memref<10000x80xf32, #tpu.memory_space<vmem_shared>>) offsets(%dma_start3A_386 : memref<128xi32, #tpu.memory_space<vmem>>) semaphore(%run_scoped3A_379 : memref<!tpu.dma_semaphore, #tpu.memory_space<semaphore_mem>>) {add = true}
        %dma_wait3A_390 = arith.constant 0 : i32
        %dma_wait3A_391 = arith.constant 0 : i32
        %dma_wait3A_392 = tpu.memref_slice %arg9[%run_scoped3A_254, %dma_wait3A_390, %dma_wait3A_391] : memref<4x128x80xf32, #tpu.memory_space<vmem>> -> memref<1x128x80xf32, #tpu.memory_space<vmem>>
        %dma_wait3A_393 = tpu.memref_squeeze %dma_wait3A_392 : memref<1x128x80xf32, #tpu.memory_space<vmem>> -> memref<128x80xf32, #tpu.memory_space<vmem>>
        %dma_wait3A_394 = arith.constant 0 : i32
        %dma_wait3A_395 = tpu.memref_slice %arg6[%add3A_238, %dma_wait3A_394] : memref<78x128xi32, #tpu.memory_space<vmem>> -> memref<1x128xi32, #tpu.memory_space<vmem>>
        %dma_wait3A_396 = tpu.memref_squeeze %dma_wait3A_395 : memref<1x128xi32, #tpu.memory_space<vmem>> -> memref<128xi32, #tpu.memory_space<vmem>>
        %dma_wait3A_397 = arith.constant 0 : i32
        %dma_wait3A_398 = arith.constant 0 : i32
        %dma_wait3A_399 = tpu.memref_slice %arg10[%dma_wait3A_397, %dma_wait3A_398] : memref<10000x80xf32, #tpu.memory_space<vmem_shared>> -> memref<10000x80xf32, #tpu.memory_space<vmem_shared>>
        tpu.wait_indirect_dma semaphore(%run_scoped3A_379 : memref<!tpu.dma_semaphore, #tpu.memory_space<semaphore_mem>>) src(%dma_wait3A_393 : memref<128x80xf32, #tpu.memory_space<vmem>>) dst(%dma_wait3A_399 : memref<10000x80xf32, #tpu.memory_space<vmem_shared>>)
        tpu.yield
      }) : () -> ()
      %add3A_255 = arith.constant 4 : i32
      %add3A_256 = arith.addi %add3A_238, %add3A_255 : i32
      %dma_start3A_257 = arith.constant 0 : i32
      %dma_start3A_258 = arith.constant 0 : i32
      %dma_start3A_259 = arith.constant 0 : i32
      %dma_start3A_260 = arith.constant 0 : i32
      %dma_start3A_261 = tpu.memref_slice %arg9[%dma_start3A_257, %dma_start3A_259, %dma_start3A_260] : memref<4x128x80xf32, #tpu.memory_space<vmem>> -> memref<1x128x80xf32, #tpu.memory_space<vmem>>
      %dma_start3A_262 = tpu.memref_squeeze %dma_start3A_261 : memref<1x128x80xf32, #tpu.memory_space<vmem>> -> memref<128x80xf32, #tpu.memory_space<vmem>>
      %dma_start3A_263 = arith.constant 0 : i32
      %dma_start3A_264 = tpu.memref_slice %arg5[%add3A_256, %dma_start3A_263] : memref<78x128xi32, #tpu.memory_space<vmem>> -> memref<1x128xi32, #tpu.memory_space<vmem>>
      %dma_start3A_265 = tpu.memref_squeeze %dma_start3A_264 : memref<1x128xi32, #tpu.memory_space<vmem>> -> memref<128xi32, #tpu.memory_space<vmem>>
      %dma_start3A_266 = arith.constant 0 : i32
      %dma_start3A_267 = arith.constant 0 : i32
      %dma_start3A_268 = tpu.memref_slice %arg2[%dma_start3A_266, %dma_start3A_267] : memref<10000x80xf32, #tpu.memory_space<hbm>> -> memref<10000x80xf32, #tpu.memory_space<hbm>>
      %dma_start3A_269 = tpu.memref_slice %arg11[%dma_start3A_258] : memref<4x!tpu.dma_semaphore, #tpu.memory_space<semaphore_mem>> -> memref<1x!tpu.dma_semaphore, #tpu.memory_space<semaphore_mem>>
      %dma_start3A_270 = tpu.memref_squeeze %dma_start3A_269 : memref<1x!tpu.dma_semaphore, #tpu.memory_space<semaphore_mem>> -> memref<!tpu.dma_semaphore, #tpu.memory_space<semaphore_mem>>
      tpu.enqueue_indirect_dma source(%dma_start3A_268 : memref<10000x80xf32, #tpu.memory_space<hbm>>) target(%dma_start3A_262 : memref<128x80xf32, #tpu.memory_space<vmem>>) offsets(%dma_start3A_265 : memref<128xi32, #tpu.memory_space<vmem>>) semaphore(%dma_start3A_270 : memref<!tpu.dma_semaphore, #tpu.memory_space<semaphore_mem>>)
      %mul3A_271 = arith.constant 4 : i32
      %mul3A_272 = arith.muli %scan3A_234, %mul3A_271 : i32
      %add3A_273 = arith.constant 1 : i32
      %add3A_274 = arith.addi %mul3A_272, %add3A_273 : i32
      %dma_wait3A_275 = arith.constant 0 : i32
      %dma_wait3A_276 = arith.constant 1 : i32
      %dma_wait3A_277 = arith.constant 1 : i32
      %dma_wait3A_278 = arith.constant 0 : i32
      %dma_wait3A_279 = arith.constant 0 : i32
      %dma_wait3A_280 = tpu.memref_slice %arg9[%dma_wait3A_276, %dma_wait3A_278, %dma_wait3A_279] : memref<4x128x80xf32, #tpu.memory_space<vmem>> -> memref<1x128x80xf32, #tpu.memory_space<vmem>>
      %dma_wait3A_281 = tpu.memref_squeeze %dma_wait3A_280 : memref<1x128x80xf32, #tpu.memory_space<vmem>> -> memref<128x80xf32, #tpu.memory_space<vmem>>
      %dma_wait3A_282 = arith.constant 0 : i32
      %dma_wait3A_283 = tpu.memref_slice %arg5[%dma_wait3A_275, %dma_wait3A_282] : memref<78x128xi32, #tpu.memory_space<vmem>> -> memref<1x128xi32, #tpu.memory_space<vmem>>
      %dma_wait3A_284 = tpu.memref_squeeze %dma_wait3A_283 : memref<1x128xi32, #tpu.memory_space<vmem>> -> memref<128xi32, #tpu.memory_space<vmem>>
      %dma_wait3A_285 = arith.constant 0 : i32
      %dma_wait3A_286 = arith.constant 0 : i32
      %dma_wait3A_287 = tpu.memref_slice %arg2[%dma_wait3A_285, %dma_wait3A_286] : memref<10000x80xf32, #tpu.memory_space<hbm>> -> memref<10000x80xf32, #tpu.memory_space<hbm>>
      %dma_wait3A_288 = tpu.memref_slice %arg11[%dma_wait3A_277] : memref<4x!tpu.dma_semaphore, #tpu.memory_space<semaphore_mem>> -> memref<1x!tpu.dma_semaphore, #tpu.memory_space<semaphore_mem>>
      %dma_wait3A_289 = tpu.memref_squeeze %dma_wait3A_288 : memref<1x!tpu.dma_semaphore, #tpu.memory_space<semaphore_mem>> -> memref<!tpu.dma_semaphore, #tpu.memory_space<semaphore_mem>>
      tpu.wait_indirect_dma semaphore(%dma_wait3A_289 : memref<!tpu.dma_semaphore, #tpu.memory_space<semaphore_mem>>) src(%dma_wait3A_287 : memref<10000x80xf32, #tpu.memory_space<hbm>>) dst(%dma_wait3A_281 : memref<128x80xf32, #tpu.memory_space<vmem>>)
      %run_scoped3A_290 = arith.constant 1 : i32
      "tpu.region"() ({
        %run_scoped3A_379 = tpu.sem_alloc : memref<!tpu.dma_semaphore, #tpu.memory_space<semaphore_mem>>
        %dma_start3A_380 = arith.constant 0 : i32
        %dma_start3A_381 = arith.constant 0 : i32
        %dma_start3A_382 = tpu.memref_slice %arg9[%run_scoped3A_290, %dma_start3A_380, %dma_start3A_381] : memref<4x128x80xf32, #tpu.memory_space<vmem>> -> memref<1x128x80xf32, #tpu.memory_space<vmem>>
        %dma_start3A_383 = tpu.memref_squeeze %dma_start3A_382 : memref<1x128x80xf32, #tpu.memory_space<vmem>> -> memref<128x80xf32, #tpu.memory_space<vmem>>
        %dma_start3A_384 = arith.constant 0 : i32
        %dma_start3A_385 = tpu.memref_slice %arg6[%add3A_274, %dma_start3A_384] : memref<78x128xi32, #tpu.memory_space<vmem>> -> memref<1x128xi32, #tpu.memory_space<vmem>>
        %dma_start3A_386 = tpu.memref_squeeze %dma_start3A_385 : memref<1x128xi32, #tpu.memory_space<vmem>> -> memref<128xi32, #tpu.memory_space<vmem>>
        %dma_start3A_387 = arith.constant 0 : i32
        %dma_start3A_388 = arith.constant 0 : i32
        %dma_start3A_389 = tpu.memref_slice %arg10[%dma_start3A_387, %dma_start3A_388] : memref<10000x80xf32, #tpu.memory_space<vmem_shared>> -> memref<10000x80xf32, #tpu.memory_space<vmem_shared>>
        tpu.enqueue_indirect_dma source(%dma_start3A_383 : memref<128x80xf32, #tpu.memory_space<vmem>>) target(%dma_start3A_389 : memref<10000x80xf32, #tpu.memory_space<vmem_shared>>) offsets(%dma_start3A_386 : memref<128xi32, #tpu.memory_space<vmem>>) semaphore(%run_scoped3A_379 : memref<!tpu.dma_semaphore, #tpu.memory_space<semaphore_mem>>) {add = true}
        %dma_wait3A_390 = arith.constant 0 : i32
        %dma_wait3A_391 = arith.constant 0 : i32
        %dma_wait3A_392 = tpu.memref_slice %arg9[%run_scoped3A_290, %dma_wait3A_390, %dma_wait3A_391] : memref<4x128x80xf32, #tpu.memory_space<vmem>> -> memref<1x128x80xf32, #tpu.memory_space<vmem>>
        %dma_wait3A_393 = tpu.memref_squeeze %dma_wait3A_392 : memref<1x128x80xf32, #tpu.memory_space<vmem>> -> memref<128x80xf32, #tpu.memory_space<vmem>>
        %dma_wait3A_394 = arith.constant 0 : i32
        %dma_wait3A_395 = tpu.memref_slice %arg6[%add3A_274, %dma_wait3A_394] : memref<78x128xi32, #tpu.memory_space<vmem>> -> memref<1x128xi32, #tpu.memory_space<vmem>>
        %dma_wait3A_396 = tpu.memref_squeeze %dma_wait3A_395 : memref<1x128xi32, #tpu.memory_space<vmem>> -> memref<128xi32, #tpu.memory_space<vmem>>
        %dma_wait3A_397 = arith.constant 0 : i32
        %dma_wait3A_398 = arith.constant 0 : i32
        %dma_wait3A_399 = tpu.memref_slice %arg10[%dma_wait3A_397, %dma_wait3A_398] : memref<10000x80xf32, #tpu.memory_space<vmem_shared>> -> memref<10000x80xf32, #tpu.memory_space<vmem_shared>>
        tpu.wait_indirect_dma semaphore(%run_scoped3A_379 : memref<!tpu.dma_semaphore, #tpu.memory_space<semaphore_mem>>) src(%dma_wait3A_393 : memref<128x80xf32, #tpu.memory_space<vmem>>) dst(%dma_wait3A_399 : memref<10000x80xf32, #tpu.memory_space<vmem_shared>>)
        tpu.yield
      }) : () -> ()
      %add3A_291 = arith.constant 4 : i32
      %add3A_292 = arith.addi %add3A_274, %add3A_291 : i32
      %dma_start3A_293 = arith.constant 1 : i32
      %dma_start3A_294 = arith.constant 1 : i32
      %dma_start3A_295 = arith.constant 0 : i32
      %dma_start3A_296 = arith.constant 0 : i32
      %dma_start3A_297 = tpu.memref_slice %arg9[%dma_start3A_293, %dma_start3A_295, %dma_start3A_296] : memref<4x128x80xf32, #tpu.memory_space<vmem>> -> memref<1x128x80xf32, #tpu.memory_space<vmem>>
      %dma_start3A_298 = tpu.memref_squeeze %dma_start3A_297 : memref<1x128x80xf32, #tpu.memory_space<vmem>> -> memref<128x80xf32, #tpu.memory_space<vmem>>
      %dma_start3A_299 = arith.constant 0 : i32
      %dma_start3A_300 = tpu.memref_slice %arg5[%add3A_292, %dma_start3A_299] : memref<78x128xi32, #tpu.memory_space<vmem>> -> memref<1x128xi32, #tpu.memory_space<vmem>>
      %dma_start3A_301 = tpu.memref_squeeze %dma_start3A_300 : memref<1x128xi32, #tpu.memory_space<vmem>> -> memref<128xi32, #tpu.memory_space<vmem>>
      %dma_start3A_302 = arith.constant 0 : i32
      %dma_start3A_303 = arith.constant 0 : i32
      %dma_start3A_304 = tpu.memref_slice %arg2[%dma_start3A_302, %dma_start3A_303] : memref<10000x80xf32, #tpu.memory_space<hbm>> -> memref<10000x80xf32, #tpu.memory_space<hbm>>
      %dma_start3A_305 = tpu.memref_slice %arg11[%dma_start3A_294] : memref<4x!tpu.dma_semaphore, #tpu.memory_space<semaphore_mem>> -> memref<1x!tpu.dma_semaphore, #tpu.memory_space<semaphore_mem>>
      %dma_start3A_306 = tpu.memref_squeeze %dma_start3A_305 : memref<1x!tpu.dma_semaphore, #tpu.memory_space<semaphore_mem>> -> memref<!tpu.dma_semaphore, #tpu.memory_space<semaphore_mem>>
      tpu.enqueue_indirect_dma source(%dma_start3A_304 : memref<10000x80xf32, #tpu.memory_space<hbm>>) target(%dma_start3A_298 : memref<128x80xf32, #tpu.memory_space<vmem>>) offsets(%dma_start3A_301 : memref<128xi32, #tpu.memory_space<vmem>>) semaphore(%dma_start3A_306 : memref<!tpu.dma_semaphore, #tpu.memory_space<semaphore_mem>>)
      %mul3A_307 = arith.constant 4 : i32
      %mul3A_308 = arith.muli %scan3A_234, %mul3A_307 : i32
      %add3A_309 = arith.constant 2 : i32
      %add3A_310 = arith.addi %mul3A_308, %add3A_309 : i32
      %dma_wait3A_311 = arith.constant 0 : i32
      %dma_wait3A_312 = arith.constant 2 : i32
      %dma_wait3A_313 = arith.constant 2 : i32
      %dma_wait3A_314 = arith.constant 0 : i32
      %dma_wait3A_315 = arith.constant 0 : i32
      %dma_wait3A_316 = tpu.memref_slice %arg9[%dma_wait3A_312, %dma_wait3A_314, %dma_wait3A_315] : memref<4x128x80xf32, #tpu.memory_space<vmem>> -> memref<1x128x80xf32, #tpu.memory_space<vmem>>
      %dma_wait3A_317 = tpu.memref_squeeze %dma_wait3A_316 : memref<1x128x80xf32, #tpu.memory_space<vmem>> -> memref<128x80xf32, #tpu.memory_space<vmem>>
      %dma_wait3A_318 = arith.constant 0 : i32
      %dma_wait3A_319 = tpu.memref_slice %arg5[%dma_wait3A_311, %dma_wait3A_318] : memref<78x128xi32, #tpu.memory_space<vmem>> -> memref<1x128xi32, #tpu.memory_space<vmem>>
      %dma_wait3A_320 = tpu.memref_squeeze %dma_wait3A_319 : memref<1x128xi32, #tpu.memory_space<vmem>> -> memref<128xi32, #tpu.memory_space<vmem>>
      %dma_wait3A_321 = arith.constant 0 : i32
      %dma_wait3A_322 = arith.constant 0 : i32
      %dma_wait3A_323 = tpu.memref_slice %arg2[%dma_wait3A_321, %dma_wait3A_322] : memref<10000x80xf32, #tpu.memory_space<hbm>> -> memref<10000x80xf32, #tpu.memory_space<hbm>>
      %dma_wait3A_324 = tpu.memref_slice %arg11[%dma_wait3A_313] : memref<4x!tpu.dma_semaphore, #tpu.memory_space<semaphore_mem>> -> memref<1x!tpu.dma_semaphore, #tpu.memory_space<semaphore_mem>>
      %dma_wait3A_325 = tpu.memref_squeeze %dma_wait3A_324 : memref<1x!tpu.dma_semaphore, #tpu.memory_space<semaphore_mem>> -> memref<!tpu.dma_semaphore, #tpu.memory_space<semaphore_mem>>
      tpu.wait_indirect_dma semaphore(%dma_wait3A_325 : memref<!tpu.dma_semaphore, #tpu.memory_space<semaphore_mem>>) src(%dma_wait3A_323 : memref<10000x80xf32, #tpu.memory_space<hbm>>) dst(%dma_wait3A_317 : memref<128x80xf32, #tpu.memory_space<vmem>>)
      %run_scoped3A_326 = arith.constant 2 : i32
      "tpu.region"() ({
        %run_scoped3A_379 = tpu.sem_alloc : memref<!tpu.dma_semaphore, #tpu.memory_space<semaphore_mem>>
        %dma_start3A_380 = arith.constant 0 : i32
        %dma_start3A_381 = arith.constant 0 : i32
        %dma_start3A_382 = tpu.memref_slice %arg9[%run_scoped3A_326, %dma_start3A_380, %dma_start3A_381] : memref<4x128x80xf32, #tpu.memory_space<vmem>> -> memref<1x128x80xf32, #tpu.memory_space<vmem>>
        %dma_start3A_383 = tpu.memref_squeeze %dma_start3A_382 : memref<1x128x80xf32, #tpu.memory_space<vmem>> -> memref<128x80xf32, #tpu.memory_space<vmem>>
        %dma_start3A_384 = arith.constant 0 : i32
        %dma_start3A_385 = tpu.memref_slice %arg6[%add3A_310, %dma_start3A_384] : memref<78x128xi32, #tpu.memory_space<vmem>> -> memref<1x128xi32, #tpu.memory_space<vmem>>
        %dma_start3A_386 = tpu.memref_squeeze %dma_start3A_385 : memref<1x128xi32, #tpu.memory_space<vmem>> -> memref<128xi32, #tpu.memory_space<vmem>>
        %dma_start3A_387 = arith.constant 0 : i32
        %dma_start3A_388 = arith.constant 0 : i32
        %dma_start3A_389 = tpu.memref_slice %arg10[%dma_start3A_387, %dma_start3A_388] : memref<10000x80xf32, #tpu.memory_space<vmem_shared>> -> memref<10000x80xf32, #tpu.memory_space<vmem_shared>>
        tpu.enqueue_indirect_dma source(%dma_start3A_383 : memref<128x80xf32, #tpu.memory_space<vmem>>) target(%dma_start3A_389 : memref<10000x80xf32, #tpu.memory_space<vmem_shared>>) offsets(%dma_start3A_386 : memref<128xi32, #tpu.memory_space<vmem>>) semaphore(%run_scoped3A_379 : memref<!tpu.dma_semaphore, #tpu.memory_space<semaphore_mem>>) {add = true}
        %dma_wait3A_390 = arith.constant 0 : i32
        %dma_wait3A_391 = arith.constant 0 : i32
        %dma_wait3A_392 = tpu.memref_slice %arg9[%run_scoped3A_326, %dma_wait3A_390, %dma_wait3A_391] : memref<4x128x80xf32, #tpu.memory_space<vmem>> -> memref<1x128x80xf32, #tpu.memory_space<vmem>>
        %dma_wait3A_393 = tpu.memref_squeeze %dma_wait3A_392 : memref<1x128x80xf32, #tpu.memory_space<vmem>> -> memref<128x80xf32, #tpu.memory_space<vmem>>
        %dma_wait3A_394 = arith.constant 0 : i32
        %dma_wait3A_395 = tpu.memref_slice %arg6[%add3A_310, %dma_wait3A_394] : memref<78x128xi32, #tpu.memory_space<vmem>> -> memref<1x128xi32, #tpu.memory_space<vmem>>
        %dma_wait3A_396 = tpu.memref_squeeze %dma_wait3A_395 : memref<1x128xi32, #tpu.memory_space<vmem>> -> memref<128xi32, #tpu.memory_space<vmem>>
        %dma_wait3A_397 = arith.constant 0 : i32
        %dma_wait3A_398 = arith.constant 0 : i32
        %dma_wait3A_399 = tpu.memref_slice %arg10[%dma_wait3A_397, %dma_wait3A_398] : memref<10000x80xf32, #tpu.memory_space<vmem_shared>> -> memref<10000x80xf32, #tpu.memory_space<vmem_shared>>
        tpu.wait_indirect_dma semaphore(%run_scoped3A_379 : memref<!tpu.dma_semaphore, #tpu.memory_space<semaphore_mem>>) src(%dma_wait3A_393 : memref<128x80xf32, #tpu.memory_space<vmem>>) dst(%dma_wait3A_399 : memref<10000x80xf32, #tpu.memory_space<vmem_shared>>)
        tpu.yield
      }) : () -> ()
      %add3A_327 = arith.constant 4 : i32
      %add3A_328 = arith.addi %add3A_310, %add3A_327 : i32
      %dma_start3A_329 = arith.constant 2 : i32
      %dma_start3A_330 = arith.constant 2 : i32
      %dma_start3A_331 = arith.constant 0 : i32
      %dma_start3A_332 = arith.constant 0 : i32
      %dma_start3A_333 = tpu.memref_slice %arg9[%dma_start3A_329, %dma_start3A_331, %dma_start3A_332] : memref<4x128x80xf32, #tpu.memory_space<vmem>> -> memref<1x128x80xf32, #tpu.memory_space<vmem>>
      %dma_start3A_334 = tpu.memref_squeeze %dma_start3A_333 : memref<1x128x80xf32, #tpu.memory_space<vmem>> -> memref<128x80xf32, #tpu.memory_space<vmem>>
      %dma_start3A_335 = arith.constant 0 : i32
      %dma_start3A_336 = tpu.memref_slice %arg5[%add3A_328, %dma_start3A_335] : memref<78x128xi32, #tpu.memory_space<vmem>> -> memref<1x128xi32, #tpu.memory_space<vmem>>
      %dma_start3A_337 = tpu.memref_squeeze %dma_start3A_336 : memref<1x128xi32, #tpu.memory_space<vmem>> -> memref<128xi32, #tpu.memory_space<vmem>>
      %dma_start3A_338 = arith.constant 0 : i32
      %dma_start3A_339 = arith.constant 0 : i32
      %dma_start3A_340 = tpu.memref_slice %arg2[%dma_start3A_338, %dma_start3A_339] : memref<10000x80xf32, #tpu.memory_space<hbm>> -> memref<10000x80xf32, #tpu.memory_space<hbm>>
      %dma_start3A_341 = tpu.memref_slice %arg11[%dma_start3A_330] : memref<4x!tpu.dma_semaphore, #tpu.memory_space<semaphore_mem>> -> memref<1x!tpu.dma_semaphore, #tpu.memory_space<semaphore_mem>>
      %dma_start3A_342 = tpu.memref_squeeze %dma_start3A_341 : memref<1x!tpu.dma_semaphore, #tpu.memory_space<semaphore_mem>> -> memref<!tpu.dma_semaphore, #tpu.memory_space<semaphore_mem>>
      tpu.enqueue_indirect_dma source(%dma_start3A_340 : memref<10000x80xf32, #tpu.memory_space<hbm>>) target(%dma_start3A_334 : memref<128x80xf32, #tpu.memory_space<vmem>>) offsets(%dma_start3A_337 : memref<128xi32, #tpu.memory_space<vmem>>) semaphore(%dma_start3A_342 : memref<!tpu.dma_semaphore, #tpu.memory_space<semaphore_mem>>)
      %mul3A_343 = arith.constant 4 : i32
      %mul3A_344 = arith.muli %scan3A_234, %mul3A_343 : i32
      %add3A_345 = arith.constant 3 : i32
      %add3A_346 = arith.addi %mul3A_344, %add3A_345 : i32
      %dma_wait3A_347 = arith.constant 0 : i32
      %dma_wait3A_348 = arith.constant 3 : i32
      %dma_wait3A_349 = arith.constant 3 : i32
      %dma_wait3A_350 = arith.constant 0 : i32
      %dma_wait3A_351 = arith.constant 0 : i32
      %dma_wait3A_352 = tpu.memref_slice %arg9[%dma_wait3A_348, %dma_wait3A_350, %dma_wait3A_351] : memref<4x128x80xf32, #tpu.memory_space<vmem>> -> memref<1x128x80xf32, #tpu.memory_space<vmem>>
      %dma_wait3A_353 = tpu.memref_squeeze %dma_wait3A_352 : memref<1x128x80xf32, #tpu.memory_space<vmem>> -> memref<128x80xf32, #tpu.memory_space<vmem>>
      %dma_wait3A_354 = arith.constant 0 : i32
      %dma_wait3A_355 = tpu.memref_slice %arg5[%dma_wait3A_347, %dma_wait3A_354] : memref<78x128xi32, #tpu.memory_space<vmem>> -> memref<1x128xi32, #tpu.memory_space<vmem>>
      %dma_wait3A_356 = tpu.memref_squeeze %dma_wait3A_355 : memref<1x128xi32, #tpu.memory_space<vmem>> -> memref<128xi32, #tpu.memory_space<vmem>>
      %dma_wait3A_357 = arith.constant 0 : i32
      %dma_wait3A_358 = arith.constant 0 : i32
      %dma_wait3A_359 = tpu.memref_slice %arg2[%dma_wait3A_357, %dma_wait3A_358] : memref<10000x80xf32, #tpu.memory_space<hbm>> -> memref<10000x80xf32, #tpu.memory_space<hbm>>
      %dma_wait3A_360 = tpu.memref_slice %arg11[%dma_wait3A_349] : memref<4x!tpu.dma_semaphore, #tpu.memory_space<semaphore_mem>> -> memref<1x!tpu.dma_semaphore, #tpu.memory_space<semaphore_mem>>
      %dma_wait3A_361 = tpu.memref_squeeze %dma_wait3A_360 : memref<1x!tpu.dma_semaphore, #tpu.memory_space<semaphore_mem>> -> memref<!tpu.dma_semaphore, #tpu.memory_space<semaphore_mem>>
      tpu.wait_indirect_dma semaphore(%dma_wait3A_361 : memref<!tpu.dma_semaphore, #tpu.memory_space<semaphore_mem>>) src(%dma_wait3A_359 : memref<10000x80xf32, #tpu.memory_space<hbm>>) dst(%dma_wait3A_353 : memref<128x80xf32, #tpu.memory_space<vmem>>)
      %run_scoped3A_362 = arith.constant 3 : i32
      "tpu.region"() ({
        %run_scoped3A_379 = tpu.sem_alloc : memref<!tpu.dma_semaphore, #tpu.memory_space<semaphore_mem>>
        %dma_start3A_380 = arith.constant 0 : i32
        %dma_start3A_381 = arith.constant 0 : i32
        %dma_start3A_382 = tpu.memref_slice %arg9[%run_scoped3A_362, %dma_start3A_380, %dma_start3A_381] : memref<4x128x80xf32, #tpu.memory_space<vmem>> -> memref<1x128x80xf32, #tpu.memory_space<vmem>>
        %dma_start3A_383 = tpu.memref_squeeze %dma_start3A_382 : memref<1x128x80xf32, #tpu.memory_space<vmem>> -> memref<128x80xf32, #tpu.memory_space<vmem>>
        %dma_start3A_384 = arith.constant 0 : i32
        %dma_start3A_385 = tpu.memref_slice %arg6[%add3A_346, %dma_start3A_384] : memref<78x128xi32, #tpu.memory_space<vmem>> -> memref<1x128xi32, #tpu.memory_space<vmem>>
        %dma_start3A_386 = tpu.memref_squeeze %dma_start3A_385 : memref<1x128xi32, #tpu.memory_space<vmem>> -> memref<128xi32, #tpu.memory_space<vmem>>
        %dma_start3A_387 = arith.constant 0 : i32
        %dma_start3A_388 = arith.constant 0 : i32
        %dma_start3A_389 = tpu.memref_slice %arg10[%dma_start3A_387, %dma_start3A_388] : memref<10000x80xf32, #tpu.memory_space<vmem_shared>> -> memref<10000x80xf32, #tpu.memory_space<vmem_shared>>
        tpu.enqueue_indirect_dma source(%dma_start3A_383 : memref<128x80xf32, #tpu.memory_space<vmem>>) target(%dma_start3A_389 : memref<10000x80xf32, #tpu.memory_space<vmem_shared>>) offsets(%dma_start3A_386 : memref<128xi32, #tpu.memory_space<vmem>>) semaphore(%run_scoped3A_379 : memref<!tpu.dma_semaphore, #tpu.memory_space<semaphore_mem>>) {add = true}
        %dma_wait3A_390 = arith.constant 0 : i32
        %dma_wait3A_391 = arith.constant 0 : i32
        %dma_wait3A_392 = tpu.memref_slice %arg9[%run_scoped3A_362, %dma_wait3A_390, %dma_wait3A_391] : memref<4x128x80xf32, #tpu.memory_space<vmem>> -> memref<1x128x80xf32, #tpu.memory_space<vmem>>
        %dma_wait3A_393 = tpu.memref_squeeze %dma_wait3A_392 : memref<1x128x80xf32, #tpu.memory_space<vmem>> -> memref<128x80xf32, #tpu.memory_space<vmem>>
        %dma_wait3A_394 = arith.constant 0 : i32
        %dma_wait3A_395 = tpu.memref_slice %arg6[%add3A_346, %dma_wait3A_394] : memref<78x128xi32, #tpu.memory_space<vmem>> -> memref<1x128xi32, #tpu.memory_space<vmem>>
        %dma_wait3A_396 = tpu.memref_squeeze %dma_wait3A_395 : memref<1x128xi32, #tpu.memory_space<vmem>> -> memref<128xi32, #tpu.memory_space<vmem>>
        %dma_wait3A_397 = arith.constant 0 : i32
        %dma_wait3A_398 = arith.constant 0 : i32
        %dma_wait3A_399 = tpu.memref_slice %arg10[%dma_wait3A_397, %dma_wait3A_398] : memref<10000x80xf32, #tpu.memory_space<vmem_shared>> -> memref<10000x80xf32, #tpu.memory_space<vmem_shared>>
        tpu.wait_indirect_dma semaphore(%run_scoped3A_379 : memref<!tpu.dma_semaphore, #tpu.memory_space<semaphore_mem>>) src(%dma_wait3A_393 : memref<128x80xf32, #tpu.memory_space<vmem>>) dst(%dma_wait3A_399 : memref<10000x80xf32, #tpu.memory_space<vmem_shared>>)
        tpu.yield
      }) : () -> ()
      %add3A_363 = arith.constant 4 : i32
      %add3A_364 = arith.addi %add3A_346, %add3A_363 : i32
      %dma_start3A_365 = arith.constant 3 : i32
      %dma_start3A_366 = arith.constant 3 : i32
      %dma_start3A_367 = arith.constant 0 : i32
      %dma_start3A_368 = arith.constant 0 : i32
      %dma_start3A_369 = tpu.memref_slice %arg9[%dma_start3A_365, %dma_start3A_367, %dma_start3A_368] : memref<4x128x80xf32, #tpu.memory_space<vmem>> -> memref<1x128x80xf32, #tpu.memory_space<vmem>>
      %dma_start3A_370 = tpu.memref_squeeze %dma_start3A_369 : memref<1x128x80xf32, #tpu.memory_space<vmem>> -> memref<128x80xf32, #tpu.memory_space<vmem>>
      %dma_start3A_371 = arith.constant 0 : i32
      %dma_start3A_372 = tpu.memref_slice %arg5[%add3A_364, %dma_start3A_371] : memref<78x128xi32, #tpu.memory_space<vmem>> -> memref<1x128xi32, #tpu.memory_space<vmem>>
      %dma_start3A_373 = tpu.memref_squeeze %dma_start3A_372 : memref<1x128xi32, #tpu.memory_space<vmem>> -> memref<128xi32, #tpu.memory_space<vmem>>
      %dma_start3A_374 = arith.constant 0 : i32
      %dma_start3A_375 = arith.constant 0 : i32
      %dma_start3A_376 = tpu.memref_slice %arg2[%dma_start3A_374, %dma_start3A_375] : memref<10000x80xf32, #tpu.memory_space<hbm>> -> memref<10000x80xf32, #tpu.memory_space<hbm>>
      %dma_start3A_377 = tpu.memref_slice %arg11[%dma_start3A_366] : memref<4x!tpu.dma_semaphore, #tpu.memory_space<semaphore_mem>> -> memref<1x!tpu.dma_semaphore, #tpu.memory_space<semaphore_mem>>
      %dma_start3A_378 = tpu.memref_squeeze %dma_start3A_377 : memref<1x!tpu.dma_semaphore, #tpu.memory_space<semaphore_mem>> -> memref<!tpu.dma_semaphore, #tpu.memory_space<semaphore_mem>>
      tpu.enqueue_indirect_dma source(%dma_start3A_376 : memref<10000x80xf32, #tpu.memory_space<hbm>>) target(%dma_start3A_370 : memref<128x80xf32, #tpu.memory_space<vmem>>) offsets(%dma_start3A_373 : memref<128xi32, #tpu.memory_space<vmem>>) semaphore(%dma_start3A_378 : memref<!tpu.dma_semaphore, #tpu.memory_space<semaphore_mem>>)
    }
    %scan3A_96 = arith.constant 18 : i32
    %dma_wait3A = arith.constant 0 : i32
    %dma_wait3A_97 = arith.constant 0 : i32
    %dma_wait3A_98 = arith.constant 0 : i32
    %dma_wait3A_99 = arith.constant 0 : i32
    %dma_wait3A_100 = arith.constant 0 : i32
    %dma_wait3A_101 = tpu.memref_slice %arg9[%dma_wait3A_97, %dma_wait3A_99, %dma_wait3A_100] : memref<4x128x80xf32, #tpu.memory_space<vmem>> -> memref<1x128x80xf32, #tpu.memory_space<vmem>>
    %dma_wait3A_102 = tpu.memref_squeeze %dma_wait3A_101 : memref<1x128x80xf32, #tpu.memory_space<vmem>> -> memref<128x80xf32, #tpu.memory_space<vmem>>
    %dma_wait3A_103 = arith.constant 0 : i32
    %dma_wait3A_104 = tpu.memref_slice %arg5[%dma_wait3A, %dma_wait3A_103] : memref<78x128xi32, #tpu.memory_space<vmem>> -> memref<1x128xi32, #tpu.memory_space<vmem>>
    %dma_wait3A_105 = tpu.memref_squeeze %dma_wait3A_104 : memref<1x128xi32, #tpu.memory_space<vmem>> -> memref<128xi32, #tpu.memory_space<vmem>>
    %dma_wait3A_106 = arith.constant 0 : i32
    %dma_wait3A_107 = arith.constant 0 : i32
    %dma_wait3A_108 = tpu.memref_slice %arg2[%dma_wait3A_106, %dma_wait3A_107] : memref<10000x80xf32, #tpu.memory_space<hbm>> -> memref<10000x80xf32, #tpu.memory_space<hbm>>
    %dma_wait3A_109 = tpu.memref_slice %arg11[%dma_wait3A_98] : memref<4x!tpu.dma_semaphore, #tpu.memory_space<semaphore_mem>> -> memref<1x!tpu.dma_semaphore, #tpu.memory_space<semaphore_mem>>
    %dma_wait3A_110 = tpu.memref_squeeze %dma_wait3A_109 : memref<1x!tpu.dma_semaphore, #tpu.memory_space<semaphore_mem>> -> memref<!tpu.dma_semaphore, #tpu.memory_space<semaphore_mem>>
    tpu.wait_indirect_dma semaphore(%dma_wait3A_110 : memref<!tpu.dma_semaphore, #tpu.memory_space<semaphore_mem>>) src(%dma_wait3A_108 : memref<10000x80xf32, #tpu.memory_space<hbm>>) dst(%dma_wait3A_102 : memref<128x80xf32, #tpu.memory_space<vmem>>)
    %run_scoped3A_111 = arith.constant 0 : i32
    %run_scoped3A_112 = arith.constant 72 : i32
    "tpu.region"() ({
      %run_scoped3A_234 = tpu.sem_alloc : memref<!tpu.dma_semaphore, #tpu.memory_space<semaphore_mem>>
      %dma_start3A_235 = arith.constant 0 : i32
      %dma_start3A_236 = arith.constant 0 : i32
      %dma_start3A_237 = tpu.memref_slice %arg9[%run_scoped3A_111, %dma_start3A_235, %dma_start3A_236] : memref<4x128x80xf32, #tpu.memory_space<vmem>> -> memref<1x128x80xf32, #tpu.memory_space<vmem>>
      %dma_start3A_238 = tpu.memref_squeeze %dma_start3A_237 : memref<1x128x80xf32, #tpu.memory_space<vmem>> -> memref<128x80xf32, #tpu.memory_space<vmem>>
      %dma_start3A_239 = arith.constant 0 : i32
      %dma_start3A_240 = tpu.memref_slice %arg6[%run_scoped3A_112, %dma_start3A_239] : memref<78x128xi32, #tpu.memory_space<vmem>> -> memref<1x128xi32, #tpu.memory_space<vmem>>
      %dma_start3A_241 = tpu.memref_squeeze %dma_start3A_240 : memref<1x128xi32, #tpu.memory_space<vmem>> -> memref<128xi32, #tpu.memory_space<vmem>>
      %dma_start3A_242 = arith.constant 0 : i32
      %dma_start3A_243 = arith.constant 0 : i32
      %dma_start3A_244 = tpu.memref_slice %arg10[%dma_start3A_242, %dma_start3A_243] : memref<10000x80xf32, #tpu.memory_space<vmem_shared>> -> memref<10000x80xf32, #tpu.memory_space<vmem_shared>>
      tpu.enqueue_indirect_dma source(%dma_start3A_238 : memref<128x80xf32, #tpu.memory_space<vmem>>) target(%dma_start3A_244 : memref<10000x80xf32, #tpu.memory_space<vmem_shared>>) offsets(%dma_start3A_241 : memref<128xi32, #tpu.memory_space<vmem>>) semaphore(%run_scoped3A_234 : memref<!tpu.dma_semaphore, #tpu.memory_space<semaphore_mem>>) {add = true}
      %dma_wait3A_245 = arith.constant 0 : i32
      %dma_wait3A_246 = arith.constant 0 : i32
      %dma_wait3A_247 = tpu.memref_slice %arg9[%run_scoped3A_111, %dma_wait3A_245, %dma_wait3A_246] : memref<4x128x80xf32, #tpu.memory_space<vmem>> -> memref<1x128x80xf32, #tpu.memory_space<vmem>>
      %dma_wait3A_248 = tpu.memref_squeeze %dma_wait3A_247 : memref<1x128x80xf32, #tpu.memory_space<vmem>> -> memref<128x80xf32, #tpu.memory_space<vmem>>
      %dma_wait3A_249 = arith.constant 0 : i32
      %dma_wait3A_250 = tpu.memref_slice %arg6[%run_scoped3A_112, %dma_wait3A_249] : memref<78x128xi32, #tpu.memory_space<vmem>> -> memref<1x128xi32, #tpu.memory_space<vmem>>
      %dma_wait3A_251 = tpu.memref_squeeze %dma_wait3A_250 : memref<1x128xi32, #tpu.memory_space<vmem>> -> memref<128xi32, #tpu.memory_space<vmem>>
      %dma_wait3A_252 = arith.constant 0 : i32
      %dma_wait3A_253 = arith.constant 0 : i32
      %dma_wait3A_254 = tpu.memref_slice %arg10[%dma_wait3A_252, %dma_wait3A_253] : memref<10000x80xf32, #tpu.memory_space<vmem_shared>> -> memref<10000x80xf32, #tpu.memory_space<vmem_shared>>
      tpu.wait_indirect_dma semaphore(%run_scoped3A_234 : memref<!tpu.dma_semaphore, #tpu.memory_space<semaphore_mem>>) src(%dma_wait3A_248 : memref<128x80xf32, #tpu.memory_space<vmem>>) dst(%dma_wait3A_254 : memref<10000x80xf32, #tpu.memory_space<vmem_shared>>)
      tpu.yield
    }) : () -> ()
    %dma_start3A_113 = arith.constant 76 : i32
    %dma_start3A_114 = arith.constant 0 : i32
    %dma_start3A_115 = arith.constant 0 : i32
    %dma_start3A_116 = arith.constant 0 : i32
    %dma_start3A_117 = arith.constant 0 : i32
    %dma_start3A_118 = tpu.memref_slice %arg9[%dma_start3A_114, %dma_start3A_116, %dma_start3A_117] : memref<4x128x80xf32, #tpu.memory_space<vmem>> -> memref<1x128x80xf32, #tpu.memory_space<vmem>>
    %dma_start3A_119 = tpu.memref_squeeze %dma_start3A_118 : memref<1x128x80xf32, #tpu.memory_space<vmem>> -> memref<128x80xf32, #tpu.memory_space<vmem>>
    %dma_start3A_120 = arith.constant 0 : i32
    %dma_start3A_121 = tpu.memref_slice %arg5[%dma_start3A_113, %dma_start3A_120] : memref<78x128xi32, #tpu.memory_space<vmem>> -> memref<1x128xi32, #tpu.memory_space<vmem>>
    %dma_start3A_122 = tpu.memref_squeeze %dma_start3A_121 : memref<1x128xi32, #tpu.memory_space<vmem>> -> memref<128xi32, #tpu.memory_space<vmem>>
    %dma_start3A_123 = arith.constant 0 : i32
    %dma_start3A_124 = arith.constant 0 : i32
    %dma_start3A_125 = tpu.memref_slice %arg2[%dma_start3A_123, %dma_start3A_124] : memref<10000x80xf32, #tpu.memory_space<hbm>> -> memref<10000x80xf32, #tpu.memory_space<hbm>>
    %dma_start3A_126 = tpu.memref_slice %arg11[%dma_start3A_115] : memref<4x!tpu.dma_semaphore, #tpu.memory_space<semaphore_mem>> -> memref<1x!tpu.dma_semaphore, #tpu.memory_space<semaphore_mem>>
    %dma_start3A_127 = tpu.memref_squeeze %dma_start3A_126 : memref<1x!tpu.dma_semaphore, #tpu.memory_space<semaphore_mem>> -> memref<!tpu.dma_semaphore, #tpu.memory_space<semaphore_mem>>
    tpu.enqueue_indirect_dma source(%dma_start3A_125 : memref<10000x80xf32, #tpu.memory_space<hbm>>) target(%dma_start3A_119 : memref<128x80xf32, #tpu.memory_space<vmem>>) offsets(%dma_start3A_122 : memref<128xi32, #tpu.memory_space<vmem>>) semaphore(%dma_start3A_127 : memref<!tpu.dma_semaphore, #tpu.memory_space<semaphore_mem>>)
    %dma_wait3A_128 = arith.constant 0 : i32
    %dma_wait3A_129 = arith.constant 1 : i32
    %dma_wait3A_130 = arith.constant 1 : i32
    %dma_wait3A_131 = arith.constant 0 : i32
    %dma_wait3A_132 = arith.constant 0 : i32
    %dma_wait3A_133 = tpu.memref_slice %arg9[%dma_wait3A_129, %dma_wait3A_131, %dma_wait3A_132] : memref<4x128x80xf32, #tpu.memory_space<vmem>> -> memref<1x128x80xf32, #tpu.memory_space<vmem>>
    %dma_wait3A_134 = tpu.memref_squeeze %dma_wait3A_133 : memref<1x128x80xf32, #tpu.memory_space<vmem>> -> memref<128x80xf32, #tpu.memory_space<vmem>>
    %dma_wait3A_135 = arith.constant 0 : i32
    %dma_wait3A_136 = tpu.memref_slice %arg5[%dma_wait3A_128, %dma_wait3A_135] : memref<78x128xi32, #tpu.memory_space<vmem>> -> memref<1x128xi32, #tpu.memory_space<vmem>>
    %dma_wait3A_137 = tpu.memref_squeeze %dma_wait3A_136 : memref<1x128xi32, #tpu.memory_space<vmem>> -> memref<128xi32, #tpu.memory_space<vmem>>
    %dma_wait3A_138 = arith.constant 0 : i32
    %dma_wait3A_139 = arith.constant 0 : i32
    %dma_wait3A_140 = tpu.memref_slice %arg2[%dma_wait3A_138, %dma_wait3A_139] : memref<10000x80xf32, #tpu.memory_space<hbm>> -> memref<10000x80xf32, #tpu.memory_space<hbm>>
    %dma_wait3A_141 = tpu.memref_slice %arg11[%dma_wait3A_130] : memref<4x!tpu.dma_semaphore, #tpu.memory_space<semaphore_mem>> -> memref<1x!tpu.dma_semaphore, #tpu.memory_space<semaphore_mem>>
    %dma_wait3A_142 = tpu.memref_squeeze %dma_wait3A_141 : memref<1x!tpu.dma_semaphore, #tpu.memory_space<semaphore_mem>> -> memref<!tpu.dma_semaphore, #tpu.memory_space<semaphore_mem>>
    tpu.wait_indirect_dma semaphore(%dma_wait3A_142 : memref<!tpu.dma_semaphore, #tpu.memory_space<semaphore_mem>>) src(%dma_wait3A_140 : memref<10000x80xf32, #tpu.memory_space<hbm>>) dst(%dma_wait3A_134 : memref<128x80xf32, #tpu.memory_space<vmem>>)
    %run_scoped3A_143 = arith.constant 1 : i32
    %run_scoped3A_144 = arith.constant 73 : i32
    "tpu.region"() ({
      %run_scoped3A_234 = tpu.sem_alloc : memref<!tpu.dma_semaphore, #tpu.memory_space<semaphore_mem>>
      %dma_start3A_235 = arith.constant 0 : i32
      %dma_start3A_236 = arith.constant 0 : i32
      %dma_start3A_237 = tpu.memref_slice %arg9[%run_scoped3A_143, %dma_start3A_235, %dma_start3A_236] : memref<4x128x80xf32, #tpu.memory_space<vmem>> -> memref<1x128x80xf32, #tpu.memory_space<vmem>>
      %dma_start3A_238 = tpu.memref_squeeze %dma_start3A_237 : memref<1x128x80xf32, #tpu.memory_space<vmem>> -> memref<128x80xf32, #tpu.memory_space<vmem>>
      %dma_start3A_239 = arith.constant 0 : i32
      %dma_start3A_240 = tpu.memref_slice %arg6[%run_scoped3A_144, %dma_start3A_239] : memref<78x128xi32, #tpu.memory_space<vmem>> -> memref<1x128xi32, #tpu.memory_space<vmem>>
      %dma_start3A_241 = tpu.memref_squeeze %dma_start3A_240 : memref<1x128xi32, #tpu.memory_space<vmem>> -> memref<128xi32, #tpu.memory_space<vmem>>
      %dma_start3A_242 = arith.constant 0 : i32
      %dma_start3A_243 = arith.constant 0 : i32
      %dma_start3A_244 = tpu.memref_slice %arg10[%dma_start3A_242, %dma_start3A_243] : memref<10000x80xf32, #tpu.memory_space<vmem_shared>> -> memref<10000x80xf32, #tpu.memory_space<vmem_shared>>
      tpu.enqueue_indirect_dma source(%dma_start3A_238 : memref<128x80xf32, #tpu.memory_space<vmem>>) target(%dma_start3A_244 : memref<10000x80xf32, #tpu.memory_space<vmem_shared>>) offsets(%dma_start3A_241 : memref<128xi32, #tpu.memory_space<vmem>>) semaphore(%run_scoped3A_234 : memref<!tpu.dma_semaphore, #tpu.memory_space<semaphore_mem>>) {add = true}
      %dma_wait3A_245 = arith.constant 0 : i32
      %dma_wait3A_246 = arith.constant 0 : i32
      %dma_wait3A_247 = tpu.memref_slice %arg9[%run_scoped3A_143, %dma_wait3A_245, %dma_wait3A_246] : memref<4x128x80xf32, #tpu.memory_space<vmem>> -> memref<1x128x80xf32, #tpu.memory_space<vmem>>
      %dma_wait3A_248 = tpu.memref_squeeze %dma_wait3A_247 : memref<1x128x80xf32, #tpu.memory_space<vmem>> -> memref<128x80xf32, #tpu.memory_space<vmem>>
      %dma_wait3A_249 = arith.constant 0 : i32
      %dma_wait3A_250 = tpu.memref_slice %arg6[%run_scoped3A_144, %dma_wait3A_249] : memref<78x128xi32, #tpu.memory_space<vmem>> -> memref<1x128xi32, #tpu.memory_space<vmem>>
      %dma_wait3A_251 = tpu.memref_squeeze %dma_wait3A_250 : memref<1x128xi32, #tpu.memory_space<vmem>> -> memref<128xi32, #tpu.memory_space<vmem>>
      %dma_wait3A_252 = arith.constant 0 : i32
      %dma_wait3A_253 = arith.constant 0 : i32
      %dma_wait3A_254 = tpu.memref_slice %arg10[%dma_wait3A_252, %dma_wait3A_253] : memref<10000x80xf32, #tpu.memory_space<vmem_shared>> -> memref<10000x80xf32, #tpu.memory_space<vmem_shared>>
      tpu.wait_indirect_dma semaphore(%run_scoped3A_234 : memref<!tpu.dma_semaphore, #tpu.memory_space<semaphore_mem>>) src(%dma_wait3A_248 : memref<128x80xf32, #tpu.memory_space<vmem>>) dst(%dma_wait3A_254 : memref<10000x80xf32, #tpu.memory_space<vmem_shared>>)
      tpu.yield
    }) : () -> ()
    %dma_start3A_145 = arith.constant 77 : i32
    %dma_start3A_146 = arith.constant 1 : i32
    %dma_start3A_147 = arith.constant 1 : i32
    %dma_start3A_148 = arith.constant 0 : i32
    %dma_start3A_149 = arith.constant 0 : i32
    %dma_start3A_150 = tpu.memref_slice %arg9[%dma_start3A_146, %dma_start3A_148, %dma_start3A_149] : memref<4x128x80xf32, #tpu.memory_space<vmem>> -> memref<1x128x80xf32, #tpu.memory_space<vmem>>
    %dma_start3A_151 = tpu.memref_squeeze %dma_start3A_150 : memref<1x128x80xf32, #tpu.memory_space<vmem>> -> memref<128x80xf32, #tpu.memory_space<vmem>>
    %dma_start3A_152 = arith.constant 0 : i32
    %dma_start3A_153 = tpu.memref_slice %arg5[%dma_start3A_145, %dma_start3A_152] : memref<78x128xi32, #tpu.memory_space<vmem>> -> memref<1x128xi32, #tpu.memory_space<vmem>>
    %dma_start3A_154 = tpu.memref_squeeze %dma_start3A_153 : memref<1x128xi32, #tpu.memory_space<vmem>> -> memref<128xi32, #tpu.memory_space<vmem>>
    %dma_start3A_155 = arith.constant 0 : i32
    %dma_start3A_156 = arith.constant 0 : i32
    %dma_start3A_157 = tpu.memref_slice %arg2[%dma_start3A_155, %dma_start3A_156] : memref<10000x80xf32, #tpu.memory_space<hbm>> -> memref<10000x80xf32, #tpu.memory_space<hbm>>
    %dma_start3A_158 = tpu.memref_slice %arg11[%dma_start3A_147] : memref<4x!tpu.dma_semaphore, #tpu.memory_space<semaphore_mem>> -> memref<1x!tpu.dma_semaphore, #tpu.memory_space<semaphore_mem>>
    %dma_start3A_159 = tpu.memref_squeeze %dma_start3A_158 : memref<1x!tpu.dma_semaphore, #tpu.memory_space<semaphore_mem>> -> memref<!tpu.dma_semaphore, #tpu.memory_space<semaphore_mem>>
    tpu.enqueue_indirect_dma source(%dma_start3A_157 : memref<10000x80xf32, #tpu.memory_space<hbm>>) target(%dma_start3A_151 : memref<128x80xf32, #tpu.memory_space<vmem>>) offsets(%dma_start3A_154 : memref<128xi32, #tpu.memory_space<vmem>>) semaphore(%dma_start3A_159 : memref<!tpu.dma_semaphore, #tpu.memory_space<semaphore_mem>>)
    %dma_wait3A_160 = arith.constant 0 : i32
    %dma_wait3A_161 = arith.constant 2 : i32
    %dma_wait3A_162 = arith.constant 2 : i32
    %dma_wait3A_163 = arith.constant 0 : i32
    %dma_wait3A_164 = arith.constant 0 : i32
    %dma_wait3A_165 = tpu.memref_slice %arg9[%dma_wait3A_161, %dma_wait3A_163, %dma_wait3A_164] : memref<4x128x80xf32, #tpu.memory_space<vmem>> -> memref<1x128x80xf32, #tpu.memory_space<vmem>>
    %dma_wait3A_166 = tpu.memref_squeeze %dma_wait3A_165 : memref<1x128x80xf32, #tpu.memory_space<vmem>> -> memref<128x80xf32, #tpu.memory_space<vmem>>
    %dma_wait3A_167 = arith.constant 0 : i32
    %dma_wait3A_168 = tpu.memref_slice %arg5[%dma_wait3A_160, %dma_wait3A_167] : memref<78x128xi32, #tpu.memory_space<vmem>> -> memref<1x128xi32, #tpu.memory_space<vmem>>
    %dma_wait3A_169 = tpu.memref_squeeze %dma_wait3A_168 : memref<1x128xi32, #tpu.memory_space<vmem>> -> memref<128xi32, #tpu.memory_space<vmem>>
    %dma_wait3A_170 = arith.constant 0 : i32
    %dma_wait3A_171 = arith.constant 0 : i32
    %dma_wait3A_172 = tpu.memref_slice %arg2[%dma_wait3A_170, %dma_wait3A_171] : memref<10000x80xf32, #tpu.memory_space<hbm>> -> memref<10000x80xf32, #tpu.memory_space<hbm>>
    %dma_wait3A_173 = tpu.memref_slice %arg11[%dma_wait3A_162] : memref<4x!tpu.dma_semaphore, #tpu.memory_space<semaphore_mem>> -> memref<1x!tpu.dma_semaphore, #tpu.memory_space<semaphore_mem>>
    %dma_wait3A_174 = tpu.memref_squeeze %dma_wait3A_173 : memref<1x!tpu.dma_semaphore, #tpu.memory_space<semaphore_mem>> -> memref<!tpu.dma_semaphore, #tpu.memory_space<semaphore_mem>>
    tpu.wait_indirect_dma semaphore(%dma_wait3A_174 : memref<!tpu.dma_semaphore, #tpu.memory_space<semaphore_mem>>) src(%dma_wait3A_172 : memref<10000x80xf32, #tpu.memory_space<hbm>>) dst(%dma_wait3A_166 : memref<128x80xf32, #tpu.memory_space<vmem>>)
    %run_scoped3A_175 = arith.constant 2 : i32
    %run_scoped3A_176 = arith.constant 74 : i32
    "tpu.region"() ({
      %run_scoped3A_234 = tpu.sem_alloc : memref<!tpu.dma_semaphore, #tpu.memory_space<semaphore_mem>>
      %dma_start3A_235 = arith.constant 0 : i32
      %dma_start3A_236 = arith.constant 0 : i32
      %dma_start3A_237 = tpu.memref_slice %arg9[%run_scoped3A_175, %dma_start3A_235, %dma_start3A_236] : memref<4x128x80xf32, #tpu.memory_space<vmem>> -> memref<1x128x80xf32, #tpu.memory_space<vmem>>
      %dma_start3A_238 = tpu.memref_squeeze %dma_start3A_237 : memref<1x128x80xf32, #tpu.memory_space<vmem>> -> memref<128x80xf32, #tpu.memory_space<vmem>>
      %dma_start3A_239 = arith.constant 0 : i32
      %dma_start3A_240 = tpu.memref_slice %arg6[%run_scoped3A_176, %dma_start3A_239] : memref<78x128xi32, #tpu.memory_space<vmem>> -> memref<1x128xi32, #tpu.memory_space<vmem>>
      %dma_start3A_241 = tpu.memref_squeeze %dma_start3A_240 : memref<1x128xi32, #tpu.memory_space<vmem>> -> memref<128xi32, #tpu.memory_space<vmem>>
      %dma_start3A_242 = arith.constant 0 : i32
      %dma_start3A_243 = arith.constant 0 : i32
      %dma_start3A_244 = tpu.memref_slice %arg10[%dma_start3A_242, %dma_start3A_243] : memref<10000x80xf32, #tpu.memory_space<vmem_shared>> -> memref<10000x80xf32, #tpu.memory_space<vmem_shared>>
      tpu.enqueue_indirect_dma source(%dma_start3A_238 : memref<128x80xf32, #tpu.memory_space<vmem>>) target(%dma_start3A_244 : memref<10000x80xf32, #tpu.memory_space<vmem_shared>>) offsets(%dma_start3A_241 : memref<128xi32, #tpu.memory_space<vmem>>) semaphore(%run_scoped3A_234 : memref<!tpu.dma_semaphore, #tpu.memory_space<semaphore_mem>>) {add = true}
      %dma_wait3A_245 = arith.constant 0 : i32
      %dma_wait3A_246 = arith.constant 0 : i32
      %dma_wait3A_247 = tpu.memref_slice %arg9[%run_scoped3A_175, %dma_wait3A_245, %dma_wait3A_246] : memref<4x128x80xf32, #tpu.memory_space<vmem>> -> memref<1x128x80xf32, #tpu.memory_space<vmem>>
      %dma_wait3A_248 = tpu.memref_squeeze %dma_wait3A_247 : memref<1x128x80xf32, #tpu.memory_space<vmem>> -> memref<128x80xf32, #tpu.memory_space<vmem>>
      %dma_wait3A_249 = arith.constant 0 : i32
      %dma_wait3A_250 = tpu.memref_slice %arg6[%run_scoped3A_176, %dma_wait3A_249] : memref<78x128xi32, #tpu.memory_space<vmem>> -> memref<1x128xi32, #tpu.memory_space<vmem>>
      %dma_wait3A_251 = tpu.memref_squeeze %dma_wait3A_250 : memref<1x128xi32, #tpu.memory_space<vmem>> -> memref<128xi32, #tpu.memory_space<vmem>>
      %dma_wait3A_252 = arith.constant 0 : i32
      %dma_wait3A_253 = arith.constant 0 : i32
      %dma_wait3A_254 = tpu.memref_slice %arg10[%dma_wait3A_252, %dma_wait3A_253] : memref<10000x80xf32, #tpu.memory_space<vmem_shared>> -> memref<10000x80xf32, #tpu.memory_space<vmem_shared>>
      tpu.wait_indirect_dma semaphore(%run_scoped3A_234 : memref<!tpu.dma_semaphore, #tpu.memory_space<semaphore_mem>>) src(%dma_wait3A_248 : memref<128x80xf32, #tpu.memory_space<vmem>>) dst(%dma_wait3A_254 : memref<10000x80xf32, #tpu.memory_space<vmem_shared>>)
      tpu.yield
    }) : () -> ()
    %dma_wait3A_177 = arith.constant 0 : i32
    %dma_wait3A_178 = arith.constant 3 : i32
    %dma_wait3A_179 = arith.constant 3 : i32
    %dma_wait3A_180 = arith.constant 0 : i32
    %dma_wait3A_181 = arith.constant 0 : i32
    %dma_wait3A_182 = tpu.memref_slice %arg9[%dma_wait3A_178, %dma_wait3A_180, %dma_wait3A_181] : memref<4x128x80xf32, #tpu.memory_space<vmem>> -> memref<1x128x80xf32, #tpu.memory_space<vmem>>
    %dma_wait3A_183 = tpu.memref_squeeze %dma_wait3A_182 : memref<1x128x80xf32, #tpu.memory_space<vmem>> -> memref<128x80xf32, #tpu.memory_space<vmem>>
    %dma_wait3A_184 = arith.constant 0 : i32
    %dma_wait3A_185 = tpu.memref_slice %arg5[%dma_wait3A_177, %dma_wait3A_184] : memref<78x128xi32, #tpu.memory_space<vmem>> -> memref<1x128xi32, #tpu.memory_space<vmem>>
    %dma_wait3A_186 = tpu.memref_squeeze %dma_wait3A_185 : memref<1x128xi32, #tpu.memory_space<vmem>> -> memref<128xi32, #tpu.memory_space<vmem>>
    %dma_wait3A_187 = arith.constant 0 : i32
    %dma_wait3A_188 = arith.constant 0 : i32
    %dma_wait3A_189 = tpu.memref_slice %arg2[%dma_wait3A_187, %dma_wait3A_188] : memref<10000x80xf32, #tpu.memory_space<hbm>> -> memref<10000x80xf32, #tpu.memory_space<hbm>>
    %dma_wait3A_190 = tpu.memref_slice %arg11[%dma_wait3A_179] : memref<4x!tpu.dma_semaphore, #tpu.memory_space<semaphore_mem>> -> memref<1x!tpu.dma_semaphore, #tpu.memory_space<semaphore_mem>>
    %dma_wait3A_191 = tpu.memref_squeeze %dma_wait3A_190 : memref<1x!tpu.dma_semaphore, #tpu.memory_space<semaphore_mem>> -> memref<!tpu.dma_semaphore, #tpu.memory_space<semaphore_mem>>
    tpu.wait_indirect_dma semaphore(%dma_wait3A_191 : memref<!tpu.dma_semaphore, #tpu.memory_space<semaphore_mem>>) src(%dma_wait3A_189 : memref<10000x80xf32, #tpu.memory_space<hbm>>) dst(%dma_wait3A_183 : memref<128x80xf32, #tpu.memory_space<vmem>>)
    %run_scoped3A_192 = arith.constant 3 : i32
    %run_scoped3A_193 = arith.constant 75 : i32
    "tpu.region"() ({
      %run_scoped3A_234 = tpu.sem_alloc : memref<!tpu.dma_semaphore, #tpu.memory_space<semaphore_mem>>
      %dma_start3A_235 = arith.constant 0 : i32
      %dma_start3A_236 = arith.constant 0 : i32
      %dma_start3A_237 = tpu.memref_slice %arg9[%run_scoped3A_192, %dma_start3A_235, %dma_start3A_236] : memref<4x128x80xf32, #tpu.memory_space<vmem>> -> memref<1x128x80xf32, #tpu.memory_space<vmem>>
      %dma_start3A_238 = tpu.memref_squeeze %dma_start3A_237 : memref<1x128x80xf32, #tpu.memory_space<vmem>> -> memref<128x80xf32, #tpu.memory_space<vmem>>
      %dma_start3A_239 = arith.constant 0 : i32
      %dma_start3A_240 = tpu.memref_slice %arg6[%run_scoped3A_193, %dma_start3A_239] : memref<78x128xi32, #tpu.memory_space<vmem>> -> memref<1x128xi32, #tpu.memory_space<vmem>>
      %dma_start3A_241 = tpu.memref_squeeze %dma_start3A_240 : memref<1x128xi32, #tpu.memory_space<vmem>> -> memref<128xi32, #tpu.memory_space<vmem>>
      %dma_start3A_242 = arith.constant 0 : i32
      %dma_start3A_243 = arith.constant 0 : i32
      %dma_start3A_244 = tpu.memref_slice %arg10[%dma_start3A_242, %dma_start3A_243] : memref<10000x80xf32, #tpu.memory_space<vmem_shared>> -> memref<10000x80xf32, #tpu.memory_space<vmem_shared>>
      tpu.enqueue_indirect_dma source(%dma_start3A_238 : memref<128x80xf32, #tpu.memory_space<vmem>>) target(%dma_start3A_244 : memref<10000x80xf32, #tpu.memory_space<vmem_shared>>) offsets(%dma_start3A_241 : memref<128xi32, #tpu.memory_space<vmem>>) semaphore(%run_scoped3A_234 : memref<!tpu.dma_semaphore, #tpu.memory_space<semaphore_mem>>) {add = true}
      %dma_wait3A_245 = arith.constant 0 : i32
      %dma_wait3A_246 = arith.constant 0 : i32
      %dma_wait3A_247 = tpu.memref_slice %arg9[%run_scoped3A_192, %dma_wait3A_245, %dma_wait3A_246] : memref<4x128x80xf32, #tpu.memory_space<vmem>> -> memref<1x128x80xf32, #tpu.memory_space<vmem>>
      %dma_wait3A_248 = tpu.memref_squeeze %dma_wait3A_247 : memref<1x128x80xf32, #tpu.memory_space<vmem>> -> memref<128x80xf32, #tpu.memory_space<vmem>>
      %dma_wait3A_249 = arith.constant 0 : i32
      %dma_wait3A_250 = tpu.memref_slice %arg6[%run_scoped3A_193, %dma_wait3A_249] : memref<78x128xi32, #tpu.memory_space<vmem>> -> memref<1x128xi32, #tpu.memory_space<vmem>>
      %dma_wait3A_251 = tpu.memref_squeeze %dma_wait3A_250 : memref<1x128xi32, #tpu.memory_space<vmem>> -> memref<128xi32, #tpu.memory_space<vmem>>
      %dma_wait3A_252 = arith.constant 0 : i32
      %dma_wait3A_253 = arith.constant 0 : i32
      %dma_wait3A_254 = tpu.memref_slice %arg10[%dma_wait3A_252, %dma_wait3A_253] : memref<10000x80xf32, #tpu.memory_space<vmem_shared>> -> memref<10000x80xf32, #tpu.memory_space<vmem_shared>>
      tpu.wait_indirect_dma semaphore(%run_scoped3A_234 : memref<!tpu.dma_semaphore, #tpu.memory_space<semaphore_mem>>) src(%dma_wait3A_248 : memref<128x80xf32, #tpu.memory_space<vmem>>) dst(%dma_wait3A_254 : memref<10000x80xf32, #tpu.memory_space<vmem_shared>>)
      tpu.yield
    }) : () -> ()
    %dma_wait3A_194 = arith.constant 0 : i32
    %dma_wait3A_195 = arith.constant 0 : i32
    %dma_wait3A_196 = arith.constant 0 : i32
    %dma_wait3A_197 = arith.constant 0 : i32
    %dma_wait3A_198 = arith.constant 0 : i32
    %dma_wait3A_199 = tpu.memref_slice %arg9[%dma_wait3A_195, %dma_wait3A_197, %dma_wait3A_198] : memref<4x128x80xf32, #tpu.memory_space<vmem>> -> memref<1x128x80xf32, #tpu.memory_space<vmem>>
    %dma_wait3A_200 = tpu.memref_squeeze %dma_wait3A_199 : memref<1x128x80xf32, #tpu.memory_space<vmem>> -> memref<128x80xf32, #tpu.memory_space<vmem>>
    %dma_wait3A_201 = arith.constant 0 : i32
    %dma_wait3A_202 = tpu.memref_slice %arg5[%dma_wait3A_194, %dma_wait3A_201] : memref<78x128xi32, #tpu.memory_space<vmem>> -> memref<1x128xi32, #tpu.memory_space<vmem>>
    %dma_wait3A_203 = tpu.memref_squeeze %dma_wait3A_202 : memref<1x128xi32, #tpu.memory_space<vmem>> -> memref<128xi32, #tpu.memory_space<vmem>>
    %dma_wait3A_204 = arith.constant 0 : i32
    %dma_wait3A_205 = arith.constant 0 : i32
    %dma_wait3A_206 = tpu.memref_slice %arg2[%dma_wait3A_204, %dma_wait3A_205] : memref<10000x80xf32, #tpu.memory_space<hbm>> -> memref<10000x80xf32, #tpu.memory_space<hbm>>
    %dma_wait3A_207 = tpu.memref_slice %arg11[%dma_wait3A_196] : memref<4x!tpu.dma_semaphore, #tpu.memory_space<semaphore_mem>> -> memref<1x!tpu.dma_semaphore, #tpu.memory_space<semaphore_mem>>
    %dma_wait3A_208 = tpu.memref_squeeze %dma_wait3A_207 : memref<1x!tpu.dma_semaphore, #tpu.memory_space<semaphore_mem>> -> memref<!tpu.dma_semaphore, #tpu.memory_space<semaphore_mem>>
    tpu.wait_indirect_dma semaphore(%dma_wait3A_208 : memref<!tpu.dma_semaphore, #tpu.memory_space<semaphore_mem>>) src(%dma_wait3A_206 : memref<10000x80xf32, #tpu.memory_space<hbm>>) dst(%dma_wait3A_200 : memref<128x80xf32, #tpu.memory_space<vmem>>)
    %run_scoped3A_209 = arith.constant 0 : i32
    %run_scoped3A_210 = arith.constant 76 : i32
    "tpu.region"() ({
      %run_scoped3A_234 = tpu.sem_alloc : memref<!tpu.dma_semaphore, #tpu.memory_space<semaphore_mem>>
      %dma_start3A_235 = arith.constant 0 : i32
      %dma_start3A_236 = arith.constant 0 : i32
      %dma_start3A_237 = tpu.memref_slice %arg9[%run_scoped3A_209, %dma_start3A_235, %dma_start3A_236] : memref<4x128x80xf32, #tpu.memory_space<vmem>> -> memref<1x128x80xf32, #tpu.memory_space<vmem>>
      %dma_start3A_238 = tpu.memref_squeeze %dma_start3A_237 : memref<1x128x80xf32, #tpu.memory_space<vmem>> -> memref<128x80xf32, #tpu.memory_space<vmem>>
      %dma_start3A_239 = arith.constant 0 : i32
      %dma_start3A_240 = tpu.memref_slice %arg6[%run_scoped3A_210, %dma_start3A_239] : memref<78x128xi32, #tpu.memory_space<vmem>> -> memref<1x128xi32, #tpu.memory_space<vmem>>
      %dma_start3A_241 = tpu.memref_squeeze %dma_start3A_240 : memref<1x128xi32, #tpu.memory_space<vmem>> -> memref<128xi32, #tpu.memory_space<vmem>>
      %dma_start3A_242 = arith.constant 0 : i32
      %dma_start3A_243 = arith.constant 0 : i32
      %dma_start3A_244 = tpu.memref_slice %arg10[%dma_start3A_242, %dma_start3A_243] : memref<10000x80xf32, #tpu.memory_space<vmem_shared>> -> memref<10000x80xf32, #tpu.memory_space<vmem_shared>>
      tpu.enqueue_indirect_dma source(%dma_start3A_238 : memref<128x80xf32, #tpu.memory_space<vmem>>) target(%dma_start3A_244 : memref<10000x80xf32, #tpu.memory_space<vmem_shared>>) offsets(%dma_start3A_241 : memref<128xi32, #tpu.memory_space<vmem>>) semaphore(%run_scoped3A_234 : memref<!tpu.dma_semaphore, #tpu.memory_space<semaphore_mem>>) {add = true}
      %dma_wait3A_245 = arith.constant 0 : i32
      %dma_wait3A_246 = arith.constant 0 : i32
      %dma_wait3A_247 = tpu.memref_slice %arg9[%run_scoped3A_209, %dma_wait3A_245, %dma_wait3A_246] : memref<4x128x80xf32, #tpu.memory_space<vmem>> -> memref<1x128x80xf32, #tpu.memory_space<vmem>>
      %dma_wait3A_248 = tpu.memref_squeeze %dma_wait3A_247 : memref<1x128x80xf32, #tpu.memory_space<vmem>> -> memref<128x80xf32, #tpu.memory_space<vmem>>
      %dma_wait3A_249 = arith.constant 0 : i32
      %dma_wait3A_250 = tpu.memref_slice %arg6[%run_scoped3A_210, %dma_wait3A_249] : memref<78x128xi32, #tpu.memory_space<vmem>> -> memref<1x128xi32, #tpu.memory_space<vmem>>
      %dma_wait3A_251 = tpu.memref_squeeze %dma_wait3A_250 : memref<1x128xi32, #tpu.memory_space<vmem>> -> memref<128xi32, #tpu.memory_space<vmem>>
      %dma_wait3A_252 = arith.constant 0 : i32
      %dma_wait3A_253 = arith.constant 0 : i32
      %dma_wait3A_254 = tpu.memref_slice %arg10[%dma_wait3A_252, %dma_wait3A_253] : memref<10000x80xf32, #tpu.memory_space<vmem_shared>> -> memref<10000x80xf32, #tpu.memory_space<vmem_shared>>
      tpu.wait_indirect_dma semaphore(%run_scoped3A_234 : memref<!tpu.dma_semaphore, #tpu.memory_space<semaphore_mem>>) src(%dma_wait3A_248 : memref<128x80xf32, #tpu.memory_space<vmem>>) dst(%dma_wait3A_254 : memref<10000x80xf32, #tpu.memory_space<vmem_shared>>)
      tpu.yield
    }) : () -> ()
    %dma_wait3A_211 = arith.constant 0 : i32
    %dma_wait3A_212 = arith.constant 1 : i32
    %dma_wait3A_213 = arith.constant 1 : i32
    %dma_wait3A_214 = arith.constant 0 : i32
    %dma_wait3A_215 = arith.constant 0 : i32
    %dma_wait3A_216 = tpu.memref_slice %arg9[%dma_wait3A_212, %dma_wait3A_214, %dma_wait3A_215] : memref<4x128x80xf32, #tpu.memory_space<vmem>> -> memref<1x128x80xf32, #tpu.memory_space<vmem>>
    %dma_wait3A_217 = tpu.memref_squeeze %dma_wait3A_216 : memref<1x128x80xf32, #tpu.memory_space<vmem>> -> memref<128x80xf32, #tpu.memory_space<vmem>>
    %dma_wait3A_218 = arith.constant 0 : i32
    %dma_wait3A_219 = tpu.memref_slice %arg5[%dma_wait3A_211, %dma_wait3A_218] : memref<78x128xi32, #tpu.memory_space<vmem>> -> memref<1x128xi32, #tpu.memory_space<vmem>>
    %dma_wait3A_220 = tpu.memref_squeeze %dma_wait3A_219 : memref<1x128xi32, #tpu.memory_space<vmem>> -> memref<128xi32, #tpu.memory_space<vmem>>
    %dma_wait3A_221 = arith.constant 0 : i32
    %dma_wait3A_222 = arith.constant 0 : i32
    %dma_wait3A_223 = tpu.memref_slice %arg2[%dma_wait3A_221, %dma_wait3A_222] : memref<10000x80xf32, #tpu.memory_space<hbm>> -> memref<10000x80xf32, #tpu.memory_space<hbm>>
    %dma_wait3A_224 = tpu.memref_slice %arg11[%dma_wait3A_213] : memref<4x!tpu.dma_semaphore, #tpu.memory_space<semaphore_mem>> -> memref<1x!tpu.dma_semaphore, #tpu.memory_space<semaphore_mem>>
    %dma_wait3A_225 = tpu.memref_squeeze %dma_wait3A_224 : memref<1x!tpu.dma_semaphore, #tpu.memory_space<semaphore_mem>> -> memref<!tpu.dma_semaphore, #tpu.memory_space<semaphore_mem>>
    tpu.wait_indirect_dma semaphore(%dma_wait3A_225 : memref<!tpu.dma_semaphore, #tpu.memory_space<semaphore_mem>>) src(%dma_wait3A_223 : memref<10000x80xf32, #tpu.memory_space<hbm>>) dst(%dma_wait3A_217 : memref<128x80xf32, #tpu.memory_space<vmem>>)
    %run_scoped3A_226 = arith.constant 1 : i32
    %run_scoped3A_227 = arith.constant 77 : i32
    "tpu.region"() ({
      %run_scoped3A_234 = tpu.sem_alloc : memref<!tpu.dma_semaphore, #tpu.memory_space<semaphore_mem>>
      %dma_start3A_235 = arith.constant 0 : i32
      %dma_start3A_236 = arith.constant 0 : i32
      %dma_start3A_237 = tpu.memref_slice %arg9[%run_scoped3A_226, %dma_start3A_235, %dma_start3A_236] : memref<4x128x80xf32, #tpu.memory_space<vmem>> -> memref<1x128x80xf32, #tpu.memory_space<vmem>>
      %dma_start3A_238 = tpu.memref_squeeze %dma_start3A_237 : memref<1x128x80xf32, #tpu.memory_space<vmem>> -> memref<128x80xf32, #tpu.memory_space<vmem>>
      %dma_start3A_239 = arith.constant 0 : i32
      %dma_start3A_240 = tpu.memref_slice %arg6[%run_scoped3A_227, %dma_start3A_239] : memref<78x128xi32, #tpu.memory_space<vmem>> -> memref<1x128xi32, #tpu.memory_space<vmem>>
      %dma_start3A_241 = tpu.memref_squeeze %dma_start3A_240 : memref<1x128xi32, #tpu.memory_space<vmem>> -> memref<128xi32, #tpu.memory_space<vmem>>
      %dma_start3A_242 = arith.constant 0 : i32
      %dma_start3A_243 = arith.constant 0 : i32
      %dma_start3A_244 = tpu.memref_slice %arg10[%dma_start3A_242, %dma_start3A_243] : memref<10000x80xf32, #tpu.memory_space<vmem_shared>> -> memref<10000x80xf32, #tpu.memory_space<vmem_shared>>
      tpu.enqueue_indirect_dma source(%dma_start3A_238 : memref<128x80xf32, #tpu.memory_space<vmem>>) target(%dma_start3A_244 : memref<10000x80xf32, #tpu.memory_space<vmem_shared>>) offsets(%dma_start3A_241 : memref<128xi32, #tpu.memory_space<vmem>>) semaphore(%run_scoped3A_234 : memref<!tpu.dma_semaphore, #tpu.memory_space<semaphore_mem>>) {add = true}
      %dma_wait3A_245 = arith.constant 0 : i32
      %dma_wait3A_246 = arith.constant 0 : i32
      %dma_wait3A_247 = tpu.memref_slice %arg9[%run_scoped3A_226, %dma_wait3A_245, %dma_wait3A_246] : memref<4x128x80xf32, #tpu.memory_space<vmem>> -> memref<1x128x80xf32, #tpu.memory_space<vmem>>
      %dma_wait3A_248 = tpu.memref_squeeze %dma_wait3A_247 : memref<1x128x80xf32, #tpu.memory_space<vmem>> -> memref<128x80xf32, #tpu.memory_space<vmem>>
      %dma_wait3A_249 = arith.constant 0 : i32
      %dma_wait3A_250 = tpu.memref_slice %arg6[%run_scoped3A_227, %dma_wait3A_249] : memref<78x128xi32, #tpu.memory_space<vmem>> -> memref<1x128xi32, #tpu.memory_space<vmem>>
      %dma_wait3A_251 = tpu.memref_squeeze %dma_wait3A_250 : memref<1x128xi32, #tpu.memory_space<vmem>> -> memref<128xi32, #tpu.memory_space<vmem>>
      %dma_wait3A_252 = arith.constant 0 : i32
      %dma_wait3A_253 = arith.constant 0 : i32
      %dma_wait3A_254 = tpu.memref_slice %arg10[%dma_wait3A_252, %dma_wait3A_253] : memref<10000x80xf32, #tpu.memory_space<vmem_shared>> -> memref<10000x80xf32, #tpu.memory_space<vmem_shared>>
      tpu.wait_indirect_dma semaphore(%run_scoped3A_234 : memref<!tpu.dma_semaphore, #tpu.memory_space<semaphore_mem>>) src(%dma_wait3A_248 : memref<128x80xf32, #tpu.memory_space<vmem>>) dst(%dma_wait3A_254 : memref<10000x80xf32, #tpu.memory_space<vmem_shared>>)
      tpu.yield
    }) : () -> ()
    %lt3A_228 = arith.constant 4 : i32
    %lt3A_229 = arith.cmpi slt, %add3A, %lt3A_228 : i32
    %convert_element_type3A_230 = arith.extui %lt3A_229 : i1 to i32
    %cond3A_231 = arith.constant 0 : i32
    %cond3A_232 = arith.cmpi ne, %convert_element_type3A_230, %cond3A_231 : i32
    scf.if %cond3A_232 {
      %dma_start3A_234 = arith.constant 0 : i32
      %dma_start3A_235 = arith.constant 0 : i32
      %dma_start3A_236 = arith.constant 0 : i32
      %dma_start3A_237 = arith.constant 0 : i32
      %dma_start3A_238 = arith.constant 0 : i32
      %dma_start3A_239 = tpu.memref_slice %arg9[%dma_start3A_235, %dma_start3A_237, %dma_start3A_238] : memref<4x128x80xf32, #tpu.memory_space<vmem>> -> memref<1x128x80xf32, #tpu.memory_space<vmem>>
      %dma_start3A_240 = tpu.memref_squeeze %dma_start3A_239 : memref<1x128x80xf32, #tpu.memory_space<vmem>> -> memref<128x80xf32, #tpu.memory_space<vmem>>
      %dma_start3A_241 = arith.constant 0 : i32
      %dma_start3A_242 = tpu.memref_slice %arg7[%dma_start3A_234, %dma_start3A_241] : memref<1x128xi32, #tpu.memory_space<vmem>> -> memref<1x128xi32, #tpu.memory_space<vmem>>
      %dma_start3A_243 = tpu.memref_squeeze %dma_start3A_242 : memref<1x128xi32, #tpu.memory_space<vmem>> -> memref<128xi32, #tpu.memory_space<vmem>>
      %dma_start3A_244 = arith.constant 0 : i32
      %dma_start3A_245 = arith.constant 0 : i32
      %dma_start3A_246 = tpu.memref_slice %arg2[%dma_start3A_244, %dma_start3A_245] : memref<10000x80xf32, #tpu.memory_space<hbm>> -> memref<10000x80xf32, #tpu.memory_space<hbm>>
      %dma_start3A_247 = tpu.memref_slice %arg11[%dma_start3A_236] : memref<4x!tpu.dma_semaphore, #tpu.memory_space<semaphore_mem>> -> memref<1x!tpu.dma_semaphore, #tpu.memory_space<semaphore_mem>>
      %dma_start3A_248 = tpu.memref_squeeze %dma_start3A_247 : memref<1x!tpu.dma_semaphore, #tpu.memory_space<semaphore_mem>> -> memref<!tpu.dma_semaphore, #tpu.memory_space<semaphore_mem>>
      tpu.enqueue_indirect_dma source(%dma_start3A_246 : memref<10000x80xf32, #tpu.memory_space<hbm>>) target(%dma_start3A_240 : memref<128x80xf32, #tpu.memory_space<vmem>>) offsets(%dma_start3A_243 : memref<128xi32, #tpu.memory_space<vmem>>) semaphore(%dma_start3A_248 : memref<!tpu.dma_semaphore, #tpu.memory_space<semaphore_mem>>)
      %dma_wait3A_249 = arith.constant 0 : i32
      %dma_wait3A_250 = arith.constant 0 : i32
      %dma_wait3A_251 = arith.constant 0 : i32
      %dma_wait3A_252 = arith.constant 0 : i32
      %dma_wait3A_253 = arith.constant 0 : i32
      %dma_wait3A_254 = tpu.memref_slice %arg9[%dma_wait3A_250, %dma_wait3A_252, %dma_wait3A_253] : memref<4x128x80xf32, #tpu.memory_space<vmem>> -> memref<1x128x80xf32, #tpu.memory_space<vmem>>
      %dma_wait3A_255 = tpu.memref_squeeze %dma_wait3A_254 : memref<1x128x80xf32, #tpu.memory_space<vmem>> -> memref<128x80xf32, #tpu.memory_space<vmem>>
      %dma_wait3A_256 = arith.constant 0 : i32
      %dma_wait3A_257 = tpu.memref_slice %arg7[%dma_wait3A_249, %dma_wait3A_256] : memref<1x128xi32, #tpu.memory_space<vmem>> -> memref<1x128xi32, #tpu.memory_space<vmem>>
      %dma_wait3A_258 = tpu.memref_squeeze %dma_wait3A_257 : memref<1x128xi32, #tpu.memory_space<vmem>> -> memref<128xi32, #tpu.memory_space<vmem>>
      %dma_wait3A_259 = arith.constant 0 : i32
      %dma_wait3A_260 = arith.constant 0 : i32
      %dma_wait3A_261 = tpu.memref_slice %arg2[%dma_wait3A_259, %dma_wait3A_260] : memref<10000x80xf32, #tpu.memory_space<hbm>> -> memref<10000x80xf32, #tpu.memory_space<hbm>>
      %dma_wait3A_262 = tpu.memref_slice %arg11[%dma_wait3A_251] : memref<4x!tpu.dma_semaphore, #tpu.memory_space<semaphore_mem>> -> memref<1x!tpu.dma_semaphore, #tpu.memory_space<semaphore_mem>>
      %dma_wait3A_263 = tpu.memref_squeeze %dma_wait3A_262 : memref<1x!tpu.dma_semaphore, #tpu.memory_space<semaphore_mem>> -> memref<!tpu.dma_semaphore, #tpu.memory_space<semaphore_mem>>
      tpu.wait_indirect_dma semaphore(%dma_wait3A_263 : memref<!tpu.dma_semaphore, #tpu.memory_space<semaphore_mem>>) src(%dma_wait3A_261 : memref<10000x80xf32, #tpu.memory_space<hbm>>) dst(%dma_wait3A_255 : memref<128x80xf32, #tpu.memory_space<vmem>>)
      %run_scoped3A_264 = arith.constant 0 : i32
      %run_scoped3A_265 = arith.constant 0 : i32
      "tpu.region"() ({
        %run_scoped3A_266 = tpu.sem_alloc : memref<!tpu.dma_semaphore, #tpu.memory_space<semaphore_mem>>
        %dma_start3A_267 = arith.constant 0 : i32
        %dma_start3A_268 = arith.constant 0 : i32
        %dma_start3A_269 = tpu.memref_slice %arg9[%run_scoped3A_264, %dma_start3A_267, %dma_start3A_268] : memref<4x128x80xf32, #tpu.memory_space<vmem>> -> memref<1x128x80xf32, #tpu.memory_space<vmem>>
        %dma_start3A_270 = tpu.memref_squeeze %dma_start3A_269 : memref<1x128x80xf32, #tpu.memory_space<vmem>> -> memref<128x80xf32, #tpu.memory_space<vmem>>
        %dma_start3A_271 = arith.constant 0 : i32
        %dma_start3A_272 = tpu.memref_slice %arg8[%run_scoped3A_265, %dma_start3A_271] : memref<1x128xi32, #tpu.memory_space<vmem>> -> memref<1x128xi32, #tpu.memory_space<vmem>>
        %dma_start3A_273 = tpu.memref_squeeze %dma_start3A_272 : memref<1x128xi32, #tpu.memory_space<vmem>> -> memref<128xi32, #tpu.memory_space<vmem>>
        %dma_start3A_274 = arith.constant 0 : i32
        %dma_start3A_275 = arith.constant 0 : i32
        %dma_start3A_276 = tpu.memref_slice %arg10[%dma_start3A_274, %dma_start3A_275] : memref<10000x80xf32, #tpu.memory_space<vmem_shared>> -> memref<10000x80xf32, #tpu.memory_space<vmem_shared>>
        tpu.enqueue_indirect_dma source(%dma_start3A_270 : memref<128x80xf32, #tpu.memory_space<vmem>>) target(%dma_start3A_276 : memref<10000x80xf32, #tpu.memory_space<vmem_shared>>) offsets(%dma_start3A_273 : memref<128xi32, #tpu.memory_space<vmem>>) semaphore(%run_scoped3A_266 : memref<!tpu.dma_semaphore, #tpu.memory_space<semaphore_mem>>) {add = true}
        %dma_wait3A_277 = arith.constant 0 : i32
        %dma_wait3A_278 = arith.constant 0 : i32
        %dma_wait3A_279 = tpu.memref_slice %arg9[%run_scoped3A_264, %dma_wait3A_277, %dma_wait3A_278] : memref<4x128x80xf32, #tpu.memory_space<vmem>> -> memref<1x128x80xf32, #tpu.memory_space<vmem>>
        %dma_wait3A_280 = tpu.memref_squeeze %dma_wait3A_279 : memref<1x128x80xf32, #tpu.memory_space<vmem>> -> memref<128x80xf32, #tpu.memory_space<vmem>>
        %dma_wait3A_281 = arith.constant 0 : i32
        %dma_wait3A_282 = tpu.memref_slice %arg8[%run_scoped3A_265, %dma_wait3A_281] : memref<1x128xi32, #tpu.memory_space<vmem>> -> memref<1x128xi32, #tpu.memory_space<vmem>>
        %dma_wait3A_283 = tpu.memref_squeeze %dma_wait3A_282 : memref<1x128xi32, #tpu.memory_space<vmem>> -> memref<128xi32, #tpu.memory_space<vmem>>
        %dma_wait3A_284 = arith.constant 0 : i32
        %dma_wait3A_285 = arith.constant 0 : i32
        %dma_wait3A_286 = tpu.memref_slice %arg10[%dma_wait3A_284, %dma_wait3A_285] : memref<10000x80xf32, #tpu.memory_space<vmem_shared>> -> memref<10000x80xf32, #tpu.memory_space<vmem_shared>>
        tpu.wait_indirect_dma semaphore(%run_scoped3A_266 : memref<!tpu.dma_semaphore, #tpu.memory_space<semaphore_mem>>) src(%dma_wait3A_280 : memref<128x80xf32, #tpu.memory_space<vmem>>) dst(%dma_wait3A_286 : memref<10000x80xf32, #tpu.memory_space<vmem_shared>>)
        tpu.yield
      }) : () -> ()
    } else {
    }
    %barrier3A_233 = arith.constant 0 : index
    tpu.barrier barrier_id(%barrier3A_233)
    "tpu.region"() ({
      %run_scoped3A_234 = tpu.sem_alloc : memref<!tpu.dma_semaphore, #tpu.memory_space<semaphore_mem>>
      %dma_start3A_235 = arith.constant 0 : i32
      %dma_start3A_236 = tpu.memref_slice %arg4[%arg0, %mul3A_7, %dma_start3A_235] : memref<2x10000x128xf32, #tpu.memory_space<hbm>> -> memref<1x625x80xf32, #tpu.memory_space<hbm>>
      %dma_start3A_237 = tpu.memref_squeeze %dma_start3A_236 : memref<1x625x80xf32, #tpu.memory_space<hbm>> -> memref<625x80xf32, #tpu.memory_space<hbm>>
      %dma_start3A_238 = arith.constant 0 : i32
      %dma_start3A_239 = tpu.memref_slice %arg10[%mul3A_7, %dma_start3A_238] : memref<10000x80xf32, #tpu.memory_space<vmem_shared>> -> memref<625x80xf32, #tpu.memory_space<vmem_shared>>
      tpu.enqueue_dma source(%dma_start3A_239 : memref<625x80xf32, #tpu.memory_space<vmem_shared>>) target(%dma_start3A_237 : memref<625x80xf32, #tpu.memory_space<hbm>>) target_semaphore(%run_scoped3A_234 : memref<!tpu.dma_semaphore, #tpu.memory_space<semaphore_mem>>)
      %dma_wait3A_240 = arith.constant 0 : i32
      %dma_wait3A_241 = tpu.memref_slice %arg4[%arg0, %mul3A_7, %dma_wait3A_240] : memref<2x10000x128xf32, #tpu.memory_space<hbm>> -> memref<1x625x80xf32, #tpu.memory_space<hbm>>
      %dma_wait3A_242 = tpu.memref_squeeze %dma_wait3A_241 : memref<1x625x80xf32, #tpu.memory_space<hbm>> -> memref<625x80xf32, #tpu.memory_space<hbm>>
      %dma_wait3A_243 = arith.constant 0 : i32
      %dma_wait3A_244 = tpu.memref_slice %arg10[%mul3A_7, %dma_wait3A_243] : memref<10000x80xf32, #tpu.memory_space<vmem_shared>> -> memref<625x80xf32, #tpu.memory_space<vmem_shared>>
      tpu.wait_dma2 semaphore(%run_scoped3A_234 : memref<!tpu.dma_semaphore, #tpu.memory_space<semaphore_mem>>) src(%dma_wait3A_244 : memref<625x80xf32, #tpu.memory_space<vmem_shared>>) dst(%dma_wait3A_242 : memref<625x80xf32, #tpu.memory_space<hbm>>)
      tpu.yield
    }) : () -> ()
    return
  }
}

#map = affine_map<(d0, d1) -> (0, 0)>
#map1 = affine_map<(d0, d1) -> (0, 0, 0)>
module attributes {stable_mosaic.version = 14 : i64} {
  func.func @segsum_f32(%arg0: i32, %arg1: i32, %arg2: memref<10000x32xf32, #tpu.memory_space<hbm>>, %arg3: memref<2x2500x128xi32, #tpu.memory_space<hbm>>, %arg4: memref<2x10000x128xf32, #tpu.memory_space<hbm>>, %arg5: memref<78x128xi32, #tpu.memory_space<vmem>>, %arg6: memref<78x128xi32, #tpu.memory_space<vmem>>, %arg7: memref<1x128xi32, #tpu.memory_space<vmem>>, %arg8: memref<1x128xi32, #tpu.memory_space<vmem>>, %arg9: memref<4x128x32xf32, #tpu.memory_space<vmem>>, %arg10: memref<10000x32xf32, #tpu.memory_space<vmem_shared>>, %arg11: memref<4x!tpu.dma_semaphore, #tpu.memory_space<semaphore_mem>>) attributes {dimension_semantics = [#tpu.dimension_semantics<core_parallel>, #tpu.dimension_semantics<subcore_parallel>], iteration_bounds = array<i64: 2, 16>, scalar_prefetch = 0 : i64, scratch_operands = 7 : i64, tpu.core_type = #tpu.core_type<sc_vector_subcore>, window_params = [{transform_indices = #map}, {transform_indices = #map1}, {transform_indices = #map1}]} {
    %mul3A = arith.constant 2 : i32
    %mul3A_0 = arith.muli %arg1, %mul3A : i32
    %add3A = arith.addi %mul3A_0, %arg0 : i32
    %scan3A = arith.constant 0 : i32
    %scan3A_1 = arith.constant 0 : i32
    %scan3A_2 = arith.constant 128 : i32
    %scan3A_3 = arith.addi %scan3A_1, %scan3A_2 : i32
    %scan3A_4 = arith.constant 1 : i32
    scf.for %scan3A_234 = %scan3A_1 to %scan3A_3 step %scan3A_4  : i32 {
      %broadcast_in_dim3A = arith.constant 0.000000e+00 : f32
      %broadcast_in_dim3A_235 = vector.broadcast %broadcast_in_dim3A : f32 to vector<16xf32>
      %swap3A = arith.constant 0 : i32
      %swap3A_236 = arith.index_cast %swap3A : i32 to index
      %swap3A_237 = arith.index_cast %scan3A_234 : i32 to index
      %swap3A_238 = arith.constant 0 : index
      %swap3A_239 = tpu.vector_load %arg9[%swap3A_236, %swap3A_237, %swap3A_238] {strides = array<i32>} : memref<4x128x32xf32, #tpu.memory_space<vmem>>, vector<1x1x16xf32>,
      %swap3A_240 = vector.shape_cast %swap3A_239 : vector<1x1x16xf32> to vector<16xf32>
      %swap3A_241 = vector.shape_cast %broadcast_in_dim3A_235 : vector<16xf32> to vector<1x1x16xf32>
      tpu.vector_store %arg9[%swap3A_236, %swap3A_237, %swap3A_238], %swap3A_241 {strides = array<i32>} : memref<4x128x32xf32, #tpu.memory_space<vmem>>, vector<1x1x16xf32>,
      %broadcast_in_dim3A_242 = arith.constant 0.000000e+00 : f32
      %broadcast_in_dim3A_243 = vector.broadcast %broadcast_in_dim3A_242 : f32 to vector<16xf32>
      %swap3A_244 = arith.constant 0 : i32
      %swap3A_245 = arith.index_cast %swap3A_244 : i32 to index
      %swap3A_246 = arith.index_cast %scan3A_234 : i32 to index
      %swap3A_247 = arith.constant 16 : index
      %swap3A_248 = tpu.vector_load %arg9[%swap3A_245, %swap3A_246, %swap3A_247] {strides = array<i32>} : memref<4x128x32xf32, #tpu.memory_space<vmem>>, vector<1x1x16xf32>,
      %swap3A_249 = vector.shape_cast %swap3A_248 : vector<1x1x16xf32> to vector<16xf32>
      %swap3A_250 = vector.shape_cast %broadcast_in_dim3A_243 : vector<16xf32> to vector<1x1x16xf32>
      tpu.vector_store %arg9[%swap3A_245, %swap3A_246, %swap3A_247], %swap3A_250 {strides = array<i32>} : memref<4x128x32xf32, #tpu.memory_space<vmem>>, vector<1x1x16xf32>,
    }
    %scan3A_5 = arith.constant 128 : i32
    %mul3A_6 = arith.constant 625 : i32
    %mul3A_7 = arith.muli %arg1, %mul3A_6 : i32
    %add3A_8 = arith.constant 0 : i32
    %add3A_9 = arith.addi %mul3A_7, %add3A_8 : i32
    %run_scoped3A = arith.constant 0 : i32
    "tpu.region"() ({
      %run_scoped3A_234 = tpu.sem_alloc : memref<!tpu.dma_semaphore, #tpu.memory_space<semaphore_mem>>
      %dma_start3A_235 = arith.constant 0 : i32
      %dma_start3A_236 = arith.constant 0 : i32
      %dma_start3A_237 = tpu.memref_slice %arg9[%run_scoped3A, %dma_start3A_235, %dma_start3A_236] : memref<4x128x32xf32, #tpu.memory_space<vmem>> -> memref<1x128x32xf32, #tpu.memory_space<vmem>>
      %dma_start3A_238 = tpu.memref_squeeze %dma_start3A_237 : memref<1x128x32xf32, #tpu.memory_space<vmem>> -> memref<128x32xf32, #tpu.memory_space<vmem>>
      %dma_start3A_239 = arith.constant 0 : i32
      %dma_start3A_240 = tpu.memref_slice %arg10[%add3A_9, %dma_start3A_239] : memref<10000x32xf32, #tpu.memory_space<vmem_shared>> -> memref<128x32xf32, #tpu.memory_space<vmem_shared>>
      %dma_start3A_241 = arith.constant 0 : i32
      %dma_start3A_242 = tpu.memref_slice %arg10[%add3A_9, %dma_start3A_241] : memref<10000x32xf32, #tpu.memory_space<vmem_shared>> -> memref<128x32xf32, #tpu.memory_space<vmem_shared>>
      %dma_start3A_243 = arith.constant 0 : i32
      %dma_start3A_244 = arith.constant 0 : i32
      %dma_start3A_245 = tpu.memref_slice %arg9[%run_scoped3A, %dma_start3A_243, %dma_start3A_244] : memref<4x128x32xf32, #tpu.memory_space<vmem>> -> memref<1x128x32xf32, #tpu.memory_space<vmem>>
      %dma_start3A_246 = tpu.memref_squeeze %dma_start3A_245 : memref<1x128x32xf32, #tpu.memory_space<vmem>> -> memref<128x32xf32, #tpu.memory_space<vmem>>
      tpu.enqueue_dma source(%dma_start3A_246 : memref<128x32xf32, #tpu.memory_space<vmem>>) target(%dma_start3A_242 : memref<128x32xf32, #tpu.memory_space<vmem_shared>>) target_semaphore(%run_scoped3A_234 : memref<!tpu.dma_semaphore, #tpu.memory_space<semaphore_mem>>)
      %dma_wait3A_247 = arith.constant 0 : i32
      %dma_wait3A_248 = arith.constant 0 : i32
      %dma_wait3A_249 = tpu.memref_slice %arg9[%run_scoped3A, %dma_wait3A_247, %dma_wait3A_248] : memref<4x128x32xf32, #tpu.memory_space<vmem>> -> memref<1x128x32xf32, #tpu.memory_space<vmem>>
      %dma_wait3A_250 = tpu.memref_squeeze %dma_wait3A_249 : memref<1x128x32xf32, #tpu.memory_space<vmem>> -> memref<128x32xf32, #tpu.memory_space<vmem>>
      %dma_wait3A_251 = arith.constant 0 : i32
      %dma_wait3A_252 = tpu.memref_slice %arg10[%add3A_9, %dma_wait3A_251] : memref<10000x32xf32, #tpu.memory_space<vmem_shared>> -> memref<128x32xf32, #tpu.memory_space<vmem_shared>>
      %dma_wait3A_253 = arith.constant 0 : i32
      %dma_wait3A_254 = tpu.memref_slice %arg10[%add3A_9, %dma_wait3A_253] : memref<10000x32xf32, #tpu.memory_space<vmem_shared>> -> memref<128x32xf32, #tpu.memory_space<vmem_shared>>
      %dma_wait3A_255 = arith.constant 0 : i32
      %dma_wait3A_256 = arith.constant 0 : i32
      %dma_wait3A_257 = tpu.memref_slice %arg9[%run_scoped3A, %dma_wait3A_255, %dma_wait3A_256] : memref<4x128x32xf32, #tpu.memory_space<vmem>> -> memref<1x128x32xf32, #tpu.memory_space<vmem>>
      %dma_wait3A_258 = tpu.memref_squeeze %dma_wait3A_257 : memref<1x128x32xf32, #tpu.memory_space<vmem>> -> memref<128x32xf32, #tpu.memory_space<vmem>>
      tpu.wait_dma2 semaphore(%run_scoped3A_234 : memref<!tpu.dma_semaphore, #tpu.memory_space<semaphore_mem>>) src(%dma_wait3A_258 : memref<128x32xf32, #tpu.memory_space<vmem>>) dst(%dma_wait3A_254 : memref<128x32xf32, #tpu.memory_space<vmem_shared>>)
      tpu.yield
    }) : () -> ()
    %add3A_10 = arith.constant 128 : i32
    %add3A_11 = arith.addi %mul3A_7, %add3A_10 : i32
    %run_scoped3A_12 = arith.constant 0 : i32
    "tpu.region"() ({
      %run_scoped3A_234 = tpu.sem_alloc : memref<!tpu.dma_semaphore, #tpu.memory_space<semaphore_mem>>
      %dma_start3A_235 = arith.constant 0 : i32
      %dma_start3A_236 = arith.constant 0 : i32
      %dma_start3A_237 = tpu.memref_slice %arg9[%run_scoped3A_12, %dma_start3A_235, %dma_start3A_236] : memref<4x128x32xf32, #tpu.memory_space<vmem>> -> memref<1x128x32xf32, #tpu.memory_space<vmem>>
      %dma_start3A_238 = tpu.memref_squeeze %dma_start3A_237 : memref<1x128x32xf32, #tpu.memory_space<vmem>> -> memref<128x32xf32, #tpu.memory_space<vmem>>
      %dma_start3A_239 = arith.constant 0 : i32
      %dma_start3A_240 = tpu.memref_slice %arg10[%add3A_11, %dma_start3A_239] : memref<10000x32xf32, #tpu.memory_space<vmem_shared>> -> memref<128x32xf32, #tpu.memory_space<vmem_shared>>
      %dma_start3A_241 = arith.constant 0 : i32
      %dma_start3A_242 = tpu.memref_slice %arg10[%add3A_11, %dma_start3A_241] : memref<10000x32xf32, #tpu.memory_space<vmem_shared>> -> memref<128x32xf32, #tpu.memory_space<vmem_shared>>
      %dma_start3A_243 = arith.constant 0 : i32
      %dma_start3A_244 = arith.constant 0 : i32
      %dma_start3A_245 = tpu.memref_slice %arg9[%run_scoped3A_12, %dma_start3A_243, %dma_start3A_244] : memref<4x128x32xf32, #tpu.memory_space<vmem>> -> memref<1x128x32xf32, #tpu.memory_space<vmem>>
      %dma_start3A_246 = tpu.memref_squeeze %dma_start3A_245 : memref<1x128x32xf32, #tpu.memory_space<vmem>> -> memref<128x32xf32, #tpu.memory_space<vmem>>
      tpu.enqueue_dma source(%dma_start3A_246 : memref<128x32xf32, #tpu.memory_space<vmem>>) target(%dma_start3A_242 : memref<128x32xf32, #tpu.memory_space<vmem_shared>>) target_semaphore(%run_scoped3A_234 : memref<!tpu.dma_semaphore, #tpu.memory_space<semaphore_mem>>)
      %dma_wait3A_247 = arith.constant 0 : i32
      %dma_wait3A_248 = arith.constant 0 : i32
      %dma_wait3A_249 = tpu.memref_slice %arg9[%run_scoped3A_12, %dma_wait3A_247, %dma_wait3A_248] : memref<4x128x32xf32, #tpu.memory_space<vmem>> -> memref<1x128x32xf32, #tpu.memory_space<vmem>>
      %dma_wait3A_250 = tpu.memref_squeeze %dma_wait3A_249 : memref<1x128x32xf32, #tpu.memory_space<vmem>> -> memref<128x32xf32, #tpu.memory_space<vmem>>
      %dma_wait3A_251 = arith.constant 0 : i32
      %dma_wait3A_252 = tpu.memref_slice %arg10[%add3A_11, %dma_wait3A_251] : memref<10000x32xf32, #tpu.memory_space<vmem_shared>> -> memref<128x32xf32, #tpu.memory_space<vmem_shared>>
      %dma_wait3A_253 = arith.constant 0 : i32
      %dma_wait3A_254 = tpu.memref_slice %arg10[%add3A_11, %dma_wait3A_253] : memref<10000x32xf32, #tpu.memory_space<vmem_shared>> -> memref<128x32xf32, #tpu.memory_space<vmem_shared>>
      %dma_wait3A_255 = arith.constant 0 : i32
      %dma_wait3A_256 = arith.constant 0 : i32
      %dma_wait3A_257 = tpu.memref_slice %arg9[%run_scoped3A_12, %dma_wait3A_255, %dma_wait3A_256] : memref<4x128x32xf32, #tpu.memory_space<vmem>> -> memref<1x128x32xf32, #tpu.memory_space<vmem>>
      %dma_wait3A_258 = tpu.memref_squeeze %dma_wait3A_257 : memref<1x128x32xf32, #tpu.memory_space<vmem>> -> memref<128x32xf32, #tpu.memory_space<vmem>>
      tpu.wait_dma2 semaphore(%run_scoped3A_234 : memref<!tpu.dma_semaphore, #tpu.memory_space<semaphore_mem>>) src(%dma_wait3A_258 : memref<128x32xf32, #tpu.memory_space<vmem>>) dst(%dma_wait3A_254 : memref<128x32xf32, #tpu.memory_space<vmem_shared>>)
      tpu.yield
    }) : () -> ()
    %add3A_13 = arith.constant 256 : i32
    %add3A_14 = arith.addi %mul3A_7, %add3A_13 : i32
    %run_scoped3A_15 = arith.constant 0 : i32
    "tpu.region"() ({
      %run_scoped3A_234 = tpu.sem_alloc : memref<!tpu.dma_semaphore, #tpu.memory_space<semaphore_mem>>
      %dma_start3A_235 = arith.constant 0 : i32
      %dma_start3A_236 = arith.constant 0 : i32
      %dma_start3A_237 = tpu.memref_slice %arg9[%run_scoped3A_15, %dma_start3A_235, %dma_start3A_236] : memref<4x128x32xf32, #tpu.memory_space<vmem>> -> memref<1x128x32xf32, #tpu.memory_space<vmem>>
      %dma_start3A_238 = tpu.memref_squeeze %dma_start3A_237 : memref<1x128x32xf32, #tpu.memory_space<vmem>> -> memref<128x32xf32, #tpu.memory_space<vmem>>
      %dma_start3A_239 = arith.constant 0 : i32
      %dma_start3A_240 = tpu.memref_slice %arg10[%add3A_14, %dma_start3A_239] : memref<10000x32xf32, #tpu.memory_space<vmem_shared>> -> memref<128x32xf32, #tpu.memory_space<vmem_shared>>
      %dma_start3A_241 = arith.constant 0 : i32
      %dma_start3A_242 = tpu.memref_slice %arg10[%add3A_14, %dma_start3A_241] : memref<10000x32xf32, #tpu.memory_space<vmem_shared>> -> memref<128x32xf32, #tpu.memory_space<vmem_shared>>
      %dma_start3A_243 = arith.constant 0 : i32
      %dma_start3A_244 = arith.constant 0 : i32
      %dma_start3A_245 = tpu.memref_slice %arg9[%run_scoped3A_15, %dma_start3A_243, %dma_start3A_244] : memref<4x128x32xf32, #tpu.memory_space<vmem>> -> memref<1x128x32xf32, #tpu.memory_space<vmem>>
      %dma_start3A_246 = tpu.memref_squeeze %dma_start3A_245 : memref<1x128x32xf32, #tpu.memory_space<vmem>> -> memref<128x32xf32, #tpu.memory_space<vmem>>
      tpu.enqueue_dma source(%dma_start3A_246 : memref<128x32xf32, #tpu.memory_space<vmem>>) target(%dma_start3A_242 : memref<128x32xf32, #tpu.memory_space<vmem_shared>>) target_semaphore(%run_scoped3A_234 : memref<!tpu.dma_semaphore, #tpu.memory_space<semaphore_mem>>)
      %dma_wait3A_247 = arith.constant 0 : i32
      %dma_wait3A_248 = arith.constant 0 : i32
      %dma_wait3A_249 = tpu.memref_slice %arg9[%run_scoped3A_15, %dma_wait3A_247, %dma_wait3A_248] : memref<4x128x32xf32, #tpu.memory_space<vmem>> -> memref<1x128x32xf32, #tpu.memory_space<vmem>>
      %dma_wait3A_250 = tpu.memref_squeeze %dma_wait3A_249 : memref<1x128x32xf32, #tpu.memory_space<vmem>> -> memref<128x32xf32, #tpu.memory_space<vmem>>
      %dma_wait3A_251 = arith.constant 0 : i32
      %dma_wait3A_252 = tpu.memref_slice %arg10[%add3A_14, %dma_wait3A_251] : memref<10000x32xf32, #tpu.memory_space<vmem_shared>> -> memref<128x32xf32, #tpu.memory_space<vmem_shared>>
      %dma_wait3A_253 = arith.constant 0 : i32
      %dma_wait3A_254 = tpu.memref_slice %arg10[%add3A_14, %dma_wait3A_253] : memref<10000x32xf32, #tpu.memory_space<vmem_shared>> -> memref<128x32xf32, #tpu.memory_space<vmem_shared>>
      %dma_wait3A_255 = arith.constant 0 : i32
      %dma_wait3A_256 = arith.constant 0 : i32
      %dma_wait3A_257 = tpu.memref_slice %arg9[%run_scoped3A_15, %dma_wait3A_255, %dma_wait3A_256] : memref<4x128x32xf32, #tpu.memory_space<vmem>> -> memref<1x128x32xf32, #tpu.memory_space<vmem>>
      %dma_wait3A_258 = tpu.memref_squeeze %dma_wait3A_257 : memref<1x128x32xf32, #tpu.memory_space<vmem>> -> memref<128x32xf32, #tpu.memory_space<vmem>>
      tpu.wait_dma2 semaphore(%run_scoped3A_234 : memref<!tpu.dma_semaphore, #tpu.memory_space<semaphore_mem>>) src(%dma_wait3A_258 : memref<128x32xf32, #tpu.memory_space<vmem>>) dst(%dma_wait3A_254 : memref<128x32xf32, #tpu.memory_space<vmem_shared>>)
      tpu.yield
    }) : () -> ()
    %add3A_16 = arith.constant 384 : i32
    %add3A_17 = arith.addi %mul3A_7, %add3A_16 : i32
    %run_scoped3A_18 = arith.constant 0 : i32
    "tpu.region"() ({
      %run_scoped3A_234 = tpu.sem_alloc : memref<!tpu.dma_semaphore, #tpu.memory_space<semaphore_mem>>
      %dma_start3A_235 = arith.constant 0 : i32
      %dma_start3A_236 = arith.constant 0 : i32
      %dma_start3A_237 = tpu.memref_slice %arg9[%run_scoped3A_18, %dma_start3A_235, %dma_start3A_236] : memref<4x128x32xf32, #tpu.memory_space<vmem>> -> memref<1x128x32xf32, #tpu.memory_space<vmem>>
      %dma_start3A_238 = tpu.memref_squeeze %dma_start3A_237 : memref<1x128x32xf32, #tpu.memory_space<vmem>> -> memref<128x32xf32, #tpu.memory_space<vmem>>
      %dma_start3A_239 = arith.constant 0 : i32
      %dma_start3A_240 = tpu.memref_slice %arg10[%add3A_17, %dma_start3A_239] : memref<10000x32xf32, #tpu.memory_space<vmem_shared>> -> memref<128x32xf32, #tpu.memory_space<vmem_shared>>
      %dma_start3A_241 = arith.constant 0 : i32
      %dma_start3A_242 = tpu.memref_slice %arg10[%add3A_17, %dma_start3A_241] : memref<10000x32xf32, #tpu.memory_space<vmem_shared>> -> memref<128x32xf32, #tpu.memory_space<vmem_shared>>
      %dma_start3A_243 = arith.constant 0 : i32
      %dma_start3A_244 = arith.constant 0 : i32
      %dma_start3A_245 = tpu.memref_slice %arg9[%run_scoped3A_18, %dma_start3A_243, %dma_start3A_244] : memref<4x128x32xf32, #tpu.memory_space<vmem>> -> memref<1x128x32xf32, #tpu.memory_space<vmem>>
      %dma_start3A_246 = tpu.memref_squeeze %dma_start3A_245 : memref<1x128x32xf32, #tpu.memory_space<vmem>> -> memref<128x32xf32, #tpu.memory_space<vmem>>
      tpu.enqueue_dma source(%dma_start3A_246 : memref<128x32xf32, #tpu.memory_space<vmem>>) target(%dma_start3A_242 : memref<128x32xf32, #tpu.memory_space<vmem_shared>>) target_semaphore(%run_scoped3A_234 : memref<!tpu.dma_semaphore, #tpu.memory_space<semaphore_mem>>)
      %dma_wait3A_247 = arith.constant 0 : i32
      %dma_wait3A_248 = arith.constant 0 : i32
      %dma_wait3A_249 = tpu.memref_slice %arg9[%run_scoped3A_18, %dma_wait3A_247, %dma_wait3A_248] : memref<4x128x32xf32, #tpu.memory_space<vmem>> -> memref<1x128x32xf32, #tpu.memory_space<vmem>>
      %dma_wait3A_250 = tpu.memref_squeeze %dma_wait3A_249 : memref<1x128x32xf32, #tpu.memory_space<vmem>> -> memref<128x32xf32, #tpu.memory_space<vmem>>
      %dma_wait3A_251 = arith.constant 0 : i32
      %dma_wait3A_252 = tpu.memref_slice %arg10[%add3A_17, %dma_wait3A_251] : memref<10000x32xf32, #tpu.memory_space<vmem_shared>> -> memref<128x32xf32, #tpu.memory_space<vmem_shared>>
      %dma_wait3A_253 = arith.constant 0 : i32
      %dma_wait3A_254 = tpu.memref_slice %arg10[%add3A_17, %dma_wait3A_253] : memref<10000x32xf32, #tpu.memory_space<vmem_shared>> -> memref<128x32xf32, #tpu.memory_space<vmem_shared>>
      %dma_wait3A_255 = arith.constant 0 : i32
      %dma_wait3A_256 = arith.constant 0 : i32
      %dma_wait3A_257 = tpu.memref_slice %arg9[%run_scoped3A_18, %dma_wait3A_255, %dma_wait3A_256] : memref<4x128x32xf32, #tpu.memory_space<vmem>> -> memref<1x128x32xf32, #tpu.memory_space<vmem>>
      %dma_wait3A_258 = tpu.memref_squeeze %dma_wait3A_257 : memref<1x128x32xf32, #tpu.memory_space<vmem>> -> memref<128x32xf32, #tpu.memory_space<vmem>>
      tpu.wait_dma2 semaphore(%run_scoped3A_234 : memref<!tpu.dma_semaphore, #tpu.memory_space<semaphore_mem>>) src(%dma_wait3A_258 : memref<128x32xf32, #tpu.memory_space<vmem>>) dst(%dma_wait3A_254 : memref<128x32xf32, #tpu.memory_space<vmem_shared>>)
      tpu.yield
    }) : () -> ()
    %add3A_19 = arith.constant 512 : i32
    %add3A_20 = arith.addi %mul3A_7, %add3A_19 : i32
    %run_scoped3A_21 = arith.constant 0 : i32
    "tpu.region"() ({
      %run_scoped3A_234 = tpu.sem_alloc : memref<!tpu.dma_semaphore, #tpu.memory_space<semaphore_mem>>
      %dma_start3A_235 = arith.constant 0 : i32
      %dma_start3A_236 = arith.constant 0 : i32
      %dma_start3A_237 = tpu.memref_slice %arg9[%run_scoped3A_21, %dma_start3A_235, %dma_start3A_236] : memref<4x128x32xf32, #tpu.memory_space<vmem>> -> memref<1x113x32xf32, #tpu.memory_space<vmem>>
      %dma_start3A_238 = tpu.memref_squeeze %dma_start3A_237 : memref<1x113x32xf32, #tpu.memory_space<vmem>> -> memref<113x32xf32, #tpu.memory_space<vmem>>
      %dma_start3A_239 = arith.constant 0 : i32
      %dma_start3A_240 = tpu.memref_slice %arg10[%add3A_20, %dma_start3A_239] : memref<10000x32xf32, #tpu.memory_space<vmem_shared>> -> memref<113x32xf32, #tpu.memory_space<vmem_shared>>
      %dma_start3A_241 = arith.constant 0 : i32
      %dma_start3A_242 = tpu.memref_slice %arg10[%add3A_20, %dma_start3A_241] : memref<10000x32xf32, #tpu.memory_space<vmem_shared>> -> memref<113x32xf32, #tpu.memory_space<vmem_shared>>
      %dma_start3A_243 = arith.constant 0 : i32
      %dma_start3A_244 = arith.constant 0 : i32
      %dma_start3A_245 = tpu.memref_slice %arg9[%run_scoped3A_21, %dma_start3A_243, %dma_start3A_244] : memref<4x128x32xf32, #tpu.memory_space<vmem>> -> memref<1x113x32xf32, #tpu.memory_space<vmem>>
      %dma_start3A_246 = tpu.memref_squeeze %dma_start3A_245 : memref<1x113x32xf32, #tpu.memory_space<vmem>> -> memref<113x32xf32, #tpu.memory_space<vmem>>
      tpu.enqueue_dma source(%dma_start3A_246 : memref<113x32xf32, #tpu.memory_space<vmem>>) target(%dma_start3A_242 : memref<113x32xf32, #tpu.memory_space<vmem_shared>>) target_semaphore(%run_scoped3A_234 : memref<!tpu.dma_semaphore, #tpu.memory_space<semaphore_mem>>)
      %dma_wait3A_247 = arith.constant 0 : i32
      %dma_wait3A_248 = arith.constant 0 : i32
      %dma_wait3A_249 = tpu.memref_slice %arg9[%run_scoped3A_21, %dma_wait3A_247, %dma_wait3A_248] : memref<4x128x32xf32, #tpu.memory_space<vmem>> -> memref<1x113x32xf32, #tpu.memory_space<vmem>>
      %dma_wait3A_250 = tpu.memref_squeeze %dma_wait3A_249 : memref<1x113x32xf32, #tpu.memory_space<vmem>> -> memref<113x32xf32, #tpu.memory_space<vmem>>
      %dma_wait3A_251 = arith.constant 0 : i32
      %dma_wait3A_252 = tpu.memref_slice %arg10[%add3A_20, %dma_wait3A_251] : memref<10000x32xf32, #tpu.memory_space<vmem_shared>> -> memref<113x32xf32, #tpu.memory_space<vmem_shared>>
      %dma_wait3A_253 = arith.constant 0 : i32
      %dma_wait3A_254 = tpu.memref_slice %arg10[%add3A_20, %dma_wait3A_253] : memref<10000x32xf32, #tpu.memory_space<vmem_shared>> -> memref<113x32xf32, #tpu.memory_space<vmem_shared>>
      %dma_wait3A_255 = arith.constant 0 : i32
      %dma_wait3A_256 = arith.constant 0 : i32
      %dma_wait3A_257 = tpu.memref_slice %arg9[%run_scoped3A_21, %dma_wait3A_255, %dma_wait3A_256] : memref<4x128x32xf32, #tpu.memory_space<vmem>> -> memref<1x113x32xf32, #tpu.memory_space<vmem>>
      %dma_wait3A_258 = tpu.memref_squeeze %dma_wait3A_257 : memref<1x113x32xf32, #tpu.memory_space<vmem>> -> memref<113x32xf32, #tpu.memory_space<vmem>>
      tpu.wait_dma2 semaphore(%run_scoped3A_234 : memref<!tpu.dma_semaphore, #tpu.memory_space<semaphore_mem>>) src(%dma_wait3A_258 : memref<113x32xf32, #tpu.memory_space<vmem>>) dst(%dma_wait3A_254 : memref<113x32xf32, #tpu.memory_space<vmem_shared>>)
      tpu.yield
    }) : () -> ()
    %mul3A_22 = arith.constant 78 : i32
    %mul3A_23 = arith.muli %add3A, %mul3A_22 : i32
    %run_scoped3A_24 = arith.constant 0 : i32
    "tpu.region"() ({
      %run_scoped3A_234 = tpu.sem_alloc : memref<!tpu.dma_semaphore, #tpu.memory_space<semaphore_mem>>
      %dma_start3A_235 = arith.constant 0 : i32
      %dma_start3A_236 = arith.constant 0 : i32
      %dma_start3A_237 = tpu.memref_slice %arg3[%run_scoped3A_24, %dma_start3A_235, %dma_start3A_236] : memref<2x2500x128xi32, #tpu.memory_space<hbm>> -> memref<1x2500x128xi32, #tpu.memory_space<hbm>>
      %dma_start3A_238 = tpu.memref_squeeze %dma_start3A_237 : memref<1x2500x128xi32, #tpu.memory_space<hbm>> -> memref<2500x128xi32, #tpu.memory_space<hbm>>
      %dma_start3A_239 = arith.constant 0 : i32
      %dma_start3A_240 = tpu.memref_slice %dma_start3A_238[%mul3A_23, %dma_start3A_239] : memref<2500x128xi32, #tpu.memory_space<hbm>> -> memref<78x128xi32, #tpu.memory_space<hbm>>
      %dma_start3A_241 = arith.constant 0 : i32
      %dma_start3A_242 = arith.constant 0 : i32
      %dma_start3A_243 = tpu.memref_slice %arg3[%run_scoped3A_24, %dma_start3A_241, %dma_start3A_242] : memref<2x2500x128xi32, #tpu.memory_space<hbm>> -> memref<1x2500x128xi32, #tpu.memory_space<hbm>>
      %dma_start3A_244 = tpu.memref_squeeze %dma_start3A_243 : memref<1x2500x128xi32, #tpu.memory_space<hbm>> -> memref<2500x128xi32, #tpu.memory_space<hbm>>
      %dma_start3A_245 = arith.constant 0 : i32
      %dma_start3A_246 = tpu.memref_slice %dma_start3A_244[%mul3A_23, %dma_start3A_245] : memref<2500x128xi32, #tpu.memory_space<hbm>> -> memref<78x128xi32, #tpu.memory_space<hbm>>
      tpu.enqueue_dma source(%dma_start3A_246 : memref<78x128xi32, #tpu.memory_space<hbm>>) target(%arg5 : memref<78x128xi32, #tpu.memory_space<vmem>>) target_semaphore(%run_scoped3A_234 : memref<!tpu.dma_semaphore, #tpu.memory_space<semaphore_mem>>)
      %dma_wait3A_247 = arith.constant 0 : i32
      %dma_wait3A_248 = arith.constant 0 : i32
      %dma_wait3A_249 = tpu.memref_slice %arg3[%run_scoped3A_24, %dma_wait3A_247, %dma_wait3A_248] : memref<2x2500x128xi32, #tpu.memory_space<hbm>> -> memref<1x2500x128xi32, #tpu.memory_space<hbm>>
      %dma_wait3A_250 = tpu.memref_squeeze %dma_wait3A_249 : memref<1x2500x128xi32, #tpu.memory_space<hbm>> -> memref<2500x128xi32, #tpu.memory_space<hbm>>
      %dma_wait3A_251 = arith.constant 0 : i32
      %dma_wait3A_252 = tpu.memref_slice %dma_wait3A_250[%mul3A_23, %dma_wait3A_251] : memref<2500x128xi32, #tpu.memory_space<hbm>> -> memref<78x128xi32, #tpu.memory_space<hbm>>
      %dma_wait3A_253 = arith.constant 0 : i32
      %dma_wait3A_254 = arith.constant 0 : i32
      %dma_wait3A_255 = tpu.memref_slice %arg3[%run_scoped3A_24, %dma_wait3A_253, %dma_wait3A_254] : memref<2x2500x128xi32, #tpu.memory_space<hbm>> -> memref<1x2500x128xi32, #tpu.memory_space<hbm>>
      %dma_wait3A_256 = tpu.memref_squeeze %dma_wait3A_255 : memref<1x2500x128xi32, #tpu.memory_space<hbm>> -> memref<2500x128xi32, #tpu.memory_space<hbm>>
      %dma_wait3A_257 = arith.constant 0 : i32
      %dma_wait3A_258 = tpu.memref_slice %dma_wait3A_256[%mul3A_23, %dma_wait3A_257] : memref<2500x128xi32, #tpu.memory_space<hbm>> -> memref<78x128xi32, #tpu.memory_space<hbm>>
      tpu.wait_dma2 semaphore(%run_scoped3A_234 : memref<!tpu.dma_semaphore, #tpu.memory_space<semaphore_mem>>) src(%dma_wait3A_258 : memref<78x128xi32, #tpu.memory_space<hbm>>) dst(%arg5 : memref<78x128xi32, #tpu.memory_space<vmem>>)
      tpu.yield
    }) : () -> ()
    %mul3A_25 = arith.constant 78 : i32
    %mul3A_26 = arith.muli %add3A, %mul3A_25 : i32
    %run_scoped3A_27 = arith.constant 1 : i32
    "tpu.region"() ({
      %run_scoped3A_234 = tpu.sem_alloc : memref<!tpu.dma_semaphore, #tpu.memory_space<semaphore_mem>>
      %dma_start3A_235 = arith.constant 0 : i32
      %dma_start3A_236 = arith.constant 0 : i32
      %dma_start3A_237 = tpu.memref_slice %arg3[%run_scoped3A_27, %dma_start3A_235, %dma_start3A_236] : memref<2x2500x128xi32, #tpu.memory_space<hbm>> -> memref<1x2500x128xi32, #tpu.memory_space<hbm>>
      %dma_start3A_238 = tpu.memref_squeeze %dma_start3A_237 : memref<1x2500x128xi32, #tpu.memory_space<hbm>> -> memref<2500x128xi32, #tpu.memory_space<hbm>>
      %dma_start3A_239 = arith.constant 0 : i32
      %dma_start3A_240 = tpu.memref_slice %dma_start3A_238[%mul3A_26, %dma_start3A_239] : memref<2500x128xi32, #tpu.memory_space<hbm>> -> memref<78x128xi32, #tpu.memory_space<hbm>>
      %dma_start3A_241 = arith.constant 0 : i32
      %dma_start3A_242 = arith.constant 0 : i32
      %dma_start3A_243 = tpu.memref_slice %arg3[%run_scoped3A_27, %dma_start3A_241, %dma_start3A_242] : memref<2x2500x128xi32, #tpu.memory_space<hbm>> -> memref<1x2500x128xi32, #tpu.memory_space<hbm>>
      %dma_start3A_244 = tpu.memref_squeeze %dma_start3A_243 : memref<1x2500x128xi32, #tpu.memory_space<hbm>> -> memref<2500x128xi32, #tpu.memory_space<hbm>>
      %dma_start3A_245 = arith.constant 0 : i32
      %dma_start3A_246 = tpu.memref_slice %dma_start3A_244[%mul3A_26, %dma_start3A_245] : memref<2500x128xi32, #tpu.memory_space<hbm>> -> memref<78x128xi32, #tpu.memory_space<hbm>>
      tpu.enqueue_dma source(%dma_start3A_246 : memref<78x128xi32, #tpu.memory_space<hbm>>) target(%arg6 : memref<78x128xi32, #tpu.memory_space<vmem>>) target_semaphore(%run_scoped3A_234 : memref<!tpu.dma_semaphore, #tpu.memory_space<semaphore_mem>>)
      %dma_wait3A_247 = arith.constant 0 : i32
      %dma_wait3A_248 = arith.constant 0 : i32
      %dma_wait3A_249 = tpu.memref_slice %arg3[%run_scoped3A_27, %dma_wait3A_247, %dma_wait3A_248] : memref<2x2500x128xi32, #tpu.memory_space<hbm>> -> memref<1x2500x128xi32, #tpu.memory_space<hbm>>
      %dma_wait3A_250 = tpu.memref_squeeze %dma_wait3A_249 : memref<1x2500x128xi32, #tpu.memory_space<hbm>> -> memref<2500x128xi32, #tpu.memory_space<hbm>>
      %dma_wait3A_251 = arith.constant 0 : i32
      %dma_wait3A_252 = tpu.memref_slice %dma_wait3A_250[%mul3A_26, %dma_wait3A_251] : memref<2500x128xi32, #tpu.memory_space<hbm>> -> memref<78x128xi32, #tpu.memory_space<hbm>>
      %dma_wait3A_253 = arith.constant 0 : i32
      %dma_wait3A_254 = arith.constant 0 : i32
      %dma_wait3A_255 = tpu.memref_slice %arg3[%run_scoped3A_27, %dma_wait3A_253, %dma_wait3A_254] : memref<2x2500x128xi32, #tpu.memory_space<hbm>> -> memref<1x2500x128xi32, #tpu.memory_space<hbm>>
      %dma_wait3A_256 = tpu.memref_squeeze %dma_wait3A_255 : memref<1x2500x128xi32, #tpu.memory_space<hbm>> -> memref<2500x128xi32, #tpu.memory_space<hbm>>
      %dma_wait3A_257 = arith.constant 0 : i32
      %dma_wait3A_258 = tpu.memref_slice %dma_wait3A_256[%mul3A_26, %dma_wait3A_257] : memref<2500x128xi32, #tpu.memory_space<hbm>> -> memref<78x128xi32, #tpu.memory_space<hbm>>
      tpu.wait_dma2 semaphore(%run_scoped3A_234 : memref<!tpu.dma_semaphore, #tpu.memory_space<semaphore_mem>>) src(%dma_wait3A_258 : memref<78x128xi32, #tpu.memory_space<hbm>>) dst(%arg6 : memref<78x128xi32, #tpu.memory_space<vmem>>)
      tpu.yield
    }) : () -> ()
    %lt3A = arith.constant 4 : i32
    %lt3A_28 = arith.cmpi slt, %add3A, %lt3A : i32
    %convert_element_type3A = arith.extui %lt3A_28 : i1 to i32
    %cond3A = arith.constant 0 : i32
    %cond3A_29 = arith.constant 1 : i32
    %cond3A_30 = arith.constant 0 : i32
    %cond3A_31 = arith.cmpi ne, %convert_element_type3A, %cond3A_30 : i32
    scf.if %cond3A_31 {
      %add3A_234 = arith.constant 2496 : i32
      %add3A_235 = arith.addi %add3A_234, %add3A : i32
      "tpu.region"() ({
        %run_scoped3A_238 = tpu.sem_alloc : memref<!tpu.dma_semaphore, #tpu.memory_space<semaphore_mem>>
        %dma_start3A_239 = arith.constant 0 : i32
        %dma_start3A_240 = arith.constant 0 : i32
        %dma_start3A_241 = tpu.memref_slice %arg3[%cond3A, %dma_start3A_239, %dma_start3A_240] : memref<2x2500x128xi32, #tpu.memory_space<hbm>> -> memref<1x2500x128xi32, #tpu.memory_space<hbm>>
        %dma_start3A_242 = tpu.memref_squeeze %dma_start3A_241 : memref<1x2500x128xi32, #tpu.memory_space<hbm>> -> memref<2500x128xi32, #tpu.memory_space<hbm>>
        %dma_start3A_243 = arith.constant 0 : i32
        %dma_start3A_244 = tpu.memref_slice %dma_start3A_242[%add3A_235, %dma_start3A_243] : memref<2500x128xi32, #tpu.memory_space<hbm>> -> memref<1x128xi32, #tpu.memory_space<hbm>>
        %dma_start3A_245 = arith.constant 0 : i32
        %dma_start3A_246 = arith.constant 0 : i32
        %dma_start3A_247 = tpu.memref_slice %arg3[%cond3A, %dma_start3A_245, %dma_start3A_246] : memref<2x2500x128xi32, #tpu.memory_space<hbm>> -> memref<1x2500x128xi32, #tpu.memory_space<hbm>>
        %dma_start3A_248 = tpu.memref_squeeze %dma_start3A_247 : memref<1x2500x128xi32, #tpu.memory_space<hbm>> -> memref<2500x128xi32, #tpu.memory_space<hbm>>
        %dma_start3A_249 = arith.constant 0 : i32
        %dma_start3A_250 = tpu.memref_slice %dma_start3A_248[%add3A_235, %dma_start3A_249] : memref<2500x128xi32, #tpu.memory_space<hbm>> -> memref<1x128xi32, #tpu.memory_space<hbm>>
        tpu.enqueue_dma source(%dma_start3A_250 : memref<1x128xi32, #tpu.memory_space<hbm>>) target(%arg7 : memref<1x128xi32, #tpu.memory_space<vmem>>) target_semaphore(%run_scoped3A_238 : memref<!tpu.dma_semaphore, #tpu.memory_space<semaphore_mem>>)
        %dma_wait3A_251 = arith.constant 0 : i32
        %dma_wait3A_252 = arith.constant 0 : i32
        %dma_wait3A_253 = tpu.memref_slice %arg3[%cond3A, %dma_wait3A_251, %dma_wait3A_252] : memref<2x2500x128xi32, #tpu.memory_space<hbm>> -> memref<1x2500x128xi32, #tpu.memory_space<hbm>>
        %dma_wait3A_254 = tpu.memref_squeeze %dma_wait3A_253 : memref<1x2500x128xi32, #tpu.memory_space<hbm>> -> memref<2500x128xi32, #tpu.memory_space<hbm>>
        %dma_wait3A_255 = arith.constant 0 : i32
        %dma_wait3A_256 = tpu.memref_slice %dma_wait3A_254[%add3A_235, %dma_wait3A_255] : memref<2500x128xi32, #tpu.memory_space<hbm>> -> memref<1x128xi32, #tpu.memory_space<hbm>>
        %dma_wait3A_257 = arith.constant 0 : i32
        %dma_wait3A_258 = arith.constant 0 : i32
        %dma_wait3A_259 = tpu.memref_slice %arg3[%cond3A, %dma_wait3A_257, %dma_wait3A_258] : memref<2x2500x128xi32, #tpu.memory_space<hbm>> -> memref<1x2500x128xi32, #tpu.memory_space<hbm>>
        %dma_wait3A_260 = tpu.memref_squeeze %dma_wait3A_259 : memref<1x2500x128xi32, #tpu.memory_space<hbm>> -> memref<2500x128xi32, #tpu.memory_space<hbm>>
        %dma_wait3A_261 = arith.constant 0 : i32
        %dma_wait3A_262 = tpu.memref_slice %dma_wait3A_260[%add3A_235, %dma_wait3A_261] : memref<2500x128xi32, #tpu.memory_space<hbm>> -> memref<1x128xi32, #tpu.memory_space<hbm>>
        tpu.wait_dma2 semaphore(%run_scoped3A_238 : memref<!tpu.dma_semaphore, #tpu.memory_space<semaphore_mem>>) src(%dma_wait3A_262 : memref<1x128xi32, #tpu.memory_space<hbm>>) dst(%arg7 : memref<1x128xi32, #tpu.memory_space<vmem>>)
        tpu.yield
      }) : () -> ()
      %add3A_236 = arith.constant 2496 : i32
      %add3A_237 = arith.addi %add3A_236, %add3A : i32
      "tpu.region"() ({
        %run_scoped3A_238 = tpu.sem_alloc : memref<!tpu.dma_semaphore, #tpu.memory_space<semaphore_mem>>
        %dma_start3A_239 = arith.constant 0 : i32
        %dma_start3A_240 = arith.constant 0 : i32
        %dma_start3A_241 = tpu.memref_slice %arg3[%cond3A_29, %dma_start3A_239, %dma_start3A_240] : memref<2x2500x128xi32, #tpu.memory_space<hbm>> -> memref<1x2500x128xi32, #tpu.memory_space<hbm>>
        %dma_start3A_242 = tpu.memref_squeeze %dma_start3A_241 : memref<1x2500x128xi32, #tpu.memory_space<hbm>> -> memref<2500x128xi32, #tpu.memory_space<hbm>>
        %dma_start3A_243 = arith.constant 0 : i32
        %dma_start3A_244 = tpu.memref_slice %dma_start3A_242[%add3A_237, %dma_start3A_243] : memref<2500x128xi32, #tpu.memory_space<hbm>> -> memref<1x128xi32, #tpu.memory_space<hbm>>
        %dma_start3A_245 = arith.constant 0 : i32
        %dma_start3A_246 = arith.constant 0 : i32
        %dma_start3A_247 = tpu.memref_slice %arg3[%cond3A_29, %dma_start3A_245, %dma_start3A_246] : memref<2x2500x128xi32, #tpu.memory_space<hbm>> -> memref<1x2500x128xi32, #tpu.memory_space<hbm>>
        %dma_start3A_248 = tpu.memref_squeeze %dma_start3A_247 : memref<1x2500x128xi32, #tpu.memory_space<hbm>> -> memref<2500x128xi32, #tpu.memory_space<hbm>>
        %dma_start3A_249 = arith.constant 0 : i32
        %dma_start3A_250 = tpu.memref_slice %dma_start3A_248[%add3A_237, %dma_start3A_249] : memref<2500x128xi32, #tpu.memory_space<hbm>> -> memref<1x128xi32, #tpu.memory_space<hbm>>
        tpu.enqueue_dma source(%dma_start3A_250 : memref<1x128xi32, #tpu.memory_space<hbm>>) target(%arg8 : memref<1x128xi32, #tpu.memory_space<vmem>>) target_semaphore(%run_scoped3A_238 : memref<!tpu.dma_semaphore, #tpu.memory_space<semaphore_mem>>)
        %dma_wait3A_251 = arith.constant 0 : i32
        %dma_wait3A_252 = arith.constant 0 : i32
        %dma_wait3A_253 = tpu.memref_slice %arg3[%cond3A_29, %dma_wait3A_251, %dma_wait3A_252] : memref<2x2500x128xi32, #tpu.memory_space<hbm>> -> memref<1x2500x128xi32, #tpu.memory_space<hbm>>
        %dma_wait3A_254 = tpu.memref_squeeze %dma_wait3A_253 : memref<1x2500x128xi32, #tpu.memory_space<hbm>> -> memref<2500x128xi32, #tpu.memory_space<hbm>>
        %dma_wait3A_255 = arith.constant 0 : i32
        %dma_wait3A_256 = tpu.memref_slice %dma_wait3A_254[%add3A_237, %dma_wait3A_255] : memref<2500x128xi32, #tpu.memory_space<hbm>> -> memref<1x128xi32, #tpu.memory_space<hbm>>
        %dma_wait3A_257 = arith.constant 0 : i32
        %dma_wait3A_258 = arith.constant 0 : i32
        %dma_wait3A_259 = tpu.memref_slice %arg3[%cond3A_29, %dma_wait3A_257, %dma_wait3A_258] : memref<2x2500x128xi32, #tpu.memory_space<hbm>> -> memref<1x2500x128xi32, #tpu.memory_space<hbm>>
        %dma_wait3A_260 = tpu.memref_squeeze %dma_wait3A_259 : memref<1x2500x128xi32, #tpu.memory_space<hbm>> -> memref<2500x128xi32, #tpu.memory_space<hbm>>
        %dma_wait3A_261 = arith.constant 0 : i32
        %dma_wait3A_262 = tpu.memref_slice %dma_wait3A_260[%add3A_237, %dma_wait3A_261] : memref<2500x128xi32, #tpu.memory_space<hbm>> -> memref<1x128xi32, #tpu.memory_space<hbm>>
        tpu.wait_dma2 semaphore(%run_scoped3A_238 : memref<!tpu.dma_semaphore, #tpu.memory_space<semaphore_mem>>) src(%dma_wait3A_262 : memref<1x128xi32, #tpu.memory_space<hbm>>) dst(%arg8 : memref<1x128xi32, #tpu.memory_space<vmem>>)
        tpu.yield
      }) : () -> ()
    } else {
    }
    %barrier3A = arith.constant 0 : index
    tpu.barrier barrier_id(%barrier3A)
    %dma_start3A = arith.constant 0 : i32
    %dma_start3A_32 = arith.constant 0 : i32
    %dma_start3A_33 = arith.constant 0 : i32
    %dma_start3A_34 = arith.constant 0 : i32
    %dma_start3A_35 = arith.constant 0 : i32
    %dma_start3A_36 = tpu.memref_slice %arg9[%dma_start3A_32, %dma_start3A_34, %dma_start3A_35] : memref<4x128x32xf32, #tpu.memory_space<vmem>> -> memref<1x128x32xf32, #tpu.memory_space<vmem>>
    %dma_start3A_37 = tpu.memref_squeeze %dma_start3A_36 : memref<1x128x32xf32, #tpu.memory_space<vmem>> -> memref<128x32xf32, #tpu.memory_space<vmem>>
    %dma_start3A_38 = arith.constant 0 : i32
    %dma_start3A_39 = tpu.memref_slice %arg5[%dma_start3A, %dma_start3A_38] : memref<78x128xi32, #tpu.memory_space<vmem>> -> memref<1x128xi32, #tpu.memory_space<vmem>>
    %dma_start3A_40 = tpu.memref_squeeze %dma_start3A_39 : memref<1x128xi32, #tpu.memory_space<vmem>> -> memref<128xi32, #tpu.memory_space<vmem>>
    %dma_start3A_41 = arith.constant 0 : i32
    %dma_start3A_42 = arith.constant 0 : i32
    %dma_start3A_43 = tpu.memref_slice %arg2[%dma_start3A_41, %dma_start3A_42] : memref<10000x32xf32, #tpu.memory_space<hbm>> -> memref<10000x32xf32, #tpu.memory_space<hbm>>
    %dma_start3A_44 = tpu.memref_slice %arg11[%dma_start3A_33] : memref<4x!tpu.dma_semaphore, #tpu.memory_space<semaphore_mem>> -> memref<1x!tpu.dma_semaphore, #tpu.memory_space<semaphore_mem>>
    %dma_start3A_45 = tpu.memref_squeeze %dma_start3A_44 : memref<1x!tpu.dma_semaphore, #tpu.memory_space<semaphore_mem>> -> memref<!tpu.dma_semaphore, #tpu.memory_space<semaphore_mem>>
    tpu.enqueue_indirect_dma source(%dma_start3A_43 : memref<10000x32xf32, #tpu.memory_space<hbm>>) target(%dma_start3A_37 : memref<128x32xf32, #tpu.memory_space<vmem>>) offsets(%dma_start3A_40 : memref<128xi32, #tpu.memory_space<vmem>>) semaphore(%dma_start3A_45 : memref<!tpu.dma_semaphore, #tpu.memory_space<semaphore_mem>>)
    %dma_start3A_46 = arith.constant 1 : i32
    %dma_start3A_47 = arith.constant 1 : i32
    %dma_start3A_48 = arith.constant 1 : i32
    %dma_start3A_49 = arith.constant 0 : i32
    %dma_start3A_50 = arith.constant 0 : i32
    %dma_start3A_51 = tpu.memref_slice %arg9[%dma_start3A_47, %dma_start3A_49, %dma_start3A_50] : memref<4x128x32xf32, #tpu.memory_space<vmem>> -> memref<1x128x32xf32, #tpu.memory_space<vmem>>
    %dma_start3A_52 = tpu.memref_squeeze %dma_start3A_51 : memref<1x128x32xf32, #tpu.memory_space<vmem>> -> memref<128x32xf32, #tpu.memory_space<vmem>>
    %dma_start3A_53 = arith.constant 0 : i32
    %dma_start3A_54 = tpu.memref_slice %arg5[%dma_start3A_46, %dma_start3A_53] : memref<78x128xi32, #tpu.memory_space<vmem>> -> memref<1x128xi32, #tpu.memory_space<vmem>>
    %dma_start3A_55 = tpu.memref_squeeze %dma_start3A_54 : memref<1x128xi32, #tpu.memory_space<vmem>> -> memref<128xi32, #tpu.memory_space<vmem>>
    %dma_start3A_56 = arith.constant 0 : i32
    %dma_start3A_57 = arith.constant 0 : i32
    %dma_start3A_58 = tpu.memref_slice %arg2[%dma_start3A_56, %dma_start3A_57] : memref<10000x32xf32, #tpu.memory_space<hbm>> -> memref<10000x32xf32, #tpu.memory_space<hbm>>
    %dma_start3A_59 = tpu.memref_slice %arg11[%dma_start3A_48] : memref<4x!tpu.dma_semaphore, #tpu.memory_space<semaphore_mem>> -> memref<1x!tpu.dma_semaphore, #tpu.memory_space<semaphore_mem>>
    %dma_start3A_60 = tpu.memref_squeeze %dma_start3A_59 : memref<1x!tpu.dma_semaphore, #tpu.memory_space<semaphore_mem>> -> memref<!tpu.dma_semaphore, #tpu.memory_space<semaphore_mem>>
    tpu.enqueue_indirect_dma source(%dma_start3A_58 : memref<10000x32xf32, #tpu.memory_space<hbm>>) target(%dma_start3A_52 : memref<128x32xf32, #tpu.memory_space<vmem>>) offsets(%dma_start3A_55 : memref<128xi32, #tpu.memory_space<vmem>>) semaphore(%dma_start3A_60 : memref<!tpu.dma_semaphore, #tpu.memory_space<semaphore_mem>>)
    %dma_start3A_61 = arith.constant 2 : i32
    %dma_start3A_62 = arith.constant 2 : i32
    %dma_start3A_63 = arith.constant 2 : i32
    %dma_start3A_64 = arith.constant 0 : i32
    %dma_start3A_65 = arith.constant 0 : i32
    %dma_start3A_66 = tpu.memref_slice %arg9[%dma_start3A_62, %dma_start3A_64, %dma_start3A_65] : memref<4x128x32xf32, #tpu.memory_space<vmem>> -> memref<1x128x32xf32, #tpu.memory_space<vmem>>
    %dma_start3A_67 = tpu.memref_squeeze %dma_start3A_66 : memref<1x128x32xf32, #tpu.memory_space<vmem>> -> memref<128x32xf32, #tpu.memory_space<vmem>>
    %dma_start3A_68 = arith.constant 0 : i32
    %dma_start3A_69 = tpu.memref_slice %arg5[%dma_start3A_61, %dma_start3A_68] : memref<78x128xi32, #tpu.memory_space<vmem>> -> memref<1x128xi32, #tpu.memory_space<vmem>>
    %dma_start3A_70 = tpu.memref_squeeze %dma_start3A_69 : memref<1x128xi32, #tpu.memory_space<vmem>> -> memref<128xi32, #tpu.memory_space<vmem>>
    %dma_start3A_71 = arith.constant 0 : i32
    %dma_start3A_72 = arith.constant 0 : i32
    %dma_start3A_73 = tpu.memref_slice %arg2[%dma_start3A_71, %dma_start3A_72] : memref<10000x32xf32, #tpu.memory_space<hbm>> -> memref<10000x32xf32, #tpu.memory_space<hbm>>
    %dma_start3A_74 = tpu.memref_slice %arg11[%dma_start3A_63] : memref<4x!tpu.dma_semaphore, #tpu.memory_space<semaphore_mem>> -> memref<1x!tpu.dma_semaphore, #tpu.memory_space<semaphore_mem>>
    %dma_start3A_75 = tpu.memref_squeeze %dma_start3A_74 : memref<1x!tpu.dma_semaphore, #tpu.memory_space<semaphore_mem>> -> memref<!tpu.dma_semaphore, #tpu.memory_space<semaphore_mem>>
    tpu.enqueue_indirect_dma source(%dma_start3A_73 : memref<10000x32xf32, #tpu.memory_space<hbm>>) target(%dma_start3A_67 : memref<128x32xf32, #tpu.memory_space<vmem>>) offsets(%dma_start3A_70 : memref<128xi32, #tpu.memory_space<vmem>>) semaphore(%dma_start3A_75 : memref<!tpu.dma_semaphore, #tpu.memory_space<semaphore_mem>>)
    %dma_start3A_76 = arith.constant 3 : i32
    %dma_start3A_77 = arith.constant 3 : i32
    %dma_start3A_78 = arith.constant 3 : i32
    %dma_start3A_79 = arith.constant 0 : i32
    %dma_start3A_80 = arith.constant 0 : i32
    %dma_start3A_81 = tpu.memref_slice %arg9[%dma_start3A_77, %dma_start3A_79, %dma_start3A_80] : memref<4x128x32xf32, #tpu.memory_space<vmem>> -> memref<1x128x32xf32, #tpu.memory_space<vmem>>
    %dma_start3A_82 = tpu.memref_squeeze %dma_start3A_81 : memref<1x128x32xf32, #tpu.memory_space<vmem>> -> memref<128x32xf32, #tpu.memory_space<vmem>>
    %dma_start3A_83 = arith.constant 0 : i32
    %dma_start3A_84 = tpu.memref_slice %arg5[%dma_start3A_76, %dma_start3A_83] : memref<78x128xi32, #tpu.memory_space<vmem>> -> memref<1x128xi32, #tpu.memory_space<vmem>>
    %dma_start3A_85 = tpu.memref_squeeze %dma_start3A_84 : memref<1x128xi32, #tpu.memory_space<vmem>> -> memref<128xi32, #tpu.memory_space<vmem>>
    %dma_start3A_86 = arith.constant 0 : i32
    %dma_start3A_87 = arith.constant 0 : i32
    %dma_start3A_88 = tpu.memref_slice %arg2[%dma_start3A_86, %dma_start3A_87] : memref<10000x32xf32, #tpu.memory_space<hbm>> -> memref<10000x32xf32, #tpu.memory_space<hbm>>
    %dma_start3A_89 = tpu.memref_slice %arg11[%dma_start3A_78] : memref<4x!tpu.dma_semaphore, #tpu.memory_space<semaphore_mem>> -> memref<1x!tpu.dma_semaphore, #tpu.memory_space<semaphore_mem>>
    %dma_start3A_90 = tpu.memref_squeeze %dma_start3A_89 : memref<1x!tpu.dma_semaphore, #tpu.memory_space<semaphore_mem>> -> memref<!tpu.dma_semaphore, #tpu.memory_space<semaphore_mem>>
    tpu.enqueue_indirect_dma source(%dma_start3A_88 : memref<10000x32xf32, #tpu.memory_space<hbm>>) target(%dma_start3A_82 : memref<128x32xf32, #tpu.memory_space<vmem>>) offsets(%dma_start3A_85 : memref<128xi32, #tpu.memory_space<vmem>>) semaphore(%dma_start3A_90 : memref<!tpu.dma_semaphore, #tpu.memory_space<semaphore_mem>>)
    %scan3A_91 = arith.constant 0 : i32
    %scan3A_92 = arith.constant 0 : i32
    %scan3A_93 = arith.constant 18 : i32
    %scan3A_94 = arith.addi %scan3A_92, %scan3A_93 : i32
    %scan3A_95 = arith.constant 1 : i32
    scf.for %scan3A_234 = %scan3A_92 to %scan3A_94 step %scan3A_95  : i32 {
      %mul3A_235 = arith.constant 4 : i32
      %mul3A_236 = arith.muli %scan3A_234, %mul3A_235 : i32
      %add3A_237 = arith.constant 0 : i32
      %add3A_238 = arith.addi %mul3A_236, %add3A_237 : i32
      %dma_wait3A_239 = arith.constant 0 : i32
      %dma_wait3A_240 = arith.constant 0 : i32
      %dma_wait3A_241 = arith.constant 0 : i32
      %dma_wait3A_242 = arith.constant 0 : i32
      %dma_wait3A_243 = arith.constant 0 : i32
      %dma_wait3A_244 = tpu.memref_slice %arg9[%dma_wait3A_240, %dma_wait3A_242, %dma_wait3A_243] : memref<4x128x32xf32, #tpu.memory_space<vmem>> -> memref<1x128x32xf32, #tpu.memory_space<vmem>>
      %dma_wait3A_245 = tpu.memref_squeeze %dma_wait3A_244 : memref<1x128x32xf32, #tpu.memory_space<vmem>> -> memref<128x32xf32, #tpu.memory_space<vmem>>
      %dma_wait3A_246 = arith.constant 0 : i32
      %dma_wait3A_247 = tpu.memref_slice %arg5[%dma_wait3A_239, %dma_wait3A_246] : memref<78x128xi32, #tpu.memory_space<vmem>> -> memref<1x128xi32, #tpu.memory_space<vmem>>
      %dma_wait3A_248 = tpu.memref_squeeze %dma_wait3A_247 : memref<1x128xi32, #tpu.memory_space<vmem>> -> memref<128xi32, #tpu.memory_space<vmem>>
      %dma_wait3A_249 = arith.constant 0 : i32
      %dma_wait3A_250 = arith.constant 0 : i32
      %dma_wait3A_251 = tpu.memref_slice %arg2[%dma_wait3A_249, %dma_wait3A_250] : memref<10000x32xf32, #tpu.memory_space<hbm>> -> memref<10000x32xf32, #tpu.memory_space<hbm>>
      %dma_wait3A_252 = tpu.memref_slice %arg11[%dma_wait3A_241] : memref<4x!tpu.dma_semaphore, #tpu.memory_space<semaphore_mem>> -> memref<1x!tpu.dma_semaphore, #tpu.memory_space<semaphore_mem>>
      %dma_wait3A_253 = tpu.memref_squeeze %dma_wait3A_252 : memref<1x!tpu.dma_semaphore, #tpu.memory_space<semaphore_mem>> -> memref<!tpu.dma_semaphore, #tpu.memory_space<semaphore_mem>>
      tpu.wait_indirect_dma semaphore(%dma_wait3A_253 : memref<!tpu.dma_semaphore, #tpu.memory_space<semaphore_mem>>) src(%dma_wait3A_251 : memref<10000x32xf32, #tpu.memory_space<hbm>>) dst(%dma_wait3A_245 : memref<128x32xf32, #tpu.memory_space<vmem>>)
      %run_scoped3A_254 = arith.constant 0 : i32
      "tpu.region"() ({
        %run_scoped3A_379 = tpu.sem_alloc : memref<!tpu.dma_semaphore, #tpu.memory_space<semaphore_mem>>
        %dma_start3A_380 = arith.constant 0 : i32
        %dma_start3A_381 = arith.constant 0 : i32
        %dma_start3A_382 = tpu.memref_slice %arg9[%run_scoped3A_254, %dma_start3A_380, %dma_start3A_381] : memref<4x128x32xf32, #tpu.memory_space<vmem>> -> memref<1x128x32xf32, #tpu.memory_space<vmem>>
        %dma_start3A_383 = tpu.memref_squeeze %dma_start3A_382 : memref<1x128x32xf32, #tpu.memory_space<vmem>> -> memref<128x32xf32, #tpu.memory_space<vmem>>
        %dma_start3A_384 = arith.constant 0 : i32
        %dma_start3A_385 = tpu.memref_slice %arg6[%add3A_238, %dma_start3A_384] : memref<78x128xi32, #tpu.memory_space<vmem>> -> memref<1x128xi32, #tpu.memory_space<vmem>>
        %dma_start3A_386 = tpu.memref_squeeze %dma_start3A_385 : memref<1x128xi32, #tpu.memory_space<vmem>> -> memref<128xi32, #tpu.memory_space<vmem>>
        %dma_start3A_387 = arith.constant 0 : i32
        %dma_start3A_388 = arith.constant 0 : i32
        %dma_start3A_389 = tpu.memref_slice %arg10[%dma_start3A_387, %dma_start3A_388] : memref<10000x32xf32, #tpu.memory_space<vmem_shared>> -> memref<10000x32xf32, #tpu.memory_space<vmem_shared>>
        tpu.enqueue_indirect_dma source(%dma_start3A_383 : memref<128x32xf32, #tpu.memory_space<vmem>>) target(%dma_start3A_389 : memref<10000x32xf32, #tpu.memory_space<vmem_shared>>) offsets(%dma_start3A_386 : memref<128xi32, #tpu.memory_space<vmem>>) semaphore(%run_scoped3A_379 : memref<!tpu.dma_semaphore, #tpu.memory_space<semaphore_mem>>) {add = true}
        %dma_wait3A_390 = arith.constant 0 : i32
        %dma_wait3A_391 = arith.constant 0 : i32
        %dma_wait3A_392 = tpu.memref_slice %arg9[%run_scoped3A_254, %dma_wait3A_390, %dma_wait3A_391] : memref<4x128x32xf32, #tpu.memory_space<vmem>> -> memref<1x128x32xf32, #tpu.memory_space<vmem>>
        %dma_wait3A_393 = tpu.memref_squeeze %dma_wait3A_392 : memref<1x128x32xf32, #tpu.memory_space<vmem>> -> memref<128x32xf32, #tpu.memory_space<vmem>>
        %dma_wait3A_394 = arith.constant 0 : i32
        %dma_wait3A_395 = tpu.memref_slice %arg6[%add3A_238, %dma_wait3A_394] : memref<78x128xi32, #tpu.memory_space<vmem>> -> memref<1x128xi32, #tpu.memory_space<vmem>>
        %dma_wait3A_396 = tpu.memref_squeeze %dma_wait3A_395 : memref<1x128xi32, #tpu.memory_space<vmem>> -> memref<128xi32, #tpu.memory_space<vmem>>
        %dma_wait3A_397 = arith.constant 0 : i32
        %dma_wait3A_398 = arith.constant 0 : i32
        %dma_wait3A_399 = tpu.memref_slice %arg10[%dma_wait3A_397, %dma_wait3A_398] : memref<10000x32xf32, #tpu.memory_space<vmem_shared>> -> memref<10000x32xf32, #tpu.memory_space<vmem_shared>>
        tpu.wait_indirect_dma semaphore(%run_scoped3A_379 : memref<!tpu.dma_semaphore, #tpu.memory_space<semaphore_mem>>) src(%dma_wait3A_393 : memref<128x32xf32, #tpu.memory_space<vmem>>) dst(%dma_wait3A_399 : memref<10000x32xf32, #tpu.memory_space<vmem_shared>>)
        tpu.yield
      }) : () -> ()
      %add3A_255 = arith.constant 4 : i32
      %add3A_256 = arith.addi %add3A_238, %add3A_255 : i32
      %dma_start3A_257 = arith.constant 0 : i32
      %dma_start3A_258 = arith.constant 0 : i32
      %dma_start3A_259 = arith.constant 0 : i32
      %dma_start3A_260 = arith.constant 0 : i32
      %dma_start3A_261 = tpu.memref_slice %arg9[%dma_start3A_257, %dma_start3A_259, %dma_start3A_260] : memref<4x128x32xf32, #tpu.memory_space<vmem>> -> memref<1x128x32xf32, #tpu.memory_space<vmem>>
      %dma_start3A_262 = tpu.memref_squeeze %dma_start3A_261 : memref<1x128x32xf32, #tpu.memory_space<vmem>> -> memref<128x32xf32, #tpu.memory_space<vmem>>
      %dma_start3A_263 = arith.constant 0 : i32
      %dma_start3A_264 = tpu.memref_slice %arg5[%add3A_256, %dma_start3A_263] : memref<78x128xi32, #tpu.memory_space<vmem>> -> memref<1x128xi32, #tpu.memory_space<vmem>>
      %dma_start3A_265 = tpu.memref_squeeze %dma_start3A_264 : memref<1x128xi32, #tpu.memory_space<vmem>> -> memref<128xi32, #tpu.memory_space<vmem>>
      %dma_start3A_266 = arith.constant 0 : i32
      %dma_start3A_267 = arith.constant 0 : i32
      %dma_start3A_268 = tpu.memref_slice %arg2[%dma_start3A_266, %dma_start3A_267] : memref<10000x32xf32, #tpu.memory_space<hbm>> -> memref<10000x32xf32, #tpu.memory_space<hbm>>
      %dma_start3A_269 = tpu.memref_slice %arg11[%dma_start3A_258] : memref<4x!tpu.dma_semaphore, #tpu.memory_space<semaphore_mem>> -> memref<1x!tpu.dma_semaphore, #tpu.memory_space<semaphore_mem>>
      %dma_start3A_270 = tpu.memref_squeeze %dma_start3A_269 : memref<1x!tpu.dma_semaphore, #tpu.memory_space<semaphore_mem>> -> memref<!tpu.dma_semaphore, #tpu.memory_space<semaphore_mem>>
      tpu.enqueue_indirect_dma source(%dma_start3A_268 : memref<10000x32xf32, #tpu.memory_space<hbm>>) target(%dma_start3A_262 : memref<128x32xf32, #tpu.memory_space<vmem>>) offsets(%dma_start3A_265 : memref<128xi32, #tpu.memory_space<vmem>>) semaphore(%dma_start3A_270 : memref<!tpu.dma_semaphore, #tpu.memory_space<semaphore_mem>>)
      %mul3A_271 = arith.constant 4 : i32
      %mul3A_272 = arith.muli %scan3A_234, %mul3A_271 : i32
      %add3A_273 = arith.constant 1 : i32
      %add3A_274 = arith.addi %mul3A_272, %add3A_273 : i32
      %dma_wait3A_275 = arith.constant 0 : i32
      %dma_wait3A_276 = arith.constant 1 : i32
      %dma_wait3A_277 = arith.constant 1 : i32
      %dma_wait3A_278 = arith.constant 0 : i32
      %dma_wait3A_279 = arith.constant 0 : i32
      %dma_wait3A_280 = tpu.memref_slice %arg9[%dma_wait3A_276, %dma_wait3A_278, %dma_wait3A_279] : memref<4x128x32xf32, #tpu.memory_space<vmem>> -> memref<1x128x32xf32, #tpu.memory_space<vmem>>
      %dma_wait3A_281 = tpu.memref_squeeze %dma_wait3A_280 : memref<1x128x32xf32, #tpu.memory_space<vmem>> -> memref<128x32xf32, #tpu.memory_space<vmem>>
      %dma_wait3A_282 = arith.constant 0 : i32
      %dma_wait3A_283 = tpu.memref_slice %arg5[%dma_wait3A_275, %dma_wait3A_282] : memref<78x128xi32, #tpu.memory_space<vmem>> -> memref<1x128xi32, #tpu.memory_space<vmem>>
      %dma_wait3A_284 = tpu.memref_squeeze %dma_wait3A_283 : memref<1x128xi32, #tpu.memory_space<vmem>> -> memref<128xi32, #tpu.memory_space<vmem>>
      %dma_wait3A_285 = arith.constant 0 : i32
      %dma_wait3A_286 = arith.constant 0 : i32
      %dma_wait3A_287 = tpu.memref_slice %arg2[%dma_wait3A_285, %dma_wait3A_286] : memref<10000x32xf32, #tpu.memory_space<hbm>> -> memref<10000x32xf32, #tpu.memory_space<hbm>>
      %dma_wait3A_288 = tpu.memref_slice %arg11[%dma_wait3A_277] : memref<4x!tpu.dma_semaphore, #tpu.memory_space<semaphore_mem>> -> memref<1x!tpu.dma_semaphore, #tpu.memory_space<semaphore_mem>>
      %dma_wait3A_289 = tpu.memref_squeeze %dma_wait3A_288 : memref<1x!tpu.dma_semaphore, #tpu.memory_space<semaphore_mem>> -> memref<!tpu.dma_semaphore, #tpu.memory_space<semaphore_mem>>
      tpu.wait_indirect_dma semaphore(%dma_wait3A_289 : memref<!tpu.dma_semaphore, #tpu.memory_space<semaphore_mem>>) src(%dma_wait3A_287 : memref<10000x32xf32, #tpu.memory_space<hbm>>) dst(%dma_wait3A_281 : memref<128x32xf32, #tpu.memory_space<vmem>>)
      %run_scoped3A_290 = arith.constant 1 : i32
      "tpu.region"() ({
        %run_scoped3A_379 = tpu.sem_alloc : memref<!tpu.dma_semaphore, #tpu.memory_space<semaphore_mem>>
        %dma_start3A_380 = arith.constant 0 : i32
        %dma_start3A_381 = arith.constant 0 : i32
        %dma_start3A_382 = tpu.memref_slice %arg9[%run_scoped3A_290, %dma_start3A_380, %dma_start3A_381] : memref<4x128x32xf32, #tpu.memory_space<vmem>> -> memref<1x128x32xf32, #tpu.memory_space<vmem>>
        %dma_start3A_383 = tpu.memref_squeeze %dma_start3A_382 : memref<1x128x32xf32, #tpu.memory_space<vmem>> -> memref<128x32xf32, #tpu.memory_space<vmem>>
        %dma_start3A_384 = arith.constant 0 : i32
        %dma_start3A_385 = tpu.memref_slice %arg6[%add3A_274, %dma_start3A_384] : memref<78x128xi32, #tpu.memory_space<vmem>> -> memref<1x128xi32, #tpu.memory_space<vmem>>
        %dma_start3A_386 = tpu.memref_squeeze %dma_start3A_385 : memref<1x128xi32, #tpu.memory_space<vmem>> -> memref<128xi32, #tpu.memory_space<vmem>>
        %dma_start3A_387 = arith.constant 0 : i32
        %dma_start3A_388 = arith.constant 0 : i32
        %dma_start3A_389 = tpu.memref_slice %arg10[%dma_start3A_387, %dma_start3A_388] : memref<10000x32xf32, #tpu.memory_space<vmem_shared>> -> memref<10000x32xf32, #tpu.memory_space<vmem_shared>>
        tpu.enqueue_indirect_dma source(%dma_start3A_383 : memref<128x32xf32, #tpu.memory_space<vmem>>) target(%dma_start3A_389 : memref<10000x32xf32, #tpu.memory_space<vmem_shared>>) offsets(%dma_start3A_386 : memref<128xi32, #tpu.memory_space<vmem>>) semaphore(%run_scoped3A_379 : memref<!tpu.dma_semaphore, #tpu.memory_space<semaphore_mem>>) {add = true}
        %dma_wait3A_390 = arith.constant 0 : i32
        %dma_wait3A_391 = arith.constant 0 : i32
        %dma_wait3A_392 = tpu.memref_slice %arg9[%run_scoped3A_290, %dma_wait3A_390, %dma_wait3A_391] : memref<4x128x32xf32, #tpu.memory_space<vmem>> -> memref<1x128x32xf32, #tpu.memory_space<vmem>>
        %dma_wait3A_393 = tpu.memref_squeeze %dma_wait3A_392 : memref<1x128x32xf32, #tpu.memory_space<vmem>> -> memref<128x32xf32, #tpu.memory_space<vmem>>
        %dma_wait3A_394 = arith.constant 0 : i32
        %dma_wait3A_395 = tpu.memref_slice %arg6[%add3A_274, %dma_wait3A_394] : memref<78x128xi32, #tpu.memory_space<vmem>> -> memref<1x128xi32, #tpu.memory_space<vmem>>
        %dma_wait3A_396 = tpu.memref_squeeze %dma_wait3A_395 : memref<1x128xi32, #tpu.memory_space<vmem>> -> memref<128xi32, #tpu.memory_space<vmem>>
        %dma_wait3A_397 = arith.constant 0 : i32
        %dma_wait3A_398 = arith.constant 0 : i32
        %dma_wait3A_399 = tpu.memref_slice %arg10[%dma_wait3A_397, %dma_wait3A_398] : memref<10000x32xf32, #tpu.memory_space<vmem_shared>> -> memref<10000x32xf32, #tpu.memory_space<vmem_shared>>
        tpu.wait_indirect_dma semaphore(%run_scoped3A_379 : memref<!tpu.dma_semaphore, #tpu.memory_space<semaphore_mem>>) src(%dma_wait3A_393 : memref<128x32xf32, #tpu.memory_space<vmem>>) dst(%dma_wait3A_399 : memref<10000x32xf32, #tpu.memory_space<vmem_shared>>)
        tpu.yield
      }) : () -> ()
      %add3A_291 = arith.constant 4 : i32
      %add3A_292 = arith.addi %add3A_274, %add3A_291 : i32
      %dma_start3A_293 = arith.constant 1 : i32
      %dma_start3A_294 = arith.constant 1 : i32
      %dma_start3A_295 = arith.constant 0 : i32
      %dma_start3A_296 = arith.constant 0 : i32
      %dma_start3A_297 = tpu.memref_slice %arg9[%dma_start3A_293, %dma_start3A_295, %dma_start3A_296] : memref<4x128x32xf32, #tpu.memory_space<vmem>> -> memref<1x128x32xf32, #tpu.memory_space<vmem>>
      %dma_start3A_298 = tpu.memref_squeeze %dma_start3A_297 : memref<1x128x32xf32, #tpu.memory_space<vmem>> -> memref<128x32xf32, #tpu.memory_space<vmem>>
      %dma_start3A_299 = arith.constant 0 : i32
      %dma_start3A_300 = tpu.memref_slice %arg5[%add3A_292, %dma_start3A_299] : memref<78x128xi32, #tpu.memory_space<vmem>> -> memref<1x128xi32, #tpu.memory_space<vmem>>
      %dma_start3A_301 = tpu.memref_squeeze %dma_start3A_300 : memref<1x128xi32, #tpu.memory_space<vmem>> -> memref<128xi32, #tpu.memory_space<vmem>>
      %dma_start3A_302 = arith.constant 0 : i32
      %dma_start3A_303 = arith.constant 0 : i32
      %dma_start3A_304 = tpu.memref_slice %arg2[%dma_start3A_302, %dma_start3A_303] : memref<10000x32xf32, #tpu.memory_space<hbm>> -> memref<10000x32xf32, #tpu.memory_space<hbm>>
      %dma_start3A_305 = tpu.memref_slice %arg11[%dma_start3A_294] : memref<4x!tpu.dma_semaphore, #tpu.memory_space<semaphore_mem>> -> memref<1x!tpu.dma_semaphore, #tpu.memory_space<semaphore_mem>>
      %dma_start3A_306 = tpu.memref_squeeze %dma_start3A_305 : memref<1x!tpu.dma_semaphore, #tpu.memory_space<semaphore_mem>> -> memref<!tpu.dma_semaphore, #tpu.memory_space<semaphore_mem>>
      tpu.enqueue_indirect_dma source(%dma_start3A_304 : memref<10000x32xf32, #tpu.memory_space<hbm>>) target(%dma_start3A_298 : memref<128x32xf32, #tpu.memory_space<vmem>>) offsets(%dma_start3A_301 : memref<128xi32, #tpu.memory_space<vmem>>) semaphore(%dma_start3A_306 : memref<!tpu.dma_semaphore, #tpu.memory_space<semaphore_mem>>)
      %mul3A_307 = arith.constant 4 : i32
      %mul3A_308 = arith.muli %scan3A_234, %mul3A_307 : i32
      %add3A_309 = arith.constant 2 : i32
      %add3A_310 = arith.addi %mul3A_308, %add3A_309 : i32
      %dma_wait3A_311 = arith.constant 0 : i32
      %dma_wait3A_312 = arith.constant 2 : i32
      %dma_wait3A_313 = arith.constant 2 : i32
      %dma_wait3A_314 = arith.constant 0 : i32
      %dma_wait3A_315 = arith.constant 0 : i32
      %dma_wait3A_316 = tpu.memref_slice %arg9[%dma_wait3A_312, %dma_wait3A_314, %dma_wait3A_315] : memref<4x128x32xf32, #tpu.memory_space<vmem>> -> memref<1x128x32xf32, #tpu.memory_space<vmem>>
      %dma_wait3A_317 = tpu.memref_squeeze %dma_wait3A_316 : memref<1x128x32xf32, #tpu.memory_space<vmem>> -> memref<128x32xf32, #tpu.memory_space<vmem>>
      %dma_wait3A_318 = arith.constant 0 : i32
      %dma_wait3A_319 = tpu.memref_slice %arg5[%dma_wait3A_311, %dma_wait3A_318] : memref<78x128xi32, #tpu.memory_space<vmem>> -> memref<1x128xi32, #tpu.memory_space<vmem>>
      %dma_wait3A_320 = tpu.memref_squeeze %dma_wait3A_319 : memref<1x128xi32, #tpu.memory_space<vmem>> -> memref<128xi32, #tpu.memory_space<vmem>>
      %dma_wait3A_321 = arith.constant 0 : i32
      %dma_wait3A_322 = arith.constant 0 : i32
      %dma_wait3A_323 = tpu.memref_slice %arg2[%dma_wait3A_321, %dma_wait3A_322] : memref<10000x32xf32, #tpu.memory_space<hbm>> -> memref<10000x32xf32, #tpu.memory_space<hbm>>
      %dma_wait3A_324 = tpu.memref_slice %arg11[%dma_wait3A_313] : memref<4x!tpu.dma_semaphore, #tpu.memory_space<semaphore_mem>> -> memref<1x!tpu.dma_semaphore, #tpu.memory_space<semaphore_mem>>
      %dma_wait3A_325 = tpu.memref_squeeze %dma_wait3A_324 : memref<1x!tpu.dma_semaphore, #tpu.memory_space<semaphore_mem>> -> memref<!tpu.dma_semaphore, #tpu.memory_space<semaphore_mem>>
      tpu.wait_indirect_dma semaphore(%dma_wait3A_325 : memref<!tpu.dma_semaphore, #tpu.memory_space<semaphore_mem>>) src(%dma_wait3A_323 : memref<10000x32xf32, #tpu.memory_space<hbm>>) dst(%dma_wait3A_317 : memref<128x32xf32, #tpu.memory_space<vmem>>)
      %run_scoped3A_326 = arith.constant 2 : i32
      "tpu.region"() ({
        %run_scoped3A_379 = tpu.sem_alloc : memref<!tpu.dma_semaphore, #tpu.memory_space<semaphore_mem>>
        %dma_start3A_380 = arith.constant 0 : i32
        %dma_start3A_381 = arith.constant 0 : i32
        %dma_start3A_382 = tpu.memref_slice %arg9[%run_scoped3A_326, %dma_start3A_380, %dma_start3A_381] : memref<4x128x32xf32, #tpu.memory_space<vmem>> -> memref<1x128x32xf32, #tpu.memory_space<vmem>>
        %dma_start3A_383 = tpu.memref_squeeze %dma_start3A_382 : memref<1x128x32xf32, #tpu.memory_space<vmem>> -> memref<128x32xf32, #tpu.memory_space<vmem>>
        %dma_start3A_384 = arith.constant 0 : i32
        %dma_start3A_385 = tpu.memref_slice %arg6[%add3A_310, %dma_start3A_384] : memref<78x128xi32, #tpu.memory_space<vmem>> -> memref<1x128xi32, #tpu.memory_space<vmem>>
        %dma_start3A_386 = tpu.memref_squeeze %dma_start3A_385 : memref<1x128xi32, #tpu.memory_space<vmem>> -> memref<128xi32, #tpu.memory_space<vmem>>
        %dma_start3A_387 = arith.constant 0 : i32
        %dma_start3A_388 = arith.constant 0 : i32
        %dma_start3A_389 = tpu.memref_slice %arg10[%dma_start3A_387, %dma_start3A_388] : memref<10000x32xf32, #tpu.memory_space<vmem_shared>> -> memref<10000x32xf32, #tpu.memory_space<vmem_shared>>
        tpu.enqueue_indirect_dma source(%dma_start3A_383 : memref<128x32xf32, #tpu.memory_space<vmem>>) target(%dma_start3A_389 : memref<10000x32xf32, #tpu.memory_space<vmem_shared>>) offsets(%dma_start3A_386 : memref<128xi32, #tpu.memory_space<vmem>>) semaphore(%run_scoped3A_379 : memref<!tpu.dma_semaphore, #tpu.memory_space<semaphore_mem>>) {add = true}
        %dma_wait3A_390 = arith.constant 0 : i32
        %dma_wait3A_391 = arith.constant 0 : i32
        %dma_wait3A_392 = tpu.memref_slice %arg9[%run_scoped3A_326, %dma_wait3A_390, %dma_wait3A_391] : memref<4x128x32xf32, #tpu.memory_space<vmem>> -> memref<1x128x32xf32, #tpu.memory_space<vmem>>
        %dma_wait3A_393 = tpu.memref_squeeze %dma_wait3A_392 : memref<1x128x32xf32, #tpu.memory_space<vmem>> -> memref<128x32xf32, #tpu.memory_space<vmem>>
        %dma_wait3A_394 = arith.constant 0 : i32
        %dma_wait3A_395 = tpu.memref_slice %arg6[%add3A_310, %dma_wait3A_394] : memref<78x128xi32, #tpu.memory_space<vmem>> -> memref<1x128xi32, #tpu.memory_space<vmem>>
        %dma_wait3A_396 = tpu.memref_squeeze %dma_wait3A_395 : memref<1x128xi32, #tpu.memory_space<vmem>> -> memref<128xi32, #tpu.memory_space<vmem>>
        %dma_wait3A_397 = arith.constant 0 : i32
        %dma_wait3A_398 = arith.constant 0 : i32
        %dma_wait3A_399 = tpu.memref_slice %arg10[%dma_wait3A_397, %dma_wait3A_398] : memref<10000x32xf32, #tpu.memory_space<vmem_shared>> -> memref<10000x32xf32, #tpu.memory_space<vmem_shared>>
        tpu.wait_indirect_dma semaphore(%run_scoped3A_379 : memref<!tpu.dma_semaphore, #tpu.memory_space<semaphore_mem>>) src(%dma_wait3A_393 : memref<128x32xf32, #tpu.memory_space<vmem>>) dst(%dma_wait3A_399 : memref<10000x32xf32, #tpu.memory_space<vmem_shared>>)
        tpu.yield
      }) : () -> ()
      %add3A_327 = arith.constant 4 : i32
      %add3A_328 = arith.addi %add3A_310, %add3A_327 : i32
      %dma_start3A_329 = arith.constant 2 : i32
      %dma_start3A_330 = arith.constant 2 : i32
      %dma_start3A_331 = arith.constant 0 : i32
      %dma_start3A_332 = arith.constant 0 : i32
      %dma_start3A_333 = tpu.memref_slice %arg9[%dma_start3A_329, %dma_start3A_331, %dma_start3A_332] : memref<4x128x32xf32, #tpu.memory_space<vmem>> -> memref<1x128x32xf32, #tpu.memory_space<vmem>>
      %dma_start3A_334 = tpu.memref_squeeze %dma_start3A_333 : memref<1x128x32xf32, #tpu.memory_space<vmem>> -> memref<128x32xf32, #tpu.memory_space<vmem>>
      %dma_start3A_335 = arith.constant 0 : i32
      %dma_start3A_336 = tpu.memref_slice %arg5[%add3A_328, %dma_start3A_335] : memref<78x128xi32, #tpu.memory_space<vmem>> -> memref<1x128xi32, #tpu.memory_space<vmem>>
      %dma_start3A_337 = tpu.memref_squeeze %dma_start3A_336 : memref<1x128xi32, #tpu.memory_space<vmem>> -> memref<128xi32, #tpu.memory_space<vmem>>
      %dma_start3A_338 = arith.constant 0 : i32
      %dma_start3A_339 = arith.constant 0 : i32
      %dma_start3A_340 = tpu.memref_slice %arg2[%dma_start3A_338, %dma_start3A_339] : memref<10000x32xf32, #tpu.memory_space<hbm>> -> memref<10000x32xf32, #tpu.memory_space<hbm>>
      %dma_start3A_341 = tpu.memref_slice %arg11[%dma_start3A_330] : memref<4x!tpu.dma_semaphore, #tpu.memory_space<semaphore_mem>> -> memref<1x!tpu.dma_semaphore, #tpu.memory_space<semaphore_mem>>
      %dma_start3A_342 = tpu.memref_squeeze %dma_start3A_341 : memref<1x!tpu.dma_semaphore, #tpu.memory_space<semaphore_mem>> -> memref<!tpu.dma_semaphore, #tpu.memory_space<semaphore_mem>>
      tpu.enqueue_indirect_dma source(%dma_start3A_340 : memref<10000x32xf32, #tpu.memory_space<hbm>>) target(%dma_start3A_334 : memref<128x32xf32, #tpu.memory_space<vmem>>) offsets(%dma_start3A_337 : memref<128xi32, #tpu.memory_space<vmem>>) semaphore(%dma_start3A_342 : memref<!tpu.dma_semaphore, #tpu.memory_space<semaphore_mem>>)
      %mul3A_343 = arith.constant 4 : i32
      %mul3A_344 = arith.muli %scan3A_234, %mul3A_343 : i32
      %add3A_345 = arith.constant 3 : i32
      %add3A_346 = arith.addi %mul3A_344, %add3A_345 : i32
      %dma_wait3A_347 = arith.constant 0 : i32
      %dma_wait3A_348 = arith.constant 3 : i32
      %dma_wait3A_349 = arith.constant 3 : i32
      %dma_wait3A_350 = arith.constant 0 : i32
      %dma_wait3A_351 = arith.constant 0 : i32
      %dma_wait3A_352 = tpu.memref_slice %arg9[%dma_wait3A_348, %dma_wait3A_350, %dma_wait3A_351] : memref<4x128x32xf32, #tpu.memory_space<vmem>> -> memref<1x128x32xf32, #tpu.memory_space<vmem>>
      %dma_wait3A_353 = tpu.memref_squeeze %dma_wait3A_352 : memref<1x128x32xf32, #tpu.memory_space<vmem>> -> memref<128x32xf32, #tpu.memory_space<vmem>>
      %dma_wait3A_354 = arith.constant 0 : i32
      %dma_wait3A_355 = tpu.memref_slice %arg5[%dma_wait3A_347, %dma_wait3A_354] : memref<78x128xi32, #tpu.memory_space<vmem>> -> memref<1x128xi32, #tpu.memory_space<vmem>>
      %dma_wait3A_356 = tpu.memref_squeeze %dma_wait3A_355 : memref<1x128xi32, #tpu.memory_space<vmem>> -> memref<128xi32, #tpu.memory_space<vmem>>
      %dma_wait3A_357 = arith.constant 0 : i32
      %dma_wait3A_358 = arith.constant 0 : i32
      %dma_wait3A_359 = tpu.memref_slice %arg2[%dma_wait3A_357, %dma_wait3A_358] : memref<10000x32xf32, #tpu.memory_space<hbm>> -> memref<10000x32xf32, #tpu.memory_space<hbm>>
      %dma_wait3A_360 = tpu.memref_slice %arg11[%dma_wait3A_349] : memref<4x!tpu.dma_semaphore, #tpu.memory_space<semaphore_mem>> -> memref<1x!tpu.dma_semaphore, #tpu.memory_space<semaphore_mem>>
      %dma_wait3A_361 = tpu.memref_squeeze %dma_wait3A_360 : memref<1x!tpu.dma_semaphore, #tpu.memory_space<semaphore_mem>> -> memref<!tpu.dma_semaphore, #tpu.memory_space<semaphore_mem>>
      tpu.wait_indirect_dma semaphore(%dma_wait3A_361 : memref<!tpu.dma_semaphore, #tpu.memory_space<semaphore_mem>>) src(%dma_wait3A_359 : memref<10000x32xf32, #tpu.memory_space<hbm>>) dst(%dma_wait3A_353 : memref<128x32xf32, #tpu.memory_space<vmem>>)
      %run_scoped3A_362 = arith.constant 3 : i32
      "tpu.region"() ({
        %run_scoped3A_379 = tpu.sem_alloc : memref<!tpu.dma_semaphore, #tpu.memory_space<semaphore_mem>>
        %dma_start3A_380 = arith.constant 0 : i32
        %dma_start3A_381 = arith.constant 0 : i32
        %dma_start3A_382 = tpu.memref_slice %arg9[%run_scoped3A_362, %dma_start3A_380, %dma_start3A_381] : memref<4x128x32xf32, #tpu.memory_space<vmem>> -> memref<1x128x32xf32, #tpu.memory_space<vmem>>
        %dma_start3A_383 = tpu.memref_squeeze %dma_start3A_382 : memref<1x128x32xf32, #tpu.memory_space<vmem>> -> memref<128x32xf32, #tpu.memory_space<vmem>>
        %dma_start3A_384 = arith.constant 0 : i32
        %dma_start3A_385 = tpu.memref_slice %arg6[%add3A_346, %dma_start3A_384] : memref<78x128xi32, #tpu.memory_space<vmem>> -> memref<1x128xi32, #tpu.memory_space<vmem>>
        %dma_start3A_386 = tpu.memref_squeeze %dma_start3A_385 : memref<1x128xi32, #tpu.memory_space<vmem>> -> memref<128xi32, #tpu.memory_space<vmem>>
        %dma_start3A_387 = arith.constant 0 : i32
        %dma_start3A_388 = arith.constant 0 : i32
        %dma_start3A_389 = tpu.memref_slice %arg10[%dma_start3A_387, %dma_start3A_388] : memref<10000x32xf32, #tpu.memory_space<vmem_shared>> -> memref<10000x32xf32, #tpu.memory_space<vmem_shared>>
        tpu.enqueue_indirect_dma source(%dma_start3A_383 : memref<128x32xf32, #tpu.memory_space<vmem>>) target(%dma_start3A_389 : memref<10000x32xf32, #tpu.memory_space<vmem_shared>>) offsets(%dma_start3A_386 : memref<128xi32, #tpu.memory_space<vmem>>) semaphore(%run_scoped3A_379 : memref<!tpu.dma_semaphore, #tpu.memory_space<semaphore_mem>>) {add = true}
        %dma_wait3A_390 = arith.constant 0 : i32
        %dma_wait3A_391 = arith.constant 0 : i32
        %dma_wait3A_392 = tpu.memref_slice %arg9[%run_scoped3A_362, %dma_wait3A_390, %dma_wait3A_391] : memref<4x128x32xf32, #tpu.memory_space<vmem>> -> memref<1x128x32xf32, #tpu.memory_space<vmem>>
        %dma_wait3A_393 = tpu.memref_squeeze %dma_wait3A_392 : memref<1x128x32xf32, #tpu.memory_space<vmem>> -> memref<128x32xf32, #tpu.memory_space<vmem>>
        %dma_wait3A_394 = arith.constant 0 : i32
        %dma_wait3A_395 = tpu.memref_slice %arg6[%add3A_346, %dma_wait3A_394] : memref<78x128xi32, #tpu.memory_space<vmem>> -> memref<1x128xi32, #tpu.memory_space<vmem>>
        %dma_wait3A_396 = tpu.memref_squeeze %dma_wait3A_395 : memref<1x128xi32, #tpu.memory_space<vmem>> -> memref<128xi32, #tpu.memory_space<vmem>>
        %dma_wait3A_397 = arith.constant 0 : i32
        %dma_wait3A_398 = arith.constant 0 : i32
        %dma_wait3A_399 = tpu.memref_slice %arg10[%dma_wait3A_397, %dma_wait3A_398] : memref<10000x32xf32, #tpu.memory_space<vmem_shared>> -> memref<10000x32xf32, #tpu.memory_space<vmem_shared>>
        tpu.wait_indirect_dma semaphore(%run_scoped3A_379 : memref<!tpu.dma_semaphore, #tpu.memory_space<semaphore_mem>>) src(%dma_wait3A_393 : memref<128x32xf32, #tpu.memory_space<vmem>>) dst(%dma_wait3A_399 : memref<10000x32xf32, #tpu.memory_space<vmem_shared>>)
        tpu.yield
      }) : () -> ()
      %add3A_363 = arith.constant 4 : i32
      %add3A_364 = arith.addi %add3A_346, %add3A_363 : i32
      %dma_start3A_365 = arith.constant 3 : i32
      %dma_start3A_366 = arith.constant 3 : i32
      %dma_start3A_367 = arith.constant 0 : i32
      %dma_start3A_368 = arith.constant 0 : i32
      %dma_start3A_369 = tpu.memref_slice %arg9[%dma_start3A_365, %dma_start3A_367, %dma_start3A_368] : memref<4x128x32xf32, #tpu.memory_space<vmem>> -> memref<1x128x32xf32, #tpu.memory_space<vmem>>
      %dma_start3A_370 = tpu.memref_squeeze %dma_start3A_369 : memref<1x128x32xf32, #tpu.memory_space<vmem>> -> memref<128x32xf32, #tpu.memory_space<vmem>>
      %dma_start3A_371 = arith.constant 0 : i32
      %dma_start3A_372 = tpu.memref_slice %arg5[%add3A_364, %dma_start3A_371] : memref<78x128xi32, #tpu.memory_space<vmem>> -> memref<1x128xi32, #tpu.memory_space<vmem>>
      %dma_start3A_373 = tpu.memref_squeeze %dma_start3A_372 : memref<1x128xi32, #tpu.memory_space<vmem>> -> memref<128xi32, #tpu.memory_space<vmem>>
      %dma_start3A_374 = arith.constant 0 : i32
      %dma_start3A_375 = arith.constant 0 : i32
      %dma_start3A_376 = tpu.memref_slice %arg2[%dma_start3A_374, %dma_start3A_375] : memref<10000x32xf32, #tpu.memory_space<hbm>> -> memref<10000x32xf32, #tpu.memory_space<hbm>>
      %dma_start3A_377 = tpu.memref_slice %arg11[%dma_start3A_366] : memref<4x!tpu.dma_semaphore, #tpu.memory_space<semaphore_mem>> -> memref<1x!tpu.dma_semaphore, #tpu.memory_space<semaphore_mem>>
      %dma_start3A_378 = tpu.memref_squeeze %dma_start3A_377 : memref<1x!tpu.dma_semaphore, #tpu.memory_space<semaphore_mem>> -> memref<!tpu.dma_semaphore, #tpu.memory_space<semaphore_mem>>
      tpu.enqueue_indirect_dma source(%dma_start3A_376 : memref<10000x32xf32, #tpu.memory_space<hbm>>) target(%dma_start3A_370 : memref<128x32xf32, #tpu.memory_space<vmem>>) offsets(%dma_start3A_373 : memref<128xi32, #tpu.memory_space<vmem>>) semaphore(%dma_start3A_378 : memref<!tpu.dma_semaphore, #tpu.memory_space<semaphore_mem>>)
    }
    %scan3A_96 = arith.constant 18 : i32
    %dma_wait3A = arith.constant 0 : i32
    %dma_wait3A_97 = arith.constant 0 : i32
    %dma_wait3A_98 = arith.constant 0 : i32
    %dma_wait3A_99 = arith.constant 0 : i32
    %dma_wait3A_100 = arith.constant 0 : i32
    %dma_wait3A_101 = tpu.memref_slice %arg9[%dma_wait3A_97, %dma_wait3A_99, %dma_wait3A_100] : memref<4x128x32xf32, #tpu.memory_space<vmem>> -> memref<1x128x32xf32, #tpu.memory_space<vmem>>
    %dma_wait3A_102 = tpu.memref_squeeze %dma_wait3A_101 : memref<1x128x32xf32, #tpu.memory_space<vmem>> -> memref<128x32xf32, #tpu.memory_space<vmem>>
    %dma_wait3A_103 = arith.constant 0 : i32
    %dma_wait3A_104 = tpu.memref_slice %arg5[%dma_wait3A, %dma_wait3A_103] : memref<78x128xi32, #tpu.memory_space<vmem>> -> memref<1x128xi32, #tpu.memory_space<vmem>>
    %dma_wait3A_105 = tpu.memref_squeeze %dma_wait3A_104 : memref<1x128xi32, #tpu.memory_space<vmem>> -> memref<128xi32, #tpu.memory_space<vmem>>
    %dma_wait3A_106 = arith.constant 0 : i32
    %dma_wait3A_107 = arith.constant 0 : i32
    %dma_wait3A_108 = tpu.memref_slice %arg2[%dma_wait3A_106, %dma_wait3A_107] : memref<10000x32xf32, #tpu.memory_space<hbm>> -> memref<10000x32xf32, #tpu.memory_space<hbm>>
    %dma_wait3A_109 = tpu.memref_slice %arg11[%dma_wait3A_98] : memref<4x!tpu.dma_semaphore, #tpu.memory_space<semaphore_mem>> -> memref<1x!tpu.dma_semaphore, #tpu.memory_space<semaphore_mem>>
    %dma_wait3A_110 = tpu.memref_squeeze %dma_wait3A_109 : memref<1x!tpu.dma_semaphore, #tpu.memory_space<semaphore_mem>> -> memref<!tpu.dma_semaphore, #tpu.memory_space<semaphore_mem>>
    tpu.wait_indirect_dma semaphore(%dma_wait3A_110 : memref<!tpu.dma_semaphore, #tpu.memory_space<semaphore_mem>>) src(%dma_wait3A_108 : memref<10000x32xf32, #tpu.memory_space<hbm>>) dst(%dma_wait3A_102 : memref<128x32xf32, #tpu.memory_space<vmem>>)
    %run_scoped3A_111 = arith.constant 0 : i32
    %run_scoped3A_112 = arith.constant 72 : i32
    "tpu.region"() ({
      %run_scoped3A_234 = tpu.sem_alloc : memref<!tpu.dma_semaphore, #tpu.memory_space<semaphore_mem>>
      %dma_start3A_235 = arith.constant 0 : i32
      %dma_start3A_236 = arith.constant 0 : i32
      %dma_start3A_237 = tpu.memref_slice %arg9[%run_scoped3A_111, %dma_start3A_235, %dma_start3A_236] : memref<4x128x32xf32, #tpu.memory_space<vmem>> -> memref<1x128x32xf32, #tpu.memory_space<vmem>>
      %dma_start3A_238 = tpu.memref_squeeze %dma_start3A_237 : memref<1x128x32xf32, #tpu.memory_space<vmem>> -> memref<128x32xf32, #tpu.memory_space<vmem>>
      %dma_start3A_239 = arith.constant 0 : i32
      %dma_start3A_240 = tpu.memref_slice %arg6[%run_scoped3A_112, %dma_start3A_239] : memref<78x128xi32, #tpu.memory_space<vmem>> -> memref<1x128xi32, #tpu.memory_space<vmem>>
      %dma_start3A_241 = tpu.memref_squeeze %dma_start3A_240 : memref<1x128xi32, #tpu.memory_space<vmem>> -> memref<128xi32, #tpu.memory_space<vmem>>
      %dma_start3A_242 = arith.constant 0 : i32
      %dma_start3A_243 = arith.constant 0 : i32
      %dma_start3A_244 = tpu.memref_slice %arg10[%dma_start3A_242, %dma_start3A_243] : memref<10000x32xf32, #tpu.memory_space<vmem_shared>> -> memref<10000x32xf32, #tpu.memory_space<vmem_shared>>
      tpu.enqueue_indirect_dma source(%dma_start3A_238 : memref<128x32xf32, #tpu.memory_space<vmem>>) target(%dma_start3A_244 : memref<10000x32xf32, #tpu.memory_space<vmem_shared>>) offsets(%dma_start3A_241 : memref<128xi32, #tpu.memory_space<vmem>>) semaphore(%run_scoped3A_234 : memref<!tpu.dma_semaphore, #tpu.memory_space<semaphore_mem>>) {add = true}
      %dma_wait3A_245 = arith.constant 0 : i32
      %dma_wait3A_246 = arith.constant 0 : i32
      %dma_wait3A_247 = tpu.memref_slice %arg9[%run_scoped3A_111, %dma_wait3A_245, %dma_wait3A_246] : memref<4x128x32xf32, #tpu.memory_space<vmem>> -> memref<1x128x32xf32, #tpu.memory_space<vmem>>
      %dma_wait3A_248 = tpu.memref_squeeze %dma_wait3A_247 : memref<1x128x32xf32, #tpu.memory_space<vmem>> -> memref<128x32xf32, #tpu.memory_space<vmem>>
      %dma_wait3A_249 = arith.constant 0 : i32
      %dma_wait3A_250 = tpu.memref_slice %arg6[%run_scoped3A_112, %dma_wait3A_249] : memref<78x128xi32, #tpu.memory_space<vmem>> -> memref<1x128xi32, #tpu.memory_space<vmem>>
      %dma_wait3A_251 = tpu.memref_squeeze %dma_wait3A_250 : memref<1x128xi32, #tpu.memory_space<vmem>> -> memref<128xi32, #tpu.memory_space<vmem>>
      %dma_wait3A_252 = arith.constant 0 : i32
      %dma_wait3A_253 = arith.constant 0 : i32
      %dma_wait3A_254 = tpu.memref_slice %arg10[%dma_wait3A_252, %dma_wait3A_253] : memref<10000x32xf32, #tpu.memory_space<vmem_shared>> -> memref<10000x32xf32, #tpu.memory_space<vmem_shared>>
      tpu.wait_indirect_dma semaphore(%run_scoped3A_234 : memref<!tpu.dma_semaphore, #tpu.memory_space<semaphore_mem>>) src(%dma_wait3A_248 : memref<128x32xf32, #tpu.memory_space<vmem>>) dst(%dma_wait3A_254 : memref<10000x32xf32, #tpu.memory_space<vmem_shared>>)
      tpu.yield
    }) : () -> ()
    %dma_start3A_113 = arith.constant 76 : i32
    %dma_start3A_114 = arith.constant 0 : i32
    %dma_start3A_115 = arith.constant 0 : i32
    %dma_start3A_116 = arith.constant 0 : i32
    %dma_start3A_117 = arith.constant 0 : i32
    %dma_start3A_118 = tpu.memref_slice %arg9[%dma_start3A_114, %dma_start3A_116, %dma_start3A_117] : memref<4x128x32xf32, #tpu.memory_space<vmem>> -> memref<1x128x32xf32, #tpu.memory_space<vmem>>
    %dma_start3A_119 = tpu.memref_squeeze %dma_start3A_118 : memref<1x128x32xf32, #tpu.memory_space<vmem>> -> memref<128x32xf32, #tpu.memory_space<vmem>>
    %dma_start3A_120 = arith.constant 0 : i32
    %dma_start3A_121 = tpu.memref_slice %arg5[%dma_start3A_113, %dma_start3A_120] : memref<78x128xi32, #tpu.memory_space<vmem>> -> memref<1x128xi32, #tpu.memory_space<vmem>>
    %dma_start3A_122 = tpu.memref_squeeze %dma_start3A_121 : memref<1x128xi32, #tpu.memory_space<vmem>> -> memref<128xi32, #tpu.memory_space<vmem>>
    %dma_start3A_123 = arith.constant 0 : i32
    %dma_start3A_124 = arith.constant 0 : i32
    %dma_start3A_125 = tpu.memref_slice %arg2[%dma_start3A_123, %dma_start3A_124] : memref<10000x32xf32, #tpu.memory_space<hbm>> -> memref<10000x32xf32, #tpu.memory_space<hbm>>
    %dma_start3A_126 = tpu.memref_slice %arg11[%dma_start3A_115] : memref<4x!tpu.dma_semaphore, #tpu.memory_space<semaphore_mem>> -> memref<1x!tpu.dma_semaphore, #tpu.memory_space<semaphore_mem>>
    %dma_start3A_127 = tpu.memref_squeeze %dma_start3A_126 : memref<1x!tpu.dma_semaphore, #tpu.memory_space<semaphore_mem>> -> memref<!tpu.dma_semaphore, #tpu.memory_space<semaphore_mem>>
    tpu.enqueue_indirect_dma source(%dma_start3A_125 : memref<10000x32xf32, #tpu.memory_space<hbm>>) target(%dma_start3A_119 : memref<128x32xf32, #tpu.memory_space<vmem>>) offsets(%dma_start3A_122 : memref<128xi32, #tpu.memory_space<vmem>>) semaphore(%dma_start3A_127 : memref<!tpu.dma_semaphore, #tpu.memory_space<semaphore_mem>>)
    %dma_wait3A_128 = arith.constant 0 : i32
    %dma_wait3A_129 = arith.constant 1 : i32
    %dma_wait3A_130 = arith.constant 1 : i32
    %dma_wait3A_131 = arith.constant 0 : i32
    %dma_wait3A_132 = arith.constant 0 : i32
    %dma_wait3A_133 = tpu.memref_slice %arg9[%dma_wait3A_129, %dma_wait3A_131, %dma_wait3A_132] : memref<4x128x32xf32, #tpu.memory_space<vmem>> -> memref<1x128x32xf32, #tpu.memory_space<vmem>>
    %dma_wait3A_134 = tpu.memref_squeeze %dma_wait3A_133 : memref<1x128x32xf32, #tpu.memory_space<vmem>> -> memref<128x32xf32, #tpu.memory_space<vmem>>
    %dma_wait3A_135 = arith.constant 0 : i32
    %dma_wait3A_136 = tpu.memref_slice %arg5[%dma_wait3A_128, %dma_wait3A_135] : memref<78x128xi32, #tpu.memory_space<vmem>> -> memref<1x128xi32, #tpu.memory_space<vmem>>
    %dma_wait3A_137 = tpu.memref_squeeze %dma_wait3A_136 : memref<1x128xi32, #tpu.memory_space<vmem>> -> memref<128xi32, #tpu.memory_space<vmem>>
    %dma_wait3A_138 = arith.constant 0 : i32
    %dma_wait3A_139 = arith.constant 0 : i32
    %dma_wait3A_140 = tpu.memref_slice %arg2[%dma_wait3A_138, %dma_wait3A_139] : memref<10000x32xf32, #tpu.memory_space<hbm>> -> memref<10000x32xf32, #tpu.memory_space<hbm>>
    %dma_wait3A_141 = tpu.memref_slice %arg11[%dma_wait3A_130] : memref<4x!tpu.dma_semaphore, #tpu.memory_space<semaphore_mem>> -> memref<1x!tpu.dma_semaphore, #tpu.memory_space<semaphore_mem>>
    %dma_wait3A_142 = tpu.memref_squeeze %dma_wait3A_141 : memref<1x!tpu.dma_semaphore, #tpu.memory_space<semaphore_mem>> -> memref<!tpu.dma_semaphore, #tpu.memory_space<semaphore_mem>>
    tpu.wait_indirect_dma semaphore(%dma_wait3A_142 : memref<!tpu.dma_semaphore, #tpu.memory_space<semaphore_mem>>) src(%dma_wait3A_140 : memref<10000x32xf32, #tpu.memory_space<hbm>>) dst(%dma_wait3A_134 : memref<128x32xf32, #tpu.memory_space<vmem>>)
    %run_scoped3A_143 = arith.constant 1 : i32
    %run_scoped3A_144 = arith.constant 73 : i32
    "tpu.region"() ({
      %run_scoped3A_234 = tpu.sem_alloc : memref<!tpu.dma_semaphore, #tpu.memory_space<semaphore_mem>>
      %dma_start3A_235 = arith.constant 0 : i32
      %dma_start3A_236 = arith.constant 0 : i32
      %dma_start3A_237 = tpu.memref_slice %arg9[%run_scoped3A_143, %dma_start3A_235, %dma_start3A_236] : memref<4x128x32xf32, #tpu.memory_space<vmem>> -> memref<1x128x32xf32, #tpu.memory_space<vmem>>
      %dma_start3A_238 = tpu.memref_squeeze %dma_start3A_237 : memref<1x128x32xf32, #tpu.memory_space<vmem>> -> memref<128x32xf32, #tpu.memory_space<vmem>>
      %dma_start3A_239 = arith.constant 0 : i32
      %dma_start3A_240 = tpu.memref_slice %arg6[%run_scoped3A_144, %dma_start3A_239] : memref<78x128xi32, #tpu.memory_space<vmem>> -> memref<1x128xi32, #tpu.memory_space<vmem>>
      %dma_start3A_241 = tpu.memref_squeeze %dma_start3A_240 : memref<1x128xi32, #tpu.memory_space<vmem>> -> memref<128xi32, #tpu.memory_space<vmem>>
      %dma_start3A_242 = arith.constant 0 : i32
      %dma_start3A_243 = arith.constant 0 : i32
      %dma_start3A_244 = tpu.memref_slice %arg10[%dma_start3A_242, %dma_start3A_243] : memref<10000x32xf32, #tpu.memory_space<vmem_shared>> -> memref<10000x32xf32, #tpu.memory_space<vmem_shared>>
      tpu.enqueue_indirect_dma source(%dma_start3A_238 : memref<128x32xf32, #tpu.memory_space<vmem>>) target(%dma_start3A_244 : memref<10000x32xf32, #tpu.memory_space<vmem_shared>>) offsets(%dma_start3A_241 : memref<128xi32, #tpu.memory_space<vmem>>) semaphore(%run_scoped3A_234 : memref<!tpu.dma_semaphore, #tpu.memory_space<semaphore_mem>>) {add = true}
      %dma_wait3A_245 = arith.constant 0 : i32
      %dma_wait3A_246 = arith.constant 0 : i32
      %dma_wait3A_247 = tpu.memref_slice %arg9[%run_scoped3A_143, %dma_wait3A_245, %dma_wait3A_246] : memref<4x128x32xf32, #tpu.memory_space<vmem>> -> memref<1x128x32xf32, #tpu.memory_space<vmem>>
      %dma_wait3A_248 = tpu.memref_squeeze %dma_wait3A_247 : memref<1x128x32xf32, #tpu.memory_space<vmem>> -> memref<128x32xf32, #tpu.memory_space<vmem>>
      %dma_wait3A_249 = arith.constant 0 : i32
      %dma_wait3A_250 = tpu.memref_slice %arg6[%run_scoped3A_144, %dma_wait3A_249] : memref<78x128xi32, #tpu.memory_space<vmem>> -> memref<1x128xi32, #tpu.memory_space<vmem>>
      %dma_wait3A_251 = tpu.memref_squeeze %dma_wait3A_250 : memref<1x128xi32, #tpu.memory_space<vmem>> -> memref<128xi32, #tpu.memory_space<vmem>>
      %dma_wait3A_252 = arith.constant 0 : i32
      %dma_wait3A_253 = arith.constant 0 : i32
      %dma_wait3A_254 = tpu.memref_slice %arg10[%dma_wait3A_252, %dma_wait3A_253] : memref<10000x32xf32, #tpu.memory_space<vmem_shared>> -> memref<10000x32xf32, #tpu.memory_space<vmem_shared>>
      tpu.wait_indirect_dma semaphore(%run_scoped3A_234 : memref<!tpu.dma_semaphore, #tpu.memory_space<semaphore_mem>>) src(%dma_wait3A_248 : memref<128x32xf32, #tpu.memory_space<vmem>>) dst(%dma_wait3A_254 : memref<10000x32xf32, #tpu.memory_space<vmem_shared>>)
      tpu.yield
    }) : () -> ()
    %dma_start3A_145 = arith.constant 77 : i32
    %dma_start3A_146 = arith.constant 1 : i32
    %dma_start3A_147 = arith.constant 1 : i32
    %dma_start3A_148 = arith.constant 0 : i32
    %dma_start3A_149 = arith.constant 0 : i32
    %dma_start3A_150 = tpu.memref_slice %arg9[%dma_start3A_146, %dma_start3A_148, %dma_start3A_149] : memref<4x128x32xf32, #tpu.memory_space<vmem>> -> memref<1x128x32xf32, #tpu.memory_space<vmem>>
    %dma_start3A_151 = tpu.memref_squeeze %dma_start3A_150 : memref<1x128x32xf32, #tpu.memory_space<vmem>> -> memref<128x32xf32, #tpu.memory_space<vmem>>
    %dma_start3A_152 = arith.constant 0 : i32
    %dma_start3A_153 = tpu.memref_slice %arg5[%dma_start3A_145, %dma_start3A_152] : memref<78x128xi32, #tpu.memory_space<vmem>> -> memref<1x128xi32, #tpu.memory_space<vmem>>
    %dma_start3A_154 = tpu.memref_squeeze %dma_start3A_153 : memref<1x128xi32, #tpu.memory_space<vmem>> -> memref<128xi32, #tpu.memory_space<vmem>>
    %dma_start3A_155 = arith.constant 0 : i32
    %dma_start3A_156 = arith.constant 0 : i32
    %dma_start3A_157 = tpu.memref_slice %arg2[%dma_start3A_155, %dma_start3A_156] : memref<10000x32xf32, #tpu.memory_space<hbm>> -> memref<10000x32xf32, #tpu.memory_space<hbm>>
    %dma_start3A_158 = tpu.memref_slice %arg11[%dma_start3A_147] : memref<4x!tpu.dma_semaphore, #tpu.memory_space<semaphore_mem>> -> memref<1x!tpu.dma_semaphore, #tpu.memory_space<semaphore_mem>>
    %dma_start3A_159 = tpu.memref_squeeze %dma_start3A_158 : memref<1x!tpu.dma_semaphore, #tpu.memory_space<semaphore_mem>> -> memref<!tpu.dma_semaphore, #tpu.memory_space<semaphore_mem>>
    tpu.enqueue_indirect_dma source(%dma_start3A_157 : memref<10000x32xf32, #tpu.memory_space<hbm>>) target(%dma_start3A_151 : memref<128x32xf32, #tpu.memory_space<vmem>>) offsets(%dma_start3A_154 : memref<128xi32, #tpu.memory_space<vmem>>) semaphore(%dma_start3A_159 : memref<!tpu.dma_semaphore, #tpu.memory_space<semaphore_mem>>)
    %dma_wait3A_160 = arith.constant 0 : i32
    %dma_wait3A_161 = arith.constant 2 : i32
    %dma_wait3A_162 = arith.constant 2 : i32
    %dma_wait3A_163 = arith.constant 0 : i32
    %dma_wait3A_164 = arith.constant 0 : i32
    %dma_wait3A_165 = tpu.memref_slice %arg9[%dma_wait3A_161, %dma_wait3A_163, %dma_wait3A_164] : memref<4x128x32xf32, #tpu.memory_space<vmem>> -> memref<1x128x32xf32, #tpu.memory_space<vmem>>
    %dma_wait3A_166 = tpu.memref_squeeze %dma_wait3A_165 : memref<1x128x32xf32, #tpu.memory_space<vmem>> -> memref<128x32xf32, #tpu.memory_space<vmem>>
    %dma_wait3A_167 = arith.constant 0 : i32
    %dma_wait3A_168 = tpu.memref_slice %arg5[%dma_wait3A_160, %dma_wait3A_167] : memref<78x128xi32, #tpu.memory_space<vmem>> -> memref<1x128xi32, #tpu.memory_space<vmem>>
    %dma_wait3A_169 = tpu.memref_squeeze %dma_wait3A_168 : memref<1x128xi32, #tpu.memory_space<vmem>> -> memref<128xi32, #tpu.memory_space<vmem>>
    %dma_wait3A_170 = arith.constant 0 : i32
    %dma_wait3A_171 = arith.constant 0 : i32
    %dma_wait3A_172 = tpu.memref_slice %arg2[%dma_wait3A_170, %dma_wait3A_171] : memref<10000x32xf32, #tpu.memory_space<hbm>> -> memref<10000x32xf32, #tpu.memory_space<hbm>>
    %dma_wait3A_173 = tpu.memref_slice %arg11[%dma_wait3A_162] : memref<4x!tpu.dma_semaphore, #tpu.memory_space<semaphore_mem>> -> memref<1x!tpu.dma_semaphore, #tpu.memory_space<semaphore_mem>>
    %dma_wait3A_174 = tpu.memref_squeeze %dma_wait3A_173 : memref<1x!tpu.dma_semaphore, #tpu.memory_space<semaphore_mem>> -> memref<!tpu.dma_semaphore, #tpu.memory_space<semaphore_mem>>
    tpu.wait_indirect_dma semaphore(%dma_wait3A_174 : memref<!tpu.dma_semaphore, #tpu.memory_space<semaphore_mem>>) src(%dma_wait3A_172 : memref<10000x32xf32, #tpu.memory_space<hbm>>) dst(%dma_wait3A_166 : memref<128x32xf32, #tpu.memory_space<vmem>>)
    %run_scoped3A_175 = arith.constant 2 : i32
    %run_scoped3A_176 = arith.constant 74 : i32
    "tpu.region"() ({
      %run_scoped3A_234 = tpu.sem_alloc : memref<!tpu.dma_semaphore, #tpu.memory_space<semaphore_mem>>
      %dma_start3A_235 = arith.constant 0 : i32
      %dma_start3A_236 = arith.constant 0 : i32
      %dma_start3A_237 = tpu.memref_slice %arg9[%run_scoped3A_175, %dma_start3A_235, %dma_start3A_236] : memref<4x128x32xf32, #tpu.memory_space<vmem>> -> memref<1x128x32xf32, #tpu.memory_space<vmem>>
      %dma_start3A_238 = tpu.memref_squeeze %dma_start3A_237 : memref<1x128x32xf32, #tpu.memory_space<vmem>> -> memref<128x32xf32, #tpu.memory_space<vmem>>
      %dma_start3A_239 = arith.constant 0 : i32
      %dma_start3A_240 = tpu.memref_slice %arg6[%run_scoped3A_176, %dma_start3A_239] : memref<78x128xi32, #tpu.memory_space<vmem>> -> memref<1x128xi32, #tpu.memory_space<vmem>>
      %dma_start3A_241 = tpu.memref_squeeze %dma_start3A_240 : memref<1x128xi32, #tpu.memory_space<vmem>> -> memref<128xi32, #tpu.memory_space<vmem>>
      %dma_start3A_242 = arith.constant 0 : i32
      %dma_start3A_243 = arith.constant 0 : i32
      %dma_start3A_244 = tpu.memref_slice %arg10[%dma_start3A_242, %dma_start3A_243] : memref<10000x32xf32, #tpu.memory_space<vmem_shared>> -> memref<10000x32xf32, #tpu.memory_space<vmem_shared>>
      tpu.enqueue_indirect_dma source(%dma_start3A_238 : memref<128x32xf32, #tpu.memory_space<vmem>>) target(%dma_start3A_244 : memref<10000x32xf32, #tpu.memory_space<vmem_shared>>) offsets(%dma_start3A_241 : memref<128xi32, #tpu.memory_space<vmem>>) semaphore(%run_scoped3A_234 : memref<!tpu.dma_semaphore, #tpu.memory_space<semaphore_mem>>) {add = true}
      %dma_wait3A_245 = arith.constant 0 : i32
      %dma_wait3A_246 = arith.constant 0 : i32
      %dma_wait3A_247 = tpu.memref_slice %arg9[%run_scoped3A_175, %dma_wait3A_245, %dma_wait3A_246] : memref<4x128x32xf32, #tpu.memory_space<vmem>> -> memref<1x128x32xf32, #tpu.memory_space<vmem>>
      %dma_wait3A_248 = tpu.memref_squeeze %dma_wait3A_247 : memref<1x128x32xf32, #tpu.memory_space<vmem>> -> memref<128x32xf32, #tpu.memory_space<vmem>>
      %dma_wait3A_249 = arith.constant 0 : i32
      %dma_wait3A_250 = tpu.memref_slice %arg6[%run_scoped3A_176, %dma_wait3A_249] : memref<78x128xi32, #tpu.memory_space<vmem>> -> memref<1x128xi32, #tpu.memory_space<vmem>>
      %dma_wait3A_251 = tpu.memref_squeeze %dma_wait3A_250 : memref<1x128xi32, #tpu.memory_space<vmem>> -> memref<128xi32, #tpu.memory_space<vmem>>
      %dma_wait3A_252 = arith.constant 0 : i32
      %dma_wait3A_253 = arith.constant 0 : i32
      %dma_wait3A_254 = tpu.memref_slice %arg10[%dma_wait3A_252, %dma_wait3A_253] : memref<10000x32xf32, #tpu.memory_space<vmem_shared>> -> memref<10000x32xf32, #tpu.memory_space<vmem_shared>>
      tpu.wait_indirect_dma semaphore(%run_scoped3A_234 : memref<!tpu.dma_semaphore, #tpu.memory_space<semaphore_mem>>) src(%dma_wait3A_248 : memref<128x32xf32, #tpu.memory_space<vmem>>) dst(%dma_wait3A_254 : memref<10000x32xf32, #tpu.memory_space<vmem_shared>>)
      tpu.yield
    }) : () -> ()
    %dma_wait3A_177 = arith.constant 0 : i32
    %dma_wait3A_178 = arith.constant 3 : i32
    %dma_wait3A_179 = arith.constant 3 : i32
    %dma_wait3A_180 = arith.constant 0 : i32
    %dma_wait3A_181 = arith.constant 0 : i32
    %dma_wait3A_182 = tpu.memref_slice %arg9[%dma_wait3A_178, %dma_wait3A_180, %dma_wait3A_181] : memref<4x128x32xf32, #tpu.memory_space<vmem>> -> memref<1x128x32xf32, #tpu.memory_space<vmem>>
    %dma_wait3A_183 = tpu.memref_squeeze %dma_wait3A_182 : memref<1x128x32xf32, #tpu.memory_space<vmem>> -> memref<128x32xf32, #tpu.memory_space<vmem>>
    %dma_wait3A_184 = arith.constant 0 : i32
    %dma_wait3A_185 = tpu.memref_slice %arg5[%dma_wait3A_177, %dma_wait3A_184] : memref<78x128xi32, #tpu.memory_space<vmem>> -> memref<1x128xi32, #tpu.memory_space<vmem>>
    %dma_wait3A_186 = tpu.memref_squeeze %dma_wait3A_185 : memref<1x128xi32, #tpu.memory_space<vmem>> -> memref<128xi32, #tpu.memory_space<vmem>>
    %dma_wait3A_187 = arith.constant 0 : i32
    %dma_wait3A_188 = arith.constant 0 : i32
    %dma_wait3A_189 = tpu.memref_slice %arg2[%dma_wait3A_187, %dma_wait3A_188] : memref<10000x32xf32, #tpu.memory_space<hbm>> -> memref<10000x32xf32, #tpu.memory_space<hbm>>
    %dma_wait3A_190 = tpu.memref_slice %arg11[%dma_wait3A_179] : memref<4x!tpu.dma_semaphore, #tpu.memory_space<semaphore_mem>> -> memref<1x!tpu.dma_semaphore, #tpu.memory_space<semaphore_mem>>
    %dma_wait3A_191 = tpu.memref_squeeze %dma_wait3A_190 : memref<1x!tpu.dma_semaphore, #tpu.memory_space<semaphore_mem>> -> memref<!tpu.dma_semaphore, #tpu.memory_space<semaphore_mem>>
    tpu.wait_indirect_dma semaphore(%dma_wait3A_191 : memref<!tpu.dma_semaphore, #tpu.memory_space<semaphore_mem>>) src(%dma_wait3A_189 : memref<10000x32xf32, #tpu.memory_space<hbm>>) dst(%dma_wait3A_183 : memref<128x32xf32, #tpu.memory_space<vmem>>)
    %run_scoped3A_192 = arith.constant 3 : i32
    %run_scoped3A_193 = arith.constant 75 : i32
    "tpu.region"() ({
      %run_scoped3A_234 = tpu.sem_alloc : memref<!tpu.dma_semaphore, #tpu.memory_space<semaphore_mem>>
      %dma_start3A_235 = arith.constant 0 : i32
      %dma_start3A_236 = arith.constant 0 : i32
      %dma_start3A_237 = tpu.memref_slice %arg9[%run_scoped3A_192, %dma_start3A_235, %dma_start3A_236] : memref<4x128x32xf32, #tpu.memory_space<vmem>> -> memref<1x128x32xf32, #tpu.memory_space<vmem>>
      %dma_start3A_238 = tpu.memref_squeeze %dma_start3A_237 : memref<1x128x32xf32, #tpu.memory_space<vmem>> -> memref<128x32xf32, #tpu.memory_space<vmem>>
      %dma_start3A_239 = arith.constant 0 : i32
      %dma_start3A_240 = tpu.memref_slice %arg6[%run_scoped3A_193, %dma_start3A_239] : memref<78x128xi32, #tpu.memory_space<vmem>> -> memref<1x128xi32, #tpu.memory_space<vmem>>
      %dma_start3A_241 = tpu.memref_squeeze %dma_start3A_240 : memref<1x128xi32, #tpu.memory_space<vmem>> -> memref<128xi32, #tpu.memory_space<vmem>>
      %dma_start3A_242 = arith.constant 0 : i32
      %dma_start3A_243 = arith.constant 0 : i32
      %dma_start3A_244 = tpu.memref_slice %arg10[%dma_start3A_242, %dma_start3A_243] : memref<10000x32xf32, #tpu.memory_space<vmem_shared>> -> memref<10000x32xf32, #tpu.memory_space<vmem_shared>>
      tpu.enqueue_indirect_dma source(%dma_start3A_238 : memref<128x32xf32, #tpu.memory_space<vmem>>) target(%dma_start3A_244 : memref<10000x32xf32, #tpu.memory_space<vmem_shared>>) offsets(%dma_start3A_241 : memref<128xi32, #tpu.memory_space<vmem>>) semaphore(%run_scoped3A_234 : memref<!tpu.dma_semaphore, #tpu.memory_space<semaphore_mem>>) {add = true}
      %dma_wait3A_245 = arith.constant 0 : i32
      %dma_wait3A_246 = arith.constant 0 : i32
      %dma_wait3A_247 = tpu.memref_slice %arg9[%run_scoped3A_192, %dma_wait3A_245, %dma_wait3A_246] : memref<4x128x32xf32, #tpu.memory_space<vmem>> -> memref<1x128x32xf32, #tpu.memory_space<vmem>>
      %dma_wait3A_248 = tpu.memref_squeeze %dma_wait3A_247 : memref<1x128x32xf32, #tpu.memory_space<vmem>> -> memref<128x32xf32, #tpu.memory_space<vmem>>
      %dma_wait3A_249 = arith.constant 0 : i32
      %dma_wait3A_250 = tpu.memref_slice %arg6[%run_scoped3A_193, %dma_wait3A_249] : memref<78x128xi32, #tpu.memory_space<vmem>> -> memref<1x128xi32, #tpu.memory_space<vmem>>
      %dma_wait3A_251 = tpu.memref_squeeze %dma_wait3A_250 : memref<1x128xi32, #tpu.memory_space<vmem>> -> memref<128xi32, #tpu.memory_space<vmem>>
      %dma_wait3A_252 = arith.constant 0 : i32
      %dma_wait3A_253 = arith.constant 0 : i32
      %dma_wait3A_254 = tpu.memref_slice %arg10[%dma_wait3A_252, %dma_wait3A_253] : memref<10000x32xf32, #tpu.memory_space<vmem_shared>> -> memref<10000x32xf32, #tpu.memory_space<vmem_shared>>
      tpu.wait_indirect_dma semaphore(%run_scoped3A_234 : memref<!tpu.dma_semaphore, #tpu.memory_space<semaphore_mem>>) src(%dma_wait3A_248 : memref<128x32xf32, #tpu.memory_space<vmem>>) dst(%dma_wait3A_254 : memref<10000x32xf32, #tpu.memory_space<vmem_shared>>)
      tpu.yield
    }) : () -> ()
    %dma_wait3A_194 = arith.constant 0 : i32
    %dma_wait3A_195 = arith.constant 0 : i32
    %dma_wait3A_196 = arith.constant 0 : i32
    %dma_wait3A_197 = arith.constant 0 : i32
    %dma_wait3A_198 = arith.constant 0 : i32
    %dma_wait3A_199 = tpu.memref_slice %arg9[%dma_wait3A_195, %dma_wait3A_197, %dma_wait3A_198] : memref<4x128x32xf32, #tpu.memory_space<vmem>> -> memref<1x128x32xf32, #tpu.memory_space<vmem>>
    %dma_wait3A_200 = tpu.memref_squeeze %dma_wait3A_199 : memref<1x128x32xf32, #tpu.memory_space<vmem>> -> memref<128x32xf32, #tpu.memory_space<vmem>>
    %dma_wait3A_201 = arith.constant 0 : i32
    %dma_wait3A_202 = tpu.memref_slice %arg5[%dma_wait3A_194, %dma_wait3A_201] : memref<78x128xi32, #tpu.memory_space<vmem>> -> memref<1x128xi32, #tpu.memory_space<vmem>>
    %dma_wait3A_203 = tpu.memref_squeeze %dma_wait3A_202 : memref<1x128xi32, #tpu.memory_space<vmem>> -> memref<128xi32, #tpu.memory_space<vmem>>
    %dma_wait3A_204 = arith.constant 0 : i32
    %dma_wait3A_205 = arith.constant 0 : i32
    %dma_wait3A_206 = tpu.memref_slice %arg2[%dma_wait3A_204, %dma_wait3A_205] : memref<10000x32xf32, #tpu.memory_space<hbm>> -> memref<10000x32xf32, #tpu.memory_space<hbm>>
    %dma_wait3A_207 = tpu.memref_slice %arg11[%dma_wait3A_196] : memref<4x!tpu.dma_semaphore, #tpu.memory_space<semaphore_mem>> -> memref<1x!tpu.dma_semaphore, #tpu.memory_space<semaphore_mem>>
    %dma_wait3A_208 = tpu.memref_squeeze %dma_wait3A_207 : memref<1x!tpu.dma_semaphore, #tpu.memory_space<semaphore_mem>> -> memref<!tpu.dma_semaphore, #tpu.memory_space<semaphore_mem>>
    tpu.wait_indirect_dma semaphore(%dma_wait3A_208 : memref<!tpu.dma_semaphore, #tpu.memory_space<semaphore_mem>>) src(%dma_wait3A_206 : memref<10000x32xf32, #tpu.memory_space<hbm>>) dst(%dma_wait3A_200 : memref<128x32xf32, #tpu.memory_space<vmem>>)
    %run_scoped3A_209 = arith.constant 0 : i32
    %run_scoped3A_210 = arith.constant 76 : i32
    "tpu.region"() ({
      %run_scoped3A_234 = tpu.sem_alloc : memref<!tpu.dma_semaphore, #tpu.memory_space<semaphore_mem>>
      %dma_start3A_235 = arith.constant 0 : i32
      %dma_start3A_236 = arith.constant 0 : i32
      %dma_start3A_237 = tpu.memref_slice %arg9[%run_scoped3A_209, %dma_start3A_235, %dma_start3A_236] : memref<4x128x32xf32, #tpu.memory_space<vmem>> -> memref<1x128x32xf32, #tpu.memory_space<vmem>>
      %dma_start3A_238 = tpu.memref_squeeze %dma_start3A_237 : memref<1x128x32xf32, #tpu.memory_space<vmem>> -> memref<128x32xf32, #tpu.memory_space<vmem>>
      %dma_start3A_239 = arith.constant 0 : i32
      %dma_start3A_240 = tpu.memref_slice %arg6[%run_scoped3A_210, %dma_start3A_239] : memref<78x128xi32, #tpu.memory_space<vmem>> -> memref<1x128xi32, #tpu.memory_space<vmem>>
      %dma_start3A_241 = tpu.memref_squeeze %dma_start3A_240 : memref<1x128xi32, #tpu.memory_space<vmem>> -> memref<128xi32, #tpu.memory_space<vmem>>
      %dma_start3A_242 = arith.constant 0 : i32
      %dma_start3A_243 = arith.constant 0 : i32
      %dma_start3A_244 = tpu.memref_slice %arg10[%dma_start3A_242, %dma_start3A_243] : memref<10000x32xf32, #tpu.memory_space<vmem_shared>> -> memref<10000x32xf32, #tpu.memory_space<vmem_shared>>
      tpu.enqueue_indirect_dma source(%dma_start3A_238 : memref<128x32xf32, #tpu.memory_space<vmem>>) target(%dma_start3A_244 : memref<10000x32xf32, #tpu.memory_space<vmem_shared>>) offsets(%dma_start3A_241 : memref<128xi32, #tpu.memory_space<vmem>>) semaphore(%run_scoped3A_234 : memref<!tpu.dma_semaphore, #tpu.memory_space<semaphore_mem>>) {add = true}
      %dma_wait3A_245 = arith.constant 0 : i32
      %dma_wait3A_246 = arith.constant 0 : i32
      %dma_wait3A_247 = tpu.memref_slice %arg9[%run_scoped3A_209, %dma_wait3A_245, %dma_wait3A_246] : memref<4x128x32xf32, #tpu.memory_space<vmem>> -> memref<1x128x32xf32, #tpu.memory_space<vmem>>
      %dma_wait3A_248 = tpu.memref_squeeze %dma_wait3A_247 : memref<1x128x32xf32, #tpu.memory_space<vmem>> -> memref<128x32xf32, #tpu.memory_space<vmem>>
      %dma_wait3A_249 = arith.constant 0 : i32
      %dma_wait3A_250 = tpu.memref_slice %arg6[%run_scoped3A_210, %dma_wait3A_249] : memref<78x128xi32, #tpu.memory_space<vmem>> -> memref<1x128xi32, #tpu.memory_space<vmem>>
      %dma_wait3A_251 = tpu.memref_squeeze %dma_wait3A_250 : memref<1x128xi32, #tpu.memory_space<vmem>> -> memref<128xi32, #tpu.memory_space<vmem>>
      %dma_wait3A_252 = arith.constant 0 : i32
      %dma_wait3A_253 = arith.constant 0 : i32
      %dma_wait3A_254 = tpu.memref_slice %arg10[%dma_wait3A_252, %dma_wait3A_253] : memref<10000x32xf32, #tpu.memory_space<vmem_shared>> -> memref<10000x32xf32, #tpu.memory_space<vmem_shared>>
      tpu.wait_indirect_dma semaphore(%run_scoped3A_234 : memref<!tpu.dma_semaphore, #tpu.memory_space<semaphore_mem>>) src(%dma_wait3A_248 : memref<128x32xf32, #tpu.memory_space<vmem>>) dst(%dma_wait3A_254 : memref<10000x32xf32, #tpu.memory_space<vmem_shared>>)
      tpu.yield
    }) : () -> ()
    %dma_wait3A_211 = arith.constant 0 : i32
    %dma_wait3A_212 = arith.constant 1 : i32
    %dma_wait3A_213 = arith.constant 1 : i32
    %dma_wait3A_214 = arith.constant 0 : i32
    %dma_wait3A_215 = arith.constant 0 : i32
    %dma_wait3A_216 = tpu.memref_slice %arg9[%dma_wait3A_212, %dma_wait3A_214, %dma_wait3A_215] : memref<4x128x32xf32, #tpu.memory_space<vmem>> -> memref<1x128x32xf32, #tpu.memory_space<vmem>>
    %dma_wait3A_217 = tpu.memref_squeeze %dma_wait3A_216 : memref<1x128x32xf32, #tpu.memory_space<vmem>> -> memref<128x32xf32, #tpu.memory_space<vmem>>
    %dma_wait3A_218 = arith.constant 0 : i32
    %dma_wait3A_219 = tpu.memref_slice %arg5[%dma_wait3A_211, %dma_wait3A_218] : memref<78x128xi32, #tpu.memory_space<vmem>> -> memref<1x128xi32, #tpu.memory_space<vmem>>
    %dma_wait3A_220 = tpu.memref_squeeze %dma_wait3A_219 : memref<1x128xi32, #tpu.memory_space<vmem>> -> memref<128xi32, #tpu.memory_space<vmem>>
    %dma_wait3A_221 = arith.constant 0 : i32
    %dma_wait3A_222 = arith.constant 0 : i32
    %dma_wait3A_223 = tpu.memref_slice %arg2[%dma_wait3A_221, %dma_wait3A_222] : memref<10000x32xf32, #tpu.memory_space<hbm>> -> memref<10000x32xf32, #tpu.memory_space<hbm>>
    %dma_wait3A_224 = tpu.memref_slice %arg11[%dma_wait3A_213] : memref<4x!tpu.dma_semaphore, #tpu.memory_space<semaphore_mem>> -> memref<1x!tpu.dma_semaphore, #tpu.memory_space<semaphore_mem>>
    %dma_wait3A_225 = tpu.memref_squeeze %dma_wait3A_224 : memref<1x!tpu.dma_semaphore, #tpu.memory_space<semaphore_mem>> -> memref<!tpu.dma_semaphore, #tpu.memory_space<semaphore_mem>>
    tpu.wait_indirect_dma semaphore(%dma_wait3A_225 : memref<!tpu.dma_semaphore, #tpu.memory_space<semaphore_mem>>) src(%dma_wait3A_223 : memref<10000x32xf32, #tpu.memory_space<hbm>>) dst(%dma_wait3A_217 : memref<128x32xf32, #tpu.memory_space<vmem>>)
    %run_scoped3A_226 = arith.constant 1 : i32
    %run_scoped3A_227 = arith.constant 77 : i32
    "tpu.region"() ({
      %run_scoped3A_234 = tpu.sem_alloc : memref<!tpu.dma_semaphore, #tpu.memory_space<semaphore_mem>>
      %dma_start3A_235 = arith.constant 0 : i32
      %dma_start3A_236 = arith.constant 0 : i32
      %dma_start3A_237 = tpu.memref_slice %arg9[%run_scoped3A_226, %dma_start3A_235, %dma_start3A_236] : memref<4x128x32xf32, #tpu.memory_space<vmem>> -> memref<1x128x32xf32, #tpu.memory_space<vmem>>
      %dma_start3A_238 = tpu.memref_squeeze %dma_start3A_237 : memref<1x128x32xf32, #tpu.memory_space<vmem>> -> memref<128x32xf32, #tpu.memory_space<vmem>>
      %dma_start3A_239 = arith.constant 0 : i32
      %dma_start3A_240 = tpu.memref_slice %arg6[%run_scoped3A_227, %dma_start3A_239] : memref<78x128xi32, #tpu.memory_space<vmem>> -> memref<1x128xi32, #tpu.memory_space<vmem>>
      %dma_start3A_241 = tpu.memref_squeeze %dma_start3A_240 : memref<1x128xi32, #tpu.memory_space<vmem>> -> memref<128xi32, #tpu.memory_space<vmem>>
      %dma_start3A_242 = arith.constant 0 : i32
      %dma_start3A_243 = arith.constant 0 : i32
      %dma_start3A_244 = tpu.memref_slice %arg10[%dma_start3A_242, %dma_start3A_243] : memref<10000x32xf32, #tpu.memory_space<vmem_shared>> -> memref<10000x32xf32, #tpu.memory_space<vmem_shared>>
      tpu.enqueue_indirect_dma source(%dma_start3A_238 : memref<128x32xf32, #tpu.memory_space<vmem>>) target(%dma_start3A_244 : memref<10000x32xf32, #tpu.memory_space<vmem_shared>>) offsets(%dma_start3A_241 : memref<128xi32, #tpu.memory_space<vmem>>) semaphore(%run_scoped3A_234 : memref<!tpu.dma_semaphore, #tpu.memory_space<semaphore_mem>>) {add = true}
      %dma_wait3A_245 = arith.constant 0 : i32
      %dma_wait3A_246 = arith.constant 0 : i32
      %dma_wait3A_247 = tpu.memref_slice %arg9[%run_scoped3A_226, %dma_wait3A_245, %dma_wait3A_246] : memref<4x128x32xf32, #tpu.memory_space<vmem>> -> memref<1x128x32xf32, #tpu.memory_space<vmem>>
      %dma_wait3A_248 = tpu.memref_squeeze %dma_wait3A_247 : memref<1x128x32xf32, #tpu.memory_space<vmem>> -> memref<128x32xf32, #tpu.memory_space<vmem>>
      %dma_wait3A_249 = arith.constant 0 : i32
      %dma_wait3A_250 = tpu.memref_slice %arg6[%run_scoped3A_227, %dma_wait3A_249] : memref<78x128xi32, #tpu.memory_space<vmem>> -> memref<1x128xi32, #tpu.memory_space<vmem>>
      %dma_wait3A_251 = tpu.memref_squeeze %dma_wait3A_250 : memref<1x128xi32, #tpu.memory_space<vmem>> -> memref<128xi32, #tpu.memory_space<vmem>>
      %dma_wait3A_252 = arith.constant 0 : i32
      %dma_wait3A_253 = arith.constant 0 : i32
      %dma_wait3A_254 = tpu.memref_slice %arg10[%dma_wait3A_252, %dma_wait3A_253] : memref<10000x32xf32, #tpu.memory_space<vmem_shared>> -> memref<10000x32xf32, #tpu.memory_space<vmem_shared>>
      tpu.wait_indirect_dma semaphore(%run_scoped3A_234 : memref<!tpu.dma_semaphore, #tpu.memory_space<semaphore_mem>>) src(%dma_wait3A_248 : memref<128x32xf32, #tpu.memory_space<vmem>>) dst(%dma_wait3A_254 : memref<10000x32xf32, #tpu.memory_space<vmem_shared>>)
      tpu.yield
    }) : () -> ()
    %lt3A_228 = arith.constant 4 : i32
    %lt3A_229 = arith.cmpi slt, %add3A, %lt3A_228 : i32
    %convert_element_type3A_230 = arith.extui %lt3A_229 : i1 to i32
    %cond3A_231 = arith.constant 0 : i32
    %cond3A_232 = arith.cmpi ne, %convert_element_type3A_230, %cond3A_231 : i32
    scf.if %cond3A_232 {
      %dma_start3A_234 = arith.constant 0 : i32
      %dma_start3A_235 = arith.constant 0 : i32
      %dma_start3A_236 = arith.constant 0 : i32
      %dma_start3A_237 = arith.constant 0 : i32
      %dma_start3A_238 = arith.constant 0 : i32
      %dma_start3A_239 = tpu.memref_slice %arg9[%dma_start3A_235, %dma_start3A_237, %dma_start3A_238] : memref<4x128x32xf32, #tpu.memory_space<vmem>> -> memref<1x128x32xf32, #tpu.memory_space<vmem>>
      %dma_start3A_240 = tpu.memref_squeeze %dma_start3A_239 : memref<1x128x32xf32, #tpu.memory_space<vmem>> -> memref<128x32xf32, #tpu.memory_space<vmem>>
      %dma_start3A_241 = arith.constant 0 : i32
      %dma_start3A_242 = tpu.memref_slice %arg7[%dma_start3A_234, %dma_start3A_241] : memref<1x128xi32, #tpu.memory_space<vmem>> -> memref<1x128xi32, #tpu.memory_space<vmem>>
      %dma_start3A_243 = tpu.memref_squeeze %dma_start3A_242 : memref<1x128xi32, #tpu.memory_space<vmem>> -> memref<128xi32, #tpu.memory_space<vmem>>
      %dma_start3A_244 = arith.constant 0 : i32
      %dma_start3A_245 = arith.constant 0 : i32
      %dma_start3A_246 = tpu.memref_slice %arg2[%dma_start3A_244, %dma_start3A_245] : memref<10000x32xf32, #tpu.memory_space<hbm>> -> memref<10000x32xf32, #tpu.memory_space<hbm>>
      %dma_start3A_247 = tpu.memref_slice %arg11[%dma_start3A_236] : memref<4x!tpu.dma_semaphore, #tpu.memory_space<semaphore_mem>> -> memref<1x!tpu.dma_semaphore, #tpu.memory_space<semaphore_mem>>
      %dma_start3A_248 = tpu.memref_squeeze %dma_start3A_247 : memref<1x!tpu.dma_semaphore, #tpu.memory_space<semaphore_mem>> -> memref<!tpu.dma_semaphore, #tpu.memory_space<semaphore_mem>>
      tpu.enqueue_indirect_dma source(%dma_start3A_246 : memref<10000x32xf32, #tpu.memory_space<hbm>>) target(%dma_start3A_240 : memref<128x32xf32, #tpu.memory_space<vmem>>) offsets(%dma_start3A_243 : memref<128xi32, #tpu.memory_space<vmem>>) semaphore(%dma_start3A_248 : memref<!tpu.dma_semaphore, #tpu.memory_space<semaphore_mem>>)
      %dma_wait3A_249 = arith.constant 0 : i32
      %dma_wait3A_250 = arith.constant 0 : i32
      %dma_wait3A_251 = arith.constant 0 : i32
      %dma_wait3A_252 = arith.constant 0 : i32
      %dma_wait3A_253 = arith.constant 0 : i32
      %dma_wait3A_254 = tpu.memref_slice %arg9[%dma_wait3A_250, %dma_wait3A_252, %dma_wait3A_253] : memref<4x128x32xf32, #tpu.memory_space<vmem>> -> memref<1x128x32xf32, #tpu.memory_space<vmem>>
      %dma_wait3A_255 = tpu.memref_squeeze %dma_wait3A_254 : memref<1x128x32xf32, #tpu.memory_space<vmem>> -> memref<128x32xf32, #tpu.memory_space<vmem>>
      %dma_wait3A_256 = arith.constant 0 : i32
      %dma_wait3A_257 = tpu.memref_slice %arg7[%dma_wait3A_249, %dma_wait3A_256] : memref<1x128xi32, #tpu.memory_space<vmem>> -> memref<1x128xi32, #tpu.memory_space<vmem>>
      %dma_wait3A_258 = tpu.memref_squeeze %dma_wait3A_257 : memref<1x128xi32, #tpu.memory_space<vmem>> -> memref<128xi32, #tpu.memory_space<vmem>>
      %dma_wait3A_259 = arith.constant 0 : i32
      %dma_wait3A_260 = arith.constant 0 : i32
      %dma_wait3A_261 = tpu.memref_slice %arg2[%dma_wait3A_259, %dma_wait3A_260] : memref<10000x32xf32, #tpu.memory_space<hbm>> -> memref<10000x32xf32, #tpu.memory_space<hbm>>
      %dma_wait3A_262 = tpu.memref_slice %arg11[%dma_wait3A_251] : memref<4x!tpu.dma_semaphore, #tpu.memory_space<semaphore_mem>> -> memref<1x!tpu.dma_semaphore, #tpu.memory_space<semaphore_mem>>
      %dma_wait3A_263 = tpu.memref_squeeze %dma_wait3A_262 : memref<1x!tpu.dma_semaphore, #tpu.memory_space<semaphore_mem>> -> memref<!tpu.dma_semaphore, #tpu.memory_space<semaphore_mem>>
      tpu.wait_indirect_dma semaphore(%dma_wait3A_263 : memref<!tpu.dma_semaphore, #tpu.memory_space<semaphore_mem>>) src(%dma_wait3A_261 : memref<10000x32xf32, #tpu.memory_space<hbm>>) dst(%dma_wait3A_255 : memref<128x32xf32, #tpu.memory_space<vmem>>)
      %run_scoped3A_264 = arith.constant 0 : i32
      %run_scoped3A_265 = arith.constant 0 : i32
      "tpu.region"() ({
        %run_scoped3A_266 = tpu.sem_alloc : memref<!tpu.dma_semaphore, #tpu.memory_space<semaphore_mem>>
        %dma_start3A_267 = arith.constant 0 : i32
        %dma_start3A_268 = arith.constant 0 : i32
        %dma_start3A_269 = tpu.memref_slice %arg9[%run_scoped3A_264, %dma_start3A_267, %dma_start3A_268] : memref<4x128x32xf32, #tpu.memory_space<vmem>> -> memref<1x128x32xf32, #tpu.memory_space<vmem>>
        %dma_start3A_270 = tpu.memref_squeeze %dma_start3A_269 : memref<1x128x32xf32, #tpu.memory_space<vmem>> -> memref<128x32xf32, #tpu.memory_space<vmem>>
        %dma_start3A_271 = arith.constant 0 : i32
        %dma_start3A_272 = tpu.memref_slice %arg8[%run_scoped3A_265, %dma_start3A_271] : memref<1x128xi32, #tpu.memory_space<vmem>> -> memref<1x128xi32, #tpu.memory_space<vmem>>
        %dma_start3A_273 = tpu.memref_squeeze %dma_start3A_272 : memref<1x128xi32, #tpu.memory_space<vmem>> -> memref<128xi32, #tpu.memory_space<vmem>>
        %dma_start3A_274 = arith.constant 0 : i32
        %dma_start3A_275 = arith.constant 0 : i32
        %dma_start3A_276 = tpu.memref_slice %arg10[%dma_start3A_274, %dma_start3A_275] : memref<10000x32xf32, #tpu.memory_space<vmem_shared>> -> memref<10000x32xf32, #tpu.memory_space<vmem_shared>>
        tpu.enqueue_indirect_dma source(%dma_start3A_270 : memref<128x32xf32, #tpu.memory_space<vmem>>) target(%dma_start3A_276 : memref<10000x32xf32, #tpu.memory_space<vmem_shared>>) offsets(%dma_start3A_273 : memref<128xi32, #tpu.memory_space<vmem>>) semaphore(%run_scoped3A_266 : memref<!tpu.dma_semaphore, #tpu.memory_space<semaphore_mem>>) {add = true}
        %dma_wait3A_277 = arith.constant 0 : i32
        %dma_wait3A_278 = arith.constant 0 : i32
        %dma_wait3A_279 = tpu.memref_slice %arg9[%run_scoped3A_264, %dma_wait3A_277, %dma_wait3A_278] : memref<4x128x32xf32, #tpu.memory_space<vmem>> -> memref<1x128x32xf32, #tpu.memory_space<vmem>>
        %dma_wait3A_280 = tpu.memref_squeeze %dma_wait3A_279 : memref<1x128x32xf32, #tpu.memory_space<vmem>> -> memref<128x32xf32, #tpu.memory_space<vmem>>
        %dma_wait3A_281 = arith.constant 0 : i32
        %dma_wait3A_282 = tpu.memref_slice %arg8[%run_scoped3A_265, %dma_wait3A_281] : memref<1x128xi32, #tpu.memory_space<vmem>> -> memref<1x128xi32, #tpu.memory_space<vmem>>
        %dma_wait3A_283 = tpu.memref_squeeze %dma_wait3A_282 : memref<1x128xi32, #tpu.memory_space<vmem>> -> memref<128xi32, #tpu.memory_space<vmem>>
        %dma_wait3A_284 = arith.constant 0 : i32
        %dma_wait3A_285 = arith.constant 0 : i32
        %dma_wait3A_286 = tpu.memref_slice %arg10[%dma_wait3A_284, %dma_wait3A_285] : memref<10000x32xf32, #tpu.memory_space<vmem_shared>> -> memref<10000x32xf32, #tpu.memory_space<vmem_shared>>
        tpu.wait_indirect_dma semaphore(%run_scoped3A_266 : memref<!tpu.dma_semaphore, #tpu.memory_space<semaphore_mem>>) src(%dma_wait3A_280 : memref<128x32xf32, #tpu.memory_space<vmem>>) dst(%dma_wait3A_286 : memref<10000x32xf32, #tpu.memory_space<vmem_shared>>)
        tpu.yield
      }) : () -> ()
    } else {
    }
    %barrier3A_233 = arith.constant 0 : index
    tpu.barrier barrier_id(%barrier3A_233)
    "tpu.region"() ({
      %run_scoped3A_234 = tpu.sem_alloc : memref<!tpu.dma_semaphore, #tpu.memory_space<semaphore_mem>>
      %dma_start3A_235 = arith.constant 0 : i32
      %dma_start3A_236 = tpu.memref_slice %arg4[%arg0, %mul3A_7, %dma_start3A_235] : memref<2x10000x128xf32, #tpu.memory_space<hbm>> -> memref<1x625x32xf32, #tpu.memory_space<hbm>>
      %dma_start3A_237 = tpu.memref_squeeze %dma_start3A_236 : memref<1x625x32xf32, #tpu.memory_space<hbm>> -> memref<625x32xf32, #tpu.memory_space<hbm>>
      %dma_start3A_238 = arith.constant 0 : i32
      %dma_start3A_239 = tpu.memref_slice %arg10[%mul3A_7, %dma_start3A_238] : memref<10000x32xf32, #tpu.memory_space<vmem_shared>> -> memref<625x32xf32, #tpu.memory_space<vmem_shared>>
      tpu.enqueue_dma source(%dma_start3A_239 : memref<625x32xf32, #tpu.memory_space<vmem_shared>>) target(%dma_start3A_237 : memref<625x32xf32, #tpu.memory_space<hbm>>) target_semaphore(%run_scoped3A_234 : memref<!tpu.dma_semaphore, #tpu.memory_space<semaphore_mem>>)
      %dma_wait3A_240 = arith.constant 0 : i32
      %dma_wait3A_241 = tpu.memref_slice %arg4[%arg0, %mul3A_7, %dma_wait3A_240] : memref<2x10000x128xf32, #tpu.memory_space<hbm>> -> memref<1x625x32xf32, #tpu.memory_space<hbm>>
      %dma_wait3A_242 = tpu.memref_squeeze %dma_wait3A_241 : memref<1x625x32xf32, #tpu.memory_space<hbm>> -> memref<625x32xf32, #tpu.memory_space<hbm>>
      %dma_wait3A_243 = arith.constant 0 : i32
      %dma_wait3A_244 = tpu.memref_slice %arg10[%mul3A_7, %dma_wait3A_243] : memref<10000x32xf32, #tpu.memory_space<vmem_shared>> -> memref<625x32xf32, #tpu.memory_space<vmem_shared>>
      tpu.wait_dma2 semaphore(%run_scoped3A_234 : memref<!tpu.dma_semaphore, #tpu.memory_space<semaphore_mem>>) src(%dma_wait3A_244 : memref<625x32xf32, #tpu.memory_space<vmem_shared>>) dst(%dma_wait3A_242 : memref<625x32xf32, #tpu.memory_space<hbm>>)
      tpu.yield
    }) : () -> ()
    return
  }
}

module attributes {stable_mosaic.version = 14 : i64} {
  func.func @_tc1_body(%arg0: memref<10000x128xf32, #tpu.memory_space<vmem>>, %arg1: memref<128x64xf32, #tpu.memory_space<vmem>>, %arg2: memref<128x64xf32, #tpu.memory_space<vmem>>, %arg3: memref<1x64xf32, #tpu.memory_space<vmem>>, %arg4: memref<10000x80xf32, #tpu.memory_space<vmem>>, %arg5: memref<10000x64xf32, #tpu.memory_space<vmem>>) attributes {dimension_semantics = [], scalar_prefetch = 0 : i64, scratch_operands = 0 : i64, tpu.core_type = #tpu.core_type<tc>} {
    %get3A = arith.constant 0 : index
    %get3A_0 = arith.constant 0 : index
    %get3A_1 = vector.load %arg0[%get3A, %get3A_0] : memref<10000x128xf32, #tpu.memory_space<vmem>>, vector<10000x128xf32>
    %get3A_2 = arith.constant 0 : index
    %get3A_3 = arith.constant 0 : index
    %get3A_4 = vector.load %arg1[%get3A_2, %get3A_3] : memref<128x64xf32, #tpu.memory_space<vmem>>, vector<128x64xf32>
    %dot_general3A = arith.constant dense<0.000000e+00> : vector<10000x64xf32>
    %dot_general3A_5 = tpu.matmul %get3A_1, %get3A_4, %dot_general3A {dimension_numbers = #tpu.dot_dimension_numbers<[1], [0], [0], [1], [0, 0, 1, 1], [], []>, transpose_lhs_hint = false} : vector<10000x128xf32>, vector<128x64xf32>, vector<10000x64xf32> -> vector<10000x64xf32>
    %swap3A = arith.constant 0 : index
    %swap3A_6 = arith.constant 0 : index
    %swap3A_7 = vector.load %arg4[%swap3A, %swap3A_6] : memref<10000x80xf32, #tpu.memory_space<vmem>>, vector<10000x64xf32>
    tpu.vector_store %arg4[%swap3A, %swap3A_6], %dot_general3A_5 {strides = array<i32>} : memref<10000x80xf32, #tpu.memory_space<vmem>>, vector<10000x64xf32>,
    %broadcast_in_dim3A = arith.constant 1.000000e+00 : f32
    %broadcast_in_dim3A_8 = vector.broadcast %broadcast_in_dim3A : f32 to vector<10000x16xf32>
    %swap3A_9 = arith.constant 0 : index
    %swap3A_10 = arith.constant 64 : index
    %swap3A_11 = vector.load %arg4[%swap3A_9, %swap3A_10] : memref<10000x80xf32, #tpu.memory_space<vmem>>, vector<10000x16xf32>
    tpu.vector_store %arg4[%swap3A_9, %swap3A_10], %broadcast_in_dim3A_8 {strides = array<i32>} : memref<10000x80xf32, #tpu.memory_space<vmem>>, vector<10000x16xf32>,
    %get3A_12 = arith.constant 0 : index
    %get3A_13 = arith.constant 0 : index
    %get3A_14 = vector.load %arg2[%get3A_12, %get3A_13] : memref<128x64xf32, #tpu.memory_space<vmem>>, vector<128x64xf32>
    %dot_general3A_15 = arith.constant dense<0.000000e+00> : vector<10000x64xf32>
    %dot_general3A_16 = tpu.matmul %get3A_1, %get3A_14, %dot_general3A_15 {dimension_numbers = #tpu.dot_dimension_numbers<[1], [0], [0], [1], [0, 0, 1, 1], [], []>, transpose_lhs_hint = false} : vector<10000x128xf32>, vector<128x64xf32>, vector<10000x64xf32> -> vector<10000x64xf32>
    %get3A_17 = arith.constant 0 : index
    %get3A_18 = arith.constant 0 : index
    %get3A_19 = vector.load %arg3[%get3A_17, %get3A_18] : memref<1x64xf32, #tpu.memory_space<vmem>>, vector<1x64xf32>
    %add3A = vector.broadcast %get3A_19 : vector<1x64xf32> to vector<10000x64xf32>
    %add3A_20 = arith.addf %dot_general3A_16, %add3A : vector<10000x64xf32>
    %swap3A_21 = arith.constant 0 : index
    %swap3A_22 = arith.constant 0 : index
    %swap3A_23 = vector.load %arg5[%swap3A_21, %swap3A_22] : memref<10000x64xf32, #tpu.memory_space<vmem>>, vector<10000x64xf32>
    tpu.vector_store %arg5[%swap3A_21, %swap3A_22], %add3A_20 {strides = array<i32>} : memref<10000x64xf32, #tpu.memory_space<vmem>>, vector<10000x64xf32>,
    return
  }
}

module attributes {stable_mosaic.version = 14 : i64} {
  func.func @_tc2_body(%arg0: memref<2x10000x128xf32, #tpu.memory_space<vmem>>, %arg1: memref<10000x64xf32, #tpu.memory_space<vmem>>, %arg2: memref<64x64xf32, #tpu.memory_space<vmem>>, %arg3: memref<64x64xf32, #tpu.memory_space<vmem>>, %arg4: memref<1x64xf32, #tpu.memory_space<vmem>>, %arg5: memref<10000x1xf32, #tpu.memory_space<vmem>>, %arg6: memref<10000x64xf32, #tpu.memory_space<vmem>>, %arg7: memref<10000x64xf32, #tpu.memory_space<vmem>>) attributes {dimension_semantics = [], scalar_prefetch = 0 : i64, scratch_operands = 0 : i64, tpu.core_type = #tpu.core_type<tc>} {
    %get3A = arith.constant 0 : index
    %get3A_0 = arith.constant 0 : index
    %get3A_1 = arith.constant 0 : index
    %get3A_2 = vector.load %arg0[%get3A, %get3A_0, %get3A_1] : memref<2x10000x128xf32, #tpu.memory_space<vmem>>, vector<1x10000x128xf32>
    %get3A_3 = vector.shape_cast %get3A_2 : vector<1x10000x128xf32> to vector<10000x128xf32>
    %get3A_4 = arith.constant 1 : index
    %get3A_5 = arith.constant 0 : index
    %get3A_6 = arith.constant 0 : index
    %get3A_7 = vector.load %arg0[%get3A_4, %get3A_5, %get3A_6] : memref<2x10000x128xf32, #tpu.memory_space<vmem>>, vector<1x10000x128xf32>
    %get3A_8 = vector.shape_cast %get3A_7 : vector<1x10000x128xf32> to vector<10000x128xf32>
    %add3A = arith.addf %get3A_3, %get3A_8 : vector<10000x128xf32>
    %slice3A = vector.extract_strided_slice %add3A {offsets = [0, 64], sizes = [10000, 1], strides = [1, 1]} : vector<10000x128xf32> to vector<10000x1xf32>
    %max3A = arith.constant 1.000000e+00 : f32
    %max3A_9 = vector.broadcast %max3A : f32 to vector<10000x1xf32>
    %max3A_10 = arith.maximumf %slice3A, %max3A_9 : vector<10000x1xf32>
    %div3A = arith.constant 1.000000e+00 : f32
    %div3A_11 = vector.broadcast %div3A : f32 to vector<10000x1xf32>
    %div3A_12 = arith.divf %div3A_11, %max3A_10 : vector<10000x1xf32>
    %slice3A_13 = vector.extract_strided_slice %add3A {offsets = [0, 0], sizes = [10000, 64], strides = [1, 1]} : vector<10000x128xf32> to vector<10000x64xf32>
    %mul3A = vector.broadcast %div3A_12 : vector<10000x1xf32> to vector<10000x64xf32>
    %mul3A_14 = arith.mulf %slice3A_13, %mul3A : vector<10000x64xf32>
    %get3A_15 = arith.constant 0 : index
    %get3A_16 = arith.constant 0 : index
    %get3A_17 = vector.load %arg1[%get3A_15, %get3A_16] : memref<10000x64xf32, #tpu.memory_space<vmem>>, vector<10000x64xf32>
    %add3A_18 = arith.addf %mul3A_14, %get3A_17 : vector<10000x64xf32>
    %max3A_19 = arith.constant 0.000000e+00 : f32
    %max3A_20 = vector.broadcast %max3A_19 : f32 to vector<10000x64xf32>
    %max3A_21 = arith.maximumf %add3A_18, %max3A_20 : vector<10000x64xf32>
    %swap3A = arith.constant 0 : index
    %swap3A_22 = arith.constant 0 : index
    %swap3A_23 = vector.load %arg5[%swap3A, %swap3A_22] : memref<10000x1xf32, #tpu.memory_space<vmem>>, vector<10000x1xf32>
    tpu.vector_store %arg5[%swap3A, %swap3A_22], %div3A_12 {strides = array<i32>} : memref<10000x1xf32, #tpu.memory_space<vmem>>, vector<10000x1xf32>,
    %get3A_24 = arith.constant 0 : index
    %get3A_25 = arith.constant 0 : index
    %get3A_26 = vector.load %arg2[%get3A_24, %get3A_25] : memref<64x64xf32, #tpu.memory_space<vmem>>, vector<64x64xf32>
    %dot_general3A = arith.constant dense<0.000000e+00> : vector<10000x64xf32>
    %dot_general3A_27 = tpu.matmul %max3A_21, %get3A_26, %dot_general3A {dimension_numbers = #tpu.dot_dimension_numbers<[1], [0], [0], [1], [0, 0, 1, 1], [], []>, transpose_lhs_hint = false} : vector<10000x64xf32>, vector<64x64xf32>, vector<10000x64xf32> -> vector<10000x64xf32>
    %swap3A_28 = arith.constant 0 : index
    %swap3A_29 = arith.constant 0 : index
    %swap3A_30 = vector.load %arg6[%swap3A_28, %swap3A_29] : memref<10000x64xf32, #tpu.memory_space<vmem>>, vector<10000x64xf32>
    tpu.vector_store %arg6[%swap3A_28, %swap3A_29], %dot_general3A_27 {strides = array<i32>} : memref<10000x64xf32, #tpu.memory_space<vmem>>, vector<10000x64xf32>,
    %get3A_31 = arith.constant 0 : index
    %get3A_32 = arith.constant 0 : index
    %get3A_33 = vector.load %arg3[%get3A_31, %get3A_32] : memref<64x64xf32, #tpu.memory_space<vmem>>, vector<64x64xf32>
    %dot_general3A_34 = arith.constant dense<0.000000e+00> : vector<10000x64xf32>
    %dot_general3A_35 = tpu.matmul %max3A_21, %get3A_33, %dot_general3A_34 {dimension_numbers = #tpu.dot_dimension_numbers<[1], [0], [0], [1], [0, 0, 1, 1], [], []>, transpose_lhs_hint = false} : vector<10000x64xf32>, vector<64x64xf32>, vector<10000x64xf32> -> vector<10000x64xf32>
    %get3A_36 = arith.constant 0 : index
    %get3A_37 = arith.constant 0 : index
    %get3A_38 = vector.load %arg4[%get3A_36, %get3A_37] : memref<1x64xf32, #tpu.memory_space<vmem>>, vector<1x64xf32>
    %add3A_39 = vector.broadcast %get3A_38 : vector<1x64xf32> to vector<10000x64xf32>
    %add3A_40 = arith.addf %dot_general3A_35, %add3A_39 : vector<10000x64xf32>
    %swap3A_41 = arith.constant 0 : index
    %swap3A_42 = arith.constant 0 : index
    %swap3A_43 = vector.load %arg7[%swap3A_41, %swap3A_42] : memref<10000x64xf32, #tpu.memory_space<vmem>>, vector<10000x64xf32>
    tpu.vector_store %arg7[%swap3A_41, %swap3A_42], %add3A_40 {strides = array<i32>} : memref<10000x64xf32, #tpu.memory_space<vmem>>, vector<10000x64xf32>,
    return
  }
}

module attributes {stable_mosaic.version = 14 : i64} {
  func.func @_tc3_body(%arg0: memref<2x10000x128xf32, #tpu.memory_space<vmem>>, %arg1: memref<10000x64xf32, #tpu.memory_space<vmem>>, %arg2: memref<10000x1xf32, #tpu.memory_space<vmem>>, %arg3: memref<64x32xf32, #tpu.memory_space<vmem>>, %arg4: memref<64x32xf32, #tpu.memory_space<vmem>>, %arg5: memref<1x32xf32, #tpu.memory_space<vmem>>, %arg6: memref<10000x32xf32, #tpu.memory_space<vmem>>, %arg7: memref<10000x32xf32, #tpu.memory_space<vmem>>) attributes {dimension_semantics = [], scalar_prefetch = 0 : i64, scratch_operands = 0 : i64, tpu.core_type = #tpu.core_type<tc>} {
    %get3A = arith.constant 0 : index
    %get3A_0 = arith.constant 0 : index
    %get3A_1 = arith.constant 0 : index
    %get3A_2 = vector.load %arg0[%get3A, %get3A_0, %get3A_1] : memref<2x10000x128xf32, #tpu.memory_space<vmem>>, vector<1x10000x64xf32>
    %get3A_3 = vector.shape_cast %get3A_2 : vector<1x10000x64xf32> to vector<10000x64xf32>
    %get3A_4 = arith.constant 1 : index
    %get3A_5 = arith.constant 0 : index
    %get3A_6 = arith.constant 0 : index
    %get3A_7 = vector.load %arg0[%get3A_4, %get3A_5, %get3A_6] : memref<2x10000x128xf32, #tpu.memory_space<vmem>>, vector<1x10000x64xf32>
    %get3A_8 = vector.shape_cast %get3A_7 : vector<1x10000x64xf32> to vector<10000x64xf32>
    %add3A = arith.addf %get3A_3, %get3A_8 : vector<10000x64xf32>
    %get3A_9 = arith.constant 0 : index
    %get3A_10 = arith.constant 0 : index
    %get3A_11 = vector.load %arg2[%get3A_9, %get3A_10] : memref<10000x1xf32, #tpu.memory_space<vmem>>, vector<10000x1xf32>
    %mul3A = vector.broadcast %get3A_11 : vector<10000x1xf32> to vector<10000x64xf32>
    %mul3A_12 = arith.mulf %add3A, %mul3A : vector<10000x64xf32>
    %get3A_13 = arith.constant 0 : index
    %get3A_14 = arith.constant 0 : index
    %get3A_15 = vector.load %arg1[%get3A_13, %get3A_14] : memref<10000x64xf32, #tpu.memory_space<vmem>>, vector<10000x64xf32>
    %add3A_16 = arith.addf %mul3A_12, %get3A_15 : vector<10000x64xf32>
    %max3A = arith.constant 0.000000e+00 : f32
    %max3A_17 = vector.broadcast %max3A : f32 to vector<10000x64xf32>
    %max3A_18 = arith.maximumf %add3A_16, %max3A_17 : vector<10000x64xf32>
    %get3A_19 = arith.constant 0 : index
    %get3A_20 = arith.constant 0 : index
    %get3A_21 = vector.load %arg3[%get3A_19, %get3A_20] : memref<64x32xf32, #tpu.memory_space<vmem>>, vector<64x32xf32>
    %dot_general3A = arith.constant dense<0.000000e+00> : vector<10000x32xf32>
    %dot_general3A_22 = tpu.matmul %max3A_18, %get3A_21, %dot_general3A {dimension_numbers = #tpu.dot_dimension_numbers<[1], [0], [0], [1], [0, 0, 1, 1], [], []>, transpose_lhs_hint = false} : vector<10000x64xf32>, vector<64x32xf32>, vector<10000x32xf32> -> vector<10000x32xf32>
    %swap3A = arith.constant 0 : index
    %swap3A_23 = arith.constant 0 : index
    %swap3A_24 = vector.load %arg6[%swap3A, %swap3A_23] : memref<10000x32xf32, #tpu.memory_space<vmem>>, vector<10000x32xf32>
    tpu.vector_store %arg6[%swap3A, %swap3A_23], %dot_general3A_22 {strides = array<i32>} : memref<10000x32xf32, #tpu.memory_space<vmem>>, vector<10000x32xf32>,
    %get3A_25 = arith.constant 0 : index
    %get3A_26 = arith.constant 0 : index
    %get3A_27 = vector.load %arg4[%get3A_25, %get3A_26] : memref<64x32xf32, #tpu.memory_space<vmem>>, vector<64x32xf32>
    %dot_general3A_28 = arith.constant dense<0.000000e+00> : vector<10000x32xf32>
    %dot_general3A_29 = tpu.matmul %max3A_18, %get3A_27, %dot_general3A_28 {dimension_numbers = #tpu.dot_dimension_numbers<[1], [0], [0], [1], [0, 0, 1, 1], [], []>, transpose_lhs_hint = false} : vector<10000x64xf32>, vector<64x32xf32>, vector<10000x32xf32> -> vector<10000x32xf32>
    %get3A_30 = arith.constant 0 : index
    %get3A_31 = arith.constant 0 : index
    %get3A_32 = vector.load %arg5[%get3A_30, %get3A_31] : memref<1x32xf32, #tpu.memory_space<vmem>>, vector<1x32xf32>
    %add3A_33 = vector.broadcast %get3A_32 : vector<1x32xf32> to vector<10000x32xf32>
    %add3A_34 = arith.addf %dot_general3A_29, %add3A_33 : vector<10000x32xf32>
    %swap3A_35 = arith.constant 0 : index
    %swap3A_36 = arith.constant 0 : index
    %swap3A_37 = vector.load %arg7[%swap3A_35, %swap3A_36] : memref<10000x32xf32, #tpu.memory_space<vmem>>, vector<10000x32xf32>
    tpu.vector_store %arg7[%swap3A_35, %swap3A_36], %add3A_34 {strides = array<i32>} : memref<10000x32xf32, #tpu.memory_space<vmem>>, vector<10000x32xf32>,
    return
  }
}

module attributes {stable_mosaic.version = 14 : i64} {
  func.func @_tc4_body(%arg0: memref<2x10000x128xf32, #tpu.memory_space<vmem>>, %arg1: memref<10000x32xf32, #tpu.memory_space<vmem>>, %arg2: memref<10000x1xf32, #tpu.memory_space<vmem>>, %arg3: memref<32x2xf32, #tpu.memory_space<vmem>>, %arg4: memref<1x2xf32, #tpu.memory_space<vmem>>, %arg5: memref<10000x2xf32, #tpu.memory_space<vmem>>) attributes {dimension_semantics = [], scalar_prefetch = 0 : i64, scratch_operands = 0 : i64, tpu.core_type = #tpu.core_type<tc>} {
    %get3A = arith.constant 0 : index
    %get3A_0 = arith.constant 0 : index
    %get3A_1 = arith.constant 0 : index
    %get3A_2 = vector.load %arg0[%get3A, %get3A_0, %get3A_1] : memref<2x10000x128xf32, #tpu.memory_space<vmem>>, vector<1x10000x32xf32>
    %get3A_3 = vector.shape_cast %get3A_2 : vector<1x10000x32xf32> to vector<10000x32xf32>
    %get3A_4 = arith.constant 1 : index
    %get3A_5 = arith.constant 0 : index
    %get3A_6 = arith.constant 0 : index
    %get3A_7 = vector.load %arg0[%get3A_4, %get3A_5, %get3A_6] : memref<2x10000x128xf32, #tpu.memory_space<vmem>>, vector<1x10000x32xf32>
    %get3A_8 = vector.shape_cast %get3A_7 : vector<1x10000x32xf32> to vector<10000x32xf32>
    %add3A = arith.addf %get3A_3, %get3A_8 : vector<10000x32xf32>
    %get3A_9 = arith.constant 0 : index
    %get3A_10 = arith.constant 0 : index
    %get3A_11 = vector.load %arg2[%get3A_9, %get3A_10] : memref<10000x1xf32, #tpu.memory_space<vmem>>, vector<10000x1xf32>
    %mul3A = vector.broadcast %get3A_11 : vector<10000x1xf32> to vector<10000x32xf32>
    %mul3A_12 = arith.mulf %add3A, %mul3A : vector<10000x32xf32>
    %get3A_13 = arith.constant 0 : index
    %get3A_14 = arith.constant 0 : index
    %get3A_15 = vector.load %arg1[%get3A_13, %get3A_14] : memref<10000x32xf32, #tpu.memory_space<vmem>>, vector<10000x32xf32>
    %add3A_16 = arith.addf %mul3A_12, %get3A_15 : vector<10000x32xf32>
    %max3A = arith.constant 0.000000e+00 : f32
    %max3A_17 = vector.broadcast %max3A : f32 to vector<10000x32xf32>
    %max3A_18 = arith.maximumf %add3A_16, %max3A_17 : vector<10000x32xf32>
    %get3A_19 = arith.constant 0 : index
    %get3A_20 = arith.constant 0 : index
    %get3A_21 = vector.load %arg3[%get3A_19, %get3A_20] : memref<32x2xf32, #tpu.memory_space<vmem>>, vector<32x2xf32>
    %dot_general3A = arith.constant dense<0.000000e+00> : vector<10000x2xf32>
    %dot_general3A_22 = tpu.matmul %max3A_18, %get3A_21, %dot_general3A {dimension_numbers = #tpu.dot_dimension_numbers<[1], [0], [0], [1], [0, 0, 1, 1], [], []>, transpose_lhs_hint = false} : vector<10000x32xf32>, vector<32x2xf32>, vector<10000x2xf32> -> vector<10000x2xf32>
    %get3A_23 = arith.constant 0 : index
    %get3A_24 = arith.constant 0 : index
    %get3A_25 = vector.load %arg4[%get3A_23, %get3A_24] : memref<1x2xf32, #tpu.memory_space<vmem>>, vector<1x2xf32>
    %add3A_26 = vector.broadcast %get3A_25 : vector<1x2xf32> to vector<10000x2xf32>
    %add3A_27 = arith.addf %dot_general3A_22, %add3A_26 : vector<10000x2xf32>
    %swap3A = arith.constant 0 : index
    %swap3A_28 = arith.constant 0 : index
    %swap3A_29 = vector.load %arg5[%swap3A, %swap3A_28] : memref<10000x2xf32, #tpu.memory_space<vmem>>, vector<10000x2xf32>
    tpu.vector_store %arg5[%swap3A, %swap3A_28], %add3A_27 {strides = array<i32>} : memref<10000x2xf32, #tpu.memory_space<vmem>>, vector<10000x2xf32>,
    return
  }
}

</mosaic_0001>

<sc_bundles>
// kernel: segsum_f32.3.cloned.1.call-start
scs
__scs_entry_jumppad:
0x0: {  	(pc) =	sbr.rel $0x88, $3  }
0x1: {  	(tag) =	ssettag $0x0;
	lr =	simm.s32 $0x1  }
0x2: {  	[smem:$0x3F94] =	sst lr;
	_ =	strace $0xD0000000  }
0x3: {  	_ = 	snop  }
0x4: {  	_ = 	snop  }
0x5: {  	_ = 	snop  }
0x6: {  	_ = 	snop  }
0x7: {  	_ = 	snop  }
__scs_overlays_trampoline_lowered:
0x8: {  	[smem:$0x3FA3] =	sst s0  }
0x9: {  	[smem:$0x3FA4] =	sst s1  }
0xa: {  	[smem:$0x3FA5] =	sst s2  }
0xb: {  	[smem:$0x3FA6] =	sst s3  }
0xc: {  	[smem:$0x3FA7] =	sst s4  }
0xd: {  	[smem:$0x3FA8] =	sst s5  }
0xe: {  	[smem:$0x3FA9] =	sst s6  }
0xf: {  	[smem:$0x3FAA] =	sst s7  }
0x10: {  	[smem:$0x3FAB] =	sst s8  }
0x11: {  	[smem:$0x3FAC] =	sst s9;
	s0 =	simm.s32 @!p0 $0x0  }
0x12: {  	s1 =	sld [smem:$0x3F92];
	s0 =	simm.s32 @p0 $0x1  }
0x13: {  	[smem:$0x3FAD] =	sst s0;
	s0 =	simm.s32 @!p1 $0x0  }
0x14: {  	s2 =	sld [smem:$0x3F91];
	s0 =	simm.s32 @p1 $0x1  }
0x15: {  	[smem:$0x3FAE] =	sst s0;
	s0 =	simm.s32 @!p2 $0x0  }
0x16: {  	s3 =	sld [smem:$0x3FDB];
	s0 =	simm.s32 @p2 $0x1  }
0x17: {  	s4 =	simm.s32 $0x1BF5;
	[smem:$0x3FB0] =	sst s0  }
0x18: {  	s0 =	sld [smem:$0x3F93];
	_ =	swait.ge [sflag:s4], $0x0  }
0x19: {  	s7 =	sld [smem:$0x3F94]  }
0x1a: {  	s8 =	sadd.s32 $0xFFFFE003, lr  }
0x1b: {  	s9 =	sadd.s32 $0xFFFFFEF7, lr;
	s5 =	simm.s32 $0xFFFFFFFF;
	p2 =	slt.u32 s8, $0xFFFFF086  }
0x1c: {  	p1 =	slt.u32 s9, $0xF7A;
	s5 =	simm.s32 @!p2 $0x0  }
0x1d: {  	s5 =	simm.s32 @p1 $0x1;
	p0 =	seq.s32 s7, s2  }
0x1e: {  	s7 =	smul.u32 @!p0 $0xF7A, s2;
	p2 =	seq.s32 @!p0 s5, $0x0  }
0x1f: {  	s9 =	smul.u32 $0xF7A, s1;
	s8 =	simm.s32 @!p0 $0x1BF5;
	p2 =	por !p2, p0  }
0x20: {  	[sflag:s8] =	ssyncset.s32 @!p0 $0xFFFFF086;
	s6 =	sadd.s32 @!p0 s3, s7;
	s7 =	simm.s32 @!p0 $0x108  }
0x21: {  	s3 =	sadd.s32 s3, s9;
	s6 =	sadd.s32 @!p0 $0x88, s6;
	s7 =	simm.s32 @p2 $0x1082  }
0x22: {  	[simem:s7], [sflag:s8] =	dma.local @!p0 [hbm:s6], $0xF7A  }
0x23: {  	s9 =	sor.u32 $0xD0000000, s2;
	s6 =	simm.s32 $0x108;
	_ =	swait.ge @!p0 [sflag:s8], $0x0  }
0x24: {  	s3 =	sadd.s32 $0x88, s3;
	s6 =	simm.s32 @!p1 $0x1082;
	[sflag:s4] =	ssyncset.s32 $0xFFFFF086  }
0x25: {  	[simem:s6], [sflag:s4] =	dma.local [hbm:s3], $0xF7A  }
0x26: {  	[smem:$0x3F94] =	sst s1;
	(tag) =	ssettag s2;
	_ =	strace s9  }
0x27: {  	s1 =	sld [smem:$0x3FA4]  }
0x28: {  	s2 =	sld [smem:$0x3FA5]  }
0x29: {  	s4 =	sld [smem:$0x3FA7]  }
0x2a: {  	p0 =	seq.s32 s5, $0x0;
	s5 =	sld [smem:$0x3FA8]  }
0x2b: {  	s6 =	sld [smem:$0x3FA9]  }
0x2c: {  	s7 =	sld [smem:$0x3FAA]  }
0x2d: {  	s3 =	simm.s32 $0x108;
	s8 =	sld [smem:$0x3FAB]  }
0x2e: {  	s3 =	simm.s32 @!p0 $0x1082;
	s9 =	sld [smem:$0x3FAC]  }
0x2f: {  	lr =	sadd.s32 s0, s3;
	s0 =	sld [smem:$0x3FA3]  }
0x30: {  	s3 =	sld [smem:$0x3FA6]  }
0x31: {  	[smem:$0x3FAF] =	sst s10  }
0x32: {  	s10 =	sld [smem:$0x3FAD];
	_ =	sdelay $0x3  }
0x33: {  	p0 =	seq.s32 s10, $0x1;
	s10 =	sld [smem:$0x3FAF];
	_ =	sdelay $0x3  }
0x34: {  	[smem:$0x3FAF] =	sst s10  }
0x35: {  	s10 =	sld [smem:$0x3FAE];
	_ =	sdelay $0x3  }
0x36: {  	p1 =	seq.s32 s10, $0x1;
	s10 =	sld [smem:$0x3FAF];
	_ =	sdelay $0x3  }
0x37: {  	[smem:$0x3FAF] =	sst s10  }
0x38: {  	s10 =	sld [smem:$0x3FB0]  }
0x39: {  	_ = 	snop;
	(pc) =	sbr.ind lr, $3  }
0x3a: {  	_ = 	snop  }
0x3b: {  	_ = 	snop  }
0x3c: {  	p2 =	seq.s32 s10, $0x1;
	s10 =	sld [smem:$0x3FAF]  }
0x3d: {  	_ =	shalt  }
0x3e: {  	_ =	shalt  }
0x3f: {  	_ =	shalt  }
0x40: {  	_ =	shalt  }
0x41: {  	_ =	shalt  }
0x42: {  	_ =	shalt  }
0x43: {  	_ =	shalt  }
0x44: {  	_ =	shalt  }
0x45: {  	_ =	shalt  }
0x46: {  	_ =	shalt  }
0x47: {  	_ =	shalt  }
0x48: {  	_ =	shalt  }
0x49: {  	_ =	shalt  }
0x4a: {  	_ =	shalt  }
0x4b: {  	_ =	shalt  }
0x4c: {  	_ =	shalt  }
0x4d: {  	_ =	shalt  }
0x4e: {  	_ =	shalt  }
0x4f: {  	_ =	shalt  }
0x50: {  	_ =	shalt  }
0x51: {  	_ =	shalt  }
0x52: {  	_ =	shalt  }
0x53: {  	_ =	shalt  }
0x54: {  	_ =	shalt  }
0x55: {  	_ =	shalt  }
0x56: {  	_ =	shalt  }
0x57: {  	_ =	shalt  }
0x58: {  	_ =	shalt  }
0x59: {  	_ =	shalt  }
0x5a: {  	_ =	shalt  }
0x5b: {  	_ =	shalt  }
0x5c: {  	_ =	shalt  }
0x5d: {  	_ =	shalt  }
0x5e: {  	_ =	shalt  }
0x5f: {  	_ =	shalt  }
0x60: {  	_ =	shalt  }
0x61: {  	_ =	shalt  }
0x62: {  	_ =	shalt  }
0x63: {  	_ =	shalt  }
0x64: {  	_ =	shalt  }
0x65: {  	_ =	shalt  }
0x66: {  	_ =	shalt  }
0x67: {  	_ =	shalt  }
0x68: {  	_ =	shalt  }
0x69: {  	_ =	shalt  }
0x6a: {  	_ =	shalt  }
0x6b: {  	_ =	shalt  }
0x6c: {  	_ =	shalt  }
0x6d: {  	_ =	shalt  }
0x6e: {  	_ =	shalt  }
0x6f: {  	_ =	shalt  }
0x70: {  	_ =	shalt  }
0x71: {  	_ =	shalt  }
0x72: {  	_ =	shalt  }
0x73: {  	_ =	shalt  }
0x74: {  	_ =	shalt  }
0x75: {  	_ =	shalt  }
0x76: {  	_ =	shalt  }
0x77: {  	_ =	shalt  }
0x78: {  	_ =	shalt  }
0x79: {  	_ =	shalt  }
0x7a: {  	_ =	shalt  }
0x7b: {  	_ =	shalt  }
0x7c: {  	_ =	shalt  }
0x7d: {  	_ =	shalt  }
0x7e: {  	_ =	shalt  }
0x7f: {  	_ =	shalt  }
0x80: {  	_ =	shalt  }
0x81: {  	_ =	shalt  }
0x82: {  	_ =	shalt  }
0x83: {  	_ =	shalt  }
0x84: {  	_ =	shalt  }
0x85: {  	_ =	shalt  }
0x86: {  	_ =	shalt  }
0x87: {  	_ =	shalt  }
.Lfunc_end0:
.L_simem_size_0:
called_computation.2_lowered:
.L_overlay_start_0:
0x88: {  	s2 =	sld [smem:$0x3FD9]  }
0x89: {  	s3 =	sld [smem:$0x3FFE];
	_ =	sdelay $0x1  }
0x8a: {  	s1 =	srdreg.scid  }
0x8b: {  	s0 =	sand.u32 $0x1, s1  }
0x8c: {  	s16 =	sshll.u32 s0, $0xA;
	s2 =	sadd.s32 s3, s2  }
0x8d: {  	s2 =	sadd.s32 s2, s16  }
0x8e: {  	[smem:$0x3FBB] =	sst s2  }
0x8f: {  	_ = 	snop  }
0x90: {  	(tm) =	ssettm $0x1  }
0x91: {  	s17 =	sld [smem:$0x3FFB];
	_ =	sdelay $0x3  }
0x92: {  	_ =	strace s17  }
0x93: {  	s2 =	sld [smem:$0x3FFC];
	_ =	sdelay $0x3  }
0x94: {  	_ =	strace s2  }
0x95: {  	s2 =	sld [smem:$0x3FFD];
	_ =	sdelay $0x3  }
0x96: {  	_ =	strace s2  }
0x97: {  	_ =	strace $0x8FFFFFFF  }
0x98: {  	s18 =	sld [smem:$0x3FDB];
	_ =	sdelay $0x1  }
0x99: {  	s19 =	simm.s32 $_scs_section_size  }
0x9a: {  	s4 =	simm.s32 $_size__tile_overlayer_lowered;
	s5 =	simm.s32 $_tile_overlayer_lowered  }
0x9b: {  	s22 =	simm.s32 $0x1BFF;
	s21 =	sshll.u32 s5, $0x1;
	s2 =	sadd.s32 s19, s18  }
0x9c: {  	s6 =	simm.s32 $0x0;
	s20 =	sshll.u32 s4, $0x1;
	s4 =	sadd.s32 s21, s2  }
0x9d: {  	[timem:s6], [sflag:s22] =	dma.local [hbm:s4], s20  }
0x9e: {  	_ =	swait.ge [sflag:s22], s20  }
0x9f: {  	s3 =	ssub.s32 $0x0, s20;
	[sflag:s22] =	ssyncset.done $0x0  }
0xa0: {  	[sflag:s22] =	ssyncadd.s32 s3;
	_ =	sdelay $0x1  }
0xa1: {  	s23 =	simm.s32 $0x1B8B  }
0xa2: {  	_ =	swait.ge [sflag:s23], $0x1  }
0xa3: {  	[sflag:s23] =	ssyncset.done $0x0  }
0xa4: {  	s25 =	simm.s32 $0x1B8E;
	s24 =	sld [smem:$0x3FFE];
	[sflag:s23] =	ssyncadd.s32 $0xFFFFFFFF  }
0xa5: {  	s26 =	simm.s32 $execute0_lowered;
	[smem:$0x3FD2] =	sst s25  }
0xa6: {  	s4 =	sshll.u32 s26, $0x1;
	_ =	strace $0x8000004C;
	[dreg:$0x1] =	wrdreg $0xFFFFFFFF  }
0xa7: {  	s28 =	simm.s32 $_size_execute0_lowered;
	s2 =	sadd.s32 s2, s4;
	[dreg:$0x0] =	wrdreg $0x0  }
0xa8: {  	s4 =	sshll.u32 s28, $0x1;
	[dreg:$0x2] =	wrdreg s2  }
0xa9: {  	[dreg:$0x3] =	wrdreg s4  }
0xaa: {  	[dreg:$0x4] =	wrdreg $0xC0  }
0xab: {  	_ =	task [dreg:s6], $0x5FFFF  }
0xac: {  	[dreg:$0x1] =	wrdreg $0xFFFFFFFF  }
0xad: {  	[dreg:$0x0] =	wrdreg $0x60  }
0xae: {  	[dreg:$0x2] =	wrdreg s24  }
0xaf: {  	[dreg:$0x3] =	wrdreg $0x8F000  }
0xb0: {  	[dreg:$0x4] =	wrdreg $0x9  }
0xb1: {  	_ =	task.clear_ibuf [dreg:s6], $0x5FFFF;
	_ =	strace $0x9000004C  }
0xb2: {  	s29 =	simm.s32 $0x9;
	_ =	strace $0x8000004E  }
0xb3: {  	_ =	swait.ge [sflag:s29], $0x1  }
0xb4: {  	[sflag:s29] =	ssyncadd.s32 $0xFFFFFFFF  }
0xb5: {  	_ =	strace $0x9000004E  }
0xb6: {  	_ =	sfence  }
0xb7: {  	s30 =	sld [smem:$0x0];
	_ =	sdelay $0x2  }
0xb8: {  	s31 =	sshll.u32 s1, $0xD;
	s1 =	sshrl.u32 s1, $0x2  }
0xb9: {  	s3 =	sand.u32 $0x4000, s31;
	s1 =	sadd.s32 s1, s30  }
0xba: {  	s0 =	sor.u32 s3, s0;
	s1 =	sshll.u32 s1, $0x11  }
0xbb: {  	s0 =	sor.u32 s1, s0  }
0xbc: {  	s0 =	sadd.s32 $0x8F2B, s0  }
0xbd: {  	[sflag:s0] =	ssyncadd.remote.s32 $0x1  }
0xbe: {  	_ =	sfence.sel $0xFFFF  }
0xbf: {  	[dreg:$0x0] =	wrdreg $0xFFFFFFFF;
	(pc) =	sbr.abs _section_cstart, $3  }
0xc0: {  	[dreg:$0x1] =	wrdreg $0xFFFFFFFF  }
0xc1: {  	_ =	task.clear_ibuf [dreg:s6], $0x2FFFF;
	_ =	strace $0x9FFFFFFF  }
0xc2: {  	(tm) =	ssettm $0x7FFFFFFF  }
0xc3: {  	_ =	shalt  }
tec
execute0_lowered:
.L_overlay_start_1:
0x0: {  	(tag) =	ssettag $0x1  }
0x1: {  	s0 =	rddreg [dreg:$0x0]  }
0x2: {  	s1 =	srdreg.scid;
	s16 =	stileid.u32  }
0x3: {  	s2 =	rddreg [dreg:$0x1];
	s3 =	simm.s32 $0x0;
	s17 =	simm.s32 $0x5  }
0x4: {  	s20 =	simm.s32 $0x80;
	s21 =	simm.s32 $0x5F00;
	s23 =	simm.s32 $0x6F00  }
0x5: {  	s25 =	simm.s32 $0x7F00;
	s26 =	simm.s32 $0x1;
	s28 =	simm.s32 $0x2  }
0x6: {  	s29 =	simm.s32 $0x3;
	s30 =	simm.s32 $0x4;
	s19 =	simm.s32 $0x0  }
0x7: {  	s1 =	sand.u32 $0x1, s1;
	s5 =	smul.u32 $0x13880, s16;
	[smem:$0x7FF] =	sst s3  }
0x8: {  	s13 =	sadd.s32 $0x2A00, s0;
	s8 =	sshll.u32 s16, $0x1;
	s12 =	sadd.s32 $0xC640, s0  }
0x9: {  	p0 =	sgt.u32 s16, $0x1;
	s16 =	simm.s32 $0x4F00;
	s4 =	smul.u32 $0x138800, s1  }
0xa: {  	_ =	strace $0x8000004D;
	s31 =	ssub.s32 $0x2, s1;
	s1 =	sor.u32 s1, s8  }
0xb: {  	s7 =	sshrl.u32 s31, $0x1;
	s18 =	smul.u32 $0x4E0, s1;
	s1 =	sshll.u32 s1, $0x4  }
0xc: {  	s6 =	sadd.s32 s5, s4;
	s4 =	sadd.s32 $0x16400, s0;
	s5 =	sshrl.u32 s5, $0x2  }
0xd: {  	s15 =	ssub.s32 s31, s7;
	s10 =	sor.u32 $0x9C00, s1;
	s6 =	sshrl.u32 s6, $0x3  }
0xe: {  	s5 =	sadd.s32 s5, s2;
	s11 =	sadd.s32 s13, s18;
	s13 =	sadd.s32 s13, s10  }
0xf: {  	s15 =	smax.u32 s15, $0x1;
	s18 =	sadd.s32 s18, s12;
	s14 =	sadd.s32 s6, s0  }
0x10: {  	s6 =	sadd.s32 $0x1000, s5;
	s7 =	sadd.s32 $0x2000, s5;
	s8 =	sadd.s32 $0x3000, s5  }
0x11: {  	v0 =	vimm.f32 $0.0e+00;
	s9 =	sadd.s32 $0x4000, s5;
	s0 =	simm.s32 $0x10;
	s14 =	sadd.s32 $0x20200, s14  }
.LBB2_1:
0x12: {  	s22 =	simm.s32 $0x80;
	s24 =	simm.s32 $0x0  }
.LBB2_2:
0x13: {  	p1 =	sne.s32 s22, $0x3F80;
	[tilespmem:s24+$0x4F00] =	vst v0;
	s31 =	smov.u32 s22;
	s22 =	sadd.s32 $0x80, s22  }
.Ltmp0:
0x14: {  	[tilespmem:s24+$0x4F10] =	vst v0;
	(pc) =	sbr.rel @p1 .LBB2_2-.Ltmp0, $2  }
0x15: {  	_ =	sdelay $0x2  }
0x16: {  	s24 =	sshra.s32 s31, $0x2  }
0x17: {  	[tilespmem:s24+$0x4F00] =	vst v0  }
0x18: {  	[tilespmem:s24+$0x4F10] =	vst v0  }
0x19: {  	[spmem:s5] =	stream.linear.scatter [tilespmem:s16], [sflag:$0x5], $0x1000, $0x38;
	[tilespmem:$0xDD20] =	vst v63  }
0x1a: {  	_ =	swait.ge [sflag:s17], $0x1000  }
0x1b: {  	[sflag:s17] =	ssyncset.done $0x0  }
0x1c: {  	[sflag:s17] =	ssyncadd.s32 $0xFFFFF000  }
0x1d: {  	[spmem:s6] =	stream.linear.scatter [tilespmem:s16], [sflag:$0x5], $0x1000, $0x38;
	[tilespmem:$0xDD20] =	vst v63  }
0x1e: {  	_ =	swait.ge [sflag:s17], $0x1000  }
0x1f: {  	[sflag:s17] =	ssyncset.done $0x0  }
0x20: {  	[sflag:s17] =	ssyncadd.s32 $0xFFFFF000  }
0x21: {  	[spmem:s7] =	stream.linear.scatter [tilespmem:s16], [sflag:$0x5], $0x1000, $0x38;
	[tilespmem:$0xDD20] =	vst v63  }
0x22: {  	_ =	swait.ge [sflag:s17], $0x1000  }
0x23: {  	[sflag:s17] =	ssyncset.done $0x0  }
0x24: {  	[sflag:s17] =	ssyncadd.s32 $0xFFFFF000  }
0x25: {  	[spmem:s8] =	stream.linear.scatter [tilespmem:s16], [sflag:$0x5], $0x1000, $0x38;
	[tilespmem:$0xDD20] =	vst v63  }
0x26: {  	_ =	swait.ge [sflag:s17], $0x1000  }
0x27: {  	[sflag:s17] =	ssyncset.done $0x0  }
0x28: {  	[sflag:s17] =	ssyncadd.s32 $0xFFFFF000  }
0x29: {  	[spmem:s9] =	stream.linear.scatter [tilespmem:s16], [sflag:$0x5], $0xE20, $0x38;
	[tilespmem:$0xDD20] =	vst v63  }
0x2a: {  	_ =	swait.ge [sflag:s17], $0xE20  }
0x2b: {  	[sflag:s17] =	ssyncset.done $0x0  }
0x2c: {  	[sflag:s17] =	ssyncadd.s32 $0xFFFFF1E0  }
0x2d: {  	[tilespmem:s3], [sflag:$0x5] =	stream.linear.gather [hbm4b:s11+s3], $0x2700, $0x38;
	[tilespmem:$0xDD20] =	vst v63  }
0x2e: {  	_ =	swait.ge [sflag:s17], $0x2700  }
0x2f: {  	[sflag:s17] =	ssyncset.done $0x0  }
0x30: {  	s1 =	simm.s32 $0x2700;
	[sflag:s17] =	ssyncadd.s32 $0xFFFFD900  }
0x31: {  	[tilespmem:s1], [sflag:$0x5] =	stream.linear.gather [hbm4b:s18+s3], $0x2700, $0x38;
	[tilespmem:$0xDD20] =	vst v63  }
0x32: {  	_ =	swait.ge [sflag:s17], $0x2700  }
0x33: {  	[sflag:s17] =	ssyncset.done $0x0  }
0x34: {  	s22 =	simm.s32 @!p0 $0x0;
	s24 =	simm.s32 @!p0 $0x4E00;
	[sflag:s17] =	ssyncadd.s32 $0xFFFFD900  }
0x35: {  	[tilespmem:s24], [sflag:$0x5] =	stream.linear.gather @!p0 [hbm4b:s13+s22], $0x80, $0x38;
	[tilespmem:$0xDD20] =	vst v63  }
0x36: {  	s24 =	simm.s32 @!p0 $0x5  }
0x37: {  	_ =	swait.ge @!p0 [sflag:s24], $0x80  }
0x38: {  	[sflag:s24] =	ssyncset.done @!p0 $0x0  }
0x39: {  	s31 =	sadd.s32 @!p0 s10, s12;
	s1 =	simm.s32 @!p0 $0x4E80;
	[sflag:s24] =	ssyncadd.s32 @!p0 $0xFFFFFF80  }
0x3a: {  	[tilespmem:s1], [sflag:$0x5] =	stream.linear.gather @!p0 [hbm4b:s31+s22], $0x80, $0x38;
	[tilespmem:$0xDD20] =	vst v63  }
0x3b: {  	_ =	swait.ge @!p0 [sflag:s24], $0x80  }
0x3c: {  	[sflag:s24] =	ssyncset.done @!p0 $0x0  }
0x3d: {  	[sflag:s24] =	ssyncadd.s32 @!p0 $0xFFFFFF80  }
0x3e: {  	s31 =	simm.s32 $0x0;
	[bflag:$0x0] =	sbarrier.arrive $0xFFFF  }
0x3f: {  	[tilespmem:s16], [sflag:$0x1] =	stream.indirect.gather [hbm4b:s4+s20], $0x20, s31, s20, $0xb8;
	[tilespmem:$0xDD20] =	vst v63  }
0x40: {  	_ = 	snop  }
0x41: {  	[tilespmem:s21], [sflag:$0x2] =	stream.indirect.gather [hbm4b:s4+s20], $0x20, s20, s20, $0xb8;
	[tilespmem:$0xDD20] =	vst v63  }
0x42: {  	s22 =	simm.s32 $0x100  }
0x43: {  	[tilespmem:s23], [sflag:$0x3] =	stream.indirect.gather [hbm4b:s4+s20], $0x20, s22, s20, $0xb8;
	[tilespmem:$0xDD20] =	vst v63  }
0x44: {  	s24 =	simm.s32 $0x180  }
0x45: {  	[tilespmem:s25], [sflag:$0x4] =	stream.indirect.gather [hbm4b:s4+s20], $0x20, s24, s20, $0xb8;
	[tilespmem:$0xDD20] =	vst v63  }
0x46: {  	_ =	swait.ge [sflag:s26], $0x1000  }
0x47: {  	[sflag:s26] =	ssyncset.done $0x0  }
0x48: {  	s31 =	simm.s32 $0x2700;
	[sflag:s26] =	ssyncadd.s32 $0xFFFFF000  }
0x49: {  	[spmem:s2] =	stream.indirect.scatter.add.f32 [tilespmem:s16], [sflag:$0x5], $0x20, s31, s20, $0xb8;
	[tilespmem:$0xDD20] =	vst v63  }
0x4a: {  	_ =	swait.ge [sflag:s17], $0x1000  }
0x4b: {  	[sflag:s17] =	ssyncset.done $0x0  }
0x4c: {  	s22 =	simm.s32 $0x200;
	[sflag:s17] =	ssyncadd.s32 $0xFFFFF000  }
0x4d: {  	[tilespmem:s16], [sflag:$0x1] =	stream.indirect.gather [hbm4b:s4+s20], $0x20, s22, s20, $0xb8;
	[tilespmem:$0xDD20] =	vst v63  }
0x4e: {  	_ =	swait.ge [sflag:s28], $0x1000  }
0x4f: {  	[sflag:s28] =	ssyncset.done $0x0  }
0x50: {  	s24 =	simm.s32 $0x2780;
	[sflag:s28] =	ssyncadd.s32 $0xFFFFF000  }
0x51: {  	[spmem:s2] =	stream.indirect.scatter.add.f32 [tilespmem:s21], [sflag:$0x5], $0x20, s24, s20, $0xb8;
	[tilespmem:$0xDD20] =	vst v63  }
0x52: {  	_ =	swait.ge [sflag:s17], $0x1000  }
0x53: {  	[sflag:s17] =	ssyncset.done $0x0  }
0x54: {  	s31 =	simm.s32 $0x280;
	[sflag:s17] =	ssyncadd.s32 $0xFFFFF000  }
0x55: {  	[tilespmem:s21], [sflag:$0x2] =	stream.indirect.gather [hbm4b:s4+s20], $0x20, s31, s20, $0xb8;
	[tilespmem:$0xDD20] =	vst v63  }
0x56: {  	_ =	swait.ge [sflag:s29], $0x1000  }
0x57: {  	[sflag:s29] =	ssyncset.done $0x0  }
0x58: {  	s22 =	simm.s32 $0x2800;
	[sflag:s29] =	ssyncadd.s32 $0xFFFFF000  }
0x59: {  	[spmem:s2] =	stream.indirect.scatter.add.f32 [tilespmem:s23], [sflag:$0x5], $0x20, s22, s20, $0xb8;
	[tilespmem:$0xDD20] =	vst v63  }
0x5a: {  	_ =	swait.ge [sflag:s17], $0x1000  }
0x5b: {  	[sflag:s17] =	ssyncset.done $0x0  }
0x5c: {  	s24 =	simm.s32 $0x300;
	[sflag:s17] =	ssyncadd.s32 $0xFFFFF000  }
0x5d: {  	[tilespmem:s23], [sflag:$0x3] =	stream.indirect.gather [hbm4b:s4+s20], $0x20, s24, s20, $0xb8;
	[tilespmem:$0xDD20] =	vst v63  }
0x5e: {  	_ =	swait.ge [sflag:s30], $0x1000  }
0x5f: {  	[sflag:s30] =	ssyncset.done $0x0  }
0x60: {  	s31 =	simm.s32 $0x2880;
	[sflag:s30] =	ssyncadd.s32 $0xFFFFF000  }
0x61: {  	[spmem:s2] =	stream.indirect.scatter.add.f32 [tilespmem:s25], [sflag:$0x5], $0x20, s31, s20, $0xb8;
	[tilespmem:$0xDD20] =	vst v63  }
0x62: {  	_ =	swait.ge [sflag:s17], $0x1000  }
0x63: {  	[sflag:s17] =	ssyncset.done $0x0  }
0x64: {  	s22 =	simm.s32 $0x800;
	s24 =	simm.s32 $0x380;
	[sflag:s17] =	ssyncadd.s32 $0xFFFFF000  }
.LBB2_4:
0x65: {  	[tilespmem:s25], [sflag:$0x4] =	stream.indirect.gather [hbm4b:s4+s20], $0x20, s24, s20, $0xb8;
	[tilespmem:$0xDD20] =	vst v63  }
0x66: {  	s1 =	smov.u32 s22  }
0x67: {  	p1 =	sne.s32 s22, $0x8800;
	s22 =	sadd.s32 $0x800, s22;
	_ =	swait.ge [sflag:s26], $0x1000  }
0x68: {  	s24 =	sshra.s32 s1, $0x2;
	[sflag:s26] =	ssyncset.done $0x0  }
0x69: {  	s1 =	sadd.s32 $0x2700, s24;
	[sflag:s26] =	ssyncadd.s32 $0xFFFFF000  }
0x6a: {  	[spmem:s2] =	stream.indirect.scatter.add.f32 [tilespmem:s16], [sflag:$0x5], $0x20, s1, s20, $0xb8;
	[tilespmem:$0xDD20] =	vst v63  }
0x6b: {  	_ =	swait.ge [sflag:s17], $0x1000  }
0x6c: {  	[sflag:s17] =	ssyncset.done $0x0  }
0x6d: {  	s1 =	sadd.s32 $0x200, s24;
	[sflag:s17] =	ssyncadd.s32 $0xFFFFF000  }
0x6e: {  	[tilespmem:s16], [sflag:$0x1] =	stream.indirect.gather [hbm4b:s4+s20], $0x20, s1, s20, $0xb8;
	[tilespmem:$0xDD20] =	vst v63  }
0x6f: {  	_ =	swait.ge [sflag:s28], $0x1000  }
0x70: {  	[sflag:s28] =	ssyncset.done $0x0  }
0x71: {  	s1 =	sadd.s32 $0x2780, s24;
	[sflag:s28] =	ssyncadd.s32 $0xFFFFF000  }
0x72: {  	[spmem:s2] =	stream.indirect.scatter.add.f32 [tilespmem:s21], [sflag:$0x5], $0x20, s1, s20, $0xb8;
	[tilespmem:$0xDD20] =	vst v63  }
0x73: {  	_ =	swait.ge [sflag:s17], $0x1000  }
0x74: {  	[sflag:s17] =	ssyncset.done $0x0  }
0x75: {  	s1 =	sadd.s32 $0x280, s24;
	[sflag:s17] =	ssyncadd.s32 $0xFFFFF000  }
0x76: {  	[tilespmem:s21], [sflag:$0x2] =	stream.indirect.gather [hbm4b:s4+s20], $0x20, s1, s20, $0xb8;
	[tilespmem:$0xDD20] =	vst v63  }
0x77: {  	_ =	swait.ge [sflag:s29], $0x1000  }
0x78: {  	[sflag:s29] =	ssyncset.done $0x0  }
0x79: {  	s1 =	sadd.s32 $0x2800, s24;
	[sflag:s29] =	ssyncadd.s32 $0xFFFFF000  }
0x7a: {  	[spmem:s2] =	stream.indirect.scatter.add.f32 [tilespmem:s23], [sflag:$0x5], $0x20, s1, s20, $0xb8;
	[tilespmem:$0xDD20] =	vst v63  }
0x7b: {  	_ =	swait.ge [sflag:s17], $0x1000  }
0x7c: {  	[sflag:s17] =	ssyncset.done $0x0  }
0x7d: {  	s1 =	sadd.s32 $0x300, s24;
	[sflag:s17] =	ssyncadd.s32 $0xFFFFF000  }
0x7e: {  	[tilespmem:s23], [sflag:$0x3] =	stream.indirect.gather [hbm4b:s4+s20], $0x20, s1, s20, $0xb8;
	[tilespmem:$0xDD20] =	vst v63  }
0x7f: {  	_ =	swait.ge [sflag:s30], $0x1000  }
0x80: {  	[sflag:s30] =	ssyncset.done $0x0  }
.Ltmp1:
0x81: {  	s1 =	sadd.s32 $0x2880, s24;
	[sflag:s30] =	ssyncadd.s32 $0xFFFFF000;
	(pc) =	sbr.rel @p1 .LBB2_4-.Ltmp1, $4  }
0x82: {  	[spmem:s2] =	stream.indirect.scatter.add.f32 [tilespmem:s25], [sflag:$0x5], $0x20, s1, s20, $0xb8;
	[tilespmem:$0xDD20] =	vst v63  }
0x83: {  	_ =	swait.ge [sflag:s17], $0x1000  }
0x84: {  	[sflag:s17] =	ssyncset.done $0x0  }
0x85: {  	s24 =	sadd.s32 $0x380, s24;
	[sflag:s17] =	ssyncadd.s32 $0xFFFFF000  }
0x86: {  	[tilespmem:s25], [sflag:$0x4] =	stream.indirect.gather [hbm4b:s4+s20], $0x20, s24, s20, $0xb8;
	[tilespmem:$0xDD20] =	vst v63  }
0x87: {  	_ =	swait.ge [sflag:s26], $0x1000  }
0x88: {  	[sflag:s26] =	ssyncset.done $0x0  }
0x89: {  	s1 =	simm.s32 $0x4B00;
	[sflag:s26] =	ssyncadd.s32 $0xFFFFF000  }
0x8a: {  	[spmem:s2] =	stream.indirect.scatter.add.f32 [tilespmem:s16], [sflag:$0x5], $0x20, s1, s20, $0xb8;
	[tilespmem:$0xDD20] =	vst v63  }
0x8b: {  	_ =	swait.ge [sflag:s17], $0x1000  }
0x8c: {  	[sflag:s17] =	ssyncset.done $0x0  }
0x8d: {  	s22 =	simm.s32 $0x2600;
	[sflag:s17] =	ssyncadd.s32 $0xFFFFF000  }
0x8e: {  	[tilespmem:s16], [sflag:$0x1] =	stream.indirect.gather [hbm4b:s4+s20], $0x20, s22, s20, $0xb8;
	[tilespmem:$0xDD20] =	vst v63  }
0x8f: {  	_ =	swait.ge [sflag:s28], $0x1000  }
0x90: {  	[sflag:s28] =	ssyncset.done $0x0  }
0x91: {  	s24 =	simm.s32 $0x4B80;
	[sflag:s28] =	ssyncadd.s32 $0xFFFFF000  }
0x92: {  	[spmem:s2] =	stream.indirect.scatter.add.f32 [tilespmem:s21], [sflag:$0x5], $0x20, s24, s20, $0xb8;
	[tilespmem:$0xDD20] =	vst v63  }
0x93: {  	_ =	swait.ge [sflag:s17], $0x1000  }
0x94: {  	[sflag:s17] =	ssyncset.done $0x0  }
0x95: {  	s31 =	simm.s32 $0x2680;
	[sflag:s17] =	ssyncadd.s32 $0xFFFFF000  }
0x96: {  	[tilespmem:s21], [sflag:$0x2] =	stream.indirect.gather [hbm4b:s4+s20], $0x20, s31, s20, $0xb8;
	[tilespmem:$0xDD20] =	vst v63  }
0x97: {  	_ =	swait.ge [sflag:s29], $0x1000  }
0x98: {  	[sflag:s29] =	ssyncset.done $0x0  }
0x99: {  	s22 =	simm.s32 $0x4C00;
	[sflag:s29] =	ssyncadd.s32 $0xFFFFF000  }
0x9a: {  	[spmem:s2] =	stream.indirect.scatter.add.f32 [tilespmem:s23], [sflag:$0x5], $0x20, s22, s20, $0xb8;
	[tilespmem:$0xDD20] =	vst v63  }
0x9b: {  	_ =	swait.ge [sflag:s17], $0x1000  }
0x9c: {  	[sflag:s17] =	ssyncset.done $0x0  }
0x9d: {  	[sflag:s17] =	ssyncadd.s32 $0xFFFFF000  }
0x9e: {  	_ =	swait.ge [sflag:s30], $0x1000  }
0x9f: {  	[sflag:s30] =	ssyncset.done $0x0  }
0xa0: {  	s24 =	simm.s32 $0x4C80;
	[sflag:s30] =	ssyncadd.s32 $0xFFFFF000  }
0xa1: {  	[spmem:s2] =	stream.indirect.scatter.add.f32 [tilespmem:s25], [sflag:$0x5], $0x20, s24, s20, $0xb8;
	[tilespmem:$0xDD20] =	vst v63  }
0xa2: {  	_ =	swait.ge [sflag:s17], $0x1000  }
0xa3: {  	[sflag:s17] =	ssyncset.done $0x0  }
0xa4: {  	[sflag:s17] =	ssyncadd.s32 $0xFFFFF000  }
0xa5: {  	_ =	swait.ge [sflag:s26], $0x1000  }
0xa6: {  	[sflag:s26] =	ssyncset.done $0x0  }
0xa7: {  	s31 =	simm.s32 $0x4D00;
	[sflag:s26] =	ssyncadd.s32 $0xFFFFF000  }
0xa8: {  	[spmem:s2] =	stream.indirect.scatter.add.f32 [tilespmem:s16], [sflag:$0x5], $0x20, s31, s20, $0xb8;
	[tilespmem:$0xDD20] =	vst v63  }
0xa9: {  	_ =	swait.ge [sflag:s17], $0x1000  }
0xaa: {  	[sflag:s17] =	ssyncset.done $0x0  }
0xab: {  	[sflag:s17] =	ssyncadd.s32 $0xFFFFF000  }
0xac: {  	_ =	swait.ge [sflag:s28], $0x1000  }
0xad: {  	[sflag:s28] =	ssyncset.done $0x0  }
0xae: {  	s22 =	simm.s32 $0x4D80;
	[sflag:s28] =	ssyncadd.s32 $0xFFFFF000  }
0xaf: {  	[spmem:s2] =	stream.indirect.scatter.add.f32 [tilespmem:s21], [sflag:$0x5], $0x20, s22, s20, $0xb8;
	[tilespmem:$0xDD20] =	vst v63  }
0xb0: {  	_ =	swait.ge [sflag:s17], $0x1000  }
0xb1: {  	s1 =	simm.s32 @!p0 $0x80;
	[sflag:s17] =	ssyncset.done $0x0  }
0xb2: {  	s24 =	simm.s32 @!p0 $0x4F00;
	s22 =	simm.s32 @!p0 $0x4E00;
	[sflag:s17] =	ssyncadd.s32 $0xFFFFF000  }
0xb3: {  	[tilespmem:s24], [sflag:$0x1] =	stream.indirect.gather @!p0 [hbm4b:s4+s1], $0x20, s22, s1, $0xb8;
	[tilespmem:$0xDD20] =	vst v63  }
0xb4: {  	s22 =	simm.s32 @!p0 $0x1  }
0xb5: {  	_ =	swait.ge @!p0 [sflag:s22], $0x1000  }
0xb6: {  	[sflag:s22] =	ssyncset.done @!p0 $0x0  }
0xb7: {  	[sflag:s22] =	ssyncadd.s32 @!p0 $0xFFFFF000;
	s22 =	simm.s32 @!p0 $0x4E80  }
0xb8: {  	[spmem:s2] =	stream.indirect.scatter.add.f32 @!p0 [tilespmem:s24], [sflag:$0x5], $0x20, s22, s1, $0xb8;
	[tilespmem:$0xDD20] =	vst v63  }
0xb9: {  	s1 =	simm.s32 @!p0 $0x5  }
0xba: {  	s19 =	sadd.s32 $0x1, s19;
	_ =	swait.ge @!p0 [sflag:s1], $0x1000  }
0xbb: {  	p1 =	sne.s32 s19, s15;
	s24 =	stileid.u32;
	[sflag:s1] =	ssyncset.done @!p0 $0x0  }
0xbc: {  	s31 =	sshrl.u32 s5, $0x3;
	[sflag:s1] =	ssyncadd.s32 @!p0 $0xFFFFF000;
	s1 =	sshll.u32 s24, $0x6  }
.Ltmp2:
0xbd: {  	[bflag:$0x0] =	sbarrier.arrive $0xFFFF;
	s1 =	sor.u32 $0x1C05, s1;
	(pc) =	sbr.rel @p1 .LBB2_1-.Ltmp2, $4  }
0xbe: {  	[hbm:s14@s0], [sflag:s1] =	dma.strided [spmem:s31@s30], $0x9C4, s26, $0x4   }
0xbf: {  	_ =	swait.ge [sflag:s17], $0x9C4  }
0xc0: {  	[sflag:s17] =	ssyncset.done $0x0  }
0xc1: {  	[sflag:s17] =	ssyncadd.s32 $0xFFFFF63C  }
0xc2: {  	_ =	sfence.sel $0x180000  }
0xc3: {  	[bflag:$0x0] =	sbarrier.arrive $0xFFFF  }
0xc4: {  	_ =	strace $0x9000004D  }
0xc5: {  	s0 =	stileid.u32;
	[bflag:$0x2] =	sbarrier.arrive $0xFFFF  }
0xc6: {  	p0 =	sne.s32 s0, $0x0;
	s0 =	rddreg [dreg:$0x2]  }
0xc7: {  	s0 =	sadd.s32 @!p0 $0x100000, s0  }
0xc8: {  	[sflag:s0] =	ssyncadd.tile.s32 @!p0 $0x1;
	_ =	shalt  }
.Lfunc_end2:
_tile_overlayer_lowered:
.L_overlay_start_2:
0xc9: {  	(tag) =	ssettag $0x2  }
0xca: {  	s0 =	rddreg [dreg:$0x0];
	s2 =	stileid.u32  }
0xcb: {  	s1 =	rddreg [dreg:$0x1];
	p0 =	sne.s32 s2, $0x0  }
0xcc: {  	s3 =	rddreg [dreg:$0x2];
	[bflag:$0x3] =	sbarrier.arrive $0xFFFF;
	s2 =	simm.s32 @!p0 $0x1C05  }
0xcd: {  	[timem:s3], [sflag:s2] =	dma.local @!p0 [hbm:s0], s1  }
0xce: {  	s0 =	simm.s32 @!p0 $0x5  }
0xcf: {  	_ =	swait.ge @!p0 [sflag:s0], s1  }
0xd0: {  	s1 =	ssub.s32 @!p0 $0x0, s1;
	[sflag:s0] =	ssyncset.done @!p0 $0x0  }
0xd1: {  	[sflag:s0] =	ssyncadd.s32 @!p0 s1  }
0xd2: {  	[bflag:$0x3] =	sbarrier.arrive $0xFFFF  }
0xd3: {  	_ =	shalt  }

// kernel: segsum_f64.3.cloned.1.call-start
scs
__scs_entry_jumppad:
0x0: {  	(pc) =	sbr.rel $0x88, $3  }
0x1: {  	(tag) =	ssettag $0x0;
	lr =	simm.s32 $0x1  }
0x2: {  	[smem:$0x3F94] =	sst lr;
	_ =	strace $0xD0000000  }
0x3: {  	_ = 	snop  }
0x4: {  	_ = 	snop  }
0x5: {  	_ = 	snop  }
0x6: {  	_ = 	snop  }
0x7: {  	_ = 	snop  }
__scs_overlays_trampoline_lowered:
0x8: {  	[smem:$0x3FA3] =	sst s0  }
0x9: {  	[smem:$0x3FA4] =	sst s1  }
0xa: {  	[smem:$0x3FA5] =	sst s2  }
0xb: {  	[smem:$0x3FA6] =	sst s3  }
0xc: {  	[smem:$0x3FA7] =	sst s4  }
0xd: {  	[smem:$0x3FA8] =	sst s5  }
0xe: {  	[smem:$0x3FA9] =	sst s6  }
0xf: {  	[smem:$0x3FAA] =	sst s7  }
0x10: {  	[smem:$0x3FAB] =	sst s8  }
0x11: {  	[smem:$0x3FAC] =	sst s9;
	s0 =	simm.s32 @!p0 $0x0  }
0x12: {  	s1 =	sld [smem:$0x3F92];
	s0 =	simm.s32 @p0 $0x1  }
0x13: {  	[smem:$0x3FAD] =	sst s0;
	s0 =	simm.s32 @!p1 $0x0  }
0x14: {  	s2 =	sld [smem:$0x3F91];
	s0 =	simm.s32 @p1 $0x1  }
0x15: {  	[smem:$0x3FAE] =	sst s0;
	s0 =	simm.s32 @!p2 $0x0  }
0x16: {  	s3 =	sld [smem:$0x3FDB];
	s0 =	simm.s32 @p2 $0x1  }
0x17: {  	s4 =	simm.s32 $0x1BF5;
	[smem:$0x3FB0] =	sst s0  }
0x18: {  	s0 =	sld [smem:$0x3F93];
	_ =	swait.ge [sflag:s4], $0x0  }
0x19: {  	s7 =	sld [smem:$0x3F94]  }
0x1a: {  	s8 =	sadd.s32 $0xFFFFE003, lr  }
0x1b: {  	s9 =	sadd.s32 $0xFFFFFEF7, lr;
	s5 =	simm.s32 $0xFFFFFFFF;
	p2 =	slt.u32 s8, $0xFFFFF086  }
0x1c: {  	p1 =	slt.u32 s9, $0xF7A;
	s5 =	simm.s32 @!p2 $0x0  }
0x1d: {  	s5 =	simm.s32 @p1 $0x1;
	p0 =	seq.s32 s7, s2  }
0x1e: {  	s7 =	smul.u32 @!p0 $0xF7A, s2;
	p2 =	seq.s32 @!p0 s5, $0x0  }
0x1f: {  	s9 =	smul.u32 $0xF7A, s1;
	s8 =	simm.s32 @!p0 $0x1BF5;
	p2 =	por !p2, p0  }
0x20: {  	[sflag:s8] =	ssyncset.s32 @!p0 $0xFFFFF086;
	s6 =	sadd.s32 @!p0 s3, s7;
	s7 =	simm.s32 @!p0 $0x108  }
0x21: {  	s3 =	sadd.s32 s3, s9;
	s6 =	sadd.s32 @!p0 $0x88, s6;
	s7 =	simm.s32 @p2 $0x1082  }
0x22: {  	[simem:s7], [sflag:s8] =	dma.local @!p0 [hbm:s6], $0xF7A  }
0x23: {  	s9 =	sor.u32 $0xD0000000, s2;
	s6 =	simm.s32 $0x108;
	_ =	swait.ge @!p0 [sflag:s8], $0x0  }
0x24: {  	s3 =	sadd.s32 $0x88, s3;
	s6 =	simm.s32 @!p1 $0x1082;
	[sflag:s4] =	ssyncset.s32 $0xFFFFF086  }
0x25: {  	[simem:s6], [sflag:s4] =	dma.local [hbm:s3], $0xF7A  }
0x26: {  	[smem:$0x3F94] =	sst s1;
	(tag) =	ssettag s2;
	_ =	strace s9  }
0x27: {  	s1 =	sld [smem:$0x3FA4]  }
0x28: {  	s2 =	sld [smem:$0x3FA5]  }
0x29: {  	s4 =	sld [smem:$0x3FA7]  }
0x2a: {  	p0 =	seq.s32 s5, $0x0;
	s5 =	sld [smem:$0x3FA8]  }
0x2b: {  	s6 =	sld [smem:$0x3FA9]  }
0x2c: {  	s7 =	sld [smem:$0x3FAA]  }
0x2d: {  	s3 =	simm.s32 $0x108;
	s8 =	sld [smem:$0x3FAB]  }
0x2e: {  	s3 =	simm.s32 @!p0 $0x1082;
	s9 =	sld [smem:$0x3FAC]  }
0x2f: {  	lr =	sadd.s32 s0, s3;
	s0 =	sld [smem:$0x3FA3]  }
0x30: {  	s3 =	sld [smem:$0x3FA6]  }
0x31: {  	[smem:$0x3FAF] =	sst s10  }
0x32: {  	s10 =	sld [smem:$0x3FAD];
	_ =	sdelay $0x3  }
0x33: {  	p0 =	seq.s32 s10, $0x1;
	s10 =	sld [smem:$0x3FAF];
	_ =	sdelay $0x3  }
0x34: {  	[smem:$0x3FAF] =	sst s10  }
0x35: {  	s10 =	sld [smem:$0x3FAE];
	_ =	sdelay $0x3  }
0x36: {  	p1 =	seq.s32 s10, $0x1;
	s10 =	sld [smem:$0x3FAF];
	_ =	sdelay $0x3  }
0x37: {  	[smem:$0x3FAF] =	sst s10  }
0x38: {  	s10 =	sld [smem:$0x3FB0]  }
0x39: {  	_ = 	snop;
	(pc) =	sbr.ind lr, $3  }
0x3a: {  	_ = 	snop  }
0x3b: {  	_ = 	snop  }
0x3c: {  	p2 =	seq.s32 s10, $0x1;
	s10 =	sld [smem:$0x3FAF]  }
0x3d: {  	_ =	shalt  }
0x3e: {  	_ =	shalt  }
0x3f: {  	_ =	shalt  }
0x40: {  	_ =	shalt  }
0x41: {  	_ =	shalt  }
0x42: {  	_ =	shalt  }
0x43: {  	_ =	shalt  }
0x44: {  	_ =	shalt  }
0x45: {  	_ =	shalt  }
0x46: {  	_ =	shalt  }
0x47: {  	_ =	shalt  }
0x48: {  	_ =	shalt  }
0x49: {  	_ =	shalt  }
0x4a: {  	_ =	shalt  }
0x4b: {  	_ =	shalt  }
0x4c: {  	_ =	shalt  }
0x4d: {  	_ =	shalt  }
0x4e: {  	_ =	shalt  }
0x4f: {  	_ =	shalt  }
0x50: {  	_ =	shalt  }
0x51: {  	_ =	shalt  }
0x52: {  	_ =	shalt  }
0x53: {  	_ =	shalt  }
0x54: {  	_ =	shalt  }
0x55: {  	_ =	shalt  }
0x56: {  	_ =	shalt  }
0x57: {  	_ =	shalt  }
0x58: {  	_ =	shalt  }
0x59: {  	_ =	shalt  }
0x5a: {  	_ =	shalt  }
0x5b: {  	_ =	shalt  }
0x5c: {  	_ =	shalt  }
0x5d: {  	_ =	shalt  }
0x5e: {  	_ =	shalt  }
0x5f: {  	_ =	shalt  }
0x60: {  	_ =	shalt  }
0x61: {  	_ =	shalt  }
0x62: {  	_ =	shalt  }
0x63: {  	_ =	shalt  }
0x64: {  	_ =	shalt  }
0x65: {  	_ =	shalt  }
0x66: {  	_ =	shalt  }
0x67: {  	_ =	shalt  }
0x68: {  	_ =	shalt  }
0x69: {  	_ =	shalt  }
0x6a: {  	_ =	shalt  }
0x6b: {  	_ =	shalt  }
0x6c: {  	_ =	shalt  }
0x6d: {  	_ =	shalt  }
0x6e: {  	_ =	shalt  }
0x6f: {  	_ =	shalt  }
0x70: {  	_ =	shalt  }
0x71: {  	_ =	shalt  }
0x72: {  	_ =	shalt  }
0x73: {  	_ =	shalt  }
0x74: {  	_ =	shalt  }
0x75: {  	_ =	shalt  }
0x76: {  	_ =	shalt  }
0x77: {  	_ =	shalt  }
0x78: {  	_ =	shalt  }
0x79: {  	_ =	shalt  }
0x7a: {  	_ =	shalt  }
0x7b: {  	_ =	shalt  }
0x7c: {  	_ =	shalt  }
0x7d: {  	_ =	shalt  }
0x7e: {  	_ =	shalt  }
0x7f: {  	_ =	shalt  }
0x80: {  	_ =	shalt  }
0x81: {  	_ =	shalt  }
0x82: {  	_ =	shalt  }
0x83: {  	_ =	shalt  }
0x84: {  	_ =	shalt  }
0x85: {  	_ =	shalt  }
0x86: {  	_ =	shalt  }
0x87: {  	_ =	shalt  }
.Lfunc_end0:
.L_simem_size_0:
called_computation.1_lowered:
.L_overlay_start_0:
0x88: {  	s2 =	sld [smem:$0x3FD9]  }
0x89: {  	s3 =	sld [smem:$0x3FFE];
	_ =	sdelay $0x1  }
0x8a: {  	s1 =	srdreg.scid  }
0x8b: {  	s0 =	sand.u32 $0x1, s1  }
0x8c: {  	s16 =	sshll.u32 s0, $0xA;
	s2 =	sadd.s32 s3, s2  }
0x8d: {  	s2 =	sadd.s32 s2, s16  }
0x8e: {  	[smem:$0x3FBB] =	sst s2  }
0x8f: {  	_ = 	snop  }
0x90: {  	(tm) =	ssettm $0x1  }
0x91: {  	s17 =	sld [smem:$0x3FFB];
	_ =	sdelay $0x3  }
0x92: {  	_ =	strace s17  }
0x93: {  	s2 =	sld [smem:$0x3FFC];
	_ =	sdelay $0x3  }
0x94: {  	_ =	strace s2  }
0x95: {  	s2 =	sld [smem:$0x3FFD];
	_ =	sdelay $0x3  }
0x96: {  	_ =	strace s2  }
0x97: {  	_ =	strace $0x8FFFFFFF  }
0x98: {  	s18 =	sld [smem:$0x3FDB];
	_ =	sdelay $0x1  }
0x99: {  	s19 =	simm.s32 $_scs_section_size  }
0x9a: {  	s4 =	simm.s32 $_size__tile_overlayer_lowered;
	s5 =	simm.s32 $_tile_overlayer_lowered  }
0x9b: {  	s22 =	simm.s32 $0x1BFF;
	s21 =	sshll.u32 s5, $0x1;
	s2 =	sadd.s32 s19, s18  }
0x9c: {  	s6 =	simm.s32 $0x0;
	s20 =	sshll.u32 s4, $0x1;
	s4 =	sadd.s32 s21, s2  }
0x9d: {  	[timem:s6], [sflag:s22] =	dma.local [hbm:s4], s20  }
0x9e: {  	_ =	swait.ge [sflag:s22], s20  }
0x9f: {  	s3 =	ssub.s32 $0x0, s20;
	[sflag:s22] =	ssyncset.done $0x0  }
0xa0: {  	[sflag:s22] =	ssyncadd.s32 s3;
	_ =	sdelay $0x1  }
0xa1: {  	s23 =	simm.s32 $0x1B8B  }
0xa2: {  	_ =	swait.ge [sflag:s23], $0x1  }
0xa3: {  	[sflag:s23] =	ssyncset.done $0x0  }
0xa4: {  	s25 =	simm.s32 $0x1B8E;
	s24 =	sld [smem:$0x3FFE];
	[sflag:s23] =	ssyncadd.s32 $0xFFFFFFFF  }
0xa5: {  	s26 =	simm.s32 $execute0_lowered;
	[smem:$0x3FD2] =	sst s25  }
0xa6: {  	s4 =	sshll.u32 s26, $0x1;
	_ =	strace $0x80000049;
	[dreg:$0x1] =	wrdreg $0xFFFFFFFF  }
0xa7: {  	s28 =	simm.s32 $_size_execute0_lowered;
	s2 =	sadd.s32 s2, s4;
	[dreg:$0x0] =	wrdreg $0x0  }
0xa8: {  	s4 =	sshll.u32 s28, $0x1;
	[dreg:$0x2] =	wrdreg s2  }
0xa9: {  	[dreg:$0x3] =	wrdreg s4  }
0xaa: {  	[dreg:$0x4] =	wrdreg $0xC0  }
0xab: {  	_ =	task [dreg:s6], $0x5FFFF  }
0xac: {  	[dreg:$0x1] =	wrdreg $0xFFFFFFFF  }
0xad: {  	[dreg:$0x0] =	wrdreg $0x60  }
0xae: {  	[dreg:$0x2] =	wrdreg s24  }
0xaf: {  	[dreg:$0x3] =	wrdreg $0xCF000  }
0xb0: {  	[dreg:$0x4] =	wrdreg $0x9  }
0xb1: {  	_ =	task.clear_ibuf [dreg:s6], $0x5FFFF;
	_ =	strace $0x90000049  }
0xb2: {  	s29 =	simm.s32 $0x9;
	_ =	strace $0x8000004B  }
0xb3: {  	_ =	swait.ge [sflag:s29], $0x1  }
0xb4: {  	[sflag:s29] =	ssyncadd.s32 $0xFFFFFFFF  }
0xb5: {  	_ =	strace $0x9000004B  }
0xb6: {  	_ =	sfence  }
0xb7: {  	s30 =	sld [smem:$0x0];
	_ =	sdelay $0x2  }
0xb8: {  	s31 =	sshll.u32 s1, $0xD;
	s1 =	sshrl.u32 s1, $0x2  }
0xb9: {  	s3 =	sand.u32 $0x4000, s31;
	s1 =	sadd.s32 s1, s30  }
0xba: {  	s0 =	sor.u32 s3, s0;
	s1 =	sshll.u32 s1, $0x11  }
0xbb: {  	s0 =	sor.u32 s1, s0  }
0xbc: {  	s0 =	sadd.s32 $0x8F2B, s0  }
0xbd: {  	[sflag:s0] =	ssyncadd.remote.s32 $0x1  }
0xbe: {  	_ =	sfence.sel $0xFFFF  }
0xbf: {  	[dreg:$0x0] =	wrdreg $0xFFFFFFFF;
	(pc) =	sbr.abs _section_cstart, $3  }
0xc0: {  	[dreg:$0x1] =	wrdreg $0xFFFFFFFF  }
0xc1: {  	_ =	task.clear_ibuf [dreg:s6], $0x2FFFF;
	_ =	strace $0x9FFFFFFF  }
0xc2: {  	(tm) =	ssettm $0x7FFFFFFF  }
0xc3: {  	_ =	shalt  }
tec
execute0_lowered:
.L_overlay_start_1:
0x0: {  	(tag) =	ssettag $0x1  }
0x1: {  	s0 =	srdreg.scid;
	s1 =	rddreg [dreg:$0x0]  }
0x2: {  	s16 =	stileid.u32;
	s2 =	rddreg [dreg:$0x1]  }
0x3: {  	s3 =	simm.s32 $0x0;
	s17 =	simm.s32 $0x5;
	s20 =	simm.s32 $0x80  }
0x4: {  	s21 =	simm.s32 $0x6F00;
	s23 =	simm.s32 $0x8F00;
	s25 =	simm.s32 $0xAF00  }
0x5: {  	s26 =	simm.s32 $0x1;
	s28 =	simm.s32 $0x2;
	s29 =	simm.s32 $0x3  }
0x6: {  	s30 =	simm.s32 $0x4;
	s22 =	simm.s32 $0x8;
	s24 =	simm.s32 $0x0  }
0x7: {  	s0 =	sand.u32 $0x1, s0;
	s5 =	smul.u32 $0x13880, s16;
	[smem:$0x7FF] =	sst s3  }
0x8: {  	s6 =	smul.u32 $0x27100, s16;
	s13 =	sadd.s32 $0x2A00, s1;
	s31 =	sshll.u32 s16, $0x1  }
0x9: {  	s12 =	sadd.s32 $0xC640, s1;
	p0 =	sgt.u32 s16, $0x1;
	s16 =	simm.s32 $0x4F00  }
0xa: {  	s4 =	smul.u32 $0x138800, s0;
	_ =	strace $0x8000004A;
	s7 =	ssub.s32 $0x2, s0  }
0xb: {  	s0 =	sor.u32 s0, s31;
	s6 =	sshrl.u32 s6, $0x2;
	s8 =	sshrl.u32 s7, $0x1  }
0xc: {  	s18 =	smul.u32 $0x4E0, s0;
	s0 =	sshll.u32 s0, $0x4;
	s4 =	sadd.s32 s5, s4  }
0xd: {  	s15 =	ssub.s32 s7, s8;
	s11 =	sor.u32 $0x9C00, s0;
	s5 =	sshrl.u32 s4, $0x3  }
0xe: {  	s4 =	sadd.s32 $0x16400, s1;
	s10 =	sadd.s32 s13, s18;
	s13 =	sadd.s32 s13, s11  }
0xf: {  	s15 =	smax.u32 s15, $0x1;
	s14 =	sadd.s32 s5, s1;
	s5 =	sadd.s32 s6, s2  }
0x10: {  	s18 =	sadd.s32 s18, s12;
	s6 =	sadd.s32 $0x2000, s5;
	s7 =	sadd.s32 $0x4000, s5  }
0x11: {  	v0 =	vimm.f32 $0.0e+00;
	s8 =	sadd.s32 $0x6000, s5;
	s9 =	sadd.s32 $0x8000, s5;
	s14 =	sadd.s32 $0x29E00, s14  }
.LBB2_1:
0x12: {  	s31 =	simm.s32 $0x100;
	s0 =	simm.s32 $0x0  }
.LBB2_2:
0x13: {  	p1 =	sne.s32 s31, $0x7F00;
	[tilespmem:s0+$0x4F30] =	vst v0;
	s1 =	smov.u32 s31;
	s31 =	sadd.s32 $0x100, s31  }
.Ltmp0:
0x14: {  	[tilespmem:s0+$0x4F20] =	vst v0;
	(pc) =	sbr.rel @p1 .LBB2_2-.Ltmp0, $3  }
0x15: {  	[tilespmem:s0+$0x4F00] =	vst v0  }
0x16: {  	[tilespmem:s0+$0x4F10] =	vst v0;
	_ =	sdelay $0x1  }
0x17: {  	s0 =	sshra.s32 s1, $0x2  }
0x18: {  	[tilespmem:s0+$0x4F30] =	vst v0  }
0x19: {  	[tilespmem:s0+$0x4F20] =	vst v0  }
0x1a: {  	[tilespmem:s0+$0x4F00] =	vst v0  }
0x1b: {  	[tilespmem:s0+$0x4F10] =	vst v0  }
0x1c: {  	[spmem:s5] =	stream.linear.scatter [tilespmem:s16], [sflag:$0x5], $0x2000, $0x38;
	[tilespmem:$0x16B40] =	vst v63  }
0x1d: {  	_ =	swait.ge [sflag:s17], $0x2000  }
0x1e: {  	[sflag:s17] =	ssyncset.done $0x0  }
0x1f: {  	[sflag:s17] =	ssyncadd.s32 $0xFFFFE000  }
0x20: {  	[spmem:s6] =	stream.linear.scatter [tilespmem:s16], [sflag:$0x5], $0x2000, $0x38;
	[tilespmem:$0x16B40] =	vst v63  }
0x21: {  	_ =	swait.ge [sflag:s17], $0x2000  }
0x22: {  	[sflag:s17] =	ssyncset.done $0x0  }
0x23: {  	[sflag:s17] =	ssyncadd.s32 $0xFFFFE000  }
0x24: {  	[spmem:s7] =	stream.linear.scatter [tilespmem:s16], [sflag:$0x5], $0x2000, $0x38;
	[tilespmem:$0x16B40] =	vst v63  }
0x25: {  	_ =	swait.ge [sflag:s17], $0x2000  }
0x26: {  	[sflag:s17] =	ssyncset.done $0x0  }
0x27: {  	[sflag:s17] =	ssyncadd.s32 $0xFFFFE000  }
0x28: {  	[spmem:s8] =	stream.linear.scatter [tilespmem:s16], [sflag:$0x5], $0x2000, $0x38;
	[tilespmem:$0x16B40] =	vst v63  }
0x29: {  	_ =	swait.ge [sflag:s17], $0x2000  }
0x2a: {  	[sflag:s17] =	ssyncset.done $0x0  }
0x2b: {  	[sflag:s17] =	ssyncadd.s32 $0xFFFFE000  }
0x2c: {  	[spmem:s9] =	stream.linear.scatter [tilespmem:s16], [sflag:$0x5], $0x1C40, $0x38;
	[tilespmem:$0x16B40] =	vst v63  }
0x2d: {  	_ =	swait.ge [sflag:s17], $0x1C40  }
0x2e: {  	[sflag:s17] =	ssyncset.done $0x0  }
0x2f: {  	[sflag:s17] =	ssyncadd.s32 $0xFFFFE3C0  }
0x30: {  	[tilespmem:s3], [sflag:$0x5] =	stream.linear.gather [hbm4b:s10+s3], $0x2700, $0x38;
	[tilespmem:$0x16B40] =	vst v63  }
0x31: {  	_ =	swait.ge [sflag:s17], $0x2700  }
0x32: {  	[sflag:s17] =	ssyncset.done $0x0  }
0x33: {  	s19 =	simm.s32 $0x2700;
	[sflag:s17] =	ssyncadd.s32 $0xFFFFD900  }
0x34: {  	[tilespmem:s19], [sflag:$0x5] =	stream.linear.gather [hbm4b:s18+s3], $0x2700, $0x38;
	[tilespmem:$0x16B40] =	vst v63  }
0x35: {  	_ =	swait.ge [sflag:s17], $0x2700  }
0x36: {  	[sflag:s17] =	ssyncset.done $0x0  }
0x37: {  	s0 =	simm.s32 @!p0 $0x0;
	s1 =	simm.s32 @!p0 $0x4E00;
	[sflag:s17] =	ssyncadd.s32 $0xFFFFD900  }
0x38: {  	[tilespmem:s1], [sflag:$0x5] =	stream.linear.gather @!p0 [hbm4b:s13+s0], $0x80, $0x38;
	[tilespmem:$0x16B40] =	vst v63  }
0x39: {  	s1 =	simm.s32 @!p0 $0x5  }
0x3a: {  	_ =	swait.ge @!p0 [sflag:s1], $0x80  }
0x3b: {  	[sflag:s1] =	ssyncset.done @!p0 $0x0  }
0x3c: {  	s31 =	sadd.s32 @!p0 s11, s12;
	s19 =	simm.s32 @!p0 $0x4E80;
	[sflag:s1] =	ssyncadd.s32 @!p0 $0xFFFFFF80  }
0x3d: {  	[tilespmem:s19], [sflag:$0x5] =	stream.linear.gather @!p0 [hbm4b:s31+s0], $0x80, $0x38;
	[tilespmem:$0x16B40] =	vst v63  }
0x3e: {  	_ =	swait.ge @!p0 [sflag:s1], $0x80  }
0x3f: {  	[sflag:s1] =	ssyncset.done @!p0 $0x0  }
0x40: {  	[sflag:s1] =	ssyncadd.s32 @!p0 $0xFFFFFF80  }
0x41: {  	s1 =	simm.s32 $0x0;
	[bflag:$0x0] =	sbarrier.arrive $0xFFFF  }
0x42: {  	[tilespmem:s16], [sflag:$0x1] =	stream.indirect.gather [hbm4b:s4+s20], $0x40, s1, s20, $0xb8;
	[tilespmem:$0x16B40] =	vst v63  }
0x43: {  	_ = 	snop  }
0x44: {  	[tilespmem:s21], [sflag:$0x2] =	stream.indirect.gather [hbm4b:s4+s20], $0x40, s20, s20, $0xb8;
	[tilespmem:$0x16B40] =	vst v63  }
0x45: {  	s19 =	simm.s32 $0x100  }
0x46: {  	[tilespmem:s23], [sflag:$0x3] =	stream.indirect.gather [hbm4b:s4+s20], $0x40, s19, s20, $0xb8;
	[tilespmem:$0x16B40] =	vst v63  }
0x47: {  	s1 =	simm.s32 $0x180  }
0x48: {  	[tilespmem:s25], [sflag:$0x4] =	stream.indirect.gather [hbm4b:s4+s20], $0x40, s1, s20, $0xb8;
	[tilespmem:$0x16B40] =	vst v63  }
0x49: {  	_ =	swait.ge [sflag:s26], $0x2000  }
0x4a: {  	[sflag:s26] =	ssyncset.done $0x0  }
0x4b: {  	s19 =	simm.s32 $0x2700;
	[sflag:s26] =	ssyncadd.s32 $0xFFFFE000  }
0x4c: {  	[spmem:s2] =	stream.indirect.scatter.add.f32 [tilespmem:s16], [sflag:$0x5], $0x40, s19, s20, $0xb8;
	[tilespmem:$0x16B40] =	vst v63  }
0x4d: {  	_ =	swait.ge [sflag:s17], $0x2000  }
0x4e: {  	[sflag:s17] =	ssyncset.done $0x0  }
0x4f: {  	s1 =	simm.s32 $0x200;
	[sflag:s17] =	ssyncadd.s32 $0xFFFFE000  }
0x50: {  	[tilespmem:s16], [sflag:$0x1] =	stream.indirect.gather [hbm4b:s4+s20], $0x40, s1, s20, $0xb8;
	[tilespmem:$0x16B40] =	vst v63  }
0x51: {  	_ =	swait.ge [sflag:s28], $0x2000  }
0x52: {  	[sflag:s28] =	ssyncset.done $0x0  }
0x53: {  	s19 =	simm.s32 $0x2780;
	[sflag:s28] =	ssyncadd.s32 $0xFFFFE000  }
0x54: {  	[spmem:s2] =	stream.indirect.scatter.add.f32 [tilespmem:s21], [sflag:$0x5], $0x40, s19, s20, $0xb8;
	[tilespmem:$0x16B40] =	vst v63  }
0x55: {  	_ =	swait.ge [sflag:s17], $0x2000  }
0x56: {  	[sflag:s17] =	ssyncset.done $0x0  }
0x57: {  	s1 =	simm.s32 $0x280;
	[sflag:s17] =	ssyncadd.s32 $0xFFFFE000  }
0x58: {  	[tilespmem:s21], [sflag:$0x2] =	stream.indirect.gather [hbm4b:s4+s20], $0x40, s1, s20, $0xb8;
	[tilespmem:$0x16B40] =	vst v63  }
0x59: {  	_ =	swait.ge [sflag:s29], $0x2000  }
0x5a: {  	[sflag:s29] =	ssyncset.done $0x0  }
0x5b: {  	s19 =	simm.s32 $0x2800;
	[sflag:s29] =	ssyncadd.s32 $0xFFFFE000  }
0x5c: {  	[spmem:s2] =	stream.indirect.scatter.add.f32 [tilespmem:s23], [sflag:$0x5], $0x40, s19, s20, $0xb8;
	[tilespmem:$0x16B40] =	vst v63  }
0x5d: {  	_ =	swait.ge [sflag:s17], $0x2000  }
0x5e: {  	[sflag:s17] =	ssyncset.done $0x0  }
0x5f: {  	s1 =	simm.s32 $0x300;
	[sflag:s17] =	ssyncadd.s32 $0xFFFFE000  }
0x60: {  	[tilespmem:s23], [sflag:$0x3] =	stream.indirect.gather [hbm4b:s4+s20], $0x40, s1, s20, $0xb8;
	[tilespmem:$0x16B40] =	vst v63  }
0x61: {  	_ =	swait.ge [sflag:s30], $0x2000  }
0x62: {  	[sflag:s30] =	ssyncset.done $0x0  }
0x63: {  	s19 =	simm.s32 $0x2880;
	[sflag:s30] =	ssyncadd.s32 $0xFFFFE000  }
0x64: {  	[spmem:s2] =	stream.indirect.scatter.add.f32 [tilespmem:s25], [sflag:$0x5], $0x40, s19, s20, $0xb8;
	[tilespmem:$0x16B40] =	vst v63  }
0x65: {  	_ =	swait.ge [sflag:s17], $0x2000  }
0x66: {  	[sflag:s17] =	ssyncset.done $0x0  }
0x67: {  	s0 =	simm.s32 $0x800;
	s31 =	simm.s32 $0x380;
	[sflag:s17] =	ssyncadd.s32 $0xFFFFE000  }
.LBB2_4:
0x68: {  	[tilespmem:s25], [sflag:$0x4] =	stream.indirect.gather [hbm4b:s4+s20], $0x40, s31, s20, $0xb8;
	[tilespmem:$0x16B40] =	vst v63  }
0x69: {  	s1 =	smov.u32 s0  }
0x6a: {  	p1 =	sne.s32 s0, $0x8800;
	s0 =	sadd.s32 $0x800, s0;
	_ =	swait.ge [sflag:s26], $0x2000  }
0x6b: {  	s31 =	sshra.s32 s1, $0x2;
	[sflag:s26] =	ssyncset.done $0x0  }
0x6c: {  	s1 =	sadd.s32 $0x2700, s31;
	[sflag:s26] =	ssyncadd.s32 $0xFFFFE000  }
0x6d: {  	[spmem:s2] =	stream.indirect.scatter.add.f32 [tilespmem:s16], [sflag:$0x5], $0x40, s1, s20, $0xb8;
	[tilespmem:$0x16B40] =	vst v63  }
0x6e: {  	_ =	swait.ge [sflag:s17], $0x2000  }
0x6f: {  	[sflag:s17] =	ssyncset.done $0x0  }
0x70: {  	s1 =	sadd.s32 $0x200, s31;
	[sflag:s17] =	ssyncadd.s32 $0xFFFFE000  }
0x71: {  	[tilespmem:s16], [sflag:$0x1] =	stream.indirect.gather [hbm4b:s4+s20], $0x40, s1, s20, $0xb8;
	[tilespmem:$0x16B40] =	vst v63  }
0x72: {  	_ =	swait.ge [sflag:s28], $0x2000  }
0x73: {  	[sflag:s28] =	ssyncset.done $0x0  }
0x74: {  	s1 =	sadd.s32 $0x2780, s31;
	[sflag:s28] =	ssyncadd.s32 $0xFFFFE000  }
0x75: {  	[spmem:s2] =	stream.indirect.scatter.add.f32 [tilespmem:s21], [sflag:$0x5], $0x40, s1, s20, $0xb8;
	[tilespmem:$0x16B40] =	vst v63  }
0x76: {  	_ =	swait.ge [sflag:s17], $0x2000  }
0x77: {  	[sflag:s17] =	ssyncset.done $0x0  }
0x78: {  	s1 =	sadd.s32 $0x280, s31;
	[sflag:s17] =	ssyncadd.s32 $0xFFFFE000  }
0x79: {  	[tilespmem:s21], [sflag:$0x2] =	stream.indirect.gather [hbm4b:s4+s20], $0x40, s1, s20, $0xb8;
	[tilespmem:$0x16B40] =	vst v63  }
0x7a: {  	_ =	swait.ge [sflag:s29], $0x2000  }
0x7b: {  	[sflag:s29] =	ssyncset.done $0x0  }
0x7c: {  	s1 =	sadd.s32 $0x2800, s31;
	[sflag:s29] =	ssyncadd.s32 $0xFFFFE000  }
0x7d: {  	[spmem:s2] =	stream.indirect.scatter.add.f32 [tilespmem:s23], [sflag:$0x5], $0x40, s1, s20, $0xb8;
	[tilespmem:$0x16B40] =	vst v63  }
0x7e: {  	_ =	swait.ge [sflag:s17], $0x2000  }
0x7f: {  	[sflag:s17] =	ssyncset.done $0x0  }
0x80: {  	s1 =	sadd.s32 $0x300, s31;
	[sflag:s17] =	ssyncadd.s32 $0xFFFFE000  }
0x81: {  	[tilespmem:s23], [sflag:$0x3] =	stream.indirect.gather [hbm4b:s4+s20], $0x40, s1, s20, $0xb8;
	[tilespmem:$0x16B40] =	vst v63  }
0x82: {  	_ =	swait.ge [sflag:s30], $0x2000  }
0x83: {  	[sflag:s30] =	ssyncset.done $0x0  }
.Ltmp1:
0x84: {  	s1 =	sadd.s32 $0x2880, s31;
	[sflag:s30] =	ssyncadd.s32 $0xFFFFE000;
	(pc) =	sbr.rel @p1 .LBB2_4-.Ltmp1, $4  }
0x85: {  	[spmem:s2] =	stream.indirect.scatter.add.f32 [tilespmem:s25], [sflag:$0x5], $0x40, s1, s20, $0xb8;
	[tilespmem:$0x16B40] =	vst v63  }
0x86: {  	_ =	swait.ge [sflag:s17], $0x2000  }
0x87: {  	[sflag:s17] =	ssyncset.done $0x0  }
0x88: {  	s31 =	sadd.s32 $0x380, s31;
	[sflag:s17] =	ssyncadd.s32 $0xFFFFE000  }
0x89: {  	[tilespmem:s25], [sflag:$0x4] =	stream.indirect.gather [hbm4b:s4+s20], $0x40, s31, s20, $0xb8;
	[tilespmem:$0x16B40] =	vst v63  }
0x8a: {  	_ =	swait.ge [sflag:s26], $0x2000  }
0x8b: {  	[sflag:s26] =	ssyncset.done $0x0  }
0x8c: {  	s0 =	simm.s32 $0x4B00;
	[sflag:s26] =	ssyncadd.s32 $0xFFFFE000  }
0x8d: {  	[spmem:s2] =	stream.indirect.scatter.add.f32 [tilespmem:s16], [sflag:$0x5], $0x40, s0, s20, $0xb8;
	[tilespmem:$0x16B40] =	vst v63  }
0x8e: {  	_ =	swait.ge [sflag:s17], $0x2000  }
0x8f: {  	[sflag:s17] =	ssyncset.done $0x0  }
0x90: {  	s31 =	simm.s32 $0x2600;
	[sflag:s17] =	ssyncadd.s32 $0xFFFFE000  }
0x91: {  	[tilespmem:s16], [sflag:$0x1] =	stream.indirect.gather [hbm4b:s4+s20], $0x40, s31, s20, $0xb8;
	[tilespmem:$0x16B40] =	vst v63  }
0x92: {  	_ =	swait.ge [sflag:s28], $0x2000  }
0x93: {  	[sflag:s28] =	ssyncset.done $0x0  }
0x94: {  	s1 =	simm.s32 $0x4B80;
	[sflag:s28] =	ssyncadd.s32 $0xFFFFE000  }
0x95: {  	[spmem:s2] =	stream.indirect.scatter.add.f32 [tilespmem:s21], [sflag:$0x5], $0x40, s1, s20, $0xb8;
	[tilespmem:$0x16B40] =	vst v63  }
0x96: {  	_ =	swait.ge [sflag:s17], $0x2000  }
0x97: {  	[sflag:s17] =	ssyncset.done $0x0  }
0x98: {  	s19 =	simm.s32 $0x2680;
	[sflag:s17] =	ssyncadd.s32 $0xFFFFE000  }
0x99: {  	[tilespmem:s21], [sflag:$0x2] =	stream.indirect.gather [hbm4b:s4+s20], $0x40, s19, s20, $0xb8;
	[tilespmem:$0x16B40] =	vst v63  }
0x9a: {  	_ =	swait.ge [sflag:s29], $0x2000  }
0x9b: {  	[sflag:s29] =	ssyncset.done $0x0  }
0x9c: {  	s31 =	simm.s32 $0x4C00;
	[sflag:s29] =	ssyncadd.s32 $0xFFFFE000  }
0x9d: {  	[spmem:s2] =	stream.indirect.scatter.add.f32 [tilespmem:s23], [sflag:$0x5], $0x40, s31, s20, $0xb8;
	[tilespmem:$0x16B40] =	vst v63  }
0x9e: {  	_ =	swait.ge [sflag:s17], $0x2000  }
0x9f: {  	[sflag:s17] =	ssyncset.done $0x0  }
0xa0: {  	[sflag:s17] =	ssyncadd.s32 $0xFFFFE000  }
0xa1: {  	_ =	swait.ge [sflag:s30], $0x2000  }
0xa2: {  	[sflag:s30] =	ssyncset.done $0x0  }
0xa3: {  	s1 =	simm.s32 $0x4C80;
	[sflag:s30] =	ssyncadd.s32 $0xFFFFE000  }
0xa4: {  	[spmem:s2] =	stream.indirect.scatter.add.f32 [tilespmem:s25], [sflag:$0x5], $0x40, s1, s20, $0xb8;
	[tilespmem:$0x16B40] =	vst v63  }
0xa5: {  	_ =	swait.ge [sflag:s17], $0x2000  }
0xa6: {  	[sflag:s17] =	ssyncset.done $0x0  }
0xa7: {  	[sflag:s17] =	ssyncadd.s32 $0xFFFFE000  }
0xa8: {  	_ =	swait.ge [sflag:s26], $0x2000  }
0xa9: {  	[sflag:s26] =	ssyncset.done $0x0  }
0xaa: {  	s19 =	simm.s32 $0x4D00;
	[sflag:s26] =	ssyncadd.s32 $0xFFFFE000  }
0xab: {  	[spmem:s2] =	stream.indirect.scatter.add.f32 [tilespmem:s16], [sflag:$0x5], $0x40, s19, s20, $0xb8;
	[tilespmem:$0x16B40] =	vst v63  }
0xac: {  	_ =	swait.ge [sflag:s17], $0x2000  }
0xad: {  	[sflag:s17] =	ssyncset.done $0x0  }
0xae: {  	[sflag:s17] =	ssyncadd.s32 $0xFFFFE000  }
0xaf: {  	_ =	swait.ge [sflag:s28], $0x2000  }
0xb0: {  	[sflag:s28] =	ssyncset.done $0x0  }
0xb1: {  	s31 =	simm.s32 $0x4D80;
	[sflag:s28] =	ssyncadd.s32 $0xFFFFE000  }
0xb2: {  	[spmem:s2] =	stream.indirect.scatter.add.f32 [tilespmem:s21], [sflag:$0x5], $0x40, s31, s20, $0xb8;
	[tilespmem:$0x16B40] =	vst v63  }
0xb3: {  	_ =	swait.ge [sflag:s17], $0x2000  }
0xb4: {  	s0 =	simm.s32 @!p0 $0x80;
	[sflag:s17] =	ssyncset.done $0x0  }
0xb5: {  	s1 =	simm.s32 @!p0 $0x4E00;
	s19 =	simm.s32 @!p0 $0x4F00;
	[sflag:s17] =	ssyncadd.s32 $0xFFFFE000  }
0xb6: {  	[tilespmem:s19], [sflag:$0x1] =	stream.indirect.gather @!p0 [hbm4b:s4+s0], $0x40, s1, s0, $0xb8;
	[tilespmem:$0x16B40] =	vst v63  }
0xb7: {  	s1 =	simm.s32 @!p0 $0x1  }
0xb8: {  	_ =	swait.ge @!p0 [sflag:s1], $0x2000  }
0xb9: {  	[sflag:s1] =	ssyncset.done @!p0 $0x0  }
0xba: {  	[sflag:s1] =	ssyncadd.s32 @!p0 $0xFFFFE000;
	s1 =	simm.s32 @!p0 $0x4E80  }
0xbb: {  	[spmem:s2] =	stream.indirect.scatter.add.f32 @!p0 [tilespmem:s19], [sflag:$0x5], $0x40, s1, s0, $0xb8;
	[tilespmem:$0x16B40] =	vst v63  }
0xbc: {  	s24 =	sadd.s32 $0x1, s24;
	s0 =	simm.s32 @!p0 $0x5  }
0xbd: {  	p1 =	sne.s32 s24, s15;
	_ =	swait.ge @!p0 [sflag:s0], $0x2000  }
0xbe: {  	s31 =	simm.s32 $0x10;
	s1 =	stileid.u32;
	[sflag:s0] =	ssyncset.done @!p0 $0x0  }
0xbf: {  	s19 =	sshrl.u32 s5, $0x3;
	[sflag:s0] =	ssyncadd.s32 @!p0 $0xFFFFE000;
	s0 =	sshll.u32 s1, $0x6  }
.Ltmp2:
0xc0: {  	[bflag:$0x0] =	sbarrier.arrive $0xFFFF;
	s0 =	sor.u32 $0x1C05, s0;
	(pc) =	sbr.rel @p1 .LBB2_1-.Ltmp2, $4  }
0xc1: {  	[hbm:s14@s31], [sflag:s0] =	dma.strided [spmem:s19@s22], $0x1388, s26, $0x8   }
0xc2: {  	_ =	swait.ge [sflag:s17], $0x1388  }
0xc3: {  	[sflag:s17] =	ssyncset.done $0x0  }
0xc4: {  	[sflag:s17] =	ssyncadd.s32 $0xFFFFEC78  }
0xc5: {  	_ =	sfence.sel $0x180000  }
0xc6: {  	[bflag:$0x0] =	sbarrier.arrive $0xFFFF  }
0xc7: {  	_ =	strace $0x9000004A  }
0xc8: {  	s0 =	stileid.u32;
	[bflag:$0x2] =	sbarrier.arrive $0xFFFF  }
0xc9: {  	p0 =	sne.s32 s0, $0x0;
	s0 =	rddreg [dreg:$0x2]  }
0xca: {  	s0 =	sadd.s32 @!p0 $0x100000, s0  }
0xcb: {  	[sflag:s0] =	ssyncadd.tile.s32 @!p0 $0x1;
	_ =	shalt  }
.Lfunc_end2:
_tile_overlayer_lowered:
.L_overlay_start_2:
0xcc: {  	(tag) =	ssettag $0x2  }
0xcd: {  	s0 =	rddreg [dreg:$0x0];
	s2 =	stileid.u32  }
0xce: {  	s1 =	rddreg [dreg:$0x1];
	p0 =	sne.s32 s2, $0x0  }
0xcf: {  	s3 =	rddreg [dreg:$0x2];
	[bflag:$0x3] =	sbarrier.arrive $0xFFFF;
	s2 =	simm.s32 @!p0 $0x1C05  }
0xd0: {  	[timem:s3], [sflag:s2] =	dma.local @!p0 [hbm:s0], s1  }
0xd1: {  	s0 =	simm.s32 @!p0 $0x5  }
0xd2: {  	_ =	swait.ge @!p0 [sflag:s0], s1  }
0xd3: {  	s1 =	ssub.s32 @!p0 $0x0, s1;
	[sflag:s0] =	ssyncset.done @!p0 $0x0  }
0xd4: {  	[sflag:s0] =	ssyncadd.s32 @!p0 s1  }
0xd5: {  	[bflag:$0x3] =	sbarrier.arrive $0xFFFF  }
0xd6: {  	_ =	shalt  }

// kernel: segsum_f80.3.cloned.1.call-start
scs
__scs_entry_jumppad:
0x0: {  	(pc) =	sbr.rel $0x88, $3  }
0x1: {  	(tag) =	ssettag $0x0;
	lr =	simm.s32 $0x1  }
0x2: {  	[smem:$0x3F94] =	sst lr;
	_ =	strace $0xD0000000  }
0x3: {  	_ = 	snop  }
0x4: {  	_ = 	snop  }
0x5: {  	_ = 	snop  }
0x6: {  	_ = 	snop  }
0x7: {  	_ = 	snop  }
__scs_overlays_trampoline_lowered:
0x8: {  	[smem:$0x3FA3] =	sst s0  }
0x9: {  	[smem:$0x3FA4] =	sst s1  }
0xa: {  	[smem:$0x3FA5] =	sst s2  }
0xb: {  	[smem:$0x3FA6] =	sst s3  }
0xc: {  	[smem:$0x3FA7] =	sst s4  }
0xd: {  	[smem:$0x3FA8] =	sst s5  }
0xe: {  	[smem:$0x3FA9] =	sst s6  }
0xf: {  	[smem:$0x3FAA] =	sst s7  }
0x10: {  	[smem:$0x3FAB] =	sst s8  }
0x11: {  	[smem:$0x3FAC] =	sst s9;
	s0 =	simm.s32 @!p0 $0x0  }
0x12: {  	s1 =	sld [smem:$0x3F92];
	s0 =	simm.s32 @p0 $0x1  }
0x13: {  	[smem:$0x3FAD] =	sst s0;
	s0 =	simm.s32 @!p1 $0x0  }
0x14: {  	s2 =	sld [smem:$0x3F91];
	s0 =	simm.s32 @p1 $0x1  }
0x15: {  	[smem:$0x3FAE] =	sst s0;
	s0 =	simm.s32 @!p2 $0x0  }
0x16: {  	s3 =	sld [smem:$0x3FDB];
	s0 =	simm.s32 @p2 $0x1  }
0x17: {  	s4 =	simm.s32 $0x1BF5;
	[smem:$0x3FB0] =	sst s0  }
0x18: {  	s0 =	sld [smem:$0x3F93];
	_ =	swait.ge [sflag:s4], $0x0  }
0x19: {  	s7 =	sld [smem:$0x3F94]  }
0x1a: {  	s8 =	sadd.s32 $0xFFFFE003, lr  }
0x1b: {  	s9 =	sadd.s32 $0xFFFFFEF7, lr;
	s5 =	simm.s32 $0xFFFFFFFF;
	p2 =	slt.u32 s8, $0xFFFFF086  }
0x1c: {  	p1 =	slt.u32 s9, $0xF7A;
	s5 =	simm.s32 @!p2 $0x0  }
0x1d: {  	s5 =	simm.s32 @p1 $0x1;
	p0 =	seq.s32 s7, s2  }
0x1e: {  	s7 =	smul.u32 @!p0 $0xF7A, s2;
	p2 =	seq.s32 @!p0 s5, $0x0  }
0x1f: {  	s9 =	smul.u32 $0xF7A, s1;
	s8 =	simm.s32 @!p0 $0x1BF5;
	p2 =	por !p2, p0  }
0x20: {  	[sflag:s8] =	ssyncset.s32 @!p0 $0xFFFFF086;
	s6 =	sadd.s32 @!p0 s3, s7;
	s7 =	simm.s32 @!p0 $0x108  }
0x21: {  	s3 =	sadd.s32 s3, s9;
	s6 =	sadd.s32 @!p0 $0x88, s6;
	s7 =	simm.s32 @p2 $0x1082  }
0x22: {  	[simem:s7], [sflag:s8] =	dma.local @!p0 [hbm:s6], $0xF7A  }
0x23: {  	s9 =	sor.u32 $0xD0000000, s2;
	s6 =	simm.s32 $0x108;
	_ =	swait.ge @!p0 [sflag:s8], $0x0  }
0x24: {  	s3 =	sadd.s32 $0x88, s3;
	s6 =	simm.s32 @!p1 $0x1082;
	[sflag:s4] =	ssyncset.s32 $0xFFFFF086  }
0x25: {  	[simem:s6], [sflag:s4] =	dma.local [hbm:s3], $0xF7A  }
0x26: {  	[smem:$0x3F94] =	sst s1;
	(tag) =	ssettag s2;
	_ =	strace s9  }
0x27: {  	s1 =	sld [smem:$0x3FA4]  }
0x28: {  	s2 =	sld [smem:$0x3FA5]  }
0x29: {  	s4 =	sld [smem:$0x3FA7]  }
0x2a: {  	p0 =	seq.s32 s5, $0x0;
	s5 =	sld [smem:$0x3FA8]  }
0x2b: {  	s6 =	sld [smem:$0x3FA9]  }
0x2c: {  	s7 =	sld [smem:$0x3FAA]  }
0x2d: {  	s3 =	simm.s32 $0x108;
	s8 =	sld [smem:$0x3FAB]  }
0x2e: {  	s3 =	simm.s32 @!p0 $0x1082;
	s9 =	sld [smem:$0x3FAC]  }
0x2f: {  	lr =	sadd.s32 s0, s3;
	s0 =	sld [smem:$0x3FA3]  }
0x30: {  	s3 =	sld [smem:$0x3FA6]  }
0x31: {  	[smem:$0x3FAF] =	sst s10  }
0x32: {  	s10 =	sld [smem:$0x3FAD];
	_ =	sdelay $0x3  }
0x33: {  	p0 =	seq.s32 s10, $0x1;
	s10 =	sld [smem:$0x3FAF];
	_ =	sdelay $0x3  }
0x34: {  	[smem:$0x3FAF] =	sst s10  }
0x35: {  	s10 =	sld [smem:$0x3FAE];
	_ =	sdelay $0x3  }
0x36: {  	p1 =	seq.s32 s10, $0x1;
	s10 =	sld [smem:$0x3FAF];
	_ =	sdelay $0x3  }
0x37: {  	[smem:$0x3FAF] =	sst s10  }
0x38: {  	s10 =	sld [smem:$0x3FB0]  }
0x39: {  	_ = 	snop;
	(pc) =	sbr.ind lr, $3  }
0x3a: {  	_ = 	snop  }
0x3b: {  	_ = 	snop  }
0x3c: {  	p2 =	seq.s32 s10, $0x1;
	s10 =	sld [smem:$0x3FAF]  }
0x3d: {  	_ =	shalt  }
0x3e: {  	_ =	shalt  }
0x3f: {  	_ =	shalt  }
0x40: {  	_ =	shalt  }
0x41: {  	_ =	shalt  }
0x42: {  	_ =	shalt  }
0x43: {  	_ =	shalt  }
0x44: {  	_ =	shalt  }
0x45: {  	_ =	shalt  }
0x46: {  	_ =	shalt  }
0x47: {  	_ =	shalt  }
0x48: {  	_ =	shalt  }
0x49: {  	_ =	shalt  }
0x4a: {  	_ =	shalt  }
0x4b: {  	_ =	shalt  }
0x4c: {  	_ =	shalt  }
0x4d: {  	_ =	shalt  }
0x4e: {  	_ =	shalt  }
0x4f: {  	_ =	shalt  }
0x50: {  	_ =	shalt  }
0x51: {  	_ =	shalt  }
0x52: {  	_ =	shalt  }
0x53: {  	_ =	shalt  }
0x54: {  	_ =	shalt  }
0x55: {  	_ =	shalt  }
0x56: {  	_ =	shalt  }
0x57: {  	_ =	shalt  }
0x58: {  	_ =	shalt  }
0x59: {  	_ =	shalt  }
0x5a: {  	_ =	shalt  }
0x5b: {  	_ =	shalt  }
0x5c: {  	_ =	shalt  }
0x5d: {  	_ =	shalt  }
0x5e: {  	_ =	shalt  }
0x5f: {  	_ =	shalt  }
0x60: {  	_ =	shalt  }
0x61: {  	_ =	shalt  }
0x62: {  	_ =	shalt  }
0x63: {  	_ =	shalt  }
0x64: {  	_ =	shalt  }
0x65: {  	_ =	shalt  }
0x66: {  	_ =	shalt  }
0x67: {  	_ =	shalt  }
0x68: {  	_ =	shalt  }
0x69: {  	_ =	shalt  }
0x6a: {  	_ =	shalt  }
0x6b: {  	_ =	shalt  }
0x6c: {  	_ =	shalt  }
0x6d: {  	_ =	shalt  }
0x6e: {  	_ =	shalt  }
0x6f: {  	_ =	shalt  }
0x70: {  	_ =	shalt  }
0x71: {  	_ =	shalt  }
0x72: {  	_ =	shalt  }
0x73: {  	_ =	shalt  }
0x74: {  	_ =	shalt  }
0x75: {  	_ =	shalt  }
0x76: {  	_ =	shalt  }
0x77: {  	_ =	shalt  }
0x78: {  	_ =	shalt  }
0x79: {  	_ =	shalt  }
0x7a: {  	_ =	shalt  }
0x7b: {  	_ =	shalt  }
0x7c: {  	_ =	shalt  }
0x7d: {  	_ =	shalt  }
0x7e: {  	_ =	shalt  }
0x7f: {  	_ =	shalt  }
0x80: {  	_ =	shalt  }
0x81: {  	_ =	shalt  }
0x82: {  	_ =	shalt  }
0x83: {  	_ =	shalt  }
0x84: {  	_ =	shalt  }
0x85: {  	_ =	shalt  }
0x86: {  	_ =	shalt  }
0x87: {  	_ =	shalt  }
.Lfunc_end0:
.L_simem_size_0:
called_computation_lowered:
.L_overlay_start_0:
0x88: {  	s2 =	sld [smem:$0x3FD9]  }
0x89: {  	s3 =	sld [smem:$0x3FFE];
	_ =	sdelay $0x1  }
0x8a: {  	s1 =	srdreg.scid  }
0x8b: {  	s0 =	sand.u32 $0x1, s1  }
0x8c: {  	s16 =	sshll.u32 s0, $0xA;
	s2 =	sadd.s32 s3, s2  }
0x8d: {  	s2 =	sadd.s32 s2, s16  }
0x8e: {  	[smem:$0x3FBB] =	sst s2  }
0x8f: {  	_ = 	snop  }
0x90: {  	(tm) =	ssettm $0x1  }
0x91: {  	s17 =	sld [smem:$0x3FFB];
	_ =	sdelay $0x3  }
0x92: {  	_ =	strace s17  }
0x93: {  	s2 =	sld [smem:$0x3FFC];
	_ =	sdelay $0x3  }
0x94: {  	_ =	strace s2  }
0x95: {  	s2 =	sld [smem:$0x3FFD];
	_ =	sdelay $0x3  }
0x96: {  	_ =	strace s2  }
0x97: {  	_ =	strace $0x8FFFFFFF  }
0x98: {  	s18 =	sld [smem:$0x3FDB];
	_ =	sdelay $0x1  }
0x99: {  	s19 =	simm.s32 $_scs_section_size  }
0x9a: {  	s4 =	simm.s32 $_size__tile_overlayer_lowered;
	s5 =	simm.s32 $_tile_overlayer_lowered  }
0x9b: {  	s22 =	simm.s32 $0x1BFF;
	s21 =	sshll.u32 s5, $0x1;
	s2 =	sadd.s32 s19, s18  }
0x9c: {  	s6 =	simm.s32 $0x0;
	s20 =	sshll.u32 s4, $0x1;
	s4 =	sadd.s32 s21, s2  }
0x9d: {  	[timem:s6], [sflag:s22] =	dma.local [hbm:s4], s20  }
0x9e: {  	_ =	swait.ge [sflag:s22], s20  }
0x9f: {  	s3 =	ssub.s32 $0x0, s20;
	[sflag:s22] =	ssyncset.done $0x0  }
0xa0: {  	[sflag:s22] =	ssyncadd.s32 s3;
	_ =	sdelay $0x1  }
0xa1: {  	s23 =	simm.s32 $0x1B8B  }
0xa2: {  	_ =	swait.ge [sflag:s23], $0x1  }
0xa3: {  	[sflag:s23] =	ssyncset.done $0x0  }
0xa4: {  	s25 =	simm.s32 $0x1B8E;
	s24 =	sld [smem:$0x3FFE];
	[sflag:s23] =	ssyncadd.s32 $0xFFFFFFFF  }
0xa5: {  	s26 =	simm.s32 $execute0_lowered;
	[smem:$0x3FD2] =	sst s25  }
0xa6: {  	s4 =	sshll.u32 s26, $0x1;
	_ =	strace $0x80000046;
	[dreg:$0x1] =	wrdreg $0xFFFFFFFF  }
0xa7: {  	s28 =	simm.s32 $_size_execute0_lowered;
	s2 =	sadd.s32 s2, s4;
	[dreg:$0x0] =	wrdreg $0x0  }
0xa8: {  	s4 =	sshll.u32 s28, $0x1;
	[dreg:$0x2] =	wrdreg s2  }
0xa9: {  	[dreg:$0x3] =	wrdreg s4  }
0xaa: {  	[dreg:$0x4] =	wrdreg $0xC0  }
0xab: {  	_ =	task [dreg:s6], $0x5FFFF  }
0xac: {  	[dreg:$0x1] =	wrdreg $0xFFFFFFFF  }
0xad: {  	[dreg:$0x0] =	wrdreg $0x60  }
0xae: {  	[dreg:$0x2] =	wrdreg s24  }
0xaf: {  	[dreg:$0x3] =	wrdreg $0xEF000  }
0xb0: {  	[dreg:$0x4] =	wrdreg $0x9  }
0xb1: {  	_ =	task.clear_ibuf [dreg:s6], $0x5FFFF;
	_ =	strace $0x90000046  }
0xb2: {  	s29 =	simm.s32 $0x9;
	_ =	strace $0x80000048  }
0xb3: {  	_ =	swait.ge [sflag:s29], $0x1  }
0xb4: {  	[sflag:s29] =	ssyncadd.s32 $0xFFFFFFFF  }
0xb5: {  	_ =	strace $0x90000048  }
0xb6: {  	_ =	sfence  }
0xb7: {  	s30 =	sld [smem:$0x0];
	_ =	sdelay $0x2  }
0xb8: {  	s31 =	sshll.u32 s1, $0xD;
	s1 =	sshrl.u32 s1, $0x2  }
0xb9: {  	s3 =	sand.u32 $0x4000, s31;
	s1 =	sadd.s32 s1, s30  }
0xba: {  	s0 =	sor.u32 s3, s0;
	s1 =	sshll.u32 s1, $0x11  }
0xbb: {  	s0 =	sor.u32 s1, s0  }
0xbc: {  	s0 =	sadd.s32 $0x8F2B, s0  }
0xbd: {  	[sflag:s0] =	ssyncadd.remote.s32 $0x1  }
0xbe: {  	_ =	sfence.sel $0xFFFF  }
0xbf: {  	[dreg:$0x0] =	wrdreg $0xFFFFFFFF;
	(pc) =	sbr.abs _section_cstart, $3  }
0xc0: {  	[dreg:$0x1] =	wrdreg $0xFFFFFFFF  }
0xc1: {  	_ =	task.clear_ibuf [dreg:s6], $0x2FFFF;
	_ =	strace $0x9FFFFFFF  }
0xc2: {  	(tm) =	ssettm $0x7FFFFFFF  }
0xc3: {  	_ =	shalt  }
tec
execute0_lowered:
.L_overlay_start_1:
0x0: {  	(tag) =	ssettag $0x1  }
0x1: {  	s0 =	srdreg.scid;
	s1 =	rddreg [dreg:$0x0]  }
0x2: {  	s16 =	stileid.u32;
	s2 =	rddreg [dreg:$0x1]  }
0x3: {  	s3 =	simm.s32 $0x0;
	s17 =	simm.s32 $0x5;
	s20 =	simm.s32 $0x80  }
0x4: {  	s21 =	simm.s32 $0x7700;
	s23 =	simm.s32 $0x9F00;
	s25 =	simm.s32 $0xC700  }
0x5: {  	s26 =	simm.s32 $0x1;
	s28 =	simm.s32 $0x2;
	s29 =	simm.s32 $0x3  }
0x6: {  	s30 =	simm.s32 $0x4;
	s22 =	simm.s32 $0xA;
	s24 =	simm.s32 $0x0  }
0x7: {  	s0 =	sand.u32 $0x1, s0;
	s5 =	smul.u32 $0x13880, s16;
	[smem:$0x7FF] =	sst s3  }
0x8: {  	s6 =	smul.u32 $0x30D40, s16;
	s13 =	sadd.s32 $0x2A00, s1;
	s31 =	sshll.u32 s16, $0x1  }
0x9: {  	s12 =	sadd.s32 $0xC640, s1;
	p0 =	sgt.u32 s16, $0x1;
	s16 =	simm.s32 $0x4F00  }
0xa: {  	s4 =	smul.u32 $0x138800, s0;
	_ =	strace $0x80000047;
	s7 =	ssub.s32 $0x2, s0  }
0xb: {  	s0 =	sor.u32 s0, s31;
	s6 =	sshrl.u32 s6, $0x2;
	s8 =	sshrl.u32 s7, $0x1  }
0xc: {  	s18 =	smul.u32 $0x4E0, s0;
	s0 =	sshll.u32 s0, $0x4;
	s4 =	sadd.s32 s5, s4  }
0xd: {  	s15 =	ssub.s32 s7, s8;
	s11 =	sor.u32 $0x9C00, s0;
	s5 =	sshrl.u32 s4, $0x3  }
0xe: {  	s4 =	sadd.s32 $0x16400, s1;
	s10 =	sadd.s32 s13, s18;
	s13 =	sadd.s32 s13, s11  }
0xf: {  	s15 =	smax.u32 s15, $0x1;
	s14 =	sadd.s32 s5, s1;
	s5 =	sadd.s32 s6, s2  }
0x10: {  	s18 =	sadd.s32 s18, s12;
	s6 =	sadd.s32 $0x2800, s5;
	s7 =	sadd.s32 $0x5000, s5  }
0x11: {  	v0 =	vimm.f32 $0.0e+00;
	s8 =	sadd.s32 $0x7800, s5;
	s9 =	sadd.s32 $0xA000, s5;
	s14 =	sadd.s32 $0x2EC00, s14  }
.LBB2_1:
0x12: {  	s31 =	simm.s32 $0x140;
	s0 =	simm.s32 $0x0  }
.LBB2_2:
0x13: {  	p1 =	sne.s32 s31, $0x9EC0;
	[tilespmem:s0+$0x4F40] =	vst v0;
	s1 =	smov.u32 s31;
	s31 =	sadd.s32 $0x140, s31  }
.Ltmp0:
0x14: {  	[tilespmem:s0+$0x4F30] =	vst v0;
	(pc) =	sbr.rel @p1 .LBB2_2-.Ltmp0, $4  }
0x15: {  	[tilespmem:s0+$0x4F20] =	vst v0  }
0x16: {  	[tilespmem:s0+$0x4F00] =	vst v0  }
0x17: {  	[tilespmem:s0+$0x4F10] =	vst v0  }
0x18: {  	s0 =	sshra.s32 s1, $0x2  }
0x19: {  	[tilespmem:s0+$0x4F40] =	vst v0  }
0x1a: {  	[tilespmem:s0+$0x4F30] =	vst v0  }
0x1b: {  	[tilespmem:s0+$0x4F20] =	vst v0  }
0x1c: {  	[tilespmem:s0+$0x4F00] =	vst v0  }
0x1d: {  	[tilespmem:s0+$0x4F10] =	vst v0  }
0x1e: {  	[spmem:s5] =	stream.linear.scatter [tilespmem:s16], [sflag:$0x5], $0x2800, $0x38;
	[tilespmem:$0x1B250] =	vst v63  }
0x1f: {  	_ =	swait.ge [sflag:s17], $0x2800  }
0x20: {  	[sflag:s17] =	ssyncset.done $0x0  }
0x21: {  	[sflag:s17] =	ssyncadd.s32 $0xFFFFD800  }
0x22: {  	[spmem:s6] =	stream.linear.scatter [tilespmem:s16], [sflag:$0x5], $0x2800, $0x38;
	[tilespmem:$0x1B250] =	vst v63  }
0x23: {  	_ =	swait.ge [sflag:s17], $0x2800  }
0x24: {  	[sflag:s17] =	ssyncset.done $0x0  }
0x25: {  	[sflag:s17] =	ssyncadd.s32 $0xFFFFD800  }
0x26: {  	[spmem:s7] =	stream.linear.scatter [tilespmem:s16], [sflag:$0x5], $0x2800, $0x38;
	[tilespmem:$0x1B250] =	vst v63  }
0x27: {  	_ =	swait.ge [sflag:s17], $0x2800  }
0x28: {  	[sflag:s17] =	ssyncset.done $0x0  }
0x29: {  	[sflag:s17] =	ssyncadd.s32 $0xFFFFD800  }
0x2a: {  	[spmem:s8] =	stream.linear.scatter [tilespmem:s16], [sflag:$0x5], $0x2800, $0x38;
	[tilespmem:$0x1B250] =	vst v63  }
0x2b: {  	_ =	swait.ge [sflag:s17], $0x2800  }
0x2c: {  	[sflag:s17] =	ssyncset.done $0x0  }
0x2d: {  	[sflag:s17] =	ssyncadd.s32 $0xFFFFD800  }
0x2e: {  	[spmem:s9] =	stream.linear.scatter [tilespmem:s16], [sflag:$0x5], $0x2350, $0x38;
	[tilespmem:$0x1B250] =	vst v63  }
0x2f: {  	_ =	swait.ge [sflag:s17], $0x2350  }
0x30: {  	[sflag:s17] =	ssyncset.done $0x0  }
0x31: {  	[sflag:s17] =	ssyncadd.s32 $0xFFFFDCB0  }
0x32: {  	[tilespmem:s3], [sflag:$0x5] =	stream.linear.gather [hbm4b:s10+s3], $0x2700, $0x38;
	[tilespmem:$0x1B250] =	vst v63  }
0x33: {  	_ =	swait.ge [sflag:s17], $0x2700  }
0x34: {  	[sflag:s17] =	ssyncset.done $0x0  }
0x35: {  	s19 =	simm.s32 $0x2700;
	[sflag:s17] =	ssyncadd.s32 $0xFFFFD900  }
0x36: {  	[tilespmem:s19], [sflag:$0x5] =	stream.linear.gather [hbm4b:s18+s3], $0x2700, $0x38;
	[tilespmem:$0x1B250] =	vst v63  }
0x37: {  	_ =	swait.ge [sflag:s17], $0x2700  }
0x38: {  	[sflag:s17] =	ssyncset.done $0x0  }
0x39: {  	s0 =	simm.s32 @!p0 $0x0;
	s1 =	simm.s32 @!p0 $0x4E00;
	[sflag:s17] =	ssyncadd.s32 $0xFFFFD900  }
0x3a: {  	[tilespmem:s1], [sflag:$0x5] =	stream.linear.gather @!p0 [hbm4b:s13+s0], $0x80, $0x38;
	[tilespmem:$0x1B250] =	vst v63  }
0x3b: {  	s1 =	simm.s32 @!p0 $0x5  }
0x3c: {  	_ =	swait.ge @!p0 [sflag:s1], $0x80  }
0x3d: {  	[sflag:s1] =	ssyncset.done @!p0 $0x0  }
0x3e: {  	s31 =	sadd.s32 @!p0 s11, s12;
	s19 =	simm.s32 @!p0 $0x4E80;
	[sflag:s1] =	ssyncadd.s32 @!p0 $0xFFFFFF80  }
0x3f: {  	[tilespmem:s19], [sflag:$0x5] =	stream.linear.gather @!p0 [hbm4b:s31+s0], $0x80, $0x38;
	[tilespmem:$0x1B250] =	vst v63  }
0x40: {  	_ =	swait.ge @!p0 [sflag:s1], $0x80  }
0x41: {  	[sflag:s1] =	ssyncset.done @!p0 $0x0  }
0x42: {  	[sflag:s1] =	ssyncadd.s32 @!p0 $0xFFFFFF80  }
0x43: {  	s1 =	simm.s32 $0x0;
	[bflag:$0x0] =	sbarrier.arrive $0xFFFF  }
0x44: {  	[tilespmem:s16], [sflag:$0x1] =	stream.indirect.gather [hbm4b:s4+s20], $0x50, s1, s20, $0xb8;
	[tilespmem:$0x1B250] =	vst v63  }
0x45: {  	_ = 	snop  }
0x46: {  	[tilespmem:s21], [sflag:$0x2] =	stream.indirect.gather [hbm4b:s4+s20], $0x50, s20, s20, $0xb8;
	[tilespmem:$0x1B250] =	vst v63  }
0x47: {  	s19 =	simm.s32 $0x100  }
0x48: {  	[tilespmem:s23], [sflag:$0x3] =	stream.indirect.gather [hbm4b:s4+s20], $0x50, s19, s20, $0xb8;
	[tilespmem:$0x1B250] =	vst v63  }
0x49: {  	s1 =	simm.s32 $0x180  }
0x4a: {  	[tilespmem:s25], [sflag:$0x4] =	stream.indirect.gather [hbm4b:s4+s20], $0x50, s1, s20, $0xb8;
	[tilespmem:$0x1B250] =	vst v63  }
0x4b: {  	_ =	swait.ge [sflag:s26], $0x2800  }
0x4c: {  	[sflag:s26] =	ssyncset.done $0x0  }
0x4d: {  	s19 =	simm.s32 $0x2700;
	[sflag:s26] =	ssyncadd.s32 $0xFFFFD800  }
0x4e: {  	[spmem:s2] =	stream.indirect.scatter.add.f32 [tilespmem:s16], [sflag:$0x5], $0x50, s19, s20, $0xb8;
	[tilespmem:$0x1B250] =	vst v63  }
0x4f: {  	_ =	swait.ge [sflag:s17], $0x2800  }
0x50: {  	[sflag:s17] =	ssyncset.done $0x0  }
0x51: {  	s1 =	simm.s32 $0x200;
	[sflag:s17] =	ssyncadd.s32 $0xFFFFD800  }
0x52: {  	[tilespmem:s16], [sflag:$0x1] =	stream.indirect.gather [hbm4b:s4+s20], $0x50, s1, s20, $0xb8;
	[tilespmem:$0x1B250] =	vst v63  }
0x53: {  	_ =	swait.ge [sflag:s28], $0x2800  }
0x54: {  	[sflag:s28] =	ssyncset.done $0x0  }
0x55: {  	s19 =	simm.s32 $0x2780;
	[sflag:s28] =	ssyncadd.s32 $0xFFFFD800  }
0x56: {  	[spmem:s2] =	stream.indirect.scatter.add.f32 [tilespmem:s21], [sflag:$0x5], $0x50, s19, s20, $0xb8;
	[tilespmem:$0x1B250] =	vst v63  }
0x57: {  	_ =	swait.ge [sflag:s17], $0x2800  }
0x58: {  	[sflag:s17] =	ssyncset.done $0x0  }
0x59: {  	s1 =	simm.s32 $0x280;
	[sflag:s17] =	ssyncadd.s32 $0xFFFFD800  }
0x5a: {  	[tilespmem:s21], [sflag:$0x2] =	stream.indirect.gather [hbm4b:s4+s20], $0x50, s1, s20, $0xb8;
	[tilespmem:$0x1B250] =	vst v63  }
0x5b: {  	_ =	swait.ge [sflag:s29], $0x2800  }
0x5c: {  	[sflag:s29] =	ssyncset.done $0x0  }
0x5d: {  	s19 =	simm.s32 $0x2800;
	[sflag:s29] =	ssyncadd.s32 $0xFFFFD800  }
0x5e: {  	[spmem:s2] =	stream.indirect.scatter.add.f32 [tilespmem:s23], [sflag:$0x5], $0x50, s19, s20, $0xb8;
	[tilespmem:$0x1B250] =	vst v63  }
0x5f: {  	_ =	swait.ge [sflag:s17], $0x2800  }
0x60: {  	[sflag:s17] =	ssyncset.done $0x0  }
0x61: {  	s1 =	simm.s32 $0x300;
	[sflag:s17] =	ssyncadd.s32 $0xFFFFD800  }
0x62: {  	[tilespmem:s23], [sflag:$0x3] =	stream.indirect.gather [hbm4b:s4+s20], $0x50, s1, s20, $0xb8;
	[tilespmem:$0x1B250] =	vst v63  }
0x63: {  	_ =	swait.ge [sflag:s30], $0x2800  }
0x64: {  	[sflag:s30] =	ssyncset.done $0x0  }
0x65: {  	s19 =	simm.s32 $0x2880;
	[sflag:s30] =	ssyncadd.s32 $0xFFFFD800  }
0x66: {  	[spmem:s2] =	stream.indirect.scatter.add.f32 [tilespmem:s25], [sflag:$0x5], $0x50, s19, s20, $0xb8;
	[tilespmem:$0x1B250] =	vst v63  }
0x67: {  	_ =	swait.ge [sflag:s17], $0x2800  }
0x68: {  	[sflag:s17] =	ssyncset.done $0x0  }
0x69: {  	s0 =	simm.s32 $0x800;
	s31 =	simm.s32 $0x380;
	[sflag:s17] =	ssyncadd.s32 $0xFFFFD800  }
.LBB2_4:
0x6a: {  	[tilespmem:s25], [sflag:$0x4] =	stream.indirect.gather [hbm4b:s4+s20], $0x50, s31, s20, $0xb8;
	[tilespmem:$0x1B250] =	vst v63  }
0x6b: {  	s1 =	smov.u32 s0  }
0x6c: {  	p1 =	sne.s32 s0, $0x8800;
	s0 =	sadd.s32 $0x800, s0;
	_ =	swait.ge [sflag:s26], $0x2800  }
0x6d: {  	s31 =	sshra.s32 s1, $0x2;
	[sflag:s26] =	ssyncset.done $0x0  }
0x6e: {  	s1 =	sadd.s32 $0x2700, s31;
	[sflag:s26] =	ssyncadd.s32 $0xFFFFD800  }
0x6f: {  	[spmem:s2] =	stream.indirect.scatter.add.f32 [tilespmem:s16], [sflag:$0x5], $0x50, s1, s20, $0xb8;
	[tilespmem:$0x1B250] =	vst v63  }
0x70: {  	_ =	swait.ge [sflag:s17], $0x2800  }
0x71: {  	[sflag:s17] =	ssyncset.done $0x0  }
0x72: {  	s1 =	sadd.s32 $0x200, s31;
	[sflag:s17] =	ssyncadd.s32 $0xFFFFD800  }
0x73: {  	[tilespmem:s16], [sflag:$0x1] =	stream.indirect.gather [hbm4b:s4+s20], $0x50, s1, s20, $0xb8;
	[tilespmem:$0x1B250] =	vst v63  }
0x74: {  	_ =	swait.ge [sflag:s28], $0x2800  }
0x75: {  	[sflag:s28] =	ssyncset.done $0x0  }
0x76: {  	s1 =	sadd.s32 $0x2780, s31;
	[sflag:s28] =	ssyncadd.s32 $0xFFFFD800  }
0x77: {  	[spmem:s2] =	stream.indirect.scatter.add.f32 [tilespmem:s21], [sflag:$0x5], $0x50, s1, s20, $0xb8;
	[tilespmem:$0x1B250] =	vst v63  }
0x78: {  	_ =	swait.ge [sflag:s17], $0x2800  }
0x79: {  	[sflag:s17] =	ssyncset.done $0x0  }
0x7a: {  	s1 =	sadd.s32 $0x280, s31;
	[sflag:s17] =	ssyncadd.s32 $0xFFFFD800  }
0x7b: {  	[tilespmem:s21], [sflag:$0x2] =	stream.indirect.gather [hbm4b:s4+s20], $0x50, s1, s20, $0xb8;
	[tilespmem:$0x1B250] =	vst v63  }
0x7c: {  	_ =	swait.ge [sflag:s29], $0x2800  }
0x7d: {  	[sflag:s29] =	ssyncset.done $0x0  }
0x7e: {  	s1 =	sadd.s32 $0x2800, s31;
	[sflag:s29] =	ssyncadd.s32 $0xFFFFD800  }
0x7f: {  	[spmem:s2] =	stream.indirect.scatter.add.f32 [tilespmem:s23], [sflag:$0x5], $0x50, s1, s20, $0xb8;
	[tilespmem:$0x1B250] =	vst v63  }
0x80: {  	_ =	swait.ge [sflag:s17], $0x2800  }
0x81: {  	[sflag:s17] =	ssyncset.done $0x0  }
0x82: {  	s1 =	sadd.s32 $0x300, s31;
	[sflag:s17] =	ssyncadd.s32 $0xFFFFD800  }
0x83: {  	[tilespmem:s23], [sflag:$0x3] =	stream.indirect.gather [hbm4b:s4+s20], $0x50, s1, s20, $0xb8;
	[tilespmem:$0x1B250] =	vst v63  }
0x84: {  	_ =	swait.ge [sflag:s30], $0x2800  }
0x85: {  	[sflag:s30] =	ssyncset.done $0x0  }
.Ltmp1:
0x86: {  	s1 =	sadd.s32 $0x2880, s31;
	[sflag:s30] =	ssyncadd.s32 $0xFFFFD800;
	(pc) =	sbr.rel @p1 .LBB2_4-.Ltmp1, $4  }
0x87: {  	[spmem:s2] =	stream.indirect.scatter.add.f32 [tilespmem:s25], [sflag:$0x5], $0x50, s1, s20, $0xb8;
	[tilespmem:$0x1B250] =	vst v63  }
0x88: {  	_ =	swait.ge [sflag:s17], $0x2800  }
0x89: {  	[sflag:s17] =	ssyncset.done $0x0  }
0x8a: {  	s31 =	sadd.s32 $0x380, s31;
	[sflag:s17] =	ssyncadd.s32 $0xFFFFD800  }
0x8b: {  	[tilespmem:s25], [sflag:$0x4] =	stream.indirect.gather [hbm4b:s4+s20], $0x50, s31, s20, $0xb8;
	[tilespmem:$0x1B250] =	vst v63  }
0x8c: {  	_ =	swait.ge [sflag:s26], $0x2800  }
0x8d: {  	[sflag:s26] =	ssyncset.done $0x0  }
0x8e: {  	s0 =	simm.s32 $0x4B00;
	[sflag:s26] =	ssyncadd.s32 $0xFFFFD800  }
0x8f: {  	[spmem:s2] =	stream.indirect.scatter.add.f32 [tilespmem:s16], [sflag:$0x5], $0x50, s0, s20, $0xb8;
	[tilespmem:$0x1B250] =	vst v63  }
0x90: {  	_ =	swait.ge [sflag:s17], $0x2800  }
0x91: {  	[sflag:s17] =	ssyncset.done $0x0  }
0x92: {  	s31 =	simm.s32 $0x2600;
	[sflag:s17] =	ssyncadd.s32 $0xFFFFD800  }
0x93: {  	[tilespmem:s16], [sflag:$0x1] =	stream.indirect.gather [hbm4b:s4+s20], $0x50, s31, s20, $0xb8;
	[tilespmem:$0x1B250] =	vst v63  }
0x94: {  	_ =	swait.ge [sflag:s28], $0x2800  }
0x95: {  	[sflag:s28] =	ssyncset.done $0x0  }
0x96: {  	s1 =	simm.s32 $0x4B80;
	[sflag:s28] =	ssyncadd.s32 $0xFFFFD800  }
0x97: {  	[spmem:s2] =	stream.indirect.scatter.add.f32 [tilespmem:s21], [sflag:$0x5], $0x50, s1, s20, $0xb8;
	[tilespmem:$0x1B250] =	vst v63  }
0x98: {  	_ =	swait.ge [sflag:s17], $0x2800  }
0x99: {  	[sflag:s17] =	ssyncset.done $0x0  }
0x9a: {  	s19 =	simm.s32 $0x2680;
	[sflag:s17] =	ssyncadd.s32 $0xFFFFD800  }
0x9b: {  	[tilespmem:s21], [sflag:$0x2] =	stream.indirect.gather [hbm4b:s4+s20], $0x50, s19, s20, $0xb8;
	[tilespmem:$0x1B250] =	vst v63  }
0x9c: {  	_ =	swait.ge [sflag:s29], $0x2800  }
0x9d: {  	[sflag:s29] =	ssyncset.done $0x0  }
0x9e: {  	s31 =	simm.s32 $0x4C00;
	[sflag:s29] =	ssyncadd.s32 $0xFFFFD800  }
0x9f: {  	[spmem:s2] =	stream.indirect.scatter.add.f32 [tilespmem:s23], [sflag:$0x5], $0x50, s31, s20, $0xb8;
	[tilespmem:$0x1B250] =	vst v63  }
0xa0: {  	_ =	swait.ge [sflag:s17], $0x2800  }
0xa1: {  	[sflag:s17] =	ssyncset.done $0x0  }
0xa2: {  	[sflag:s17] =	ssyncadd.s32 $0xFFFFD800  }
0xa3: {  	_ =	swait.ge [sflag:s30], $0x2800  }
0xa4: {  	[sflag:s30] =	ssyncset.done $0x0  }
0xa5: {  	s1 =	simm.s32 $0x4C80;
	[sflag:s30] =	ssyncadd.s32 $0xFFFFD800  }
0xa6: {  	[spmem:s2] =	stream.indirect.scatter.add.f32 [tilespmem:s25], [sflag:$0x5], $0x50, s1, s20, $0xb8;
	[tilespmem:$0x1B250] =	vst v63  }
0xa7: {  	_ =	swait.ge [sflag:s17], $0x2800  }
0xa8: {  	[sflag:s17] =	ssyncset.done $0x0  }
0xa9: {  	[sflag:s17] =	ssyncadd.s32 $0xFFFFD800  }
0xaa: {  	_ =	swait.ge [sflag:s26], $0x2800  }
0xab: {  	[sflag:s26] =	ssyncset.done $0x0  }
0xac: {  	s19 =	simm.s32 $0x4D00;
	[sflag:s26] =	ssyncadd.s32 $0xFFFFD800  }
0xad: {  	[spmem:s2] =	stream.indirect.scatter.add.f32 [tilespmem:s16], [sflag:$0x5], $0x50, s19, s20, $0xb8;
	[tilespmem:$0x1B250] =	vst v63  }
0xae: {  	_ =	swait.ge [sflag:s17], $0x2800  }
0xaf: {  	[sflag:s17] =	ssyncset.done $0x0  }
0xb0: {  	[sflag:s17] =	ssyncadd.s32 $0xFFFFD800  }
0xb1: {  	_ =	swait.ge [sflag:s28], $0x2800  }
0xb2: {  	[sflag:s28] =	ssyncset.done $0x0  }
0xb3: {  	s31 =	simm.s32 $0x4D80;
	[sflag:s28] =	ssyncadd.s32 $0xFFFFD800  }
0xb4: {  	[spmem:s2] =	stream.indirect.scatter.add.f32 [tilespmem:s21], [sflag:$0x5], $0x50, s31, s20, $0xb8;
	[tilespmem:$0x1B250] =	vst v63  }
0xb5: {  	_ =	swait.ge [sflag:s17], $0x2800  }
0xb6: {  	s0 =	simm.s32 @!p0 $0x80;
	[sflag:s17] =	ssyncset.done $0x0  }
0xb7: {  	s1 =	simm.s32 @!p0 $0x4E00;
	s19 =	simm.s32 @!p0 $0x4F00;
	[sflag:s17] =	ssyncadd.s32 $0xFFFFD800  }
0xb8: {  	[tilespmem:s19], [sflag:$0x1] =	stream.indirect.gather @!p0 [hbm4b:s4+s0], $0x50, s1, s0, $0xb8;
	[tilespmem:$0x1B250] =	vst v63  }
0xb9: {  	s1 =	simm.s32 @!p0 $0x1  }
0xba: {  	_ =	swait.ge @!p0 [sflag:s1], $0x2800  }
0xbb: {  	[sflag:s1] =	ssyncset.done @!p0 $0x0  }
0xbc: {  	[sflag:s1] =	ssyncadd.s32 @!p0 $0xFFFFD800;
	s1 =	simm.s32 @!p0 $0x4E80  }
0xbd: {  	[spmem:s2] =	stream.indirect.scatter.add.f32 @!p0 [tilespmem:s19], [sflag:$0x5], $0x50, s1, s0, $0xb8;
	[tilespmem:$0x1B250] =	vst v63  }
0xbe: {  	s24 =	sadd.s32 $0x1, s24;
	s0 =	simm.s32 @!p0 $0x5  }
0xbf: {  	p1 =	sne.s32 s24, s15;
	_ =	swait.ge @!p0 [sflag:s0], $0x2800  }
0xc0: {  	s31 =	simm.s32 $0x10;
	s1 =	stileid.u32;
	[sflag:s0] =	ssyncset.done @!p0 $0x0  }
0xc1: {  	s19 =	sshrl.u32 s5, $0x3;
	[sflag:s0] =	ssyncadd.s32 @!p0 $0xFFFFD800;
	s0 =	sshll.u32 s1, $0x6  }
.Ltmp2:
0xc2: {  	[bflag:$0x0] =	sbarrier.arrive $0xFFFF;
	s0 =	sor.u32 $0x1C05, s0;
	(pc) =	sbr.rel @p1 .LBB2_1-.Ltmp2, $4  }
0xc3: {  	[hbm:s14@s31], [sflag:s0] =	dma.strided [spmem:s19@s22], $0x186A, s26, $0xa   }
0xc4: {  	_ =	swait.ge [sflag:s17], $0x186A  }
0xc5: {  	[sflag:s17] =	ssyncset.done $0x0  }
0xc6: {  	[sflag:s17] =	ssyncadd.s32 $0xFFFFE796  }
0xc7: {  	_ =	sfence.sel $0x180000  }
0xc8: {  	[bflag:$0x0] =	sbarrier.arrive $0xFFFF  }
0xc9: {  	_ =	strace $0x90000047  }
0xca: {  	s0 =	stileid.u32;
	[bflag:$0x2] =	sbarrier.arrive $0xFFFF  }
0xcb: {  	p0 =	sne.s32 s0, $0x0;
	s0 =	rddreg [dreg:$0x2]  }
0xcc: {  	s0 =	sadd.s32 @!p0 $0x100000, s0  }
0xcd: {  	[sflag:s0] =	ssyncadd.tile.s32 @!p0 $0x1;
	_ =	shalt  }
.Lfunc_end2:
_tile_overlayer_lowered:
.L_overlay_start_2:
0xce: {  	(tag) =	ssettag $0x2  }
0xcf: {  	s0 =	rddreg [dreg:$0x0];
	s2 =	stileid.u32  }
0xd0: {  	s1 =	rddreg [dreg:$0x1];
	p0 =	sne.s32 s2, $0x0  }
0xd1: {  	s3 =	rddreg [dreg:$0x2];
	[bflag:$0x3] =	sbarrier.arrive $0xFFFF;
	s2 =	simm.s32 @!p0 $0x1C05  }
0xd2: {  	[timem:s3], [sflag:s2] =	dma.local @!p0 [hbm:s0], s1  }
0xd3: {  	s0 =	simm.s32 @!p0 $0x5  }
0xd4: {  	_ =	swait.ge @!p0 [sflag:s0], s1  }
0xd5: {  	s1 =	ssub.s32 @!p0 $0x0, s1;
	[sflag:s0] =	ssyncset.done @!p0 $0x0  }
0xd6: {  	[sflag:s0] =	ssyncadd.s32 @!p0 s1  }
0xd7: {  	[bflag:$0x3] =	sbarrier.arrive $0xFFFF  }
0xd8: {  	_ =	shalt  }

</sc_bundles>
